<compile_context>
chip_gen: v7x
topology: tpu7x:2x2x1
jax: 0.10.2.dev20260603
libtpu: 0.0.44.dev20260713+nightly
codegen_flags: <defaults>
</compile_context>

<pallas_src>
import functools

import jax
import jax.numpy as jnp
from jax import lax
from jax.experimental import pallas as pl
from jax.experimental.pallas import tpu as pltpu
from jax.experimental.pallas import tpu_sc as plsc

LINPUT = 256
COUNT = 10
BUCKET_SIZE = 6
BATCH = 16384
NSTACK = 16

NC = 2
NS = 16
NW = NC * NS
NSLAB = 1
SLAB = BATCH // NSLAB
BPW = SLAB // NW
ROWS_PER_BLOCK = 8192


def _tc_matmul_body(x_ref, wt_ref, b_ref, o_ref):
    o_ref[...] = (
        lax.dot_general(wt_ref[...], x_ref[...],
                        dimension_numbers=(((1,), (1,)), ((), ())),
                        preferred_element_type=jnp.float32)
        + b_ref[...])


_tc_matmul = pl.pallas_call(
    _tc_matmul_body,
    grid=(SLAB // ROWS_PER_BLOCK,),
    in_specs=[
        pl.BlockSpec((ROWS_PER_BLOCK, LINPUT), lambda i: (i, 0)),
        pl.BlockSpec((NSTACK, LINPUT), lambda i: (0, 0)),
        pl.BlockSpec((NSTACK, 1), lambda i: (0, 0)),
    ],
    out_specs=pl.BlockSpec((NSTACK, ROWS_PER_BLOCK), lambda i: (0, i)),
    out_shape=jax.ShapeDtypeStruct((NSTACK, SLAB), jnp.float32),
)


def _make_sc_select():
    mesh = plsc.VectorSubcoreMesh(core_axis_name="c", subcore_axis_name="s")

    @functools.partial(
        pl.kernel,
        mesh=mesh,
        out_type=jax.ShapeDtypeStruct((SLAB,), jnp.float32),
        compiler_params=pltpu.CompilerParams(needs_layout_passes=False),
        scratch_types=[
            pltpu.VMEM((NSTACK, BPW), jnp.float32),
            pltpu.VMEM((BPW,), jnp.int32),
            pltpu.VMEM((BPW,), jnp.float32),
            pltpu.SemaphoreType.DMA,
        ],
    )
    def k(lg_hbm, ply_hbm, out_hbm, lg_v, ply_v, out_v, sem):
        wid = lax.axis_index("s") * NC + lax.axis_index("c")
        base = wid * BPW

        cp = pltpu.async_copy(lg_hbm.at[:, pl.ds(base, BPW)], lg_v, sem)
        pltpu.sync_copy(ply_hbm.at[pl.ds(base, BPW)], ply_v)
        cp.wait()

        iota16 = lax.iota(jnp.int32, 16)
        for g in range(BPW // 16):
            plyv = ply_v[pl.ds(g * 16, 16)]
            idxv = lax.div(plyv, jnp.int32(BUCKET_SIZE))
            cols = iota16 + (g * 16)
            out_v[pl.ds(g * 16, 16)] = plsc.load_gather(lg_v, [idxv, cols])

        pltpu.sync_copy(out_v, out_hbm.at[pl.ds(base, BPW)])

    return k


_sc_select = _make_sc_select()


@jax.jit
def kernel(x_pa, ply, W, b):
    wt = jnp.zeros((NSTACK, LINPUT), jnp.float32)
    wt = wt.at[:COUNT, :].set(W.reshape(COUNT, LINPUT))
    bp = jnp.zeros((NSTACK, 1), jnp.float32).at[:COUNT, 0].set(b.reshape(COUNT))
    outs = []
    for s in range(NSLAB):
        logits = _tc_matmul(x_pa[s * SLAB:(s + 1) * SLAB], wt, bp)
        outs.append(_sc_select(logits, ply[s * SLAB:(s + 1) * SLAB]))
    out = outs[0] if NSLAB == 1 else jnp.concatenate(outs)
    return out.reshape(BATCH, 1)

# --- scband reference (transcript-rebuilt; emitter-appended) ---
"""Pipeline reference for scband-layer-stacks-47974784696701 (READ-ONLY COPY).

The authoritative reference and input builder live on the scoring server;
editing this copy changes nothing except your own understanding.
"""

import jax, jax.numpy as jnp
import numpy as np

LINPUT = 256
MAX_PLY = 60
COUNT = 10
BUCKET_SIZE = MAX_PLY // COUNT
BATCH = 16384

def setup_inputs(seed: int = 0) -> dict:
    key = jax.random.key(seed)
    k1, k2, k3 = jax.random.split(key, 3)
    x_pa = jax.random.normal(k1, (BATCH, LINPUT), dtype=jnp.float32)
    ply = jax.random.randint(k2, (BATCH,), 0, 60, dtype=jnp.int32)
    # StackedLinear(LINPUT, 1, COUNT): per-stack weight [COUNT, 1, LINPUT], bias zeroed per __init__
    W = jax.random.normal(k3, (COUNT, 1, LINPUT), dtype=jnp.float32) * (1.0 / np.sqrt(LINPUT))
    b = jnp.zeros((COUNT, 1), dtype=jnp.float32)
    return {"x_pa": x_pa, "ply": ply, "W": W, "b": b}

def reference(x_pa, ply, W, b):
    # ls_indices = ply.view(-1) // bucket_size
    ls_indices = ply.reshape(-1) // BUCKET_SIZE  # (B,) int
    # StackedLinear forward: per-sample select stack, apply linear
    w_sel = jnp.take(W, ls_indices, axis=0)  # (B, 1, LINPUT) gather
    b_sel = jnp.take(b, ls_indices, axis=0)  # (B, 1)
    out = jnp.einsum('bi,boi->bo', x_pa, w_sel) + b_sel  # (B, 1)
    return out

if __name__ == "__main__":
    import jax
    _d = setup_inputs()
    print(jax.jit(kernel)(*tuple(_d.values())))

</pallas_src>

<mosaic_0001>
#map = affine_map<(d0, d1) -> (0, 0)>
#map1 = affine_map<(d0, d1) -> (0)>
module attributes {stable_mosaic.version = 14 : i64} {
  func.func @k(%arg0: i32, %arg1: i32, %arg2: memref<16x16384xf32, #tpu.memory_space<hbm>>, %arg3: memref<16384xi32, #tpu.memory_space<hbm>>, %arg4: memref<16384xf32, #tpu.memory_space<hbm>>, %arg5: memref<16x512xf32, #tpu.memory_space<vmem>>, %arg6: memref<512xi32, #tpu.memory_space<vmem>>, %arg7: memref<512xf32, #tpu.memory_space<vmem>>, %arg8: memref<!tpu.dma_semaphore, #tpu.memory_space<semaphore_mem>>) attributes {dimension_semantics = [#tpu.dimension_semantics<core_parallel>, #tpu.dimension_semantics<subcore_parallel>], iteration_bounds = array<i64: 2, 16>, scalar_prefetch = 0 : i64, scratch_operands = 4 : i64, tpu.core_type = #tpu.core_type<sc_vector_subcore>, window_params = [{transform_indices = #map}, {transform_indices = #map1}, {transform_indices = #map1}]} {
    %mul3A = arith.constant 2 : i32
    %mul3A_0 = arith.muli %arg1, %mul3A : i32
    %add3A = arith.addi %mul3A_0, %arg0 : i32
    %mul3A_1 = arith.constant 512 : i32
    %mul3A_2 = arith.muli %add3A, %mul3A_1 : i32
    %dma_start3A = arith.constant 0 : i32
    %dma_start3A_3 = tpu.memref_slice %arg2[%dma_start3A, %mul3A_2] : memref<16x16384xf32, #tpu.memory_space<hbm>> -> memref<16x512xf32, #tpu.memory_space<hbm>>
    %dma_start3A_4 = arith.constant 0 : i32
    %dma_start3A_5 = tpu.memref_slice %arg2[%dma_start3A_4, %mul3A_2] : memref<16x16384xf32, #tpu.memory_space<hbm>> -> memref<16x512xf32, #tpu.memory_space<hbm>>
    tpu.enqueue_dma source(%dma_start3A_5 : memref<16x512xf32, #tpu.memory_space<hbm>>) target(%arg5 : memref<16x512xf32, #tpu.memory_space<vmem>>) target_semaphore(%arg8 : memref<!tpu.dma_semaphore, #tpu.memory_space<semaphore_mem>>)
    "tpu.region"() ({
      %run_scoped3A = tpu.sem_alloc : memref<!tpu.dma_semaphore, #tpu.memory_space<semaphore_mem>>
      %dma_start3A_357 = tpu.memref_slice %arg3[%mul3A_2] : memref<16384xi32, #tpu.memory_space<hbm>> -> memref<512xi32, #tpu.memory_space<hbm>>
      %dma_start3A_358 = tpu.memref_slice %arg3[%mul3A_2] : memref<16384xi32, #tpu.memory_space<hbm>> -> memref<512xi32, #tpu.memory_space<hbm>>
      tpu.enqueue_dma source(%dma_start3A_358 : memref<512xi32, #tpu.memory_space<hbm>>) target(%arg6 : memref<512xi32, #tpu.memory_space<vmem>>) target_semaphore(%run_scoped3A : memref<!tpu.dma_semaphore, #tpu.memory_space<semaphore_mem>>)
      %dma_wait3A_359 = tpu.memref_slice %arg3[%mul3A_2] : memref<16384xi32, #tpu.memory_space<hbm>> -> memref<512xi32, #tpu.memory_space<hbm>>
      %dma_wait3A_360 = tpu.memref_slice %arg3[%mul3A_2] : memref<16384xi32, #tpu.memory_space<hbm>> -> memref<512xi32, #tpu.memory_space<hbm>>
      tpu.wait_dma2 semaphore(%run_scoped3A : memref<!tpu.dma_semaphore, #tpu.memory_space<semaphore_mem>>) src(%dma_wait3A_360 : memref<512xi32, #tpu.memory_space<hbm>>) dst(%arg6 : memref<512xi32, #tpu.memory_space<vmem>>)
      tpu.yield
    }) : () -> ()
    %dma_wait3A = arith.constant 0 : i32
    %dma_wait3A_6 = tpu.memref_slice %arg2[%dma_wait3A, %mul3A_2] : memref<16x16384xf32, #tpu.memory_space<hbm>> -> memref<16x512xf32, #tpu.memory_space<hbm>>
    %dma_wait3A_7 = arith.constant 0 : i32
    %dma_wait3A_8 = tpu.memref_slice %arg2[%dma_wait3A_7, %mul3A_2] : memref<16x16384xf32, #tpu.memory_space<hbm>> -> memref<16x512xf32, #tpu.memory_space<hbm>>
    tpu.wait_dma2 semaphore(%arg8 : memref<!tpu.dma_semaphore, #tpu.memory_space<semaphore_mem>>) src(%dma_wait3A_8 : memref<16x512xf32, #tpu.memory_space<hbm>>) dst(%arg5 : memref<16x512xf32, #tpu.memory_space<vmem>>)
    %iota3A = tpu.iota {dimensions = array<i32: 0>} : vector<16xi32>
    %get3A = arith.constant 0 : index
    %get3A_9 = tpu.vector_load %arg6[%get3A] {strides = array<i32>} : memref<512xi32, #tpu.memory_space<vmem>>, vector<16xi32>,
    %div3A = arith.constant 6 : i32
    %div3A_10 = vector.broadcast %div3A : i32 to vector<16xi32>
    %div3A_11 = arith.divsi %get3A_9, %div3A_10 : vector<16xi32>
    %add3A_12 = arith.constant 0 : i32
    %add3A_13 = vector.broadcast %add3A_12 : i32 to vector<16xi32>
    %add3A_14 = arith.addi %iota3A, %add3A_13 : vector<16xi32>
    %gather3A = tpu.vector_load_idx %arg5[%div3A_11, %add3A_14] : memref<16x512xf32, #tpu.memory_space<vmem>>[vector<16xi32>, vector<16xi32>], vector<16xf32>,
    %swap3A = arith.constant 0 : index
    %swap3A_15 = tpu.vector_load %arg7[%swap3A] {strides = array<i32>} : memref<512xf32, #tpu.memory_space<vmem>>, vector<16xf32>,
    tpu.vector_store %arg7[%swap3A], %gather3A {strides = array<i32>} : memref<512xf32, #tpu.memory_space<vmem>>, vector<16xf32>,
    %get3A_16 = arith.constant 16 : index
    %get3A_17 = tpu.vector_load %arg6[%get3A_16] {strides = array<i32>} : memref<512xi32, #tpu.memory_space<vmem>>, vector<16xi32>,
    %div3A_18 = arith.constant 6 : i32
    %div3A_19 = vector.broadcast %div3A_18 : i32 to vector<16xi32>
    %div3A_20 = arith.divsi %get3A_17, %div3A_19 : vector<16xi32>
    %add3A_21 = arith.constant 16 : i32
    %add3A_22 = vector.broadcast %add3A_21 : i32 to vector<16xi32>
    %add3A_23 = arith.addi %iota3A, %add3A_22 : vector<16xi32>
    %gather3A_24 = tpu.vector_load_idx %arg5[%div3A_20, %add3A_23] : memref<16x512xf32, #tpu.memory_space<vmem>>[vector<16xi32>, vector<16xi32>], vector<16xf32>,
    %swap3A_25 = arith.constant 16 : index
    %swap3A_26 = tpu.vector_load %arg7[%swap3A_25] {strides = array<i32>} : memref<512xf32, #tpu.memory_space<vmem>>, vector<16xf32>,
    tpu.vector_store %arg7[%swap3A_25], %gather3A_24 {strides = array<i32>} : memref<512xf32, #tpu.memory_space<vmem>>, vector<16xf32>,
    %get3A_27 = arith.constant 32 : index
    %get3A_28 = tpu.vector_load %arg6[%get3A_27] {strides = array<i32>} : memref<512xi32, #tpu.memory_space<vmem>>, vector<16xi32>,
    %div3A_29 = arith.constant 6 : i32
    %div3A_30 = vector.broadcast %div3A_29 : i32 to vector<16xi32>
    %div3A_31 = arith.divsi %get3A_28, %div3A_30 : vector<16xi32>
    %add3A_32 = arith.constant 32 : i32
    %add3A_33 = vector.broadcast %add3A_32 : i32 to vector<16xi32>
    %add3A_34 = arith.addi %iota3A, %add3A_33 : vector<16xi32>
    %gather3A_35 = tpu.vector_load_idx %arg5[%div3A_31, %add3A_34] : memref<16x512xf32, #tpu.memory_space<vmem>>[vector<16xi32>, vector<16xi32>], vector<16xf32>,
    %swap3A_36 = arith.constant 32 : index
    %swap3A_37 = tpu.vector_load %arg7[%swap3A_36] {strides = array<i32>} : memref<512xf32, #tpu.memory_space<vmem>>, vector<16xf32>,
    tpu.vector_store %arg7[%swap3A_36], %gather3A_35 {strides = array<i32>} : memref<512xf32, #tpu.memory_space<vmem>>, vector<16xf32>,
    %get3A_38 = arith.constant 48 : index
    %get3A_39 = tpu.vector_load %arg6[%get3A_38] {strides = array<i32>} : memref<512xi32, #tpu.memory_space<vmem>>, vector<16xi32>,
    %div3A_40 = arith.constant 6 : i32
    %div3A_41 = vector.broadcast %div3A_40 : i32 to vector<16xi32>
    %div3A_42 = arith.divsi %get3A_39, %div3A_41 : vector<16xi32>
    %add3A_43 = arith.constant 48 : i32
    %add3A_44 = vector.broadcast %add3A_43 : i32 to vector<16xi32>
    %add3A_45 = arith.addi %iota3A, %add3A_44 : vector<16xi32>
    %gather3A_46 = tpu.vector_load_idx %arg5[%div3A_42, %add3A_45] : memref<16x512xf32, #tpu.memory_space<vmem>>[vector<16xi32>, vector<16xi32>], vector<16xf32>,
    %swap3A_47 = arith.constant 48 : index
    %swap3A_48 = tpu.vector_load %arg7[%swap3A_47] {strides = array<i32>} : memref<512xf32, #tpu.memory_space<vmem>>, vector<16xf32>,
    tpu.vector_store %arg7[%swap3A_47], %gather3A_46 {strides = array<i32>} : memref<512xf32, #tpu.memory_space<vmem>>, vector<16xf32>,
    %get3A_49 = arith.constant 64 : index
    %get3A_50 = tpu.vector_load %arg6[%get3A_49] {strides = array<i32>} : memref<512xi32, #tpu.memory_space<vmem>>, vector<16xi32>,
    %div3A_51 = arith.constant 6 : i32
    %div3A_52 = vector.broadcast %div3A_51 : i32 to vector<16xi32>
    %div3A_53 = arith.divsi %get3A_50, %div3A_52 : vector<16xi32>
    %add3A_54 = arith.constant 64 : i32
    %add3A_55 = vector.broadcast %add3A_54 : i32 to vector<16xi32>
    %add3A_56 = arith.addi %iota3A, %add3A_55 : vector<16xi32>
    %gather3A_57 = tpu.vector_load_idx %arg5[%div3A_53, %add3A_56] : memref<16x512xf32, #tpu.memory_space<vmem>>[vector<16xi32>, vector<16xi32>], vector<16xf32>,
    %swap3A_58 = arith.constant 64 : index
    %swap3A_59 = tpu.vector_load %arg7[%swap3A_58] {strides = array<i32>} : memref<512xf32, #tpu.memory_space<vmem>>, vector<16xf32>,
    tpu.vector_store %arg7[%swap3A_58], %gather3A_57 {strides = array<i32>} : memref<512xf32, #tpu.memory_space<vmem>>, vector<16xf32>,
    %get3A_60 = arith.constant 80 : index
    %get3A_61 = tpu.vector_load %arg6[%get3A_60] {strides = array<i32>} : memref<512xi32, #tpu.memory_space<vmem>>, vector<16xi32>,
    %div3A_62 = arith.constant 6 : i32
    %div3A_63 = vector.broadcast %div3A_62 : i32 to vector<16xi32>
    %div3A_64 = arith.divsi %get3A_61, %div3A_63 : vector<16xi32>
    %add3A_65 = arith.constant 80 : i32
    %add3A_66 = vector.broadcast %add3A_65 : i32 to vector<16xi32>
    %add3A_67 = arith.addi %iota3A, %add3A_66 : vector<16xi32>
    %gather3A_68 = tpu.vector_load_idx %arg5[%div3A_64, %add3A_67] : memref<16x512xf32, #tpu.memory_space<vmem>>[vector<16xi32>, vector<16xi32>], vector<16xf32>,
    %swap3A_69 = arith.constant 80 : index
    %swap3A_70 = tpu.vector_load %arg7[%swap3A_69] {strides = array<i32>} : memref<512xf32, #tpu.memory_space<vmem>>, vector<16xf32>,
    tpu.vector_store %arg7[%swap3A_69], %gather3A_68 {strides = array<i32>} : memref<512xf32, #tpu.memory_space<vmem>>, vector<16xf32>,
    %get3A_71 = arith.constant 96 : index
    %get3A_72 = tpu.vector_load %arg6[%get3A_71] {strides = array<i32>} : memref<512xi32, #tpu.memory_space<vmem>>, vector<16xi32>,
    %div3A_73 = arith.constant 6 : i32
    %div3A_74 = vector.broadcast %div3A_73 : i32 to vector<16xi32>
    %div3A_75 = arith.divsi %get3A_72, %div3A_74 : vector<16xi32>
    %add3A_76 = arith.constant 96 : i32
    %add3A_77 = vector.broadcast %add3A_76 : i32 to vector<16xi32>
    %add3A_78 = arith.addi %iota3A, %add3A_77 : vector<16xi32>
    %gather3A_79 = tpu.vector_load_idx %arg5[%div3A_75, %add3A_78] : memref<16x512xf32, #tpu.memory_space<vmem>>[vector<16xi32>, vector<16xi32>], vector<16xf32>,
    %swap3A_80 = arith.constant 96 : index
    %swap3A_81 = tpu.vector_load %arg7[%swap3A_80] {strides = array<i32>} : memref<512xf32, #tpu.memory_space<vmem>>, vector<16xf32>,
    tpu.vector_store %arg7[%swap3A_80], %gather3A_79 {strides = array<i32>} : memref<512xf32, #tpu.memory_space<vmem>>, vector<16xf32>,
    %get3A_82 = arith.constant 112 : index
    %get3A_83 = tpu.vector_load %arg6[%get3A_82] {strides = array<i32>} : memref<512xi32, #tpu.memory_space<vmem>>, vector<16xi32>,
    %div3A_84 = arith.constant 6 : i32
    %div3A_85 = vector.broadcast %div3A_84 : i32 to vector<16xi32>
    %div3A_86 = arith.divsi %get3A_83, %div3A_85 : vector<16xi32>
    %add3A_87 = arith.constant 112 : i32
    %add3A_88 = vector.broadcast %add3A_87 : i32 to vector<16xi32>
    %add3A_89 = arith.addi %iota3A, %add3A_88 : vector<16xi32>
    %gather3A_90 = tpu.vector_load_idx %arg5[%div3A_86, %add3A_89] : memref<16x512xf32, #tpu.memory_space<vmem>>[vector<16xi32>, vector<16xi32>], vector<16xf32>,
    %swap3A_91 = arith.constant 112 : index
    %swap3A_92 = tpu.vector_load %arg7[%swap3A_91] {strides = array<i32>} : memref<512xf32, #tpu.memory_space<vmem>>, vector<16xf32>,
    tpu.vector_store %arg7[%swap3A_91], %gather3A_90 {strides = array<i32>} : memref<512xf32, #tpu.memory_space<vmem>>, vector<16xf32>,
    %get3A_93 = arith.constant 128 : index
    %get3A_94 = tpu.vector_load %arg6[%get3A_93] {strides = array<i32>} : memref<512xi32, #tpu.memory_space<vmem>>, vector<16xi32>,
    %div3A_95 = arith.constant 6 : i32
    %div3A_96 = vector.broadcast %div3A_95 : i32 to vector<16xi32>
    %div3A_97 = arith.divsi %get3A_94, %div3A_96 : vector<16xi32>
    %add3A_98 = arith.constant 128 : i32
    %add3A_99 = vector.broadcast %add3A_98 : i32 to vector<16xi32>
    %add3A_100 = arith.addi %iota3A, %add3A_99 : vector<16xi32>
    %gather3A_101 = tpu.vector_load_idx %arg5[%div3A_97, %add3A_100] : memref<16x512xf32, #tpu.memory_space<vmem>>[vector<16xi32>, vector<16xi32>], vector<16xf32>,
    %swap3A_102 = arith.constant 128 : index
    %swap3A_103 = tpu.vector_load %arg7[%swap3A_102] {strides = array<i32>} : memref<512xf32, #tpu.memory_space<vmem>>, vector<16xf32>,
    tpu.vector_store %arg7[%swap3A_102], %gather3A_101 {strides = array<i32>} : memref<512xf32, #tpu.memory_space<vmem>>, vector<16xf32>,
    %get3A_104 = arith.constant 144 : index
    %get3A_105 = tpu.vector_load %arg6[%get3A_104] {strides = array<i32>} : memref<512xi32, #tpu.memory_space<vmem>>, vector<16xi32>,
    %div3A_106 = arith.constant 6 : i32
    %div3A_107 = vector.broadcast %div3A_106 : i32 to vector<16xi32>
    %div3A_108 = arith.divsi %get3A_105, %div3A_107 : vector<16xi32>
    %add3A_109 = arith.constant 144 : i32
    %add3A_110 = vector.broadcast %add3A_109 : i32 to vector<16xi32>
    %add3A_111 = arith.addi %iota3A, %add3A_110 : vector<16xi32>
    %gather3A_112 = tpu.vector_load_idx %arg5[%div3A_108, %add3A_111] : memref<16x512xf32, #tpu.memory_space<vmem>>[vector<16xi32>, vector<16xi32>], vector<16xf32>,
    %swap3A_113 = arith.constant 144 : index
    %swap3A_114 = tpu.vector_load %arg7[%swap3A_113] {strides = array<i32>} : memref<512xf32, #tpu.memory_space<vmem>>, vector<16xf32>,
    tpu.vector_store %arg7[%swap3A_113], %gather3A_112 {strides = array<i32>} : memref<512xf32, #tpu.memory_space<vmem>>, vector<16xf32>,
    %get3A_115 = arith.constant 160 : index
    %get3A_116 = tpu.vector_load %arg6[%get3A_115] {strides = array<i32>} : memref<512xi32, #tpu.memory_space<vmem>>, vector<16xi32>,
    %div3A_117 = arith.constant 6 : i32
    %div3A_118 = vector.broadcast %div3A_117 : i32 to vector<16xi32>
    %div3A_119 = arith.divsi %get3A_116, %div3A_118 : vector<16xi32>
    %add3A_120 = arith.constant 160 : i32
    %add3A_121 = vector.broadcast %add3A_120 : i32 to vector<16xi32>
    %add3A_122 = arith.addi %iota3A, %add3A_121 : vector<16xi32>
    %gather3A_123 = tpu.vector_load_idx %arg5[%div3A_119, %add3A_122] : memref<16x512xf32, #tpu.memory_space<vmem>>[vector<16xi32>, vector<16xi32>], vector<16xf32>,
    %swap3A_124 = arith.constant 160 : index
    %swap3A_125 = tpu.vector_load %arg7[%swap3A_124] {strides = array<i32>} : memref<512xf32, #tpu.memory_space<vmem>>, vector<16xf32>,
    tpu.vector_store %arg7[%swap3A_124], %gather3A_123 {strides = array<i32>} : memref<512xf32, #tpu.memory_space<vmem>>, vector<16xf32>,
    %get3A_126 = arith.constant 176 : index
    %get3A_127 = tpu.vector_load %arg6[%get3A_126] {strides = array<i32>} : memref<512xi32, #tpu.memory_space<vmem>>, vector<16xi32>,
    %div3A_128 = arith.constant 6 : i32
    %div3A_129 = vector.broadcast %div3A_128 : i32 to vector<16xi32>
    %div3A_130 = arith.divsi %get3A_127, %div3A_129 : vector<16xi32>
    %add3A_131 = arith.constant 176 : i32
    %add3A_132 = vector.broadcast %add3A_131 : i32 to vector<16xi32>
    %add3A_133 = arith.addi %iota3A, %add3A_132 : vector<16xi32>
    %gather3A_134 = tpu.vector_load_idx %arg5[%div3A_130, %add3A_133] : memref<16x512xf32, #tpu.memory_space<vmem>>[vector<16xi32>, vector<16xi32>], vector<16xf32>,
    %swap3A_135 = arith.constant 176 : index
    %swap3A_136 = tpu.vector_load %arg7[%swap3A_135] {strides = array<i32>} : memref<512xf32, #tpu.memory_space<vmem>>, vector<16xf32>,
    tpu.vector_store %arg7[%swap3A_135], %gather3A_134 {strides = array<i32>} : memref<512xf32, #tpu.memory_space<vmem>>, vector<16xf32>,
    %get3A_137 = arith.constant 192 : index
    %get3A_138 = tpu.vector_load %arg6[%get3A_137] {strides = array<i32>} : memref<512xi32, #tpu.memory_space<vmem>>, vector<16xi32>,
    %div3A_139 = arith.constant 6 : i32
    %div3A_140 = vector.broadcast %div3A_139 : i32 to vector<16xi32>
    %div3A_141 = arith.divsi %get3A_138, %div3A_140 : vector<16xi32>
    %add3A_142 = arith.constant 192 : i32
    %add3A_143 = vector.broadcast %add3A_142 : i32 to vector<16xi32>
    %add3A_144 = arith.addi %iota3A, %add3A_143 : vector<16xi32>
    %gather3A_145 = tpu.vector_load_idx %arg5[%div3A_141, %add3A_144] : memref<16x512xf32, #tpu.memory_space<vmem>>[vector<16xi32>, vector<16xi32>], vector<16xf32>,
    %swap3A_146 = arith.constant 192 : index
    %swap3A_147 = tpu.vector_load %arg7[%swap3A_146] {strides = array<i32>} : memref<512xf32, #tpu.memory_space<vmem>>, vector<16xf32>,
    tpu.vector_store %arg7[%swap3A_146], %gather3A_145 {strides = array<i32>} : memref<512xf32, #tpu.memory_space<vmem>>, vector<16xf32>,
    %get3A_148 = arith.constant 208 : index
    %get3A_149 = tpu.vector_load %arg6[%get3A_148] {strides = array<i32>} : memref<512xi32, #tpu.memory_space<vmem>>, vector<16xi32>,
    %div3A_150 = arith.constant 6 : i32
    %div3A_151 = vector.broadcast %div3A_150 : i32 to vector<16xi32>
    %div3A_152 = arith.divsi %get3A_149, %div3A_151 : vector<16xi32>
    %add3A_153 = arith.constant 208 : i32
    %add3A_154 = vector.broadcast %add3A_153 : i32 to vector<16xi32>
    %add3A_155 = arith.addi %iota3A, %add3A_154 : vector<16xi32>
    %gather3A_156 = tpu.vector_load_idx %arg5[%div3A_152, %add3A_155] : memref<16x512xf32, #tpu.memory_space<vmem>>[vector<16xi32>, vector<16xi32>], vector<16xf32>,
    %swap3A_157 = arith.constant 208 : index
    %swap3A_158 = tpu.vector_load %arg7[%swap3A_157] {strides = array<i32>} : memref<512xf32, #tpu.memory_space<vmem>>, vector<16xf32>,
    tpu.vector_store %arg7[%swap3A_157], %gather3A_156 {strides = array<i32>} : memref<512xf32, #tpu.memory_space<vmem>>, vector<16xf32>,
    %get3A_159 = arith.constant 224 : index
    %get3A_160 = tpu.vector_load %arg6[%get3A_159] {strides = array<i32>} : memref<512xi32, #tpu.memory_space<vmem>>, vector<16xi32>,
    %div3A_161 = arith.constant 6 : i32
    %div3A_162 = vector.broadcast %div3A_161 : i32 to vector<16xi32>
    %div3A_163 = arith.divsi %get3A_160, %div3A_162 : vector<16xi32>
    %add3A_164 = arith.constant 224 : i32
    %add3A_165 = vector.broadcast %add3A_164 : i32 to vector<16xi32>
    %add3A_166 = arith.addi %iota3A, %add3A_165 : vector<16xi32>
    %gather3A_167 = tpu.vector_load_idx %arg5[%div3A_163, %add3A_166] : memref<16x512xf32, #tpu.memory_space<vmem>>[vector<16xi32>, vector<16xi32>], vector<16xf32>,
    %swap3A_168 = arith.constant 224 : index
    %swap3A_169 = tpu.vector_load %arg7[%swap3A_168] {strides = array<i32>} : memref<512xf32, #tpu.memory_space<vmem>>, vector<16xf32>,
    tpu.vector_store %arg7[%swap3A_168], %gather3A_167 {strides = array<i32>} : memref<512xf32, #tpu.memory_space<vmem>>, vector<16xf32>,
    %get3A_170 = arith.constant 240 : index
    %get3A_171 = tpu.vector_load %arg6[%get3A_170] {strides = array<i32>} : memref<512xi32, #tpu.memory_space<vmem>>, vector<16xi32>,
    %div3A_172 = arith.constant 6 : i32
    %div3A_173 = vector.broadcast %div3A_172 : i32 to vector<16xi32>
    %div3A_174 = arith.divsi %get3A_171, %div3A_173 : vector<16xi32>
    %add3A_175 = arith.constant 240 : i32
    %add3A_176 = vector.broadcast %add3A_175 : i32 to vector<16xi32>
    %add3A_177 = arith.addi %iota3A, %add3A_176 : vector<16xi32>
    %gather3A_178 = tpu.vector_load_idx %arg5[%div3A_174, %add3A_177] : memref<16x512xf32, #tpu.memory_space<vmem>>[vector<16xi32>, vector<16xi32>], vector<16xf32>,
    %swap3A_179 = arith.constant 240 : index
    %swap3A_180 = tpu.vector_load %arg7[%swap3A_179] {strides = array<i32>} : memref<512xf32, #tpu.memory_space<vmem>>, vector<16xf32>,
    tpu.vector_store %arg7[%swap3A_179], %gather3A_178 {strides = array<i32>} : memref<512xf32, #tpu.memory_space<vmem>>, vector<16xf32>,
    %get3A_181 = arith.constant 256 : index
    %get3A_182 = tpu.vector_load %arg6[%get3A_181] {strides = array<i32>} : memref<512xi32, #tpu.memory_space<vmem>>, vector<16xi32>,
    %div3A_183 = arith.constant 6 : i32
    %div3A_184 = vector.broadcast %div3A_183 : i32 to vector<16xi32>
    %div3A_185 = arith.divsi %get3A_182, %div3A_184 : vector<16xi32>
    %add3A_186 = arith.constant 256 : i32
    %add3A_187 = vector.broadcast %add3A_186 : i32 to vector<16xi32>
    %add3A_188 = arith.addi %iota3A, %add3A_187 : vector<16xi32>
    %gather3A_189 = tpu.vector_load_idx %arg5[%div3A_185, %add3A_188] : memref<16x512xf32, #tpu.memory_space<vmem>>[vector<16xi32>, vector<16xi32>], vector<16xf32>,
    %swap3A_190 = arith.constant 256 : index
    %swap3A_191 = tpu.vector_load %arg7[%swap3A_190] {strides = array<i32>} : memref<512xf32, #tpu.memory_space<vmem>>, vector<16xf32>,
    tpu.vector_store %arg7[%swap3A_190], %gather3A_189 {strides = array<i32>} : memref<512xf32, #tpu.memory_space<vmem>>, vector<16xf32>,
    %get3A_192 = arith.constant 272 : index
    %get3A_193 = tpu.vector_load %arg6[%get3A_192] {strides = array<i32>} : memref<512xi32, #tpu.memory_space<vmem>>, vector<16xi32>,
    %div3A_194 = arith.constant 6 : i32
    %div3A_195 = vector.broadcast %div3A_194 : i32 to vector<16xi32>
    %div3A_196 = arith.divsi %get3A_193, %div3A_195 : vector<16xi32>
    %add3A_197 = arith.constant 272 : i32
    %add3A_198 = vector.broadcast %add3A_197 : i32 to vector<16xi32>
    %add3A_199 = arith.addi %iota3A, %add3A_198 : vector<16xi32>
    %gather3A_200 = tpu.vector_load_idx %arg5[%div3A_196, %add3A_199] : memref<16x512xf32, #tpu.memory_space<vmem>>[vector<16xi32>, vector<16xi32>], vector<16xf32>,
    %swap3A_201 = arith.constant 272 : index
    %swap3A_202 = tpu.vector_load %arg7[%swap3A_201] {strides = array<i32>} : memref<512xf32, #tpu.memory_space<vmem>>, vector<16xf32>,
    tpu.vector_store %arg7[%swap3A_201], %gather3A_200 {strides = array<i32>} : memref<512xf32, #tpu.memory_space<vmem>>, vector<16xf32>,
    %get3A_203 = arith.constant 288 : index
    %get3A_204 = tpu.vector_load %arg6[%get3A_203] {strides = array<i32>} : memref<512xi32, #tpu.memory_space<vmem>>, vector<16xi32>,
    %div3A_205 = arith.constant 6 : i32
    %div3A_206 = vector.broadcast %div3A_205 : i32 to vector<16xi32>
    %div3A_207 = arith.divsi %get3A_204, %div3A_206 : vector<16xi32>
    %add3A_208 = arith.constant 288 : i32
    %add3A_209 = vector.broadcast %add3A_208 : i32 to vector<16xi32>
    %add3A_210 = arith.addi %iota3A, %add3A_209 : vector<16xi32>
    %gather3A_211 = tpu.vector_load_idx %arg5[%div3A_207, %add3A_210] : memref<16x512xf32, #tpu.memory_space<vmem>>[vector<16xi32>, vector<16xi32>], vector<16xf32>,
    %swap3A_212 = arith.constant 288 : index
    %swap3A_213 = tpu.vector_load %arg7[%swap3A_212] {strides = array<i32>} : memref<512xf32, #tpu.memory_space<vmem>>, vector<16xf32>,
    tpu.vector_store %arg7[%swap3A_212], %gather3A_211 {strides = array<i32>} : memref<512xf32, #tpu.memory_space<vmem>>, vector<16xf32>,
    %get3A_214 = arith.constant 304 : index
    %get3A_215 = tpu.vector_load %arg6[%get3A_214] {strides = array<i32>} : memref<512xi32, #tpu.memory_space<vmem>>, vector<16xi32>,
    %div3A_216 = arith.constant 6 : i32
    %div3A_217 = vector.broadcast %div3A_216 : i32 to vector<16xi32>
    %div3A_218 = arith.divsi %get3A_215, %div3A_217 : vector<16xi32>
    %add3A_219 = arith.constant 304 : i32
    %add3A_220 = vector.broadcast %add3A_219 : i32 to vector<16xi32>
    %add3A_221 = arith.addi %iota3A, %add3A_220 : vector<16xi32>
    %gather3A_222 = tpu.vector_load_idx %arg5[%div3A_218, %add3A_221] : memref<16x512xf32, #tpu.memory_space<vmem>>[vector<16xi32>, vector<16xi32>], vector<16xf32>,
    %swap3A_223 = arith.constant 304 : index
    %swap3A_224 = tpu.vector_load %arg7[%swap3A_223] {strides = array<i32>} : memref<512xf32, #tpu.memory_space<vmem>>, vector<16xf32>,
    tpu.vector_store %arg7[%swap3A_223], %gather3A_222 {strides = array<i32>} : memref<512xf32, #tpu.memory_space<vmem>>, vector<16xf32>,
    %get3A_225 = arith.constant 320 : index
    %get3A_226 = tpu.vector_load %arg6[%get3A_225] {strides = array<i32>} : memref<512xi32, #tpu.memory_space<vmem>>, vector<16xi32>,
    %div3A_227 = arith.constant 6 : i32
    %div3A_228 = vector.broadcast %div3A_227 : i32 to vector<16xi32>
    %div3A_229 = arith.divsi %get3A_226, %div3A_228 : vector<16xi32>
    %add3A_230 = arith.constant 320 : i32
    %add3A_231 = vector.broadcast %add3A_230 : i32 to vector<16xi32>
    %add3A_232 = arith.addi %iota3A, %add3A_231 : vector<16xi32>
    %gather3A_233 = tpu.vector_load_idx %arg5[%div3A_229, %add3A_232] : memref<16x512xf32, #tpu.memory_space<vmem>>[vector<16xi32>, vector<16xi32>], vector<16xf32>,
    %swap3A_234 = arith.constant 320 : index
    %swap3A_235 = tpu.vector_load %arg7[%swap3A_234] {strides = array<i32>} : memref<512xf32, #tpu.memory_space<vmem>>, vector<16xf32>,
    tpu.vector_store %arg7[%swap3A_234], %gather3A_233 {strides = array<i32>} : memref<512xf32, #tpu.memory_space<vmem>>, vector<16xf32>,
    %get3A_236 = arith.constant 336 : index
    %get3A_237 = tpu.vector_load %arg6[%get3A_236] {strides = array<i32>} : memref<512xi32, #tpu.memory_space<vmem>>, vector<16xi32>,
    %div3A_238 = arith.constant 6 : i32
    %div3A_239 = vector.broadcast %div3A_238 : i32 to vector<16xi32>
    %div3A_240 = arith.divsi %get3A_237, %div3A_239 : vector<16xi32>
    %add3A_241 = arith.constant 336 : i32
    %add3A_242 = vector.broadcast %add3A_241 : i32 to vector<16xi32>
    %add3A_243 = arith.addi %iota3A, %add3A_242 : vector<16xi32>
    %gather3A_244 = tpu.vector_load_idx %arg5[%div3A_240, %add3A_243] : memref<16x512xf32, #tpu.memory_space<vmem>>[vector<16xi32>, vector<16xi32>], vector<16xf32>,
    %swap3A_245 = arith.constant 336 : index
    %swap3A_246 = tpu.vector_load %arg7[%swap3A_245] {strides = array<i32>} : memref<512xf32, #tpu.memory_space<vmem>>, vector<16xf32>,
    tpu.vector_store %arg7[%swap3A_245], %gather3A_244 {strides = array<i32>} : memref<512xf32, #tpu.memory_space<vmem>>, vector<16xf32>,
    %get3A_247 = arith.constant 352 : index
    %get3A_248 = tpu.vector_load %arg6[%get3A_247] {strides = array<i32>} : memref<512xi32, #tpu.memory_space<vmem>>, vector<16xi32>,
    %div3A_249 = arith.constant 6 : i32
    %div3A_250 = vector.broadcast %div3A_249 : i32 to vector<16xi32>
    %div3A_251 = arith.divsi %get3A_248, %div3A_250 : vector<16xi32>
    %add3A_252 = arith.constant 352 : i32
    %add3A_253 = vector.broadcast %add3A_252 : i32 to vector<16xi32>
    %add3A_254 = arith.addi %iota3A, %add3A_253 : vector<16xi32>
    %gather3A_255 = tpu.vector_load_idx %arg5[%div3A_251, %add3A_254] : memref<16x512xf32, #tpu.memory_space<vmem>>[vector<16xi32>, vector<16xi32>], vector<16xf32>,
    %swap3A_256 = arith.constant 352 : index
    %swap3A_257 = tpu.vector_load %arg7[%swap3A_256] {strides = array<i32>} : memref<512xf32, #tpu.memory_space<vmem>>, vector<16xf32>,
    tpu.vector_store %arg7[%swap3A_256], %gather3A_255 {strides = array<i32>} : memref<512xf32, #tpu.memory_space<vmem>>, vector<16xf32>,
    %get3A_258 = arith.constant 368 : index
    %get3A_259 = tpu.vector_load %arg6[%get3A_258] {strides = array<i32>} : memref<512xi32, #tpu.memory_space<vmem>>, vector<16xi32>,
    %div3A_260 = arith.constant 6 : i32
    %div3A_261 = vector.broadcast %div3A_260 : i32 to vector<16xi32>
    %div3A_262 = arith.divsi %get3A_259, %div3A_261 : vector<16xi32>
    %add3A_263 = arith.constant 368 : i32
    %add3A_264 = vector.broadcast %add3A_263 : i32 to vector<16xi32>
    %add3A_265 = arith.addi %iota3A, %add3A_264 : vector<16xi32>
    %gather3A_266 = tpu.vector_load_idx %arg5[%div3A_262, %add3A_265] : memref<16x512xf32, #tpu.memory_space<vmem>>[vector<16xi32>, vector<16xi32>], vector<16xf32>,
    %swap3A_267 = arith.constant 368 : index
    %swap3A_268 = tpu.vector_load %arg7[%swap3A_267] {strides = array<i32>} : memref<512xf32, #tpu.memory_space<vmem>>, vector<16xf32>,
    tpu.vector_store %arg7[%swap3A_267], %gather3A_266 {strides = array<i32>} : memref<512xf32, #tpu.memory_space<vmem>>, vector<16xf32>,
    %get3A_269 = arith.constant 384 : index
    %get3A_270 = tpu.vector_load %arg6[%get3A_269] {strides = array<i32>} : memref<512xi32, #tpu.memory_space<vmem>>, vector<16xi32>,
    %div3A_271 = arith.constant 6 : i32
    %div3A_272 = vector.broadcast %div3A_271 : i32 to vector<16xi32>
    %div3A_273 = arith.divsi %get3A_270, %div3A_272 : vector<16xi32>
    %add3A_274 = arith.constant 384 : i32
    %add3A_275 = vector.broadcast %add3A_274 : i32 to vector<16xi32>
    %add3A_276 = arith.addi %iota3A, %add3A_275 : vector<16xi32>
    %gather3A_277 = tpu.vector_load_idx %arg5[%div3A_273, %add3A_276] : memref<16x512xf32, #tpu.memory_space<vmem>>[vector<16xi32>, vector<16xi32>], vector<16xf32>,
    %swap3A_278 = arith.constant 384 : index
    %swap3A_279 = tpu.vector_load %arg7[%swap3A_278] {strides = array<i32>} : memref<512xf32, #tpu.memory_space<vmem>>, vector<16xf32>,
    tpu.vector_store %arg7[%swap3A_278], %gather3A_277 {strides = array<i32>} : memref<512xf32, #tpu.memory_space<vmem>>, vector<16xf32>,
    %get3A_280 = arith.constant 400 : index
    %get3A_281 = tpu.vector_load %arg6[%get3A_280] {strides = array<i32>} : memref<512xi32, #tpu.memory_space<vmem>>, vector<16xi32>,
    %div3A_282 = arith.constant 6 : i32
    %div3A_283 = vector.broadcast %div3A_282 : i32 to vector<16xi32>
    %div3A_284 = arith.divsi %get3A_281, %div3A_283 : vector<16xi32>
    %add3A_285 = arith.constant 400 : i32
    %add3A_286 = vector.broadcast %add3A_285 : i32 to vector<16xi32>
    %add3A_287 = arith.addi %iota3A, %add3A_286 : vector<16xi32>
    %gather3A_288 = tpu.vector_load_idx %arg5[%div3A_284, %add3A_287] : memref<16x512xf32, #tpu.memory_space<vmem>>[vector<16xi32>, vector<16xi32>], vector<16xf32>,
    %swap3A_289 = arith.constant 400 : index
    %swap3A_290 = tpu.vector_load %arg7[%swap3A_289] {strides = array<i32>} : memref<512xf32, #tpu.memory_space<vmem>>, vector<16xf32>,
    tpu.vector_store %arg7[%swap3A_289], %gather3A_288 {strides = array<i32>} : memref<512xf32, #tpu.memory_space<vmem>>, vector<16xf32>,
    %get3A_291 = arith.constant 416 : index
    %get3A_292 = tpu.vector_load %arg6[%get3A_291] {strides = array<i32>} : memref<512xi32, #tpu.memory_space<vmem>>, vector<16xi32>,
    %div3A_293 = arith.constant 6 : i32
    %div3A_294 = vector.broadcast %div3A_293 : i32 to vector<16xi32>
    %div3A_295 = arith.divsi %get3A_292, %div3A_294 : vector<16xi32>
    %add3A_296 = arith.constant 416 : i32
    %add3A_297 = vector.broadcast %add3A_296 : i32 to vector<16xi32>
    %add3A_298 = arith.addi %iota3A, %add3A_297 : vector<16xi32>
    %gather3A_299 = tpu.vector_load_idx %arg5[%div3A_295, %add3A_298] : memref<16x512xf32, #tpu.memory_space<vmem>>[vector<16xi32>, vector<16xi32>], vector<16xf32>,
    %swap3A_300 = arith.constant 416 : index
    %swap3A_301 = tpu.vector_load %arg7[%swap3A_300] {strides = array<i32>} : memref<512xf32, #tpu.memory_space<vmem>>, vector<16xf32>,
    tpu.vector_store %arg7[%swap3A_300], %gather3A_299 {strides = array<i32>} : memref<512xf32, #tpu.memory_space<vmem>>, vector<16xf32>,
    %get3A_302 = arith.constant 432 : index
    %get3A_303 = tpu.vector_load %arg6[%get3A_302] {strides = array<i32>} : memref<512xi32, #tpu.memory_space<vmem>>, vector<16xi32>,
    %div3A_304 = arith.constant 6 : i32
    %div3A_305 = vector.broadcast %div3A_304 : i32 to vector<16xi32>
    %div3A_306 = arith.divsi %get3A_303, %div3A_305 : vector<16xi32>
    %add3A_307 = arith.constant 432 : i32
    %add3A_308 = vector.broadcast %add3A_307 : i32 to vector<16xi32>
    %add3A_309 = arith.addi %iota3A, %add3A_308 : vector<16xi32>
    %gather3A_310 = tpu.vector_load_idx %arg5[%div3A_306, %add3A_309] : memref<16x512xf32, #tpu.memory_space<vmem>>[vector<16xi32>, vector<16xi32>], vector<16xf32>,
    %swap3A_311 = arith.constant 432 : index
    %swap3A_312 = tpu.vector_load %arg7[%swap3A_311] {strides = array<i32>} : memref<512xf32, #tpu.memory_space<vmem>>, vector<16xf32>,
    tpu.vector_store %arg7[%swap3A_311], %gather3A_310 {strides = array<i32>} : memref<512xf32, #tpu.memory_space<vmem>>, vector<16xf32>,
    %get3A_313 = arith.constant 448 : index
    %get3A_314 = tpu.vector_load %arg6[%get3A_313] {strides = array<i32>} : memref<512xi32, #tpu.memory_space<vmem>>, vector<16xi32>,
    %div3A_315 = arith.constant 6 : i32
    %div3A_316 = vector.broadcast %div3A_315 : i32 to vector<16xi32>
    %div3A_317 = arith.divsi %get3A_314, %div3A_316 : vector<16xi32>
    %add3A_318 = arith.constant 448 : i32
    %add3A_319 = vector.broadcast %add3A_318 : i32 to vector<16xi32>
    %add3A_320 = arith.addi %iota3A, %add3A_319 : vector<16xi32>
    %gather3A_321 = tpu.vector_load_idx %arg5[%div3A_317, %add3A_320] : memref<16x512xf32, #tpu.memory_space<vmem>>[vector<16xi32>, vector<16xi32>], vector<16xf32>,
    %swap3A_322 = arith.constant 448 : index
    %swap3A_323 = tpu.vector_load %arg7[%swap3A_322] {strides = array<i32>} : memref<512xf32, #tpu.memory_space<vmem>>, vector<16xf32>,
    tpu.vector_store %arg7[%swap3A_322], %gather3A_321 {strides = array<i32>} : memref<512xf32, #tpu.memory_space<vmem>>, vector<16xf32>,
    %get3A_324 = arith.constant 464 : index
    %get3A_325 = tpu.vector_load %arg6[%get3A_324] {strides = array<i32>} : memref<512xi32, #tpu.memory_space<vmem>>, vector<16xi32>,
    %div3A_326 = arith.constant 6 : i32
    %div3A_327 = vector.broadcast %div3A_326 : i32 to vector<16xi32>
    %div3A_328 = arith.divsi %get3A_325, %div3A_327 : vector<16xi32>
    %add3A_329 = arith.constant 464 : i32
    %add3A_330 = vector.broadcast %add3A_329 : i32 to vector<16xi32>
    %add3A_331 = arith.addi %iota3A, %add3A_330 : vector<16xi32>
    %gather3A_332 = tpu.vector_load_idx %arg5[%div3A_328, %add3A_331] : memref<16x512xf32, #tpu.memory_space<vmem>>[vector<16xi32>, vector<16xi32>], vector<16xf32>,
    %swap3A_333 = arith.constant 464 : index
    %swap3A_334 = tpu.vector_load %arg7[%swap3A_333] {strides = array<i32>} : memref<512xf32, #tpu.memory_space<vmem>>, vector<16xf32>,
    tpu.vector_store %arg7[%swap3A_333], %gather3A_332 {strides = array<i32>} : memref<512xf32, #tpu.memory_space<vmem>>, vector<16xf32>,
    %get3A_335 = arith.constant 480 : index
    %get3A_336 = tpu.vector_load %arg6[%get3A_335] {strides = array<i32>} : memref<512xi32, #tpu.memory_space<vmem>>, vector<16xi32>,
    %div3A_337 = arith.constant 6 : i32
    %div3A_338 = vector.broadcast %div3A_337 : i32 to vector<16xi32>
    %div3A_339 = arith.divsi %get3A_336, %div3A_338 : vector<16xi32>
    %add3A_340 = arith.constant 480 : i32
    %add3A_341 = vector.broadcast %add3A_340 : i32 to vector<16xi32>
    %add3A_342 = arith.addi %iota3A, %add3A_341 : vector<16xi32>
    %gather3A_343 = tpu.vector_load_idx %arg5[%div3A_339, %add3A_342] : memref<16x512xf32, #tpu.memory_space<vmem>>[vector<16xi32>, vector<16xi32>], vector<16xf32>,
    %swap3A_344 = arith.constant 480 : index
    %swap3A_345 = tpu.vector_load %arg7[%swap3A_344] {strides = array<i32>} : memref<512xf32, #tpu.memory_space<vmem>>, vector<16xf32>,
    tpu.vector_store %arg7[%swap3A_344], %gather3A_343 {strides = array<i32>} : memref<512xf32, #tpu.memory_space<vmem>>, vector<16xf32>,
    %get3A_346 = arith.constant 496 : index
    %get3A_347 = tpu.vector_load %arg6[%get3A_346] {strides = array<i32>} : memref<512xi32, #tpu.memory_space<vmem>>, vector<16xi32>,
    %div3A_348 = arith.constant 6 : i32
    %div3A_349 = vector.broadcast %div3A_348 : i32 to vector<16xi32>
    %div3A_350 = arith.divsi %get3A_347, %div3A_349 : vector<16xi32>
    %add3A_351 = arith.constant 496 : i32
    %add3A_352 = vector.broadcast %add3A_351 : i32 to vector<16xi32>
    %add3A_353 = arith.addi %iota3A, %add3A_352 : vector<16xi32>
    %gather3A_354 = tpu.vector_load_idx %arg5[%div3A_350, %add3A_353] : memref<16x512xf32, #tpu.memory_space<vmem>>[vector<16xi32>, vector<16xi32>], vector<16xf32>,
    %swap3A_355 = arith.constant 496 : index
    %swap3A_356 = tpu.vector_load %arg7[%swap3A_355] {strides = array<i32>} : memref<512xf32, #tpu.memory_space<vmem>>, vector<16xf32>,
    tpu.vector_store %arg7[%swap3A_355], %gather3A_354 {strides = array<i32>} : memref<512xf32, #tpu.memory_space<vmem>>, vector<16xf32>,
    "tpu.region"() ({
      %run_scoped3A = tpu.sem_alloc : memref<!tpu.dma_semaphore, #tpu.memory_space<semaphore_mem>>
      %dma_start3A_357 = tpu.memref_slice %arg4[%mul3A_2] : memref<16384xf32, #tpu.memory_space<hbm>> -> memref<512xf32, #tpu.memory_space<hbm>>
      %dma_start3A_358 = tpu.memref_slice %arg4[%mul3A_2] : memref<16384xf32, #tpu.memory_space<hbm>> -> memref<512xf32, #tpu.memory_space<hbm>>
      tpu.enqueue_dma source(%arg7 : memref<512xf32, #tpu.memory_space<vmem>>) target(%dma_start3A_358 : memref<512xf32, #tpu.memory_space<hbm>>) target_semaphore(%run_scoped3A : memref<!tpu.dma_semaphore, #tpu.memory_space<semaphore_mem>>)
      %dma_wait3A_359 = tpu.memref_slice %arg4[%mul3A_2] : memref<16384xf32, #tpu.memory_space<hbm>> -> memref<512xf32, #tpu.memory_space<hbm>>
      %dma_wait3A_360 = tpu.memref_slice %arg4[%mul3A_2] : memref<16384xf32, #tpu.memory_space<hbm>> -> memref<512xf32, #tpu.memory_space<hbm>>
      tpu.wait_dma2 semaphore(%run_scoped3A : memref<!tpu.dma_semaphore, #tpu.memory_space<semaphore_mem>>) src(%arg7 : memref<512xf32, #tpu.memory_space<vmem>>) dst(%dma_wait3A_360 : memref<512xf32, #tpu.memory_space<hbm>>)
      tpu.yield
    }) : () -> ()
    return
  }
}

module attributes {stable_mosaic.version = 14 : i64} {
  func.func @_tc_matmul_body(%arg0: i32, %arg1: memref<8192x256xf32, #tpu.memory_space<vmem>>, %arg2: memref<16x256xf32, #tpu.memory_space<vmem>>, %arg3: memref<16x1xf32, #tpu.memory_space<vmem>>, %arg4: memref<16x8192xf32, #tpu.memory_space<vmem>>) attributes {dimension_semantics = [#tpu.dimension_semantics<arbitrary>], iteration_bounds = array<i64: 2>, scalar_prefetch = 0 : i64, scratch_operands = 0 : i64, tpu.core_type = #tpu.core_type<tc>, window_params = [{transform_indices = @transform_0, window_bounds = array<i64: 8192, 256>}, {pipeline_mode = #tpu.pipeline_mode<synchronous>, transform_indices = @transform_1, window_bounds = array<i64: 16, 256>}, {pipeline_mode = #tpu.pipeline_mode<synchronous>, transform_indices = @transform_2, window_bounds = array<i64: 16, 1>}, {transform_indices = @transform_3, window_bounds = array<i64: 16, 8192>}]} {
    %get3A = arith.constant 0 : index
    %get3A_0 = arith.constant 0 : index
    %get3A_1 = vector.load %arg2[%get3A, %get3A_0] : memref<16x256xf32, #tpu.memory_space<vmem>>, vector<16x256xf32>
    %get3A_2 = arith.constant 0 : index
    %get3A_3 = arith.constant 0 : index
    %get3A_4 = vector.load %arg1[%get3A_2, %get3A_3] : memref<8192x256xf32, #tpu.memory_space<vmem>>, vector<8192x256xf32>
    %dot_general3A = arith.constant dense<0.000000e+00> : vector<16x8192xf32>
    %dot_general3A_5 = tpu.matmul %get3A_1, %get3A_4, %dot_general3A {dimension_numbers = #tpu.dot_dimension_numbers<[1], [1], [0], [0], [0, 0, 1, 0], [], []>, transpose_lhs_hint = false} : vector<16x256xf32>, vector<8192x256xf32>, vector<16x8192xf32> -> vector<16x8192xf32>
    %get3A_6 = arith.constant 0 : index
    %get3A_7 = arith.constant 0 : index
    %get3A_8 = vector.load %arg3[%get3A_6, %get3A_7] : memref<16x1xf32, #tpu.memory_space<vmem>>, vector<16x1xf32>
    %add3A = vector.broadcast %get3A_8 : vector<16x1xf32> to vector<16x8192xf32>
    %add3A_9 = arith.addf %dot_general3A_5, %add3A : vector<16x8192xf32>
    %swap3A = arith.constant 0 : index
    %swap3A_10 = arith.constant 0 : index
    %swap3A_11 = vector.load %arg4[%swap3A, %swap3A_10] : memref<16x8192xf32, #tpu.memory_space<vmem>>, vector<16x8192xf32>
    tpu.vector_store %arg4[%swap3A, %swap3A_10], %add3A_9 {strides = array<i32>} : memref<16x8192xf32, #tpu.memory_space<vmem>>, vector<16x8192xf32>,
    return
  }
  func.func @transform_0(%arg0: i32) -> (i32, i32) {
    %c0_i32 = arith.constant 0 : i32
    %c0_i32_0 = arith.constant 0 : i32
    return %arg0, %c0_i32 : i32, i32
  }
  func.func @transform_1(%arg0: i32) -> (i32, i32) {
    %c0_i32 = arith.constant 0 : i32
    %c0_i32_0 = arith.constant 0 : i32
    %c0_i32_1 = arith.constant 0 : i32
    return %c0_i32, %c0_i32_0 : i32, i32
  }
  func.func @transform_2(%arg0: i32) -> (i32, i32) {
    %c0_i32 = arith.constant 0 : i32
    %c0_i32_0 = arith.constant 0 : i32
    %c0_i32_1 = arith.constant 0 : i32
    return %c0_i32, %c0_i32_0 : i32, i32
  }
  func.func @transform_3(%arg0: i32) -> (i32, i32) {
    %c0_i32 = arith.constant 0 : i32
    %c0_i32_0 = arith.constant 0 : i32
    return %c0_i32, %arg0 : i32, i32
  }
}

</mosaic_0001>

<sc_bundles>
// kernel: kernel.4.cloned.1.call-start
scs
__scs_entry_jumppad:
0x0: {  	(pc) =	sbr.rel $0x88, $3  }
0x1: {  	(tag) =	ssettag $0x0;
	lr =	simm.s32 $0x1  }
0x2: {  	[smem:$0x3F9D] =	sst lr;
	_ =	strace $0xD0000000  }
0x3: {  	_ = 	snop  }
0x4: {  	_ = 	snop  }
0x5: {  	_ = 	snop  }
0x6: {  	_ = 	snop  }
0x7: {  	_ = 	snop  }
__scs_overlays_trampoline_lowered:
0x8: {  	[smem:$0x3FAC] =	sst s0  }
0x9: {  	[smem:$0x3FAD] =	sst s1  }
0xa: {  	[smem:$0x3FAE] =	sst s2  }
0xb: {  	[smem:$0x3FAF] =	sst s3  }
0xc: {  	[smem:$0x3FB0] =	sst s4  }
0xd: {  	[smem:$0x3FB1] =	sst s5  }
0xe: {  	[smem:$0x3FB2] =	sst s6  }
0xf: {  	[smem:$0x3FB3] =	sst s7  }
0x10: {  	[smem:$0x3FB4] =	sst s8  }
0x11: {  	[smem:$0x3FB5] =	sst s9;
	s0 =	simm.s32 @!p0 $0x0  }
0x12: {  	s1 =	sld [smem:$0x3F9B];
	s0 =	simm.s32 @p0 $0x1  }
0x13: {  	[smem:$0x3FB6] =	sst s0;
	s0 =	simm.s32 @!p1 $0x0  }
0x14: {  	s2 =	sld [smem:$0x3F9A];
	s0 =	simm.s32 @p1 $0x1  }
0x15: {  	[smem:$0x3FB7] =	sst s0;
	s0 =	simm.s32 @!p2 $0x0  }
0x16: {  	s3 =	sld [smem:$0x3FDB];
	s0 =	simm.s32 @p2 $0x1  }
0x17: {  	s4 =	simm.s32 $0x1BF5;
	[smem:$0x3FB9] =	sst s0  }
0x18: {  	s0 =	sld [smem:$0x3F9C];
	_ =	swait.ge [sflag:s4], $0x0  }
0x19: {  	s7 =	sld [smem:$0x3F9D]  }
0x1a: {  	s8 =	sadd.s32 $0xFFFFE003, lr  }
0x1b: {  	s9 =	sadd.s32 $0xFFFFFEF7, lr;
	s5 =	simm.s32 $0xFFFFFFFF;
	p2 =	slt.u32 s8, $0xFFFFF086  }
0x1c: {  	p1 =	slt.u32 s9, $0xF7A;
	s5 =	simm.s32 @!p2 $0x0  }
0x1d: {  	s5 =	simm.s32 @p1 $0x1;
	p0 =	seq.s32 s7, s2  }
0x1e: {  	s7 =	smul.u32 @!p0 $0xF7A, s2;
	p2 =	seq.s32 @!p0 s5, $0x0  }
0x1f: {  	s9 =	smul.u32 $0xF7A, s1;
	s8 =	simm.s32 @!p0 $0x1BF5;
	p2 =	por !p2, p0  }
0x20: {  	[sflag:s8] =	ssyncset.s32 @!p0 $0xFFFFF086;
	s6 =	sadd.s32 @!p0 s3, s7;
	s7 =	simm.s32 @!p0 $0x108  }
0x21: {  	s3 =	sadd.s32 s3, s9;
	s6 =	sadd.s32 @!p0 $0x88, s6;
	s7 =	simm.s32 @p2 $0x1082  }
0x22: {  	[simem:s7], [sflag:s8] =	dma.local @!p0 [hbm:s6], $0xF7A  }
0x23: {  	s9 =	sor.u32 $0xD0000000, s2;
	s6 =	simm.s32 $0x108;
	_ =	swait.ge @!p0 [sflag:s8], $0x0  }
0x24: {  	s3 =	sadd.s32 $0x88, s3;
	s6 =	simm.s32 @!p1 $0x1082;
	[sflag:s4] =	ssyncset.s32 $0xFFFFF086  }
0x25: {  	[simem:s6], [sflag:s4] =	dma.local [hbm:s3], $0xF7A  }
0x26: {  	[smem:$0x3F9D] =	sst s1;
	(tag) =	ssettag s2;
	_ =	strace s9  }
0x27: {  	s1 =	sld [smem:$0x3FAD]  }
0x28: {  	s2 =	sld [smem:$0x3FAE]  }
0x29: {  	s4 =	sld [smem:$0x3FB0]  }
0x2a: {  	p0 =	seq.s32 s5, $0x0;
	s5 =	sld [smem:$0x3FB1]  }
0x2b: {  	s6 =	sld [smem:$0x3FB2]  }
0x2c: {  	s7 =	sld [smem:$0x3FB3]  }
0x2d: {  	s3 =	simm.s32 $0x108;
	s8 =	sld [smem:$0x3FB4]  }
0x2e: {  	s3 =	simm.s32 @!p0 $0x1082;
	s9 =	sld [smem:$0x3FB5]  }
0x2f: {  	lr =	sadd.s32 s0, s3;
	s0 =	sld [smem:$0x3FAC]  }
0x30: {  	s3 =	sld [smem:$0x3FAF]  }
0x31: {  	[smem:$0x3FB8] =	sst s10  }
0x32: {  	s10 =	sld [smem:$0x3FB6];
	_ =	sdelay $0x3  }
0x33: {  	p0 =	seq.s32 s10, $0x1;
	s10 =	sld [smem:$0x3FB8];
	_ =	sdelay $0x3  }
0x34: {  	[smem:$0x3FB8] =	sst s10  }
0x35: {  	s10 =	sld [smem:$0x3FB7];
	_ =	sdelay $0x3  }
0x36: {  	p1 =	seq.s32 s10, $0x1;
	s10 =	sld [smem:$0x3FB8];
	_ =	sdelay $0x3  }
0x37: {  	[smem:$0x3FB8] =	sst s10  }
0x38: {  	s10 =	sld [smem:$0x3FB9]  }
0x39: {  	_ = 	snop;
	(pc) =	sbr.ind lr, $3  }
0x3a: {  	_ = 	snop  }
0x3b: {  	_ = 	snop  }
0x3c: {  	p2 =	seq.s32 s10, $0x1;
	s10 =	sld [smem:$0x3FB8]  }
0x3d: {  	_ =	shalt  }
0x3e: {  	_ =	shalt  }
0x3f: {  	_ =	shalt  }
0x40: {  	_ =	shalt  }
0x41: {  	_ =	shalt  }
0x42: {  	_ =	shalt  }
0x43: {  	_ =	shalt  }
0x44: {  	_ =	shalt  }
0x45: {  	_ =	shalt  }
0x46: {  	_ =	shalt  }
0x47: {  	_ =	shalt  }
0x48: {  	_ =	shalt  }
0x49: {  	_ =	shalt  }
0x4a: {  	_ =	shalt  }
0x4b: {  	_ =	shalt  }
0x4c: {  	_ =	shalt  }
0x4d: {  	_ =	shalt  }
0x4e: {  	_ =	shalt  }
0x4f: {  	_ =	shalt  }
0x50: {  	_ =	shalt  }
0x51: {  	_ =	shalt  }
0x52: {  	_ =	shalt  }
0x53: {  	_ =	shalt  }
0x54: {  	_ =	shalt  }
0x55: {  	_ =	shalt  }
0x56: {  	_ =	shalt  }
0x57: {  	_ =	shalt  }
0x58: {  	_ =	shalt  }
0x59: {  	_ =	shalt  }
0x5a: {  	_ =	shalt  }
0x5b: {  	_ =	shalt  }
0x5c: {  	_ =	shalt  }
0x5d: {  	_ =	shalt  }
0x5e: {  	_ =	shalt  }
0x5f: {  	_ =	shalt  }
0x60: {  	_ =	shalt  }
0x61: {  	_ =	shalt  }
0x62: {  	_ =	shalt  }
0x63: {  	_ =	shalt  }
0x64: {  	_ =	shalt  }
0x65: {  	_ =	shalt  }
0x66: {  	_ =	shalt  }
0x67: {  	_ =	shalt  }
0x68: {  	_ =	shalt  }
0x69: {  	_ =	shalt  }
0x6a: {  	_ =	shalt  }
0x6b: {  	_ =	shalt  }
0x6c: {  	_ =	shalt  }
0x6d: {  	_ =	shalt  }
0x6e: {  	_ =	shalt  }
0x6f: {  	_ =	shalt  }
0x70: {  	_ =	shalt  }
0x71: {  	_ =	shalt  }
0x72: {  	_ =	shalt  }
0x73: {  	_ =	shalt  }
0x74: {  	_ =	shalt  }
0x75: {  	_ =	shalt  }
0x76: {  	_ =	shalt  }
0x77: {  	_ =	shalt  }
0x78: {  	_ =	shalt  }
0x79: {  	_ =	shalt  }
0x7a: {  	_ =	shalt  }
0x7b: {  	_ =	shalt  }
0x7c: {  	_ =	shalt  }
0x7d: {  	_ =	shalt  }
0x7e: {  	_ =	shalt  }
0x7f: {  	_ =	shalt  }
0x80: {  	_ =	shalt  }
0x81: {  	_ =	shalt  }
0x82: {  	_ =	shalt  }
0x83: {  	_ =	shalt  }
0x84: {  	_ =	shalt  }
0x85: {  	_ =	shalt  }
0x86: {  	_ =	shalt  }
0x87: {  	_ =	shalt  }
.Lfunc_end0:
.L_simem_size_0:
called_computation_lowered:
.L_overlay_start_0:
0x88: {  	s2 =	sld [smem:$0x3FD9]  }
0x89: {  	s3 =	sld [smem:$0x3FFE];
	_ =	sdelay $0x1  }
0x8a: {  	s1 =	srdreg.scid  }
0x8b: {  	s0 =	sand.u32 $0x1, s1  }
0x8c: {  	s17 =	sshll.u32 s0, $0xA;
	s2 =	sadd.s32 s3, s2  }
0x8d: {  	s2 =	sadd.s32 s2, s17  }
0x8e: {  	[smem:$0x3FC4] =	sst s2  }
0x8f: {  	_ = 	snop  }
0x90: {  	s2 =	sld [smem:$0x3FC8]  }
0x91: {  	s18 =	sld [smem:$0x3FD0];
	(tm) =	ssettm $0x1  }
0x92: {  	s4 =	sld [smem:$0x3FFB];
	_ =	sdelay $0x3  }
0x93: {  	_ =	strace s4  }
0x94: {  	s4 =	sld [smem:$0x3FFC];
	_ =	sdelay $0x3  }
0x95: {  	_ =	strace s4  }
0x96: {  	s4 =	sld [smem:$0x3FFD];
	_ =	sdelay $0x3  }
0x97: {  	_ =	strace s4  }
0x98: {  	_ =	strace $0x8FFFFFFF  }
0x99: {  	s19 =	sld [smem:$0x3FDB];
	_ =	sdelay $0x1  }
0x9a: {  	s5 =	simm.s32 $_scs_section_size  }
0x9b: {  	s6 =	simm.s32 $_size__tile_overlayer_lowered;
	s7 =	simm.s32 $_tile_overlayer_lowered  }
0x9c: {  	s22 =	simm.s32 $0x1BFF;
	s21 =	sshll.u32 s7, $0x1;
	s4 =	sadd.s32 s5, s19  }
0x9d: {  	s8 =	simm.s32 $0x0;
	s20 =	sshll.u32 s6, $0x1;
	s6 =	sadd.s32 s21, s4  }
0x9e: {  	[timem:s8], [sflag:s22] =	dma.local [hbm:s6], s20  }
0x9f: {  	_ =	swait.ge [sflag:s22], s20  }
0xa0: {  	s5 =	ssub.s32 $0x0, s20;
	[sflag:s22] =	ssyncset.done $0x0  }
0xa1: {  	[sflag:s22] =	ssyncadd.s32 s5;
	_ =	sdelay $0x1  }
0xa2: {  	s23 =	simm.s32 $0x1B8B  }
0xa3: {  	_ =	swait.ge [sflag:s23], $0x1  }
0xa4: {  	[sflag:s23] =	ssyncset.done $0x0  }
0xa5: {  	s25 =	simm.s32 $0x1B8E;
	s24 =	sld [smem:$0x3FFE];
	[sflag:s23] =	ssyncadd.s32 $0xFFFFFFFF  }
0xa6: {  	s26 =	simm.s32 $execute0_lowered;
	[smem:$0x3FD2] =	sst s25  }
0xa7: {  	s6 =	sshll.u32 s26, $0x1;
	_ =	strace $0x80000046;
	[dreg:$0x1] =	wrdreg $0xFFFFFFFF  }
0xa8: {  	s28 =	simm.s32 $_size_execute0_lowered;
	s4 =	sadd.s32 s4, s6;
	[dreg:$0x0] =	wrdreg $0x0  }
0xa9: {  	s6 =	sshll.u32 s28, $0x1;
	[dreg:$0x2] =	wrdreg s4  }
0xaa: {  	[dreg:$0x3] =	wrdreg s6  }
0xab: {  	[dreg:$0x4] =	wrdreg $0xC0  }
0xac: {  	_ =	task [dreg:s8], $0x5FFFF  }
0xad: {  	[dreg:$0x1] =	wrdreg $0xFFFFFFFF  }
0xae: {  	[dreg:$0x0] =	wrdreg $0x60  }
0xaf: {  	[dreg:$0x2] =	wrdreg s24  }
0xb0: {  	[dreg:$0x3] =	wrdreg s2  }
0xb1: {  	[dreg:$0x4] =	wrdreg s18  }
0xb2: {  	[dreg:$0x5] =	wrdreg $0x9  }
0xb3: {  	_ =	task.clear_ibuf [dreg:s8], $0x6FFFF;
	_ =	strace $0x90000046  }
0xb4: {  	s29 =	simm.s32 $0x9;
	_ =	strace $0x80000048  }
0xb5: {  	_ =	swait.ge [sflag:s29], $0x1  }
0xb6: {  	[sflag:s29] =	ssyncadd.s32 $0xFFFFFFFF  }
0xb7: {  	_ =	strace $0x90000048  }
0xb8: {  	_ =	sfence  }
0xb9: {  	s30 =	sld [smem:$0x0];
	_ =	sdelay $0x2  }
0xba: {  	s31 =	sshll.u32 s1, $0xD;
	s1 =	sshrl.u32 s1, $0x2  }
0xbb: {  	s3 =	sand.u32 $0x4000, s31;
	s1 =	sadd.s32 s1, s30  }
0xbc: {  	s0 =	sor.u32 s3, s0;
	s1 =	sshll.u32 s1, $0x11  }
0xbd: {  	s0 =	sor.u32 s1, s0  }
0xbe: {  	s0 =	sadd.s32 $0x8F2B, s0  }
0xbf: {  	[sflag:s0] =	ssyncadd.remote.s32 $0x1  }
0xc0: {  	_ =	sfence.sel $0xFFFF  }
0xc1: {  	[dreg:$0x0] =	wrdreg $0xFFFFFFFF;
	(pc) =	sbr.abs _section_cstart, $3  }
0xc2: {  	[dreg:$0x1] =	wrdreg $0xFFFFFFFF  }
0xc3: {  	_ =	task.clear_ibuf [dreg:s8], $0x2FFFF;
	_ =	strace $0x9FFFFFFF  }
0xc4: {  	(tm) =	ssettm $0x7FFFFFFF  }
0xc5: {  	_ =	shalt  }
tec
execute0_lowered:
.L_overlay_start_1:
0x0: {  	(tag) =	ssettag $0x1  }
0x1: {  	v1 =	vlaneseq.u32  }
0x2: {  	v3 =	vor.u32 $0x10, v1  }
0x3: {  	[tilespmem:$0x1FE20] =	vst v3;
	v3 =	vor.u32 $0x20, v1  }
0x4: {  	[tilespmem:$0x1FE30] =	vst v3;
	v3 =	vor.u32 $0x30, v1  }
0x5: {  	[tilespmem:$0x1FE40] =	vst v3;
	v3 =	vor.u32 $0x40, v1  }
0x6: {  	[tilespmem:$0x1FE50] =	vst v3;
	v3 =	vor.u32 $0x50, v1  }
0x7: {  	s0 =	rddreg [dreg:$0x0];
	[tilespmem:$0x1FE60] =	vst v3;
	v3 =	vor.u32 $0x60, v1  }
0x8: {  	s2 =	rddreg [dreg:$0x1];
	s6 =	simm.s32 $0x0;
	[tilespmem:$0x1FE70] =	vst v3;
	v3 =	vor.u32 $0x70, v1  }
0x9: {  	[smem:$0x7FF] =	sst s6;
	[tilespmem:$0x1FE80] =	vst v3;
	v3 =	vor.u32 $0x400, v1  }
0xa: {  	s3 =	rddreg [dreg:$0x2];
	_ =	strace $0x80000047;
	[tilespmem:$0x1FE90] =	vst v3;
	v3 =	vor.u32 $0x410, v1  }
0xb: {  	[tilespmem:$0x1FEA0] =	vst v3;
	v3 =	vor.u32 $0x420, v1  }
0xc: {  	[tilespmem:$0x1FEB0] =	vst v3;
	v3 =	vor.u32 $0x430, v1  }
0xd: {  	[tilespmem:$0x1FEC0] =	vst v3;
	v3 =	vor.u32 $0x440, v1  }
0xe: {  	[tilespmem:$0x1FED0] =	vst v3;
	v3 =	vor.u32 $0x450, v1  }
0xf: {  	[tilespmem:$0x1FEE0] =	vst v3;
	v3 =	vor.u32 $0x460, v1  }
0x10: {  	[tilespmem:$0x1FEF0] =	vst v3;
	v3 =	vor.u32 $0x470, v1  }
0x11: {  	[tilespmem:$0x1FF00] =	vst v3;
	v3 =	vor.u32 $0x800, v1  }
0x12: {  	[tilespmem:$0x1FF10] =	vst v3;
	v3 =	vor.u32 $0x810, v1  }
0x13: {  	[tilespmem:$0x1FF20] =	vst v3;
	v3 =	vor.u32 $0x820, v1  }
0x14: {  	s1 =	srdreg.scid;
	[tilespmem:$0x1FF30] =	vst v3;
	v3 =	vor.u32 $0x830, v1  }
0x15: {  	s4 =	stileid.u32;
	s1 =	sand.u32 $0x1, s1;
	[tilespmem:$0x1FF40] =	vst v3;
	v3 =	vor.u32 $0x840, v1  }
0x16: {  	s4 =	sshll.u32 s4, $0xA;
	s5 =	sshll.u32 s1, $0x9;
	[tilespmem:$0x1FF50] =	vst v3;
	v3 =	vor.u32 $0x850, v1  }
0x17: {  	s4 =	sor.u32 s5, s4;
	[tilespmem:$0x1FF60] =	vst v3;
	v3 =	vor.u32 $0x860, v1  }
0x18: {  	s0 =	sadd.s32 s4, s0;
	[tilespmem:$0x1FF70] =	vst v3;
	v3 =	vor.u32 $0x870, v1  }
0x19: {  	s4 =	sshrl.u32 s4, $0x3;
	s0 =	sadd.s32 $0x800, s0;
	[tilespmem:$0x1FF80] =	vst v3;
	v3 =	vor.u32 $0xC00, v1  }
0x1a: {  	v0 =	vimm.s32 $0xECA86420;
	s24 =	sadd.s32 s2, s4;
	[dreg:$0x4] =	wrdreg s0;
	[tilespmem:$0x1FF90] =	vst v3;
	v3 =	vor.u32 $0xC10, v1  }
0x1b: {  	vm0 =	vcmask $0xB08;
	vm1 =	vcmask $0x1310;
	s25 =	sadd.s32 s3, s4;
	[dreg:$0x8] =	wrdreg s24;
	[tilespmem:$0x1FFA0] =	vst v3;
	v3 =	vor.u32 $0xC20, v1  }
0x1c: {  	vm2 =	vcmask $0x1B18;
	vm3 =	vcmask $0x300;
	s26 =	simm.s32 $0x1000;
	[dreg:$0x9] =	wrdreg s25;
	[tilespmem:$0x1FFB0] =	vst v3;
	v3 =	vor.u32 $0xC30, v1  }
0x1d: {  	vm4 =	vcmask $0x2320;
	vm5 =	vcmask $0x2B28;
	s29 =	simm.s32 $0x20000;
	s1 =	ssub.s32 $0x2, s1;
	[dreg:$0x6] =	wrdreg s26;
	[tilespmem:$0x1FFC0] =	vst v3;
	v3 =	vor.u32 $0xC40, v1  }
0x1e: {  	vm6 =	vcmask $0x3330;
	s30 =	simm.s32 $0x2000;
	v0 =	vunpack.c.l.s4.s8 v0;
	s28 =	sshrl.u32 s1, $0x1;
	[dreg:$0x5] =	wrdreg s29;
	[tilespmem:$0x1FFD0] =	vst v3;
	v3 =	vor.u32 $0xC50, v1  }
0x1f: {  	vm7 =	vcmask $0x3B38;
	vm8 =	vmmov $0xff;
	s31 =	simm.s32 $0x2200;
	s1 =	ssub.s32 s1, s28;
	[dreg:$0x7] =	wrdreg s30;
	[tilespmem:$0x1FFE0] =	vst v3;
	v3 =	vor.u32 $0xC60, v1  }
0x20: {  	v2 =	vmul.u32 $0x2, v1;
	v33 =	vor.u32 $0xC70, v1;
	v0 =	vunpack.c.0.s8.s32 v0;
	s1 =	smax.u32 s1, $0x1;
	[dreg:$0xa] =	wrdreg s31;
	[tilespmem:$0x1FFF0] =	vst v3  }
.LBB2_1:
0x21: {  	[dreg:$0xb] =	wrdreg s1  }
0x22: {  	s0 =	rddreg [dreg:$0x4]  }
0x23: {  	s23 =	rddreg [dreg:$0x5]  }
0x24: {  	s2 =	rddreg [dreg:$0x6]  }
0x25: {  	s3 =	rddreg [dreg:$0x7];
	s5 =	simm.s32 $0x0  }
0x26: {  	[tilespmem:s5], [sflag:$0x1] =	stream.strided.gather [hbm4b:s0+s2], $0x2000, s23, s2, $0x38;
	[tilespmem:$0x2400] =	vst v63  }
0x27: {  	s4 =	rddreg [dreg:$0x8];
	s24 =	simm.s32 $0x2  }
0x28: {  	[tilespmem:s3], [sflag:$0x2] =	stream.linear.gather [hbm4b:s4+s5], $0x200, $0x38;
	[tilespmem:$0x2400] =	vst v63  }
0x29: {  	_ =	swait.ge [sflag:s24], $0x200  }
0x2a: {  	[sflag:s24] =	ssyncset.done $0x0  }
0x2b: {  	s25 =	simm.s32 $0x1;
	[sflag:s24] =	ssyncadd.s32 $0xFFFFFE00  }
0x2c: {  	_ =	swait.ge [sflag:s25], $0x2000  }
0x2d: {  	[sflag:s25] =	ssyncset.done $0x0  }
0x2e: {  	[sflag:s25] =	ssyncadd.s32 $0xFFFFE000  }
0x2f: {  	v1 =	vld [tilespmem:$0x2000];
	_ =	sdelay $0x4  }
0x30: {  	(v2sf) =	vpush v1, $0xD;
	_ =	sdelay $0x1  }
0x31: {  	(v2sf) =	vpush v1, $0xC;
	_ =	sdelay $0x1  }
0x32: {  	(v2sf) =	vpush v1, $0xE;
	_ =	sdelay $0x1  }
0x33: {  	(v2sf) =	vpush v1, $0xF;
	_ =	sdelay $0x1  }
0x34: {  	(v2sf) =	vpush v1, $0x9;
	_ =	sdelay $0x1  }
0x35: {  	(v2sf) =	vpush v1, $0x8;
	_ =	sdelay $0x1  }
0x36: {  	(v2sf) =	vpush v1, $0xA;
	_ =	sdelay $0x1  }
0x37: {  	(v2sf) =	vpush v1, $0xB  }
0x38: {  	(v2sf) =	vpush v1, $0x1;
	s26 =	spop (v2sf)  }
0x39: {  	(v2sf) =	vpush v1, $0x0;
	s5 =	smulhi.u32 $0x2AAAAAAB, s26;
	s1 =	sshra.s32 s26, $0x1F  }
0x3a: {  	s28 =	spop (v2sf);
	s0 =	smul.u32 $0x2AAAAAAB, s1  }
0x3b: {  	(v2sf) =	vpush v1, $0x2;
	s6 =	smulhi.u32 $0x2AAAAAAB, s28;
	s1 =	sshra.s32 s28, $0x1F  }
0x3c: {  	s29 =	spop (v2sf);
	s2 =	smul.u32 $0x2AAAAAAB, s1  }
0x3d: {  	(v2sf) =	vpush v1, $0x3;
	s7 =	smulhi.u32 $0x2AAAAAAB, s29;
	s1 =	sshra.s32 s29, $0x1F  }
0x3e: {  	s30 =	spop (v2sf);
	s19 =	smul.u32 $0x2AAAAAAB, s1  }
0x3f: {  	(v2sf) =	vpush v1, $0x4;
	s8 =	smulhi.u32 $0x2AAAAAAB, s30;
	s1 =	sshra.s32 s30, $0x1F  }
0x40: {  	s31 =	spop (v2sf);
	s21 =	smul.u32 $0x2AAAAAAB, s1  }
0x41: {  	s10 =	smulhi.u32 $0x2AAAAAAB, s31;
	s1 =	sshra.s32 s31, $0x1F  }
0x42: {  	s3 =	spop (v2sf);
	s23 =	smul.u32 $0x2AAAAAAB, s1  }
0x43: {  	s11 =	smulhi.u32 $0x2AAAAAAB, s3;
	s1 =	sshra.s32 s3, $0x1F  }
0x44: {  	v3 =	vld [tilespmem:$0x2010];
	(v2sf) =	vpush v1, $0x5;
	s4 =	spop (v2sf);
	s25 =	smul.u32 $0x2AAAAAAB, s1  }
0x45: {  	s13 =	smulhi.u32 $0x2AAAAAAB, s4;
	s1 =	sshra.s32 s4, $0x1F  }
0x46: {  	(v2sf) =	vpush v1, $0x6;
	s9 =	spop (v2sf);
	s1 =	smul.u32 $0x2AAAAAAB, s1  }
0x47: {  	s31 =	smulhi.u32 $0x2AAAAAAB, s9;
	s12 =	spop (v2sf)  }
0x48: {  	(v2sf) =	vpush v1, $0x7;
	s14 =	smulhi.u32 $0x2AAAAAAB, s12;
	s15 =	spop (v2sf)  }
0x49: {  	(v2sf) =	vpush v3, $0xD;
	[smem:$0x5E5] =	sst s1;
	s1 =	sshra.s32 s9, $0x1F;
	s16 =	smulhi.u32 $0x2AAAAAAB, s15  }
0x4a: {  	s17 =	spop (v2sf);
	s26 =	smul.u32 $0x2AAAAAAB, s1  }
0x4b: {  	(v2sf) =	vpush v3, $0xC;
	s1 =	sshra.s32 s12, $0x1F;
	s18 =	smulhi.u32 $0x2AAAAAAB, s17  }
0x4c: {  	s20 =	spop (v2sf);
	s4 =	smul.u32 $0x2AAAAAAB, s1  }
0x4d: {  	s1 =	sshra.s32 s15, $0x1F;
	s24 =	smulhi.u32 $0x2AAAAAAB, s20  }
0x4e: {  	(v2sf) =	vpush v3, $0xE;
	s29 =	spop (v2sf);
	s28 =	smul.u32 $0x2AAAAAAB, s1  }
0x4f: {  	[smem:$0x5E6] =	sst s14;
	s1 =	sshra.s32 s17, $0x1F;
	s30 =	smulhi.u32 $0x2AAAAAAB, s29  }
0x50: {  	(v2sf) =	vpush v3, $0xF;
	[smem:$0x5E7] =	sst s16;
	s3 =	sshra.s32 s29, $0x1F;
	s22 =	smul.u32 $0x2AAAAAAB, s1  }
0x51: {  	[smem:$0x5E8] =	sst s18;
	s1 =	sshra.s32 s20, $0x1F;
	s18 =	smul.u32 $0x2AAAAAAB, s3  }
0x52: {  	(v2sf) =	vpush v3, $0x9;
	[smem:$0x5E9] =	sst s24;
	s1 =	smul.u32 $0x2AAAAAAB, s1  }
0x53: {  	s24 =	spop (v2sf);
	[smem:$0x5EB] =	sst s30  }
0x54: {  	s3 =	smulhi.u32 $0x2AAAAAAB, s24;
	s24 =	sshra.s32 s24, $0x1F;
	[smem:$0x5EA] =	sst s1  }
0x55: {  	(v2sf) =	vpush v3, $0x8;
	s1 =	smul.u32 $0x2AAAAAAB, s24;
	s9 =	spop (v2sf)  }
0x56: {  	[smem:$0x5EC] =	sst s3;
	s12 =	smulhi.u32 $0x2AAAAAAB, s9;
	s24 =	sshra.s32 s9, $0x1F  }
0x57: {  	s14 =	spop (v2sf);
	s20 =	smul.u32 $0x2AAAAAAB, s24  }
0x58: {  	(v2sf) =	vpush v3, $0xA;
	s15 =	smulhi.u32 $0x2AAAAAAB, s14;
	s24 =	sshra.s32 s14, $0x1F;
	s16 =	spop (v2sf)  }
0x59: {  	[smem:$0x5ED] =	sst s12;
	s30 =	smul.u32 $0x2AAAAAAB, s24  }
0x5a: {  	s17 =	smulhi.u32 $0x2AAAAAAB, s16;
	s24 =	sshra.s32 s16, $0x1F;
	s29 =	spop (v2sf)  }
0x5b: {  	[smem:$0x5EE] =	sst s15;
	s3 =	smul.u32 $0x2AAAAAAB, s24  }
0x5c: {  	s15 =	sadd.s32 s0, s5;
	s5 =	smulhi.u32 $0x2AAAAAAB, s29;
	s24 =	sshra.s32 s29, $0x1F  }
0x5d: {  	(v2sf) =	vpush v3, $0xB;
	s9 =	sadd.s32 s2, s6;
	s6 =	spop (v2sf);
	s16 =	smul.u32 $0x2AAAAAAB, s24  }
0x5e: {  	[smem:$0x5EF] =	sst s17;
	s17 =	smulhi.u32 $0x2AAAAAAB, s6;
	s24 =	sshra.s32 s6, $0x1F  }
0x5f: {  	s21 =	sadd.s32 s21, s8;
	s8 =	spop (v2sf);
	s29 =	smul.u32 $0x2AAAAAAB, s24  }
0x60: {  	s23 =	sadd.s32 s23, s10;
	[smem:$0x5F0] =	sst s5;
	s14 =	smulhi.u32 $0x2AAAAAAB, s8  }
0x61: {  	s24 =	sshra.s32 s8, $0x1F;
	s10 =	spop (v2sf);
	s8 =	sld [smem:$0x5E6]  }
0x62: {  	s25 =	sadd.s32 s25, s11;
	s12 =	smul.u32 $0x2AAAAAAB, s24;
	s24 =	sld [smem:$0x5E5]  }
0x63: {  	s11 =	smulhi.u32 $0x2AAAAAAB, s10;
	s0 =	sshra.s32 s10, $0x1F;
	s10 =	sld [smem:$0x5E7]  }
0x64: {  	s19 =	sadd.s32 s19, s7;
	s6 =	smul.u32 $0x2AAAAAAB, s0;
	s5 =	spop (v2sf)  }
0x65: {  	s26 =	sadd.s32 s26, s31;
	s7 =	smulhi.u32 $0x2AAAAAAB, s5;
	s0 =	sshra.s32 s5, $0x1F  }
0x66: {  	s31 =	sadd.s32 s4, s8;
	s24 =	sadd.s32 s24, s13;
	s5 =	smul.u32 $0x2AAAAAAB, s0  }
0x67: {  	s28 =	sadd.s32 s28, s10;
	s10 =	sld [smem:$0x5E9];
	s13 =	spop (v2sf)  }
0x68: {  	s4 =	smulhi.u32 $0x2AAAAAAB, s13;
	s0 =	sshra.s32 s13, $0x1F;
	s13 =	sld [smem:$0x5EA]  }
0x69: {  	_ =	sdelay $0x1  }
0x6a: {  	s2 =	sadd.s32 s13, s10;
	s13 =	sld [smem:$0x5EB]  }
0x6b: {  	s10 =	spop (v2sf)  }
0x6c: {  	(v2sf) =	vpush v3, $0x1;
	[smem:$0x5F1] =	sst s2;
	s2 =	smul.u32 $0x2AAAAAAB, s0;
	s0 =	sshra.s32 s10, $0x1F  }
0x6d: {  	s18 =	sadd.s32 s18, s13;
	s13 =	smulhi.u32 $0x2AAAAAAB, s10;
	s10 =	sld [smem:$0x5EC]  }
0x6e: {  	(v2sf) =	vpush v3, $0x0;
	_ =	sdelay $0x1  }
0x6f: {  	(v2sf) =	vpush v3, $0x2;
	s1 =	sadd.s32 s1, s10  }
0x70: {  	[smem:$0x5F2] =	sst s1  }
0x71: {  	(v2sf) =	vpush v3, $0x3;
	s1 =	sld [smem:$0x5EE];
	_ =	sdelay $0x1  }
0x72: {  	(v2sf) =	vpush v3, $0x4;
	s17 =	sadd.s32 s29, s17;
	s8 =	sld [smem:$0x5E8]  }
0x73: {  	[smem:$0x5F5] =	sst s17;
	s1 =	sadd.s32 s30, s1  }
0x74: {  	(v2sf) =	vpush v3, $0x5;
	[smem:$0x5F3] =	sst s1  }
0x75: {  	s1 =	sld [smem:$0x5EF]  }
0x76: {  	v5 =	vmov s25;
	s12 =	sadd.s32 s12, s14;
	s22 =	sadd.s32 s22, s8;
	s8 =	sld [smem:$0x5ED]  }
0x77: {  	s25 =	sshrl.u32 s25, $0x1F;
	v5 =	vsel vm0, s23, v5;
	s23 =	sshrl.u32 s23, $0x1F;
	[smem:$0x5F6] =	sst s12  }
0x78: {  	s11 =	sadd.s32 s6, s11;
	s10 =	smul.u32 $0x2AAAAAAB, s0;
	s1 =	sadd.s32 s3, s1  }
0x79: {  	s20 =	sadd.s32 s20, s8;
	(v2sf) =	vpush v3, $0x6;
	s0 =	spop (v2sf);
	[smem:$0x5F4] =	sst s1  }
0x7a: {  	v1 =	vld [tilespmem:$0x2020];
	s8 =	smulhi.u32 $0x2AAAAAAB, s0;
	s0 =	sshra.s32 s0, $0x1F;
	s1 =	sld [smem:$0x5F0]  }
0x7b: {  	v6 =	vmov s28;
	s28 =	sshrl.u32 s28, $0x1F;
	(v2sf) =	vpush v3, $0x7;
	s30 =	smul.u32 $0x2AAAAAAB, s0;
	s0 =	spop (v2sf)  }
0x7c: {  	s5 =	sadd.s32 s5, s7;
	v6 =	vnsel vm3, $0x0, v6;
	s3 =	smulhi.u32 $0x2AAAAAAB, s0;
	s0 =	sshra.s32 s0, $0x1F  }
0x7d: {  	v6 =	vsel vm0, s31, v6;
	v3 =	vmov s9;
	s16 =	sadd.s32 s16, s1;
	s1 =	smul.u32 $0x2AAAAAAB, s0;
	s0 =	spop (v2sf)  }
0x7e: {  	v6 =	vsel vm1, s22, v6;
	s22 =	sshrl.u32 s22, $0x1F;
	v3 =	vsel vm0, s15, v3;
	s17 =	smulhi.u32 $0x2AAAAAAB, s0;
	s0 =	sshra.s32 s0, $0x1F  }
0x7f: {  	v3 =	vsel vm1, s19, v3;
	s19 =	sshrl.u32 s19, $0x1F;
	(v2sf) =	vpush v1, $0xD;
	s29 =	spop (v2sf);
	s14 =	smul.u32 $0x2AAAAAAB, s0  }
0x80: {  	v7 =	vmov s25;
	(v2sf) =	vpush v1, $0xC;
	s25 =	sld [smem:$0x5F2];
	s6 =	smulhi.u32 $0x2AAAAAAB, s29;
	s0 =	sshra.s32 s29, $0x1F  }
0x81: {  	v3 =	vsel vm2, s21, v3;
	s21 =	sshrl.u32 s21, $0x1F;
	s7 =	smul.u32 $0x2AAAAAAB, s0;
	s0 =	spop (v2sf)  }
0x82: {  	(v2sf) =	vpush v1, $0xE;
	s29 =	sadd.s32 s2, s4;
	s2 =	smulhi.u32 $0x2AAAAAAB, s0;
	s12 =	sshra.s32 s0, $0x1F  }
0x83: {  	s30 =	sadd.s32 s30, s8;
	(v2sf) =	vpush v1, $0xF;
	s0 =	spop (v2sf);
	s4 =	smul.u32 $0x2AAAAAAB, s12  }
0x84: {  	s12 =	sshrl.u32 s9, $0x1F;
	s9 =	smulhi.u32 $0x2AAAAAAB, s0;
	s0 =	sshra.s32 s0, $0x1F  }
0x85: {  	s8 =	sadd.s32 s14, s17;
	v4 =	vmov s12;
	s12 =	sshrl.u32 s15, $0x1F;
	s0 =	smul.u32 $0x2AAAAAAB, s0  }
0x86: {  	s15 =	sshrl.u32 s31, $0x1F;
	s31 =	sld [smem:$0x5F3];
	v4 =	vsel vm0, s12, v4;
	s12 =	sadd.s32 s10, s13  }
0x87: {  	v18 =	vlaneseq.u32;
	v5 =	vsel vm1, s24, v5;
	(v2sf) =	vpush v1, $0x9;
	s13 =	sadd.s32 s1, s3;
	s3 =	sadd.s32 s7, s6;
	s2 =	sadd.s32 s4, s2  }
0x88: {  	v7 =	vsel vm0, s23, v7;
	v5 =	vsel vm2, s26, v5;
	(v2sf) =	vpush v1, $0x8;
	s4 =	sadd.s32 s0, s9;
	s9 =	sshrl.u32 s26, $0x1F;
	s26 =	spop (v2sf)  }
0x89: {  	v3 =	vcombine.low v5, v3;
	(v2sf) =	vpush v1, $0xA;
	s6 =	sld [smem:$0x5F1];
	v4 =	vsel vm1, s19, v4;
	s14 =	smulhi.u32 $0x2AAAAAAB, s26;
	s10 =	sshra.s32 s26, $0x1F  }
0x8a: {  	v8 =	vmov s28;
	v59 =	vmov s5;
	s28 =	sshrl.u32 s25, $0x1F;
	v4 =	vsel vm2, s21, v4;
	s21 =	spop (v2sf);
	s19 =	smul.u32 $0x2AAAAAAB, s10  }
0x8b: {  	v57 =	vnsel vm3, $0x0, v8;
	v8 =	vsel vm0, s11, v59;
	v3 =	vperm.xlane v3, v0;
	s0 =	sshrl.u32 s24, $0x1F;
	s24 =	smulhi.u32 $0x2AAAAAAB, s21;
	s10 =	sshra.s32 s21, $0x1F  }
0x8c: {  	v58 =	vmov s16;
	s23 =	sshrl.u32 s31, $0x1F;
	v7 =	vsel vm1, s0, v7;
	v6 =	vsel vm2, s6, v6;
	s26 =	sshrl.u32 s6, $0x1F;
	s10 =	smul.u32 $0x2AAAAAAB, s10  }
0x8d: {  	v8 =	vsel vm1, s29, v8;
	v7 =	vsel vm2, s9, v7;
	s9 =	sshrl.u32 s16, $0x1F;
	s16 =	sshrl.u32 s11, $0x1F;
	v6 =	vsel vm4, s18, v6;
	s17 =	sadd.s32 s19, s14  }
0x8e: {  	(v2sf) =	vpush v1, $0xB;
	v56 =	vsel vm5, s25, v6;
	v6 =	vsel vm0, s15, v57;
	s14 =	spop (v2sf);
	s15 =	sadd.s32 s10, s24;
	s24 =	sld [smem:$0x5F4]  }
0x8f: {  	v9 =	vmov s13;
	(v2sf) =	vpush v1, $0x1;
	s18 =	sshrl.u32 s18, $0x1F;
	v6 =	vsel vm1, s22, v6;
	s6 =	smulhi.u32 $0x2AAAAAAB, s14;
	s25 =	spop (v2sf)  }
0x90: {  	v9 =	vnsel vm3, $0x0, v9;
	v5 =	vsel vm6, s20, v56;
	s0 =	sshra.s32 s14, $0x1F;
	v6 =	vsel vm2, s26, v6;
	s26 =	sld [smem:$0x5F5];
	s22 =	smulhi.u32 $0x2AAAAAAB, s25  }
0x91: {  	v9 =	vsel vm0, s30, v9;
	s20 =	sshrl.u32 s20, $0x1F;
	v5 =	vsel vm7, s31, v5;
	s31 =	spop (v2sf);
	v6 =	vsel vm4, s18, v6;
	s18 =	smul.u32 $0x2AAAAAAB, s0  }
0x92: {  	v8 =	vsel vm2, s12, v8;
	v4 =	vcombine.low v7, v4;
	v60 =	vsel vm1, s8, v9;
	s0 =	sshra.s32 s25, $0x1F;
	s14 =	smulhi.u32 $0x2AAAAAAB, s31;
	s25 =	spop (v2sf)  }
0x93: {  	v61 =	vmov s9;
	(v2sf) =	vpush v1, $0x0;
	s21 =	sshrl.u32 s24, $0x1F;
	v6 =	vsel vm5, s28, v6;
	s28 =	sld [smem:$0x5F6];
	s10 =	smul.u32 $0x2AAAAAAB, s0  }
0x94: {  	v4 =	vperm.xlane v4, v0;
	(v2sf) =	vpush v1, $0x2;
	v7 =	vsel vm0, s24, v58;
	s0 =	sshra.s32 s31, $0x1F;
	s24 =	sshrl.u32 s29, $0x1F;
	s11 =	smulhi.u32 $0x2AAAAAAB, s25  }
0x95: {  	v5 =	vperm.xlane v5, v2;
	(v2sf) =	vpush v1, $0x3;
	s29 =	sshrl.u32 s30, $0x1F;
	s31 =	sshrl.u32 s8, $0x1F;
	s19 =	sshrl.u32 s26, $0x1F;
	v6 =	vsel vm6, s20, v6  }
0x96: {  	v7 =	vsel vm1, s26, v7;
	s26 =	spop (v2sf);
	(v2sf) =	vpush v1, $0x4;
	v6 =	vsel vm7, s23, v6;
	s23 =	sshrl.u32 s5, $0x1F;
	s5 =	smul.u32 $0x2AAAAAAB, s0  }
0x97: {  	v9 =	vsel vm0, s21, v61;
	v3 =	vsel vm8, v5, v3;
	s0 =	sshra.s32 s25, $0x1F;
	s7 =	smulhi.u32 $0x2AAAAAAB, s26;
	s30 =	spop (v2sf);
	(v2sf) =	vpush v1, $0x5  }
0x98: {  	v6 =	vperm.xlane v6, v2;
	v7 =	vsel vm2, s28, v7;
	s1 =	smul.u32 $0x2AAAAAAB, s0;
	s0 =	sshra.s32 s26, $0x1F;
	s26 =	spop (v2sf);
	(v2sf) =	vpush v1, $0x6  }
0x99: {  	s20 =	sshrl.u32 s28, $0x1F;
	s28 =	sshrl.u32 s13, $0x1F;
	s8 =	smulhi.u32 $0x2AAAAAAB, s30;
	v11 =	vmov s23;
	v7 =	vcombine.low v8, v7;
	v8 =	vsel vm2, s3, v60  }
0x9a: {  	s25 =	sshrl.u32 s12, $0x1F;
	s9 =	smul.u32 $0x2AAAAAAB, s0;
	v10 =	vmov s28;
	s0 =	sshra.s32 s30, $0x1F;
	v11 =	vsel vm0, s16, v11;
	v8 =	vsel vm4, s2, v8  }
0x9b: {  	v20 =	vld [tilespmem:$0x2030];
	s3 =	sshrl.u32 s3, $0x1F;
	s13 =	smulhi.u32 $0x2AAAAAAB, s26;
	s30 =	sshrl.u32 s15, $0x1F;
	v10 =	vnsel vm3, $0x0, v10;
	v62 =	vsel vm1, s24, v11;
	v4 =	vsel vm8, v6, v4  }
0x9c: {  	s21 =	smul.u32 $0x2AAAAAAB, s0;
	s2 =	sshrl.u32 s2, $0x1F;
	s0 =	sshra.s32 s26, $0x1F;
	v8 =	vsel vm5, s4, v8;
	v10 =	vsel vm0, s29, v10;
	v7 =	vperm.xlane v7, v0  }
0x9d: {  	s4 =	sshrl.u32 s4, $0x1F;
	s12 =	smul.u32 $0x2AAAAAAB, s0;
	v3 =	vadd.s32 v4, v3;
	v8 =	vsel vm6, s17, v8;
	v10 =	vsel vm1, s31, v10;
	s28 =	spop (v2sf)  }
0x9e: {  	s29 =	sshrl.u32 s17, $0x1F;
	(v2sf) =	vpush v1, $0x7;
	v1 =	vsel vm1, s19, v9;
	v9 =	vsel vm2, s25, v62;
	s16 =	smulhi.u32 $0x2AAAAAAB, s28;
	s0 =	sshra.s32 s28, $0x1F  }
0x9f: {  	v10 =	vsel vm2, s3, v10;
	s31 =	spop (v2sf);
	v1 =	vsel vm2, s20, v1;
	v8 =	vsel vm7, s15, v8;
	s3 =	sadd.s32 s1, s11;
	s1 =	sadd.s32 s9, s7  }
0xa0: {  	s7 =	sadd.s32 s21, s8;
	(v2sf) =	vpush v20, $0xD;
	v10 =	vsel vm4, s2, v10;
	s17 =	smul.u32 $0x2AAAAAAB, s0;
	s0 =	sadd.s32 s18, s6;
	v1 =	vcombine.low v9, v1  }
0xa1: {  	s18 =	smulhi.u32 $0x2AAAAAAB, s31;
	s19 =	sshra.s32 s31, $0x1F;
	s6 =	sadd.s32 s10, s22;
	v8 =	vperm.xlane v8, v2;
	v15 =	vmov s7;
	(v2sf) =	vpush v20, $0xC  }
0xa2: {  	s2 =	sadd.s32 s5, s14;
	s7 =	sshrl.u32 s7, $0x1F;
	v10 =	vsel vm5, s4, v10;
	s20 =	smul.u32 $0x2AAAAAAB, s19;
	v14 =	vmov s6;
	v6 =	vsel vm0, s1, v15  }
0xa3: {  	s6 =	sshrl.u32 s6, $0x1F;
	s1 =	sshrl.u32 s1, $0x1F;
	v23 =	vmov s7;
	(v2sf) =	vpush v20, $0xE;
	v63 =	vsel vm6, s29, v10;
	s22 =	spop (v2sf)  }
0xa4: {  	v1 =	vperm.xlane v1, v0;
	v8 =	vsel vm8, v8, v7;
	v10 =	vshll.u32 v3, $0x9;
	s5 =	sadd.s32 s17, s16;
	s23 =	smulhi.u32 $0x2AAAAAAB, s22;
	s24 =	sshra.s32 s22, $0x1F  }
0xa5: {  	v3 =	vshll.u32 v3, $0x7;
	v5 =	vsel vm0, s0, v14;
	s0 =	sshrl.u32 s0, $0x1F;
	v9 =	vsel vm7, s30, v63;
	s25 =	smul.u32 $0x2AAAAAAB, s24;
	s26 =	spop (v2sf)  }
0xa6: {  	v11 =	vand.u32 $0xFFFFF000, v10;
	v3 =	vand.u32 $0x380, v3;
	s10 =	sadd.s32 s20, s18;
	v5 =	vsel vm1, s2, v5;
	s28 =	smulhi.u32 $0x2AAAAAAB, s26;
	s4 =	sshra.s32 s26, $0x1F  }
0xa7: {  	v9 =	vperm.xlane v9, v2;
	v3 =	vor.u32 v11, v3;
	v5 =	vsel vm2, s3, v5;
	s3 =	sshrl.u32 s3, $0x1F;
	s30 =	spop (v2sf);
	s29 =	smul.u32 $0x2AAAAAAB, s4  }
0xa8: {  	v21 =	vmov s6;
	(v2sf) =	vpush v20, $0xF;
	v3 =	vor.u32 v18, v3;
	s4 =	sadd.s32 s12, s13;
	s31 =	smulhi.u32 $0x2AAAAAAB, s30;
	s15 =	sshra.s32 s30, $0x1F  }
0xa9: {  	(v2sf) =	vpush v20, $0x9;
	v1 =	vsel vm8, v9, v1;
	s11 =	sadd.s32 s25, s23;
	v9 =	vsel vm0, s1, v23;
	s13 =	smul.u32 $0x2AAAAAAB, s15;
	s16 =	spop (v2sf)  }
0xaa: {  	s6 =	sshrl.u32 s10, $0x1F;
	v1 =	vadd.s32 v1, v8;
	v16 =	vmov s11;
	v6 =	vsel vm1, s4, v6;
	s17 =	smulhi.u32 $0x2AAAAAAB, s16;
	s15 =	sshra.s32 s16, $0x1F  }
0xab: {  	(v2sf) =	vpush v20, $0x8;
	v12 =	vshll.u32 v1, $0x9;
	v1 =	vshll.u32 v1, $0x7;
	s19 =	spop (v2sf);
	s8 =	sadd.s32 s29, s28;
	s18 =	smul.u32 $0x2AAAAAAB, s15  }
0xac: {  	v7 =	vnsel vm3, $0x0, v16;
	v6 =	vsel vm2, s5, v6;
	(v2sf) =	vpush v20, $0xA;
	s20 =	smulhi.u32 $0x2AAAAAAB, s19;
	s15 =	sshra.s32 s19, $0x1F;
	s22 =	spop (v2sf)  }
0xad: {  	s28 =	sshrl.u32 s11, $0x1F;
	v13 =	vand.u32 $0xFFFFF000, v12;
	v7 =	vsel vm0, s10, v7;
	v1 =	vand.u32 $0x380, v1;
	s21 =	smul.u32 $0x2AAAAAAB, s15;
	s15 =	sshra.s32 s22, $0x1F  }
0xae: {  	s30 =	sshrl.u32 s2, $0x1F;
	v5 =	vcombine.low v6, v5;
	v22 =	vmov s28;
	(v2sf) =	vpush v20, $0xB;
	s24 =	smul.u32 $0x2AAAAAAB, s15;
	s25 =	spop (v2sf)  }
0xaf: {  	s12 =	sadd.s32 s13, s31;
	v17 =	vsel vm1, s8, v7;
	v7 =	vsel vm0, s0, v21;
	v8 =	vnsel vm3, $0x0, v22;
	s26 =	smulhi.u32 $0x2AAAAAAB, s25;
	s15 =	sshra.s32 s25, $0x1F  }
0xb0: {  	s10 =	sshrl.u32 s8, $0x1F;
	s14 =	sadd.s32 s18, s17;
	v19 =	vsel vm2, s12, v17;
	v5 =	vperm.xlane v5, v0;
	v8 =	vsel vm0, s6, v8;
	s15 =	smul.u32 $0x2AAAAAAB, s15  }
0xb1: {  	s23 =	smulhi.u32 $0x2AAAAAAB, s22;
	s13 =	sshrl.u32 s12, $0x1F;
	v7 =	vsel vm1, s30, v7;
	s9 =	sadd.s32 s21, s20;
	v4 =	vsel vm4, s14, v19;
	v8 =	vsel vm1, s10, v8  }
0xb2: {  	v7 =	vsel vm2, s3, v7;
	s16 =	sshrl.u32 s14, $0x1F;
	v4 =	vsel vm5, s9, v4;
	v8 =	vsel vm2, s13, v8;
	s31 =	sadd.s32 s15, s26;
	s15 =	sshrl.u32 s4, $0x1F  }
0xb3: {  	v24 =	vld [tilespmem:$0x1FE20];
	s17 =	sshrl.u32 s5, $0x1F;
	s29 =	sadd.s32 s24, s23;
	s18 =	sshrl.u32 s9, $0x1F;
	(v2sf) =	vpush v20, $0x1;
	v8 =	vsel vm4, s16, v8;
	v9 =	vsel vm1, s15, v9  }
0xb4: {  	v4 =	vsel vm6, s29, v4;
	s19 =	sshrl.u32 s29, $0x1F;
	v8 =	vsel vm5, s18, v8;
	v9 =	vsel vm2, s17, v9  }
0xb5: {  	v8 =	vsel vm6, s19, v8;
	v4 =	vsel vm7, s31, v4;
	s20 =	sshrl.u32 s31, $0x1F;
	v7 =	vcombine.low v9, v7  }
0xb6: {  	s21 =	simm.s32 $0x0;
	(v2sf) =	vpush v20, $0x0;
	v4 =	vperm.xlane v4, v2;
	v8 =	vsel vm7, s20, v8  }
0xb7: {  	v1 =	vor.u32 v13, v1;
	v3 =	vld.idx.msk [tilespmem:v3+s21+$0x0], $0xffff;
	v8 =	vperm.xlane v8, v2;
	v7 =	vperm.xlane v7, v0  }
0xb8: {  	v1 =	vor.u32 v24, v1  }
0xb9: {  	v26 =	vld [tilespmem:$0x1FE30];
	s22 =	spop (v2sf);
	v4 =	vsel vm8, v4, v5;
	v25 =	vsel vm8, v8, v7  }
0xba: {  	s8 =	smulhi.u32 $0x2AAAAAAB, s22;
	s0 =	sshra.s32 s22, $0x1F;
	v4 =	vadd.s32 v25, v4  }
0xbb: {  	s23 =	spop (v2sf);
	s10 =	smul.u32 $0x2AAAAAAB, s0;
	v5 =	vshll.u32 v4, $0x9;
	v4 =	vshll.u32 v4, $0x7  }
0xbc: {  	(v2sf) =	vpush v20, $0x2;
	s9 =	smulhi.u32 $0x2AAAAAAB, s23;
	s1 =	sshra.s32 s23, $0x1F;
	[tilespmem:$0x2200] =	vst v3;
	v3 =	vand.u32 $0xFFFFF000, v5;
	v4 =	vand.u32 $0x380, v4  }
0xbd: {  	s24 =	spop (v2sf);
	s13 =	smul.u32 $0x2AAAAAAB, s1;
	v1 =	vld.idx.msk [tilespmem:v1+s21+$0x0], $0xffff;
	v3 =	vor.u32 v3, v4  }
0xbe: {  	(v2sf) =	vpush v20, $0x3;
	s11 =	smulhi.u32 $0x2AAAAAAB, s24;
	s2 =	sshra.s32 s24, $0x1F;
	v3 =	vor.u32 v26, v3  }
0xbf: {  	s25 =	spop (v2sf);
	(v2sf) =	vpush v20, $0x4;
	s14 =	smul.u32 $0x2AAAAAAB, s2  }
0xc0: {  	s12 =	smulhi.u32 $0x2AAAAAAB, s25;
	s26 =	spop (v2sf)  }
0xc1: {  	s3 =	smulhi.u32 $0x2AAAAAAB, s26;
	s22 =	sshra.s32 s26, $0x1F;
	s28 =	spop (v2sf)  }
0xc2: {  	s16 =	smul.u32 $0x2AAAAAAB, s22;
	s29 =	spop (v2sf);
	[tilespmem:$0x2210] =	vst v1  }
0xc3: {  	s4 =	smulhi.u32 $0x2AAAAAAB, s28;
	s23 =	sshra.s32 s28, $0x1F;
	s30 =	spop (v2sf);
	v1 =	vld.idx.msk [tilespmem:v3+s21+$0x0], $0xffff  }
0xc4: {  	(v2sf) =	vpush v20, $0x5;
	s17 =	smul.u32 $0x2AAAAAAB, s23;
	s31 =	spop (v2sf)  }
0xc5: {  	s5 =	smulhi.u32 $0x2AAAAAAB, s29;
	s24 =	sshra.s32 s29, $0x1F;
	s20 =	spop (v2sf);
	(v2sf) =	vpush v20, $0x6  }
0xc6: {  	s18 =	smul.u32 $0x2AAAAAAB, s24  }
0xc7: {  	s2 =	smulhi.u32 $0x2AAAAAAB, s30;
	s0 =	sshra.s32 s30, $0x1F  }
0xc8: {  	s19 =	smul.u32 $0x2AAAAAAB, s0;
	[tilespmem:$0x2220] =	vst v1;
	v1 =	vld [tilespmem:$0x2040]  }
0xc9: {  	s6 =	smulhi.u32 $0x2AAAAAAB, s31;
	(v2sf) =	vpush v20, $0x7  }
0xca: {  	s7 =	smulhi.u32 $0x2AAAAAAB, s20;
	s26 =	sshra.s32 s20, $0x1F  }
0xcb: {  	s28 =	spop (v2sf);
	s22 =	smul.u32 $0x2AAAAAAB, s26  }
0xcc: {  	s20 =	smulhi.u32 $0x2AAAAAAB, s28;
	s0 =	sshra.s32 s28, $0x1F  }
0xcd: {  	s29 =	spop (v2sf);
	s24 =	smul.u32 $0x2AAAAAAB, s0;
	(v2sf) =	vpush v1, $0xD  }
0xce: {  	s23 =	smulhi.u32 $0x2AAAAAAB, s29;
	s0 =	sshra.s32 s29, $0x1F;
	s30 =	spop (v2sf)  }
0xcf: {  	s26 =	smul.u32 $0x2AAAAAAB, s0;
	s0 =	sshra.s32 s30, $0x1F  }
0xd0: {  	s21 =	sshra.s32 s25, $0x1F;
	s29 =	smul.u32 $0x2AAAAAAB, s0  }
0xd1: {  	s25 =	sshra.s32 s31, $0x1F;
	s15 =	smul.u32 $0x2AAAAAAB, s21;
	(v2sf) =	vpush v1, $0xC  }
0xd2: {  	s21 =	smul.u32 $0x2AAAAAAB, s25  }
0xd3: {  	s31 =	spop (v2sf);
	s25 =	smulhi.u32 $0x2AAAAAAB, s30  }
0xd4: {  	s28 =	smulhi.u32 $0x2AAAAAAB, s31;
	s0 =	sshra.s32 s31, $0x1F;
	s1 =	spop (v2sf)  }
0xd5: {  	s31 =	smul.u32 $0x2AAAAAAB, s0;
	s0 =	sshra.s32 s1, $0x1F;
	(v2sf) =	vpush v1, $0xE  }
0xd6: {  	s0 =	smul.u32 $0x2AAAAAAB, s0  }
0xd7: {  	s30 =	smulhi.u32 $0x2AAAAAAB, s1  }
0xd8: {  	[smem:$0x5F7] =	sst s0;
	s0 =	spop (v2sf)  }
0xd9: {  	(v2sf) =	vpush v1, $0xF;
	s1 =	smulhi.u32 $0x2AAAAAAB, s0;
	s0 =	sshra.s32 s0, $0x1F  }
0xda: {  	s0 =	smul.u32 $0x2AAAAAAB, s0;
	_ =	sdelay $0x1  }
0xdb: {  	[smem:$0x5F9] =	sst s0;
	s0 =	spop (v2sf)  }
0xdc: {  	(v2sf) =	vpush v1, $0x9;
	[smem:$0x5F8] =	sst s1;
	s1 =	smulhi.u32 $0x2AAAAAAB, s0;
	s0 =	sshra.s32 s0, $0x1F  }
0xdd: {  	s0 =	smul.u32 $0x2AAAAAAB, s0;
	_ =	sdelay $0x1  }
0xde: {  	[smem:$0x5FB] =	sst s0;
	s0 =	spop (v2sf)  }
0xdf: {  	(v2sf) =	vpush v1, $0x8;
	[smem:$0x5FA] =	sst s1;
	s1 =	smulhi.u32 $0x2AAAAAAB, s0;
	s0 =	sshra.s32 s0, $0x1F  }
0xe0: {  	s0 =	smul.u32 $0x2AAAAAAB, s0;
	_ =	sdelay $0x1  }
0xe1: {  	[smem:$0x5FD] =	sst s0;
	s0 =	spop (v2sf)  }
0xe2: {  	(v2sf) =	vpush v1, $0xA;
	[smem:$0x5FC] =	sst s1;
	s1 =	smulhi.u32 $0x2AAAAAAB, s0;
	s0 =	sshra.s32 s0, $0x1F  }
0xe3: {  	s0 =	smul.u32 $0x2AAAAAAB, s0;
	_ =	sdelay $0x1  }
0xe4: {  	[smem:$0x5FF] =	sst s0;
	s0 =	spop (v2sf)  }
0xe5: {  	(v2sf) =	vpush v1, $0xB;
	[smem:$0x5FE] =	sst s1;
	s1 =	smulhi.u32 $0x2AAAAAAB, s0;
	s0 =	sshra.s32 s0, $0x1F  }
0xe6: {  	s0 =	smul.u32 $0x2AAAAAAB, s0;
	_ =	sdelay $0x1  }
0xe7: {  	[smem:$0x601] =	sst s0;
	s0 =	spop (v2sf)  }
0xe8: {  	(v2sf) =	vpush v1, $0x1;
	[smem:$0x600] =	sst s1;
	s1 =	smulhi.u32 $0x2AAAAAAB, s0;
	s0 =	sshra.s32 s0, $0x1F  }
0xe9: {  	s0 =	smul.u32 $0x2AAAAAAB, s0;
	_ =	sdelay $0x1  }
0xea: {  	[smem:$0x603] =	sst s0;
	s0 =	spop (v2sf)  }
0xeb: {  	(v2sf) =	vpush v1, $0x0;
	[smem:$0x602] =	sst s1;
	s1 =	smulhi.u32 $0x2AAAAAAB, s0;
	s0 =	sshra.s32 s0, $0x1F  }
0xec: {  	s0 =	smul.u32 $0x2AAAAAAB, s0;
	_ =	sdelay $0x1  }
0xed: {  	[smem:$0x605] =	sst s0;
	s0 =	spop (v2sf)  }
0xee: {  	(v2sf) =	vpush v1, $0x2;
	[smem:$0x604] =	sst s1;
	s1 =	smulhi.u32 $0x2AAAAAAB, s0;
	s0 =	sshra.s32 s0, $0x1F  }
0xef: {  	s0 =	smul.u32 $0x2AAAAAAB, s0;
	_ =	sdelay $0x1  }
0xf0: {  	[smem:$0x607] =	sst s0;
	s0 =	spop (v2sf)  }
0xf1: {  	(v2sf) =	vpush v1, $0x3;
	[smem:$0x606] =	sst s1;
	s1 =	smulhi.u32 $0x2AAAAAAB, s0;
	s0 =	sshra.s32 s0, $0x1F  }
0xf2: {  	s0 =	smul.u32 $0x2AAAAAAB, s0;
	_ =	sdelay $0x1  }
0xf3: {  	[smem:$0x609] =	sst s0;
	s0 =	spop (v2sf)  }
0xf4: {  	(v2sf) =	vpush v1, $0x4;
	[smem:$0x608] =	sst s1;
	s1 =	smulhi.u32 $0x2AAAAAAB, s0;
	s0 =	sshra.s32 s0, $0x1F  }
0xf5: {  	s0 =	smul.u32 $0x2AAAAAAB, s0;
	_ =	sdelay $0x1  }
0xf6: {  	[smem:$0x60B] =	sst s0;
	s0 =	spop (v2sf)  }
0xf7: {  	(v2sf) =	vpush v1, $0x5;
	[smem:$0x60A] =	sst s1;
	s1 =	smulhi.u32 $0x2AAAAAAB, s0;
	s0 =	sshra.s32 s0, $0x1F  }
0xf8: {  	s0 =	smul.u32 $0x2AAAAAAB, s0;
	_ =	sdelay $0x1  }
0xf9: {  	[smem:$0x60D] =	sst s0;
	s0 =	spop (v2sf)  }
0xfa: {  	(v2sf) =	vpush v1, $0x6;
	[smem:$0x60C] =	sst s1;
	s1 =	smulhi.u32 $0x2AAAAAAB, s0;
	s0 =	sshra.s32 s0, $0x1F  }
0xfb: {  	s0 =	smul.u32 $0x2AAAAAAB, s0;
	_ =	sdelay $0x1  }
0xfc: {  	v3 =	vld [tilespmem:$0x2050];
	[smem:$0x60F] =	sst s0;
	s0 =	spop (v2sf)  }
0xfd: {  	(v2sf) =	vpush v1, $0x7;
	[smem:$0x60E] =	sst s1;
	s1 =	smulhi.u32 $0x2AAAAAAB, s0;
	s0 =	sshra.s32 s0, $0x1F  }
0xfe: {  	s0 =	smul.u32 $0x2AAAAAAB, s0;
	_ =	sdelay $0x1  }
0xff: {  	[smem:$0x611] =	sst s0;
	s0 =	spop (v2sf)  }
0x100: {  	(v2sf) =	vpush v3, $0xD;
	[smem:$0x610] =	sst s1;
	s1 =	smulhi.u32 $0x2AAAAAAB, s0;
	s0 =	sshra.s32 s0, $0x1F  }
0x101: {  	s0 =	smul.u32 $0x2AAAAAAB, s0;
	_ =	sdelay $0x1  }
0x102: {  	[smem:$0x613] =	sst s0;
	s0 =	spop (v2sf)  }
0x103: {  	(v2sf) =	vpush v3, $0xC;
	[smem:$0x612] =	sst s1;
	s1 =	smulhi.u32 $0x2AAAAAAB, s0;
	s0 =	sshra.s32 s0, $0x1F  }
0x104: {  	s0 =	smul.u32 $0x2AAAAAAB, s0;
	_ =	sdelay $0x1  }
0x105: {  	[smem:$0x615] =	sst s0;
	s0 =	spop (v2sf)  }
0x106: {  	(v2sf) =	vpush v3, $0xE;
	[smem:$0x614] =	sst s1;
	s1 =	smulhi.u32 $0x2AAAAAAB, s0;
	s0 =	sshra.s32 s0, $0x1F  }
0x107: {  	s0 =	smul.u32 $0x2AAAAAAB, s0;
	_ =	sdelay $0x1  }
0x108: {  	[smem:$0x617] =	sst s0;
	s0 =	spop (v2sf)  }
0x109: {  	(v2sf) =	vpush v3, $0xF;
	[smem:$0x616] =	sst s1;
	s1 =	smulhi.u32 $0x2AAAAAAB, s0;
	s0 =	sshra.s32 s0, $0x1F  }
0x10a: {  	s0 =	smul.u32 $0x2AAAAAAB, s0;
	_ =	sdelay $0x1  }
0x10b: {  	[smem:$0x619] =	sst s0;
	s0 =	spop (v2sf)  }
0x10c: {  	(v2sf) =	vpush v3, $0x9;
	[smem:$0x618] =	sst s1;
	s1 =	smulhi.u32 $0x2AAAAAAB, s0;
	s0 =	sshra.s32 s0, $0x1F  }
0x10d: {  	s0 =	smul.u32 $0x2AAAAAAB, s0;
	_ =	sdelay $0x1  }
0x10e: {  	[smem:$0x61B] =	sst s0;
	s0 =	spop (v2sf)  }
0x10f: {  	(v2sf) =	vpush v3, $0x8;
	[smem:$0x61A] =	sst s1;
	s1 =	smulhi.u32 $0x2AAAAAAB, s0;
	s0 =	sshra.s32 s0, $0x1F  }
0x110: {  	s0 =	smul.u32 $0x2AAAAAAB, s0;
	_ =	sdelay $0x1  }
0x111: {  	[smem:$0x61D] =	sst s0;
	s0 =	spop (v2sf)  }
0x112: {  	(v2sf) =	vpush v3, $0xA;
	[smem:$0x61C] =	sst s1;
	s1 =	smulhi.u32 $0x2AAAAAAB, s0;
	s0 =	sshra.s32 s0, $0x1F  }
0x113: {  	s0 =	smul.u32 $0x2AAAAAAB, s0;
	_ =	sdelay $0x1  }
0x114: {  	[smem:$0x61F] =	sst s0;
	s0 =	spop (v2sf)  }
0x115: {  	(v2sf) =	vpush v3, $0xB;
	[smem:$0x61E] =	sst s1;
	s1 =	smulhi.u32 $0x2AAAAAAB, s0;
	s0 =	sshra.s32 s0, $0x1F  }
0x116: {  	s0 =	smul.u32 $0x2AAAAAAB, s0;
	_ =	sdelay $0x1  }
0x117: {  	(v2sf) =	vpush v3, $0x1;
	[smem:$0x621] =	sst s0;
	s0 =	spop (v2sf)  }
0x118: {  	(v2sf) =	vpush v3, $0x0;
	[smem:$0x620] =	sst s1;
	s1 =	smulhi.u32 $0x2AAAAAAB, s0;
	s0 =	sshra.s32 s0, $0x1F  }
0x119: {  	(v2sf) =	vpush v3, $0x2;
	s0 =	smul.u32 $0x2AAAAAAB, s0  }
0x11a: {  	(v2sf) =	vpush v3, $0x3;
	[smem:$0x622] =	sst s1  }
0x11b: {  	[smem:$0x623] =	sst s0;
	s0 =	spop (v2sf)  }
0x11c: {  	s1 =	smulhi.u32 $0x2AAAAAAB, s0;
	s0 =	sshra.s32 s0, $0x1F  }
0x11d: {  	s0 =	smul.u32 $0x2AAAAAAB, s0;
	_ =	sdelay $0x1  }
0x11e: {  	[smem:$0x625] =	sst s0;
	s0 =	spop (v2sf)  }
0x11f: {  	[smem:$0x624] =	sst s1;
	s1 =	smulhi.u32 $0x2AAAAAAB, s0;
	s0 =	sshra.s32 s0, $0x1F  }
0x120: {  	s0 =	smul.u32 $0x2AAAAAAB, s0;
	_ =	sdelay $0x1  }
0x121: {  	[smem:$0x627] =	sst s0;
	s0 =	spop (v2sf)  }
0x122: {  	[smem:$0x626] =	sst s1;
	s1 =	smulhi.u32 $0x2AAAAAAB, s0;
	s0 =	sshra.s32 s0, $0x1F  }
0x123: {  	s0 =	smul.u32 $0x2AAAAAAB, s0;
	_ =	sdelay $0x1  }
0x124: {  	[smem:$0x629] =	sst s0;
	s0 =	spop (v2sf)  }
0x125: {  	(v2sf) =	vpush v3, $0x4;
	[smem:$0x628] =	sst s1;
	s1 =	smulhi.u32 $0x2AAAAAAB, s0;
	s0 =	sshra.s32 s0, $0x1F  }
0x126: {  	s0 =	smul.u32 $0x2AAAAAAB, s0;
	_ =	sdelay $0x1  }
0x127: {  	[smem:$0x62B] =	sst s0;
	s0 =	spop (v2sf)  }
0x128: {  	(v2sf) =	vpush v3, $0x5;
	[smem:$0x62A] =	sst s1;
	s1 =	smulhi.u32 $0x2AAAAAAB, s0;
	s0 =	sshra.s32 s0, $0x1F  }
0x129: {  	s0 =	smul.u32 $0x2AAAAAAB, s0;
	_ =	sdelay $0x1  }
0x12a: {  	[smem:$0x62D] =	sst s0;
	s0 =	spop (v2sf)  }
0x12b: {  	(v2sf) =	vpush v3, $0x6;
	[smem:$0x62C] =	sst s1;
	s1 =	smulhi.u32 $0x2AAAAAAB, s0;
	s0 =	sshra.s32 s0, $0x1F  }
0x12c: {  	s0 =	smul.u32 $0x2AAAAAAB, s0;
	_ =	sdelay $0x1  }
0x12d: {  	v1 =	vld [tilespmem:$0x2060];
	[smem:$0x62F] =	sst s0;
	s0 =	spop (v2sf)  }
0x12e: {  	(v2sf) =	vpush v3, $0x7;
	[smem:$0x62E] =	sst s1;
	s1 =	smulhi.u32 $0x2AAAAAAB, s0;
	s0 =	sshra.s32 s0, $0x1F  }
0x12f: {  	s0 =	smul.u32 $0x2AAAAAAB, s0;
	_ =	sdelay $0x1  }
0x130: {  	[smem:$0x631] =	sst s0;
	s0 =	spop (v2sf)  }
0x131: {  	(v2sf) =	vpush v1, $0xD;
	[smem:$0x630] =	sst s1;
	s1 =	smulhi.u32 $0x2AAAAAAB, s0;
	s0 =	sshra.s32 s0, $0x1F  }
0x132: {  	s0 =	smul.u32 $0x2AAAAAAB, s0;
	_ =	sdelay $0x1  }
0x133: {  	[smem:$0x633] =	sst s0;
	s0 =	spop (v2sf)  }
0x134: {  	(v2sf) =	vpush v1, $0xC;
	[smem:$0x632] =	sst s1;
	s1 =	smulhi.u32 $0x2AAAAAAB, s0;
	s0 =	sshra.s32 s0, $0x1F  }
0x135: {  	s0 =	smul.u32 $0x2AAAAAAB, s0;
	_ =	sdelay $0x1  }
0x136: {  	[smem:$0x635] =	sst s0;
	s0 =	spop (v2sf)  }
0x137: {  	(v2sf) =	vpush v1, $0xE;
	[smem:$0x634] =	sst s1;
	s1 =	smulhi.u32 $0x2AAAAAAB, s0;
	s0 =	sshra.s32 s0, $0x1F  }
0x138: {  	s0 =	smul.u32 $0x2AAAAAAB, s0;
	_ =	sdelay $0x1  }
0x139: {  	[smem:$0x637] =	sst s0;
	s0 =	spop (v2sf)  }
0x13a: {  	(v2sf) =	vpush v1, $0xF;
	[smem:$0x636] =	sst s1;
	s1 =	smulhi.u32 $0x2AAAAAAB, s0;
	s0 =	sshra.s32 s0, $0x1F  }
0x13b: {  	s0 =	smul.u32 $0x2AAAAAAB, s0;
	_ =	sdelay $0x1  }
0x13c: {  	[smem:$0x639] =	sst s0;
	s0 =	spop (v2sf)  }
0x13d: {  	(v2sf) =	vpush v1, $0x9;
	[smem:$0x638] =	sst s1;
	s1 =	smulhi.u32 $0x2AAAAAAB, s0;
	s0 =	sshra.s32 s0, $0x1F  }
0x13e: {  	s0 =	smul.u32 $0x2AAAAAAB, s0;
	_ =	sdelay $0x1  }
0x13f: {  	[smem:$0x63B] =	sst s0;
	s0 =	spop (v2sf)  }
0x140: {  	(v2sf) =	vpush v1, $0x8;
	[smem:$0x63A] =	sst s1;
	s1 =	smulhi.u32 $0x2AAAAAAB, s0;
	s0 =	sshra.s32 s0, $0x1F  }
0x141: {  	s0 =	smul.u32 $0x2AAAAAAB, s0;
	_ =	sdelay $0x1  }
0x142: {  	[smem:$0x63D] =	sst s0;
	s0 =	spop (v2sf)  }
0x143: {  	(v2sf) =	vpush v1, $0xA;
	[smem:$0x63C] =	sst s1;
	s1 =	smulhi.u32 $0x2AAAAAAB, s0;
	s0 =	sshra.s32 s0, $0x1F  }
0x144: {  	s0 =	smul.u32 $0x2AAAAAAB, s0;
	_ =	sdelay $0x1  }
0x145: {  	[smem:$0x63F] =	sst s0;
	s0 =	spop (v2sf)  }
0x146: {  	(v2sf) =	vpush v1, $0xB;
	[smem:$0x63E] =	sst s1;
	s1 =	smulhi.u32 $0x2AAAAAAB, s0;
	s0 =	sshra.s32 s0, $0x1F  }
0x147: {  	s0 =	smul.u32 $0x2AAAAAAB, s0;
	_ =	sdelay $0x1  }
0x148: {  	[smem:$0x641] =	sst s0;
	s0 =	spop (v2sf)  }
0x149: {  	(v2sf) =	vpush v1, $0x1;
	[smem:$0x640] =	sst s1;
	s1 =	smulhi.u32 $0x2AAAAAAB, s0;
	s0 =	sshra.s32 s0, $0x1F  }
0x14a: {  	s0 =	smul.u32 $0x2AAAAAAB, s0;
	_ =	sdelay $0x1  }
0x14b: {  	[smem:$0x643] =	sst s0;
	s0 =	spop (v2sf)  }
0x14c: {  	(v2sf) =	vpush v1, $0x0;
	[smem:$0x642] =	sst s1;
	s1 =	smulhi.u32 $0x2AAAAAAB, s0;
	s0 =	sshra.s32 s0, $0x1F  }
0x14d: {  	s0 =	smul.u32 $0x2AAAAAAB, s0;
	_ =	sdelay $0x1  }
0x14e: {  	[smem:$0x645] =	sst s0;
	s0 =	spop (v2sf)  }
0x14f: {  	(v2sf) =	vpush v1, $0x2;
	[smem:$0x644] =	sst s1;
	s1 =	smulhi.u32 $0x2AAAAAAB, s0;
	s0 =	sshra.s32 s0, $0x1F  }
0x150: {  	s0 =	smul.u32 $0x2AAAAAAB, s0;
	_ =	sdelay $0x1  }
0x151: {  	[smem:$0x647] =	sst s0;
	s0 =	spop (v2sf)  }
0x152: {  	(v2sf) =	vpush v1, $0x3;
	[smem:$0x646] =	sst s1;
	s1 =	smulhi.u32 $0x2AAAAAAB, s0;
	s0 =	sshra.s32 s0, $0x1F  }
0x153: {  	s0 =	smul.u32 $0x2AAAAAAB, s0;
	_ =	sdelay $0x1  }
0x154: {  	[smem:$0x649] =	sst s0;
	s0 =	spop (v2sf)  }
0x155: {  	(v2sf) =	vpush v1, $0x4;
	[smem:$0x648] =	sst s1;
	s1 =	smulhi.u32 $0x2AAAAAAB, s0;
	s0 =	sshra.s32 s0, $0x1F  }
0x156: {  	s8 =	sadd.s32 s10, s8;
	s0 =	smul.u32 $0x2AAAAAAB, s0  }
0x157: {  	[smem:$0x67D] =	sst s8;
	(v2sf) =	vpush v1, $0x5  }
0x158: {  	s10 =	sadd.s32 s13, s9;
	[smem:$0x64B] =	sst s0;
	s0 =	spop (v2sf)  }
0x159: {  	(v2sf) =	vpush v1, $0x6;
	[smem:$0x64A] =	sst s1;
	s1 =	smulhi.u32 $0x2AAAAAAB, s0;
	s0 =	sshra.s32 s0, $0x1F  }
0x15a: {  	s11 =	sadd.s32 s14, s11;
	[smem:$0x67C] =	sst s10;
	s0 =	smul.u32 $0x2AAAAAAB, s0  }
0x15b: {  	[smem:$0x67E] =	sst s11  }
0x15c: {  	s18 =	sadd.s32 s18, s5;
	[smem:$0x64D] =	sst s0;
	s0 =	spop (v2sf)  }
0x15d: {  	[smem:$0x64C] =	sst s1;
	s1 =	smulhi.u32 $0x2AAAAAAB, s0;
	s0 =	sshra.s32 s0, $0x1F  }
0x15e: {  	s19 =	sadd.s32 s19, s2;
	[smem:$0x683] =	sst s18;
	s0 =	smul.u32 $0x2AAAAAAB, s0  }
0x15f: {  	[smem:$0x684] =	sst s19  }
0x160: {  	s19 =	sadd.s32 s29, s25;
	v3 =	vld [tilespmem:$0x2070];
	(v2sf) =	vpush v1, $0x7;
	[smem:$0x64F] =	sst s0;
	s0 =	spop (v2sf)  }
0x161: {  	[smem:$0x64E] =	sst s1;
	s1 =	smulhi.u32 $0x2AAAAAAB, s0;
	s0 =	sshra.s32 s0, $0x1F  }
0x162: {  	[smem:$0x688] =	sst s19;
	s0 =	smul.u32 $0x2AAAAAAB, s0  }
0x163: {  	s29 =	sld [smem:$0x5FC]  }
0x164: {  	[smem:$0x651] =	sst s0;
	s0 =	spop (v2sf)  }
0x165: {  	(v2sf) =	vpush v3, $0xD;
	[smem:$0x650] =	sst s1;
	s8 =	smulhi.u32 $0x2AAAAAAB, s0;
	s0 =	sshra.s32 s0, $0x1F  }
0x166: {  	s13 =	spop (v2sf);
	s10 =	smul.u32 $0x2AAAAAAB, s0  }
0x167: {  	s9 =	smulhi.u32 $0x2AAAAAAB, s13;
	s0 =	sshra.s32 s13, $0x1F;
	s13 =	sadd.s32 s15, s12  }
0x168: {  	s14 =	spop (v2sf);
	s15 =	sadd.s32 s16, s3;
	[smem:$0x67F] =	sst s13  }
0x169: {  	s16 =	sadd.s32 s17, s4;
	s11 =	smul.u32 $0x2AAAAAAB, s0;
	[smem:$0x681] =	sst s15  }
0x16a: {  	s3 =	smulhi.u32 $0x2AAAAAAB, s14;
	[smem:$0x680] =	sst s16  }
0x16b: {  	s0 =	sshra.s32 s14, $0x1F;
	s14 =	sadd.s32 s22, s7;
	s22 =	sld [smem:$0x5F7]  }
0x16c: {  	(v2sf) =	vpush v3, $0xC;
	s16 =	sadd.s32 s24, s20;
	s24 =	sld [smem:$0x5F9]  }
0x16d: {  	s13 =	sadd.s32 s21, s6;
	s20 =	sadd.s32 s31, s28;
	s28 =	sld [smem:$0x5FB]  }
0x16e: {  	[smem:$0x685] =	sst s13  }
0x16f: {  	s17 =	spop (v2sf);
	[smem:$0x682] =	sst s14  }
0x170: {  	(v2sf) =	vpush v3, $0xE;
	s12 =	smul.u32 $0x2AAAAAAB, s0;
	[smem:$0x686] =	sst s16  }
0x171: {  	s4 =	smulhi.u32 $0x2AAAAAAB, s17;
	[smem:$0x689] =	sst s20  }
0x172: {  	s0 =	sshra.s32 s17, $0x1F;
	s17 =	sadd.s32 s26, s23;
	s23 =	sld [smem:$0x5F8]  }
0x173: {  	s26 =	sld [smem:$0x5FA]  }
0x174: {  	(v2sf) =	vpush v3, $0xF;
	s2 =	spop (v2sf);
	s20 =	sld [smem:$0x5FF]  }
0x175: {  	s5 =	smul.u32 $0x2AAAAAAB, s0;
	[smem:$0x687] =	sst s17  }
0x176: {  	(v2sf) =	vpush v3, $0x9;
	s6 =	smulhi.u32 $0x2AAAAAAB, s2;
	s0 =	sshra.s32 s2, $0x1F;
	s2 =	sld [smem:$0x5FE]  }
0x177: {  	s1 =	sadd.s32 s22, s30;
	s30 =	sld [smem:$0x5FD]  }
0x178: {  	(v2sf) =	vpush v3, $0x8;
	[smem:$0x68A] =	sst s1  }
0x179: {  	s1 =	sadd.s32 s24, s23;
	s23 =	sld [smem:$0x600]  }
0x17a: {  	(v2sf) =	vpush v3, $0xA;
	s24 =	sld [smem:$0x601]  }
0x17b: {  	s15 =	spop (v2sf);
	[smem:$0x68B] =	sst s1  }
0x17c: {  	s13 =	smul.u32 $0x2AAAAAAB, s0;
	s1 =	sadd.s32 s28, s26;
	s26 =	sld [smem:$0x602]  }
0x17d: {  	s7 =	smulhi.u32 $0x2AAAAAAB, s15;
	s0 =	sshra.s32 s15, $0x1F;
	s28 =	sld [smem:$0x603]  }
0x17e: {  	s14 =	smul.u32 $0x2AAAAAAB, s0;
	[smem:$0x68D] =	sst s1  }
0x17f: {  	s18 =	spop (v2sf);
	s1 =	sadd.s32 s30, s29;
	s30 =	sld [smem:$0x604]  }
0x180: {  	(v2sf) =	vpush v3, $0xB;
	s15 =	smulhi.u32 $0x2AAAAAAB, s18;
	[smem:$0x68C] =	sst s1  }
0x181: {  	s0 =	sshra.s32 s18, $0x1F;
	s1 =	sadd.s32 s20, s2;
	s2 =	sld [smem:$0x60C]  }
0x182: {  	(v2sf) =	vpush v3, $0x1;
	s17 =	smul.u32 $0x2AAAAAAB, s0;
	[smem:$0x68E] =	sst s1  }
0x183: {  	s21 =	spop (v2sf);
	s1 =	sadd.s32 s24, s23;
	s23 =	sld [smem:$0x607]  }
0x184: {  	s16 =	smulhi.u32 $0x2AAAAAAB, s21;
	s0 =	sshra.s32 s21, $0x1F;
	[smem:$0x690] =	sst s1  }
0x185: {  	s1 =	sadd.s32 s28, s26;
	s18 =	smul.u32 $0x2AAAAAAB, s0;
	s25 =	spop (v2sf)  }
0x186: {  	s26 =	sld [smem:$0x609];
	s19 =	smulhi.u32 $0x2AAAAAAB, s25;
	s0 =	sshra.s32 s25, $0x1F  }
0x187: {  	s31 =	spop (v2sf);
	s21 =	smul.u32 $0x2AAAAAAB, s0  }
0x188: {  	[smem:$0x691] =	sst s1;
	s22 =	smulhi.u32 $0x2AAAAAAB, s31  }
0x189: {  	s0 =	sshra.s32 s31, $0x1F;
	s25 =	spop (v2sf);
	s31 =	sld [smem:$0x605]  }
0x18a: {  	s0 =	smul.u32 $0x2AAAAAAB, s0;
	[smem:$0x652] =	sst s22  }
0x18b: {  	s29 =	smulhi.u32 $0x2AAAAAAB, s25;
	s22 =	sld [smem:$0x606]  }
0x18c: {  	(v2sf) =	vpush v3, $0x0;
	[smem:$0x653] =	sst s0  }
0x18d: {  	[smem:$0x654] =	sst s29  }
0x18e: {  	s0 =	sshra.s32 s25, $0x1F;
	s25 =	sld [smem:$0x608]  }
0x18f: {  	s20 =	spop (v2sf);
	s29 =	sld [smem:$0x60A]  }
0x190: {  	s24 =	smulhi.u32 $0x2AAAAAAB, s20;
	s1 =	sadd.s32 s31, s30;
	s30 =	sld [smem:$0x60B]  }
0x191: {  	s28 =	spop (v2sf);
	[smem:$0x68F] =	sst s1  }
0x192: {  	s31 =	smulhi.u32 $0x2AAAAAAB, s28;
	[smem:$0x656] =	sst s24  }
0x193: {  	s24 =	sld [smem:$0x60F]  }
0x194: {  	(v2sf) =	vpush v3, $0x2;
	[smem:$0x658] =	sst s31  }
0x195: {  	s0 =	smul.u32 $0x2AAAAAAB, s0;
	s1 =	sadd.s32 s23, s22;
	s23 =	sld [smem:$0x60E]  }
0x196: {  	s31 =	sld [smem:$0x613]  }
0x197: {  	[smem:$0x655] =	sst s0  }
0x198: {  	[smem:$0x692] =	sst s1  }
0x199: {  	s0 =	sshra.s32 s20, $0x1F;
	s20 =	sld [smem:$0x60D]  }
0x19a: {  	s1 =	sadd.s32 s26, s25;
	s26 =	sld [smem:$0x610]  }
0x19b: {  	s22 =	spop (v2sf);
	[smem:$0x694] =	sst s1  }
0x19c: {  	(v2sf) =	vpush v3, $0x3;
	s25 =	smulhi.u32 $0x2AAAAAAB, s22;
	s1 =	sadd.s32 s30, s29;
	s30 =	sld [smem:$0x612]  }
0x19d: {  	[smem:$0x695] =	sst s1  }
0x19e: {  	s0 =	smul.u32 $0x2AAAAAAB, s0;
	[smem:$0x65A] =	sst s25  }
0x19f: {  	s25 =	sld [smem:$0x616]  }
0x1a0: {  	[smem:$0x657] =	sst s0  }
0x1a1: {  	s0 =	sshra.s32 s28, $0x1F;
	s28 =	sld [smem:$0x611]  }
0x1a2: {  	s1 =	sadd.s32 s20, s2;
	s2 =	sld [smem:$0x61A]  }
0x1a3: {  	s29 =	spop (v2sf);
	[smem:$0x693] =	sst s1  }
0x1a4: {  	(v2sf) =	vpush v3, $0x4;
	s20 =	smulhi.u32 $0x2AAAAAAB, s29;
	s1 =	sadd.s32 s24, s23;
	s23 =	sld [smem:$0x615]  }
0x1a5: {  	[smem:$0x696] =	sst s1  }
0x1a6: {  	s0 =	smul.u32 $0x2AAAAAAB, s0;
	[smem:$0x65C] =	sst s20  }
0x1a7: {  	s20 =	sld [smem:$0x61B]  }
0x1a8: {  	[smem:$0x659] =	sst s0  }
0x1a9: {  	s0 =	sshra.s32 s22, $0x1F;
	s22 =	sld [smem:$0x614]  }
0x1aa: {  	s1 =	sadd.s32 s28, s26;
	s26 =	sld [smem:$0x617]  }
0x1ab: {  	s24 =	spop (v2sf);
	[smem:$0x697] =	sst s1  }
0x1ac: {  	(v2sf) =	vpush v3, $0x5;
	s28 =	smulhi.u32 $0x2AAAAAAB, s24;
	s1 =	sadd.s32 s31, s30;
	s30 =	sld [smem:$0x619]  }
0x1ad: {  	[smem:$0x698] =	sst s1  }
0x1ae: {  	s0 =	smul.u32 $0x2AAAAAAB, s0;
	[smem:$0x65E] =	sst s28  }
0x1af: {  	s28 =	sld [smem:$0x61F]  }
0x1b0: {  	[smem:$0x65B] =	sst s0  }
0x1b1: {  	s0 =	sshra.s32 s29, $0x1F;
	s29 =	sld [smem:$0x618]  }
0x1b2: {  	s1 =	sadd.s32 s23, s22;
	s23 =	sld [smem:$0x61C]  }
0x1b3: {  	s31 =	spop (v2sf);
	[smem:$0x699] =	sst s1  }
0x1b4: {  	(v2sf) =	vpush v3, $0x6;
	s22 =	smulhi.u32 $0x2AAAAAAB, s31;
	s1 =	sadd.s32 s26, s25;
	s26 =	sld [smem:$0x61E]  }
0x1b5: {  	[smem:$0x69A] =	sst s1  }
0x1b6: {  	s0 =	smul.u32 $0x2AAAAAAB, s0;
	[smem:$0x660] =	sst s22  }
0x1b7: {  	s22 =	sld [smem:$0x622]  }
0x1b8: {  	[smem:$0x65D] =	sst s0  }
0x1b9: {  	s0 =	sshra.s32 s24, $0x1F;
	s24 =	sld [smem:$0x61D]  }
0x1ba: {  	s1 =	sadd.s32 s30, s29;
	s30 =	sld [smem:$0x620]  }
0x1bb: {  	s25 =	spop (v2sf);
	[smem:$0x69D] =	sst s1  }
0x1bc: {  	(v2sf) =	vpush v3, $0x7;
	s29 =	smulhi.u32 $0x2AAAAAAB, s25;
	s1 =	sadd.s32 s20, s2;
	s2 =	sld [smem:$0x628]  }
0x1bd: {  	[smem:$0x69C] =	sst s1  }
0x1be: {  	s0 =	smul.u32 $0x2AAAAAAB, s0;
	[smem:$0x662] =	sst s29  }
0x1bf: {  	v1 =	vld [tilespmem:$0x2080];
	s29 =	sld [smem:$0x626]  }
0x1c0: {  	[smem:$0x65F] =	sst s0  }
0x1c1: {  	s0 =	sshra.s32 s31, $0x1F;
	s31 =	sld [smem:$0x621]  }
0x1c2: {  	s1 =	sadd.s32 s24, s23;
	s23 =	sld [smem:$0x623]  }
0x1c3: {  	s20 =	spop (v2sf);
	[smem:$0x69B] =	sst s1  }
0x1c4: {  	(v2sf) =	vpush v1, $0xD;
	s24 =	smulhi.u32 $0x2AAAAAAB, s20;
	s1 =	sadd.s32 s28, s26;
	s26 =	sld [smem:$0x625]  }
0x1c5: {  	[smem:$0x69E] =	sst s1  }
0x1c6: {  	s0 =	smul.u32 $0x2AAAAAAB, s0;
	[smem:$0x664] =	sst s24  }
0x1c7: {  	s24 =	sld [smem:$0x62B]  }
0x1c8: {  	[smem:$0x661] =	sst s0  }
0x1c9: {  	s0 =	sshra.s32 s25, $0x1F;
	s25 =	sld [smem:$0x624]  }
0x1ca: {  	s1 =	sadd.s32 s31, s30;
	s30 =	sld [smem:$0x627]  }
0x1cb: {  	s28 =	spop (v2sf);
	[smem:$0x69F] =	sst s1  }
0x1cc: {  	(v2sf) =	vpush v1, $0xC;
	s31 =	smulhi.u32 $0x2AAAAAAB, s28;
	s1 =	sadd.s32 s23, s22;
	s23 =	sld [smem:$0x62A]  }
0x1cd: {  	[smem:$0x6A1] =	sst s1  }
0x1ce: {  	s0 =	smul.u32 $0x2AAAAAAB, s0;
	[smem:$0x666] =	sst s31  }
0x1cf: {  	s31 =	sld [smem:$0x62F]  }
0x1d0: {  	[smem:$0x663] =	sst s0  }
0x1d1: {  	s0 =	sshra.s32 s20, $0x1F;
	s20 =	sld [smem:$0x629]  }
0x1d2: {  	s1 =	sadd.s32 s26, s25;
	s26 =	sld [smem:$0x62C]  }
0x1d3: {  	s22 =	spop (v2sf);
	[smem:$0x6A0] =	sst s1  }
0x1d4: {  	(v2sf) =	vpush v1, $0xE;
	s25 =	smulhi.u32 $0x2AAAAAAB, s22;
	s1 =	sadd.s32 s30, s29;
	s30 =	sld [smem:$0x62E]  }
0x1d5: {  	[smem:$0x6A3] =	sst s1  }
0x1d6: {  	s0 =	smul.u32 $0x2AAAAAAB, s0;
	[smem:$0x668] =	sst s25  }
0x1d7: {  	s25 =	sld [smem:$0x632]  }
0x1d8: {  	[smem:$0x665] =	sst s0  }
0x1d9: {  	s0 =	sshra.s32 s28, $0x1F;
	s28 =	sld [smem:$0x62D]  }
0x1da: {  	s1 =	sadd.s32 s20, s2;
	s2 =	sld [smem:$0x636]  }
0x1db: {  	s29 =	spop (v2sf);
	[smem:$0x6A8] =	sst s1  }
0x1dc: {  	(v2sf) =	vpush v1, $0xF;
	s20 =	smulhi.u32 $0x2AAAAAAB, s29;
	s1 =	sadd.s32 s24, s23;
	s23 =	sld [smem:$0x631]  }
0x1dd: {  	[smem:$0x6A4] =	sst s1  }
0x1de: {  	s0 =	smul.u32 $0x2AAAAAAB, s0;
	[smem:$0x66A] =	sst s20  }
0x1df: {  	s20 =	sld [smem:$0x637]  }
0x1e0: {  	[smem:$0x667] =	sst s0  }
0x1e1: {  	s0 =	sshra.s32 s22, $0x1F;
	s22 =	sld [smem:$0x630]  }
0x1e2: {  	s1 =	sadd.s32 s28, s26;
	s26 =	sld [smem:$0x633]  }
0x1e3: {  	s24 =	spop (v2sf);
	[smem:$0x6A2] =	sst s1  }
0x1e4: {  	(v2sf) =	vpush v1, $0x9;
	s28 =	smulhi.u32 $0x2AAAAAAB, s24;
	s1 =	sadd.s32 s31, s30;
	s30 =	sld [smem:$0x635]  }
0x1e5: {  	[smem:$0x6A5] =	sst s1  }
0x1e6: {  	s0 =	smul.u32 $0x2AAAAAAB, s0;
	[smem:$0x66C] =	sst s28  }
0x1e7: {  	s28 =	sld [smem:$0x63B]  }
0x1e8: {  	[smem:$0x669] =	sst s0  }
0x1e9: {  	s0 =	sshra.s32 s29, $0x1F;
	s29 =	sld [smem:$0x634]  }
0x1ea: {  	s1 =	sadd.s32 s23, s22;
	s23 =	sld [smem:$0x638]  }
0x1eb: {  	s31 =	spop (v2sf);
	[smem:$0x6A6] =	sst s1  }
0x1ec: {  	(v2sf) =	vpush v1, $0x8;
	s22 =	smulhi.u32 $0x2AAAAAAB, s31;
	s1 =	sadd.s32 s26, s25;
	s26 =	sld [smem:$0x63A]  }
0x1ed: {  	[smem:$0x6A7] =	sst s1  }
0x1ee: {  	s0 =	smul.u32 $0x2AAAAAAB, s0;
	[smem:$0x66E] =	sst s22  }
0x1ef: {  	s22 =	sld [smem:$0x63E]  }
0x1f0: {  	[smem:$0x66B] =	sst s0  }
0x1f1: {  	s0 =	sshra.s32 s24, $0x1F;
	s24 =	sld [smem:$0x639]  }
0x1f2: {  	s1 =	sadd.s32 s30, s29;
	s30 =	sld [smem:$0x63C]  }
0x1f3: {  	s25 =	spop (v2sf);
	[smem:$0x6A9] =	sst s1  }
0x1f4: {  	(v2sf) =	vpush v1, $0xA;
	s29 =	smulhi.u32 $0x2AAAAAAB, s25;
	s1 =	sadd.s32 s20, s2;
	s2 =	sld [smem:$0x644]  }
0x1f5: {  	[smem:$0x6AA] =	sst s1  }
0x1f6: {  	s0 =	smul.u32 $0x2AAAAAAB, s0;
	[smem:$0x670] =	sst s29  }
0x1f7: {  	s29 =	sld [smem:$0x642]  }
0x1f8: {  	[smem:$0x66D] =	sst s0  }
0x1f9: {  	s0 =	sshra.s32 s31, $0x1F;
	s31 =	sld [smem:$0x63D]  }
0x1fa: {  	s1 =	sadd.s32 s24, s23;
	s23 =	sld [smem:$0x63F]  }
0x1fb: {  	s20 =	spop (v2sf);
	[smem:$0x6AB] =	sst s1  }
0x1fc: {  	(v2sf) =	vpush v1, $0xB;
	s24 =	smulhi.u32 $0x2AAAAAAB, s20;
	s1 =	sadd.s32 s28, s26;
	s26 =	sld [smem:$0x641]  }
0x1fd: {  	[smem:$0x6AD] =	sst s1  }
0x1fe: {  	s0 =	smul.u32 $0x2AAAAAAB, s0;
	[smem:$0x672] =	sst s24  }
0x1ff: {  	s24 =	sld [smem:$0x647]  }
0x200: {  	[smem:$0x66F] =	sst s0  }
0x201: {  	s0 =	sshra.s32 s25, $0x1F;
	s25 =	sld [smem:$0x640]  }
0x202: {  	s1 =	sadd.s32 s31, s30;
	s30 =	sld [smem:$0x643]  }
0x203: {  	s28 =	spop (v2sf);
	[smem:$0x6AC] =	sst s1  }
0x204: {  	(v2sf) =	vpush v1, $0x1;
	s31 =	smulhi.u32 $0x2AAAAAAB, s28;
	s1 =	sadd.s32 s23, s22;
	s23 =	sld [smem:$0x646]  }
0x205: {  	[smem:$0x6AE] =	sst s1  }
0x206: {  	s0 =	smul.u32 $0x2AAAAAAB, s0;
	[smem:$0x674] =	sst s31  }
0x207: {  	s31 =	sld [smem:$0x64B]  }
0x208: {  	[smem:$0x671] =	sst s0  }
0x209: {  	s0 =	sshra.s32 s20, $0x1F;
	s20 =	sld [smem:$0x645]  }
0x20a: {  	s1 =	sadd.s32 s26, s25;
	s26 =	sld [smem:$0x648]  }
0x20b: {  	s22 =	spop (v2sf);
	[smem:$0x6B0] =	sst s1  }
0x20c: {  	s25 =	smulhi.u32 $0x2AAAAAAB, s22;
	s1 =	sadd.s32 s30, s29;
	s30 =	sld [smem:$0x64A]  }
0x20d: {  	[smem:$0x6B1] =	sst s1  }
0x20e: {  	(v2sf) =	vpush v1, $0x0;
	s0 =	smul.u32 $0x2AAAAAAB, s0;
	[smem:$0x676] =	sst s25  }
0x20f: {  	s25 =	sld [smem:$0x64F]  }
0x210: {  	[smem:$0x673] =	sst s0  }
0x211: {  	s0 =	sshra.s32 s28, $0x1F;
	s28 =	sld [smem:$0x649]  }
0x212: {  	s1 =	sadd.s32 s20, s2;
	s20 =	sld [smem:$0x64C]  }
0x213: {  	s29 =	spop (v2sf);
	[smem:$0x6AF] =	sst s1  }
0x214: {  	(v2sf) =	vpush v1, $0x2;
	s2 =	smulhi.u32 $0x2AAAAAAB, s29;
	s1 =	sadd.s32 s24, s23;
	s24 =	sld [smem:$0x64E]  }
0x215: {  	s0 =	smul.u32 $0x2AAAAAAB, s0;
	[smem:$0x6B3] =	sst s1  }
0x216: {  	[smem:$0x678] =	sst s2  }
0x217: {  	[smem:$0x675] =	sst s0  }
0x218: {  	s0 =	sshra.s32 s22, $0x1F;
	s22 =	sld [smem:$0x64D]  }
0x219: {  	s2 =	sadd.s32 s10, s8;
	s1 =	sadd.s32 s28, s26;
	s28 =	sld [smem:$0x650]  }
0x21a: {  	s10 =	sadd.s32 s11, s9;
	[smem:$0x6B7] =	sst s2  }
0x21b: {  	[smem:$0x6B8] =	sst s10  }
0x21c: {  	s10 =	sld [smem:$0x654]  }
0x21d: {  	s23 =	spop (v2sf);
	[smem:$0x6BA] =	sst s1  }
0x21e: {  	(v2sf) =	vpush v1, $0x3;
	s26 =	smulhi.u32 $0x2AAAAAAB, s23;
	s1 =	sadd.s32 s31, s30;
	s30 =	sld [smem:$0x651]  }
0x21f: {  	s0 =	smul.u32 $0x2AAAAAAB, s0;
	[smem:$0x6B4] =	sst s1  }
0x220: {  	[smem:$0x679] =	sst s26  }
0x221: {  	(v2sf) =	vpush v1, $0x4;
	[smem:$0x677] =	sst s0  }
0x222: {  	s1 =	sadd.s32 s22, s20;
	s20 =	sadd.s32 s12, s3;
	s12 =	sld [smem:$0x656]  }
0x223: {  	s31 =	spop (v2sf);
	s3 =	sadd.s32 s17, s15;
	s15 =	sld [smem:$0x658]  }
0x224: {  	s8 =	smulhi.u32 $0x2AAAAAAB, s31;
	s17 =	sld [smem:$0x659]  }
0x225: {  	(v2sf) =	vpush v1, $0x5;
	[smem:$0x6B2] =	sst s1  }
0x226: {  	[smem:$0x67B] =	sst s8  }
0x227: {  	(v2sf) =	vpush v1, $0x6;
	s22 =	sadd.s32 s5, s4;
	[smem:$0x6B9] =	sst s20  }
0x228: {  	[smem:$0x6BB] =	sst s22  }
0x229: {  	s4 =	sadd.s32 s18, s16;
	[smem:$0x6BE] =	sst s3  }
0x22a: {  	[smem:$0x6C0] =	sst s4  }
0x22b: {  	v27 =	vld [tilespmem:$0x2090];
	s8 =	sld [smem:$0x653]  }
0x22c: {  	s1 =	sadd.s32 s25, s24;
	s4 =	sld [smem:$0x65C]  }
0x22d: {  	s11 =	spop (v2sf);
	s0 =	sshra.s32 s29, $0x1F;
	[smem:$0x6B5] =	sst s1  }
0x22e: {  	(v2sf) =	vpush v1, $0x7;
	s1 =	sadd.s32 s30, s28;
	s30 =	sadd.s32 s13, s6;
	s13 =	sld [smem:$0x657]  }
0x22f: {  	s29 =	smul.u32 $0x2AAAAAAB, s0;
	s0 =	sshra.s32 s23, $0x1F;
	[smem:$0x6B6] =	sst s1  }
0x230: {  	(v2sf) =	vpush v27, $0xD;
	s23 =	spop (v2sf);
	s6 =	sadd.s32 s21, s19;
	[smem:$0x6BD] =	sst s30  }
0x231: {  	s0 =	smul.u32 $0x2AAAAAAB, s0;
	[smem:$0x6C1] =	sst s6  }
0x232: {  	s28 =	smulhi.u32 $0x2AAAAAAB, s11;
	s30 =	sld [smem:$0x65A]  }
0x233: {  	s25 =	smulhi.u32 $0x2AAAAAAB, s23;
	s6 =	sld [smem:$0x65E]  }
0x234: {  	s2 =	spop (v2sf);
	[smem:$0x67A] =	sst s0  }
0x235: {  	(v2sf) =	vpush v27, $0xC;
	s0 =	sshra.s32 s31, $0x1F;
	s31 =	sadd.s32 s14, s7;
	s7 =	sld [smem:$0x652]  }
0x236: {  	s5 =	spop (v2sf);
	[smem:$0x6BC] =	sst s31  }
0x237: {  	s26 =	smul.u32 $0x2AAAAAAB, s0;
	s0 =	sshra.s32 s11, $0x1F;
	s11 =	sld [smem:$0x655]  }
0x238: {  	s31 =	sld [smem:$0x65B];
	s24 =	smul.u32 $0x2AAAAAAB, s0;
	s0 =	sshra.s32 s23, $0x1F  }
0x239: {  	s23 =	smulhi.u32 $0x2AAAAAAB, s2;
	s1 =	sadd.s32 s8, s7;
	s7 =	sld [smem:$0x65F]  }
0x23a: {  	s22 =	smul.u32 $0x2AAAAAAB, s0;
	s0 =	sshra.s32 s2, $0x1F;
	s2 =	sld [smem:$0x66A]  }
0x23b: {  	s21 =	smulhi.u32 $0x2AAAAAAB, s5;
	[smem:$0x6BF] =	sst s1  }
0x23c: {  	s20 =	smul.u32 $0x2AAAAAAB, s0;
	s0 =	sshra.s32 s5, $0x1F;
	s5 =	sld [smem:$0x65D]  }
0x23d: {  	s9 =	spop (v2sf);
	s1 =	sadd.s32 s11, s10;
	s10 =	sld [smem:$0x661]  }
0x23e: {  	(v2sf) =	vpush v27, $0xE;
	s19 =	smulhi.u32 $0x2AAAAAAB, s9;
	s11 =	sld [smem:$0x662]  }
0x23f: {  	(v2sf) =	vpush v27, $0xF;
	s14 =	spop (v2sf);
	s24 =	sadd.s32 s24, s28;
	[smem:$0x6C3] =	sst s1  }
0x240: {  	s18 =	smul.u32 $0x2AAAAAAB, s0;
	s0 =	sshra.s32 s9, $0x1F;
	s9 =	sld [smem:$0x660]  }
0x241: {  	s1 =	sadd.s32 s13, s12;
	[smem:$0x6D7] =	sst s24;
	s22 =	sadd.s32 s22, s25  }
0x242: {  	[smem:$0x6CA] =	sst s1;
	s16 =	smul.u32 $0x2AAAAAAB, s0;
	s1 =	sadd.s32 s17, s15  }
0x243: {  	s17 =	smulhi.u32 $0x2AAAAAAB, s14;
	s0 =	sshra.s32 s14, $0x1F;
	[smem:$0x6D8] =	sst s22  }
0x244: {  	s3 =	spop (v2sf);
	s20 =	sadd.s32 s20, s23;
	[smem:$0x6C4] =	sst s1  }
0x245: {  	(v2sf) =	vpush v27, $0x9;
	s1 =	sadd.s32 s31, s30;
	s14 =	smul.u32 $0x2AAAAAAB, s0;
	s30 =	sld [smem:$0x663]  }
0x246: {  	s15 =	smulhi.u32 $0x2AAAAAAB, s3;
	s0 =	sshra.s32 s3, $0x1F;
	s3 =	sld [smem:$0x664]  }
0x247: {  	[smem:$0x6D9] =	sst s20  }
0x248: {  	[smem:$0x6C2] =	sst s1  }
0x249: {  	s1 =	sadd.s32 s5, s4;
	s4 =	sld [smem:$0x665]  }
0x24a: {  	s5 =	sld [smem:$0x666]  }
0x24b: {  	(v2sf) =	vpush v27, $0x8;
	[smem:$0x6C5] =	sst s1  }
0x24c: {  	s12 =	smul.u32 $0x2AAAAAAB, s0;
	s1 =	sadd.s32 s7, s6;
	s6 =	sld [smem:$0x667]  }
0x24d: {  	(v2sf) =	vpush v27, $0xA;
	s8 =	spop (v2sf);
	[smem:$0x6C6] =	sst s1;
	s1 =	sadd.s32 s10, s9  }
0x24e: {  	s0 =	sshra.s32 s8, $0x1F;
	s31 =	spop (v2sf);
	[smem:$0x6C7] =	sst s1  }
0x24f: {  	s1 =	sadd.s32 s30, s11;
	s10 =	smul.u32 $0x2AAAAAAB, s0;
	s30 =	sld [smem:$0x668]  }
0x250: {  	s11 =	smulhi.u32 $0x2AAAAAAB, s31;
	s0 =	sshra.s32 s31, $0x1F;
	s31 =	sld [smem:$0x669]  }
0x251: {  	[smem:$0x6C8] =	sst s1  }
0x252: {  	s13 =	smulhi.u32 $0x2AAAAAAB, s8;
	s1 =	sadd.s32 s4, s3;
	s3 =	sld [smem:$0x66B]  }
0x253: {  	s8 =	smul.u32 $0x2AAAAAAB, s0;
	[smem:$0x6C9] =	sst s1  }
0x254: {  	s7 =	spop (v2sf);
	s1 =	sadd.s32 s6, s5;
	s5 =	sld [smem:$0x66C]  }
0x255: {  	s9 =	smulhi.u32 $0x2AAAAAAB, s7;
	s0 =	sshra.s32 s7, $0x1F;
	s7 =	sld [smem:$0x66D]  }
0x256: {  	[smem:$0x6CB] =	sst s1  }
0x257: {  	s1 =	sadd.s32 s31, s30;
	s30 =	sld [smem:$0x66E]  }
0x258: {  	s31 =	sld [smem:$0x66F]  }
0x259: {  	[smem:$0x6CD] =	sst s1  }
0x25a: {  	s4 =	spop (v2sf);
	s1 =	sadd.s32 s3, s2;
	s2 =	sld [smem:$0x672]  }
0x25b: {  	s6 =	smul.u32 $0x2AAAAAAB, s0;
	[smem:$0x6CC] =	sst s1;
	s1 =	sadd.s32 s7, s5  }
0x25c: {  	s0 =	sshra.s32 s4, $0x1F;
	s3 =	spop (v2sf);
	[smem:$0x6CE] =	sst s1  }
0x25d: {  	s7 =	smulhi.u32 $0x2AAAAAAB, s4;
	s1 =	sadd.s32 s31, s30;
	s30 =	sld [smem:$0x670]  }
0x25e: {  	s5 =	smul.u32 $0x2AAAAAAB, s0;
	s31 =	sld [smem:$0x671]  }
0x25f: {  	(v2sf) =	vpush v27, $0xB;
	s4 =	smulhi.u32 $0x2AAAAAAB, s3;
	s0 =	sshra.s32 s3, $0x1F;
	s3 =	sld [smem:$0x673]  }
0x260: {  	[smem:$0x6D0] =	sst s1  }
0x261: {  	s1 =	sadd.s32 s31, s30;
	s30 =	sld [smem:$0x674]  }
0x262: {  	(v2sf) =	vpush v27, $0x1;
	s31 =	sld [smem:$0x675]  }
0x263: {  	[smem:$0x6D1] =	sst s1;
	s1 =	sadd.s32 s3, s2  }
0x264: {  	[smem:$0x6CF] =	sst s1  }
0x265: {  	(v2sf) =	vpush v27, $0x0;
	s1 =	sadd.s32 s31, s30;
	s30 =	sld [smem:$0x677]  }
0x266: {  	[smem:$0x6D3] =	sst s1  }
0x267: {  	(v2sf) =	vpush v27, $0x2;
	s14 =	sadd.s32 s14, s17;
	s1 =	sld [smem:$0x676]  }
0x268: {  	[smem:$0x6DB] =	sst s14;
	s12 =	sadd.s32 s12, s15  }
0x269: {  	(v2sf) =	vpush v27, $0x3;
	[smem:$0x6DA] =	sst s12  }
0x26a: {  	s10 =	sadd.s32 s10, s13;
	s1 =	sadd.s32 s30, s1;
	s30 =	sld [smem:$0x678]  }
0x26b: {  	(v2sf) =	vpush v27, $0x4;
	[smem:$0x6DC] =	sst s10;
	s8 =	sadd.s32 s8, s11  }
0x26c: {  	[smem:$0x6DF] =	sst s8  }
0x26d: {  	(v2sf) =	vpush v27, $0x5;
	s2 =	smul.u32 $0x2AAAAAAB, s0;
	s31 =	sadd.s32 s29, s30;
	s29 =	sld [smem:$0x679]  }
0x26e: {  	v3 =	vld [tilespmem:$0x20A0];
	s6 =	sadd.s32 s6, s9;
	s0 =	spop (v2sf);
	s30 =	sld [smem:$0x67A]  }
0x26f: {  	(v2sf) =	vpush v27, $0x6;
	[smem:$0x6E0] =	sst s6;
	s3 =	smulhi.u32 $0x2AAAAAAB, s0;
	s0 =	sshra.s32 s0, $0x1F  }
0x270: {  	s5 =	sadd.s32 s5, s7;
	(v2sf) =	vpush v27, $0x7;
	[smem:$0x6D4] =	sst s1;
	s1 =	smul.u32 $0x2AAAAAAB, s0  }
0x271: {  	s0 =	spop (v2sf);
	s29 =	sadd.s32 s30, s29;
	s30 =	sld [smem:$0x67B]  }
0x272: {  	[smem:$0x6D5] =	sst s31;
	s31 =	smulhi.u32 $0x2AAAAAAB, s0;
	s0 =	sshra.s32 s0, $0x1F  }
0x273: {  	[smem:$0x6DD] =	sst s5;
	(v2sf) =	vpush v3, $0xD;
	s0 =	smul.u32 $0x2AAAAAAB, s0  }
0x274: {  	[smem:$0x6D2] =	sst s29;
	s29 =	spop (v2sf);
	s26 =	sadd.s32 s26, s30  }
0x275: {  	[smem:$0x6D6] =	sst s26;
	s26 =	smulhi.u32 $0x2AAAAAAB, s29;
	s29 =	sshra.s32 s29, $0x1F  }
0x276: {  	s2 =	sadd.s32 s2, s4;
	s24 =	smul.u32 $0x2AAAAAAB, s29;
	s29 =	spop (v2sf)  }
0x277: {  	[smem:$0x6E1] =	sst s2;
	(v2sf) =	vpush v3, $0xC;
	s22 =	smulhi.u32 $0x2AAAAAAB, s29;
	s30 =	sshra.s32 s29, $0x1F  }
0x278: {  	s1 =	sadd.s32 s1, s3;
	s25 =	spop (v2sf);
	s20 =	smul.u32 $0x2AAAAAAB, s30  }
0x279: {  	(v2sf) =	vpush v3, $0xE;
	s29 =	sadd.s32 s18, s21;
	s18 =	smulhi.u32 $0x2AAAAAAB, s25;
	s28 =	sshra.s32 s25, $0x1F  }
0x27a: {  	s30 =	sadd.s32 s16, s19;
	s23 =	spop (v2sf);
	s16 =	smul.u32 $0x2AAAAAAB, s28  }
0x27b: {  	[smem:$0x6E2] =	sst s1;
	(v2sf) =	vpush v3, $0xF;
	s14 =	smulhi.u32 $0x2AAAAAAB, s23;
	s25 =	sshra.s32 s23, $0x1F  }
0x27c: {  	s9 =	sadd.s32 s24, s26;
	s28 =	spop (v2sf);
	s12 =	smul.u32 $0x2AAAAAAB, s25  }
0x27d: {  	[smem:$0x6DE] =	sst s9;
	s10 =	smulhi.u32 $0x2AAAAAAB, s28;
	s15 =	sshra.s32 s28, $0x1F  }
0x27e: {  	s17 =	spop (v2sf);
	s13 =	sadd.s32 s20, s22;
	s8 =	smul.u32 $0x2AAAAAAB, s15  }
0x27f: {  	s6 =	smulhi.u32 $0x2AAAAAAB, s17;
	s19 =	sshra.s32 s17, $0x1F;
	s21 =	spop (v2sf)  }
0x280: {  	[smem:$0x6E3] =	sst s13;
	s5 =	smul.u32 $0x2AAAAAAB, s19  }
0x281: {  	s17 =	sadd.s32 s16, s18;
	s2 =	smulhi.u32 $0x2AAAAAAB, s21;
	s23 =	sshra.s32 s21, $0x1F  }
0x282: {  	s25 =	spop (v2sf);
	[smem:$0x6E4] =	sst s17;
	s19 =	sadd.s32 s12, s14  }
0x283: {  	s31 =	sadd.s32 s0, s31;
	s1 =	smul.u32 $0x2AAAAAAB, s23;
	[smem:$0x6E5] =	sst s19  }
0x284: {  	s28 =	smulhi.u32 $0x2AAAAAAB, s25;
	s3 =	sshra.s32 s25, $0x1F;
	s23 =	sld [smem:$0x67C]  }
0x285: {  	s8 =	sadd.s32 s8, s10;
	s25 =	sld [smem:$0x67D];
	s3 =	smul.u32 $0x2AAAAAAB, s3  }
0x286: {  	[smem:$0x6E6] =	sst s8;
	s5 =	sadd.s32 s5, s6;
	s11 =	spop (v2sf)  }
0x287: {  	[smem:$0x6E7] =	sst s5;
	s15 =	smulhi.u32 $0x2AAAAAAB, s11;
	s4 =	sshra.s32 s11, $0x1F  }
0x288: {  	s1 =	sadd.s32 s1, s2;
	s4 =	smul.u32 $0x2AAAAAAB, s4;
	s18 =	spop (v2sf)  }
0x289: {  	[smem:$0x6E8] =	sst s1;
	s20 =	smulhi.u32 $0x2AAAAAAB, s18;
	s9 =	sshra.s32 s18, $0x1F  }
0x28a: {  	s0 =	sadd.s32 s3, s28;
	s22 =	spop (v2sf);
	s21 =	smul.u32 $0x2AAAAAAB, s9  }
0x28b: {  	(v2sf) =	vpush v3, $0x9;
	s28 =	sld [smem:$0x67E];
	s24 =	smulhi.u32 $0x2AAAAAAB, s22;
	s9 =	sshra.s32 s22, $0x1F  }
0x28c: {  	(v2sf) =	vpush v3, $0x8;
	[smem:$0x6EA] =	sst s0;
	s1 =	sadd.s32 s4, s15;
	s26 =	smul.u32 $0x2AAAAAAB, s9  }
0x28d: {  	(v2sf) =	vpush v3, $0xA;
	s10 =	sshrl.u32 s23, $0x1F;
	[smem:$0x6E9] =	sst s1;
	s2 =	sadd.s32 s21, s20  }
0x28e: {  	(v2sf) =	vpush v3, $0xB;
	s5 =	sshrl.u32 s25, $0x1F;
	v28 =	vmov s10;
	[smem:$0x6EB] =	sst s2;
	s3 =	sadd.s32 s26, s24  }
0x28f: {  	(v2sf) =	vpush v3, $0x1;
	v4 =	vsel vm0, s5, v28;
	s0 =	sshrl.u32 s28, $0x1F;
	[smem:$0x6EC] =	sst s3  }
0x290: {  	v4 =	vsel vm1, s0, v4;
	s0 =	sld [smem:$0x67F]  }
0x291: {  	s4 =	sld [smem:$0x680]  }
0x292: {  	s5 =	sld [smem:$0x681]  }
0x293: {  	s6 =	sld [smem:$0x682]  }
0x294: {  	s7 =	sld [smem:$0x683]  }
0x295: {  	s10 =	sld [smem:$0x684]  }
0x296: {  	s12 =	sld [smem:$0x685]  }
0x297: {  	s14 =	sld [smem:$0x686]  }
0x298: {  	s16 =	sld [smem:$0x687]  }
0x299: {  	s19 =	sld [smem:$0x688]  }
0x29a: {  	v1 =	vmov s23;
	s9 =	spop (v2sf);
	s21 =	sld [smem:$0x689]  }
0x29b: {  	v1 =	vsel vm0, s25, v1;
	s11 =	smulhi.u32 $0x2AAAAAAB, s9;
	s24 =	sld [smem:$0x68A]  }
0x29c: {  	v1 =	vsel vm1, s28, v1;
	s3 =	sshra.s32 s9, $0x1F;
	s13 =	spop (v2sf);
	s28 =	sld [smem:$0x68C]  }
0x29d: {  	s3 =	smul.u32 $0x2AAAAAAB, s3;
	s18 =	spop (v2sf)  }
0x29e: {  	s26 =	sld [smem:$0x68B];
	s20 =	smulhi.u32 $0x2AAAAAAB, s18  }
0x29f: {  	v29 =	vmov s6;
	s2 =	sshrl.u32 s6, $0x1F;
	s6 =	sshra.s32 s13, $0x1F;
	s9 =	sshrl.u32 s28, $0x1F  }
0x2a0: {  	v35 =	vsel vm2, s0, v1;
	v1 =	vmov s4;
	s17 =	smul.u32 $0x2AAAAAAB, s6;
	s6 =	sshra.s32 s18, $0x1F;
	s18 =	sld [smem:$0x690]  }
0x2a1: {  	s1 =	sshrl.u32 s5, $0x1F;
	v1 =	vsel vm0, s5, v1;
	v32 =	vmov s9;
	s9 =	sadd.s32 s3, s11;
	s5 =	sld [smem:$0x6AC]  }
0x2a2: {  	s15 =	smulhi.u32 $0x2AAAAAAB, s13;
	[smem:$0x6EF] =	sst s9  }
0x2a3: {  	s8 =	sshrl.u32 s4, $0x1F;
	v1 =	vsel vm1, s7, v1;
	s9 =	sld [smem:$0x696]  }
0x2a4: {  	(v2sf) =	vpush v3, $0x0;
	s4 =	sshrl.u32 s10, $0x1F;
	v37 =	vsel vm2, s10, v1;
	s10 =	sadd.s32 s17, s15;
	s15 =	sld [smem:$0x68F]  }
0x2a5: {  	s0 =	sshrl.u32 s0, $0x1F;
	s22 =	smul.u32 $0x2AAAAAAB, s6;
	v1 =	vnsel vm3, $0x0, v29;
	[smem:$0x6ED] =	sst s10  }
0x2a6: {  	(v2sf) =	vpush v3, $0x2;
	v34 =	vsel vm2, s0, v4;
	s0 =	sshrl.u32 s12, $0x1F;
	v1 =	vsel vm0, s12, v1;
	s12 =	sld [smem:$0x68D]  }
0x2a7: {  	s23 =	spop (v2sf);
	s11 =	sadd.s32 s22, s20;
	s20 =	sld [smem:$0x692]  }
0x2a8: {  	(v2sf) =	vpush v3, $0x3;
	s25 =	smulhi.u32 $0x2AAAAAAB, s23;
	s6 =	sshra.s32 s23, $0x1F;
	s22 =	sld [smem:$0x694]  }
0x2a9: {  	v30 =	vmov s2;
	s6 =	smul.u32 $0x2AAAAAAB, s6;
	s10 =	sld [smem:$0x697]  }
0x2aa: {  	v4 =	vnsel vm3, $0x0, v30;
	[smem:$0x6F0] =	sst s11  }
0x2ab: {  	v4 =	vsel vm0, s0, v4;
	s0 =	sshrl.u32 s14, $0x1F;
	v1 =	vsel vm1, s14, v1;
	s13 =	sadd.s32 s6, s25;
	s14 =	sld [smem:$0x68E]  }
0x2ac: {  	v31 =	vmov s8;
	v4 =	vsel vm1, s0, v4;
	s0 =	sshrl.u32 s16, $0x1F;
	[smem:$0x6F2] =	sst s13  }
0x2ad: {  	(v2sf) =	vpush v3, $0x4;
	s2 =	sshrl.u32 s7, $0x1F;
	v5 =	vsel vm0, s1, v31;
	v4 =	vsel vm2, s0, v4;
	s0 =	sshrl.u32 s19, $0x1F;
	s13 =	sld [smem:$0x698]  }
0x2ae: {  	v1 =	vsel vm2, s16, v1;
	v4 =	vsel vm4, s0, v4;
	s0 =	sshrl.u32 s21, $0x1F;
	v36 =	vmov s15;
	s3 =	sshrl.u32 s15, $0x1F;
	s15 =	sld [smem:$0x699]  }
0x2af: {  	v5 =	vsel vm1, s2, v5;
	v1 =	vsel vm4, s19, v1;
	v4 =	vsel vm5, s0, v4;
	s0 =	sshrl.u32 s24, $0x1F;
	s19 =	sld [smem:$0x691]  }
0x2b0: {  	v39 =	vsel vm2, s4, v5;
	s16 =	sshrl.u32 s12, $0x1F;
	s4 =	sshrl.u32 s20, $0x1F;
	v1 =	vsel vm5, s21, v1;
	s21 =	sld [smem:$0x693]  }
0x2b1: {  	v4 =	vsel vm6, s0, v4;
	s0 =	sshrl.u32 s26, $0x1F;
	s17 =	sshrl.u32 s14, $0x1F;
	v1 =	vsel vm6, s24, v1;
	s24 =	spop (v2sf)  }
0x2b2: {  	v40 =	vsel vm7, s0, v4;
	s0 =	sshrl.u32 s18, $0x1F;
	v41 =	vsel vm7, s26, v1;
	v1 =	vmov s28;
	s7 =	smulhi.u32 $0x2AAAAAAB, s24;
	s26 =	sld [smem:$0x695]  }
0x2b3: {  	(v2sf) =	vpush v3, $0x5;
	s6 =	sshra.s32 s24, $0x1F;
	v1 =	vsel vm0, s12, v1;
	s25 =	sshrl.u32 s21, $0x1F;
	s28 =	spop (v2sf)  }
0x2b4: {  	v38 =	vmov s21;
	s6 =	smul.u32 $0x2AAAAAAB, s6;
	v1 =	vsel vm1, s14, v1;
	v43 =	vmov s25;
	s8 =	sshra.s32 s28, $0x1F;
	s25 =	sld [smem:$0x69D]  }
0x2b5: {  	v5 =	vnsel vm3, $0x0, v38;
	s12 =	spop (v2sf);
	v42 =	vsel vm2, s18, v1;
	s1 =	sshrl.u32 s26, $0x1F;
	s18 =	sld [smem:$0x69A]  }
0x2b6: {  	v4 =	vsel vm0, s16, v32;
	v1 =	vsel vm0, s19, v36;
	v5 =	vsel vm0, s26, v5;
	s11 =	smul.u32 $0x2AAAAAAB, s8;
	s8 =	sshra.s32 s12, $0x1F;
	s26 =	sld [smem:$0x69E]  }
0x2b7: {  	(v2sf) =	vpush v3, $0x6;
	v4 =	vsel vm1, s17, v4;
	s17 =	spop (v2sf);
	s7 =	sadd.s32 s6, s7;
	v1 =	vsel vm1, s20, v1;
	s20 =	sld [smem:$0x69B]  }
0x2b8: {  	s2 =	sshrl.u32 s19, $0x1F;
	s16 =	smul.u32 $0x2AAAAAAB, s8;
	[smem:$0x6F1] =	sst s7  }
0x2b9: {  	(v2sf) =	vpush v3, $0x7;
	v48 =	vmov s3;
	s19 =	smulhi.u32 $0x2AAAAAAB, s17;
	s8 =	sshra.s32 s17, $0x1F;
	s17 =	sld [smem:$0x6A0]  }
0x2ba: {  	s23 =	sshrl.u32 s22, $0x1F;
	v47 =	vnsel vm3, $0x0, v43;
	s14 =	smulhi.u32 $0x2AAAAAAB, s12;
	v3 =	vsel vm1, s9, v5;
	v5 =	vsel vm0, s2, v48;
	s2 =	sld [smem:$0x6AB]  }
0x2bb: {  	v46 =	vsel vm2, s0, v4;
	s0 =	sshrl.u32 s9, $0x1F;
	s9 =	smulhi.u32 $0x2AAAAAAB, s28;
	v4 =	vsel vm0, s1, v47;
	v1 =	vsel vm2, s22, v1;
	s22 =	sld [smem:$0x69C]  }
0x2bc: {  	v12 =	vld [tilespmem:$0x20B0];
	s21 =	spop (v2sf);
	v3 =	vsel vm2, s10, v3;
	v4 =	vsel vm1, s0, v4;
	s0 =	sshrl.u32 s13, $0x1F;
	v5 =	vsel vm1, s4, v5;
	s4 =	sld [smem:$0x6A5]  }
0x2bd: {  	v3 =	vsel vm4, s13, v3;
	s12 =	sadd.s32 s11, s9;
	s13 =	sadd.s32 s16, s14;
	s16 =	sld [smem:$0x69F]  }
0x2be: {  	s1 =	sshrl.u32 s10, $0x1F;
	s8 =	smul.u32 $0x2AAAAAAB, s8;
	[smem:$0x6EE] =	sst s12  }
0x2bf: {  	s24 =	sshra.s32 s21, $0x1F;
	v4 =	vsel vm2, s1, v4;
	s1 =	sshrl.u32 s15, $0x1F;
	[smem:$0x6F3] =	sst s13  }
0x2c0: {  	v8 =	vsel vm2, s23, v5;
	s23 =	smulhi.u32 $0x2AAAAAAB, s21;
	s14 =	sadd.s32 s8, s19;
	s19 =	sld [smem:$0x6A1]  }
0x2c1: {  	(v2sf) =	vpush v12, $0xD;
	s10 =	smul.u32 $0x2AAAAAAB, s24;
	s28 =	sshrl.u32 s26, $0x1F;
	v4 =	vsel vm4, s0, v4;
	s13 =	sld [smem:$0x6A6]  }
0x2c2: {  	s0 =	sshrl.u32 s18, $0x1F;
	v4 =	vsel vm5, s1, v4;
	s1 =	sshrl.u32 s20, $0x1F;
	[smem:$0x6F4] =	sst s14  }
0x2c3: {  	v3 =	vsel vm5, s15, v3;
	v49 =	vmov s20;
	s15 =	sadd.s32 s10, s23;
	s20 =	sld [smem:$0x6A2];
	s23 =	spop (v2sf)  }
0x2c4: {  	s14 =	sshrl.u32 s4, $0x1F;
	s10 =	sld [smem:$0x6AD];
	v4 =	vsel vm6, s0, v4;
	s0 =	sshrl.u32 s22, $0x1F  }
0x2c5: {  	(v2sf) =	vpush v12, $0xC;
	v3 =	vsel vm6, s18, v3;
	v5 =	vsel vm0, s22, v49;
	[smem:$0x6F5] =	sst s15;
	s18 =	sshrl.u32 s16, $0x1F;
	s22 =	sshrl.u32 s17, $0x1F  }
0x2c6: {  	v50 =	vmov s1;
	v14 =	vsel vm7, s25, v3;
	v3 =	vsel vm1, s26, v5;
	s7 =	sshra.s32 s23, $0x1F;
	s26 =	sld [smem:$0x6A3];
	s3 =	spop (v2sf)  }
0x2c7: {  	s1 =	sld [smem:$0x6B4];
	v6 =	vsel vm0, s0, v50;
	s0 =	sshrl.u32 s25, $0x1F;
	s25 =	smulhi.u32 $0x2AAAAAAB, s23  }
0x2c8: {  	(v2sf) =	vpush v12, $0xE;
	s21 =	sshrl.u32 s19, $0x1F;
	s7 =	smul.u32 $0x2AAAAAAB, s7;
	v51 =	vsel vm1, s28, v6;
	s28 =	sld [smem:$0x6A4]  }
0x2c9: {  	s12 =	smulhi.u32 $0x2AAAAAAB, s3;
	s9 =	sshra.s32 s3, $0x1F;
	v15 =	vsel vm7, s0, v4;
	v4 =	vsel vm2, s16, v3;
	s16 =	sld [smem:$0x6A7]  }
0x2ca: {  	v53 =	vmov s22;
	s15 =	spop (v2sf);
	v52 =	vmov s20;
	s24 =	sshrl.u32 s20, $0x1F;
	s20 =	sld [smem:$0x6A8]  }
0x2cb: {  	(v2sf) =	vpush v12, $0xF;
	v3 =	vmov s17;
	v6 =	vsel vm0, s21, v53;
	s9 =	smul.u32 $0x2AAAAAAB, s9;
	s17 =	sshrl.u32 s13, $0x1F;
	s21 =	sld [smem:$0x6A9]  }
0x2cc: {  	v36 =	vsel vm2, s18, v51;
	v3 =	vsel vm0, s19, v3;
	s0 =	sshrl.u32 s26, $0x1F;
	s18 =	smulhi.u32 $0x2AAAAAAB, s15;
	s19 =	sshra.s32 s15, $0x1F  }
0x2cd: {  	(v2sf) =	vpush v12, $0x9;
	v54 =	vmov s24;
	s7 =	sadd.s32 s7, s25;
	s25 =	sld [smem:$0x6AA];
	s24 =	smul.u32 $0x2AAAAAAB, s19  }
0x2ce: {  	v5 =	vnsel vm3, $0x0, v52;
	v6 =	vsel vm1, s0, v6;
	s6 =	sadd.s32 s9, s12;
	s19 =	sld [smem:$0x6AE];
	s22 =	sshrl.u32 s20, $0x1F  }
0x2cf: {  	v7 =	vnsel vm3, $0x0, v54;
	v5 =	vsel vm0, s28, v5;
	s11 =	sshrl.u32 s28, $0x1F;
	v44 =	vsel vm2, s22, v6;
	s28 =	sadd.s32 s24, s18;
	s22 =	sld [smem:$0x6B0]  }
0x2d0: {  	v5 =	vsel vm1, s4, v5;
	v7 =	vsel vm0, s11, v7;
	s18 =	sshrl.u32 s5, $0x1F;
	s24 =	spop (v2sf);
	[smem:$0x6F6] =	sst s28  }
0x2d1: {  	v5 =	vsel vm2, s13, v5;
	v7 =	vsel vm1, s14, v7;
	s14 =	smulhi.u32 $0x2AAAAAAB, s24;
	s13 =	sshra.s32 s24, $0x1F;
	s24 =	sld [smem:$0x6B7]  }
0x2d2: {  	v3 =	vsel vm1, s26, v3;
	s23 =	sshrl.u32 s16, $0x1F;
	s11 =	sshrl.u32 s10, $0x1F;
	v58 =	vmov s18;
	v5 =	vsel vm4, s16, v5;
	s16 =	sld [smem:$0x6B3]  }
0x2d3: {  	v18 =	vsel vm2, s20, v3;
	s26 =	sshrl.u32 s21, $0x1F;
	s3 =	sshrl.u32 s25, $0x1F;
	v6 =	vsel vm0, s11, v58;
	s11 =	sld [smem:$0x6B6];
	v3 =	vsel vm5, s21, v5  }
0x2d4: {  	s4 =	sshrl.u32 s2, $0x1F;
	s20 =	sshrl.u32 s19, $0x1F;
	v7 =	vsel vm2, s17, v7;
	s21 =	sld [smem:$0x6AF];
	v3 =	vsel vm6, s25, v3  }
0x2d5: {  	v55 =	vsel vm4, s23, v7;
	s9 =	sshrl.u32 s22, $0x1F;
	s23 =	sld [smem:$0x6B1];
	v9 =	vsel vm7, s2, v3;
	v3 =	vmov s5;
	s5 =	spop (v2sf)  }
0x2d6: {  	v5 =	vsel vm5, s26, v55;
	s25 =	sld [smem:$0x6B2];
	s2 =	sshrl.u32 s1, $0x1F;
	s15 =	sshra.s32 s5, $0x1F  }
0x2d7: {  	v6 =	vsel vm1, s20, v6;
	v5 =	vsel vm6, s3, v5;
	s20 =	sshrl.u32 s11, $0x1F;
	v3 =	vsel vm0, s10, v3;
	s3 =	spop (v2sf);
	s15 =	smul.u32 $0x2AAAAAAB, s15  }
0x2d8: {  	(v2sf) =	vpush v12, $0x8;
	v43 =	vsel vm7, s4, v5;
	s12 =	sshrl.u32 s23, $0x1F;
	s4 =	sld [smem:$0x6B5];
	v3 =	vsel vm1, s19, v3;
	s19 =	smulhi.u32 $0x2AAAAAAB, s3  }
0x2d9: {  	(v2sf) =	vpush v12, $0xA;
	v56 =	vmov s21;
	s26 =	sshrl.u32 s25, $0x1F;
	s18 =	sshra.s32 s3, $0x1F;
	v38 =	vsel vm2, s22, v3;
	s22 =	smulhi.u32 $0x2AAAAAAB, s5  }
0x2da: {  	s28 =	sshrl.u32 s21, $0x1F;
	v57 =	vmov s25;
	v3 =	vsel vm0, s23, v56;
	v59 =	vmov s26;
	s21 =	smul.u32 $0x2AAAAAAB, s18;
	s23 =	spop (v2sf)  }
0x2db: {  	v60 =	vmov s28;
	s28 =	sld [smem:$0x6B8];
	v5 =	vnsel vm3, $0x0, v57;
	v7 =	vnsel vm3, $0x0, v59;
	s5 =	sshrl.u32 s4, $0x1F;
	s26 =	smulhi.u32 $0x2AAAAAAB, s23  }
0x2dc: {  	v5 =	vsel vm0, s1, v5;
	s18 =	sshra.s32 s23, $0x1F;
	s1 =	spop (v2sf);
	v7 =	vsel vm0, s2, v7;
	s2 =	sld [smem:$0x6B9]  }
0x2dd: {  	(v2sf) =	vpush v12, $0xB;
	v10 =	vsel vm0, s12, v60;
	v5 =	vsel vm1, s4, v5;
	s18 =	smul.u32 $0x2AAAAAAB, s18;
	s12 =	sadd.s32 s15, s22;
	s22 =	sld [smem:$0x6BB]  }
0x2de: {  	s4 =	smulhi.u32 $0x2AAAAAAB, s1;
	v7 =	vsel vm1, s5, v7;
	v5 =	vsel vm2, s11, v5;
	s5 =	sshra.s32 s1, $0x1F;
	s1 =	sld [smem:$0x6C4]  }
0x2df: {  	(v2sf) =	vpush v12, $0x1;
	s25 =	sshrl.u32 s24, $0x1F;
	v7 =	vsel vm2, s20, v7;
	v5 =	vsel vm4, s24, v5;
	s8 =	sadd.s32 s18, s26;
	s26 =	sld [smem:$0x6BD]  }
0x2e0: {  	v7 =	vsel vm4, s25, v7;
	v5 =	vsel vm5, s28, v5;
	s25 =	sld [smem:$0x6BC]  }
0x2e1: {  	s13 =	smul.u32 $0x2AAAAAAB, s13;
	v61 =	vsel vm6, s2, v5;
	v5 =	vsel vm2, s9, v6;
	s9 =	sadd.s32 s21, s19;
	s19 =	sld [smem:$0x6BA]  }
0x2e2: {  	(v2sf) =	vpush v12, $0x0;
	s17 =	sshrl.u32 s16, $0x1F;
	s3 =	sshrl.u32 s2, $0x1F;
	s2 =	sld [smem:$0x6BE]  }
0x2e3: {  	v13 =	vsel vm1, s17, v10;
	s0 =	sshrl.u32 s28, $0x1F;
	s17 =	smul.u32 $0x2AAAAAAB, s5;
	s21 =	sld [smem:$0x6C0]  }
0x2e4: {  	s10 =	sadd.s32 s13, s14;
	s24 =	sshrl.u32 s22, $0x1F;
	v7 =	vsel vm5, s0, v7;
	v6 =	vsel vm7, s22, v61;
	s22 =	sld [smem:$0x6C1]  }
0x2e5: {  	s11 =	sadd.s32 s17, s4;
	v7 =	vsel vm6, s3, v7;
	s28 =	sshrl.u32 s26, $0x1F;
	s3 =	sld [smem:$0x6BF]  }
0x2e6: {  	v3 =	vsel vm1, s16, v3;
	v7 =	vsel vm7, s24, v7;
	s4 =	sshrl.u32 s25, $0x1F;
	s24 =	sld [smem:$0x6C2];
	s23 =	sshrl.u32 s19, $0x1F  }
0x2e7: {  	v10 =	vsel vm2, s19, v3;
	v3 =	vmov s25;
	s5 =	sshrl.u32 s2, $0x1F;
	s16 =	sshrl.u32 s21, $0x1F;
	s14 =	sshrl.u32 s22, $0x1F  }
0x2e8: {  	v11 =	vsel vm2, s23, v13;
	v3 =	vsel vm0, s26, v3;
	s17 =	sshrl.u32 s3, $0x1F;
	s23 =	spop (v2sf);
	s26 =	sld [smem:$0x6C3]  }
0x2e9: {  	v16 =	vmov s4;
	v62 =	vmov s3;
	s3 =	sld [smem:$0x6C5];
	s19 =	smulhi.u32 $0x2AAAAAAB, s23;
	s18 =	sshra.s32 s23, $0x1F  }
0x2ea: {  	v16 =	vsel vm0, s28, v16;
	s25 =	sshrl.u32 s24, $0x1F;
	s28 =	spop (v2sf);
	s18 =	smul.u32 $0x2AAAAAAB, s18  }
0x2eb: {  	(v2sf) =	vpush v12, $0x2;
	v3 =	vsel vm1, s2, v3;
	v13 =	vsel vm0, s22, v62;
	s2 =	sshrl.u32 s1, $0x1F;
	s23 =	sld [smem:$0x6C6];
	s22 =	smulhi.u32 $0x2AAAAAAB, s28  }
0x2ec: {  	v17 =	vmov s24;
	v16 =	vsel vm1, s5, v16;
	v19 =	vmov s25;
	s20 =	sshra.s32 s28, $0x1F;
	s5 =	spop (v2sf);
	s25 =	sld [smem:$0x6C7]  }
0x2ed: {  	(v2sf) =	vpush v12, $0x3;
	v17 =	vnsel vm3, $0x0, v17;
	s13 =	sshrl.u32 s26, $0x1F;
	s4 =	sshrl.u32 s3, $0x1F;
	s20 =	smul.u32 $0x2AAAAAAB, s20  }
0x2ee: {  	(v2sf) =	vpush v12, $0x4;
	v3 =	vsel vm2, s21, v3;
	v17 =	vsel vm0, s1, v17;
	s21 =	sshra.s32 s5, $0x1F;
	s28 =	spop (v2sf);
	s1 =	sld [smem:$0x6C8]  }
0x2ef: {  	v20 =	vmov s17;
	v19 =	vnsel vm3, $0x0, v19;
	v17 =	vsel vm1, s3, v17;
	s24 =	sshrl.u32 s23, $0x1F;
	s17 =	smul.u32 $0x2AAAAAAB, s21;
	s21 =	sshra.s32 s28, $0x1F  }
0x2f0: {  	v20 =	vsel vm0, s14, v20;
	v19 =	vsel vm0, s2, v19;
	s3 =	sld [smem:$0x6C9];
	s14 =	sadd.s32 s18, s19;
	v17 =	vsel vm2, s23, v17;
	s23 =	smulhi.u32 $0x2AAAAAAB, s5  }
0x2f1: {  	v19 =	vsel vm1, s4, v19;
	s5 =	spop (v2sf);
	s15 =	sadd.s32 s20, s22;
	s22 =	sld [smem:$0x6CE]  }
0x2f2: {  	v13 =	vsel vm1, s26, v13;
	s26 =	sshrl.u32 s25, $0x1F;
	v19 =	vsel vm2, s24, v19;
	s24 =	smulhi.u32 $0x2AAAAAAB, s28;
	s28 =	sld [smem:$0x6CB]  }
0x2f3: {  	(v2sf) =	vpush v12, $0x5;
	v17 =	vsel vm4, s25, v17;
	s19 =	smulhi.u32 $0x2AAAAAAB, s5;
	s25 =	sshra.s32 s5, $0x1F;
	s5 =	sld [smem:$0x6CD]  }
0x2f4: {  	s21 =	smul.u32 $0x2AAAAAAB, s21;
	s2 =	sshrl.u32 s1, $0x1F;
	v19 =	vsel vm4, s26, v19;
	v17 =	vsel vm5, s1, v17;
	s26 =	sld [smem:$0x6CA]  }
0x2f5: {  	v63 =	vsel vm1, s13, v20;
	s4 =	sshrl.u32 s3, $0x1F;
	s13 =	sadd.s32 s17, s23;
	v17 =	vsel vm6, s3, v17;
	s3 =	sld [smem:$0x6CC]  }
0x2f6: {  	(v2sf) =	vpush v12, $0x6;
	v48 =	vsel vm2, s16, v16;
	s23 =	sld [smem:$0x6CF];
	v19 =	vsel vm5, s2, v19;
	s16 =	sadd.s32 s21, s24;
	s2 =	sshrl.u32 s28, $0x1F  }
0x2f7: {  	v19 =	vsel vm6, s4, v19;
	s4 =	smul.u32 $0x2AAAAAAB, s25;
	s24 =	sshrl.u32 s5, $0x1F;
	s25 =	sld [smem:$0x6D0]  }
0x2f8: {  	v20 =	vsel vm7, s28, v17;
	v24 =	vsel vm2, s26, v13;
	s0 =	sshrl.u32 s26, $0x1F;
	s26 =	sld [smem:$0x6D1];
	v17 =	vmov s3;
	s20 =	sshrl.u32 s3, $0x1F  }
0x2f9: {  	s28 =	sshrl.u32 s22, $0x1F;
	s17 =	sadd.s32 s4, s19;
	s4 =	sld [smem:$0x6D2];
	v13 =	vsel vm0, s5, v17;
	v25 =	vmov s20  }
0x2fa: {  	v26 =	vmov s23;
	s5 =	sshrl.u32 s23, $0x1F;
	s23 =	spop (v2sf);
	v13 =	vsel vm1, s22, v13;
	v16 =	vsel vm0, s24, v25;
	s24 =	sld [smem:$0x6D3]  }
0x2fb: {  	s1 =	sshrl.u32 s25, $0x1F;
	s21 =	smulhi.u32 $0x2AAAAAAB, s23;
	v51 =	vsel vm2, s25, v13;
	s25 =	sld [smem:$0x6D4]  }
0x2fc: {  	v27 =	vsel vm0, s26, v26;
	s20 =	sshrl.u32 s26, $0x1F;
	s26 =	spop (v2sf);
	v16 =	vsel vm1, s28, v16;
	s28 =	sld [smem:$0x6D5]  }
0x2fd: {  	(v2sf) =	vpush v12, $0x7;
	v31 =	vmov s5;
	v28 =	vmov s4;
	s22 =	sshrl.u32 s4, $0x1F;
	s3 =	spop (v2sf);
	s4 =	sld [smem:$0x6D7]  }
0x2fe: {  	v45 =	vsel vm2, s1, v16;
	v29 =	vmov s22;
	s22 =	sshra.s32 s23, $0x1F;
	s1 =	sld [smem:$0x6D6];
	v16 =	vsel vm0, s20, v31;
	s20 =	smulhi.u32 $0x2AAAAAAB, s3  }
0x2ff: {  	v23 =	vsel vm2, s0, v63;
	v30 =	vnsel vm3, $0x0, v28;
	v13 =	vsel vm1, s24, v27;
	s19 =	sshrl.u32 s24, $0x1F;
	s24 =	sshra.s32 s26, $0x1F;
	s23 =	sshrl.u32 s25, $0x1F  }
0x300: {  	v21 =	vld [tilespmem:$0x20C0];
	v12 =	vnsel vm3, $0x0, v29;
	v25 =	vsel vm2, s25, v13;
	v13 =	vsel vm0, s28, v30;
	s0 =	sshrl.u32 s28, $0x1F;
	s25 =	smulhi.u32 $0x2AAAAAAB, s26;
	s28 =	sld [smem:$0x6D8]  }
0x301: {  	v49 =	vsel vm7, s2, v19;
	s24 =	smul.u32 $0x2AAAAAAB, s24;
	s5 =	sshrl.u32 s4, $0x1F;
	v12 =	vsel vm0, s0, v12;
	s2 =	sshrl.u32 s1, $0x1F  }
0x302: {  	s26 =	sshra.s32 s3, $0x1F;
	v13 =	vsel vm1, s1, v13;
	s1 =	spop (v2sf);
	v12 =	vsel vm1, s2, v12;
	s2 =	sld [smem:$0x6D9]  }
0x303: {  	v16 =	vsel vm1, s19, v16;
	v13 =	vsel vm2, s4, v13;
	s19 =	smulhi.u32 $0x2AAAAAAB, s1;
	s4 =	sshrl.u32 s29, $0x1F;
	s0 =	sshrl.u32 s28, $0x1F  }
0x304: {  	v13 =	vsel vm4, s28, v13;
	s28 =	smul.u32 $0x2AAAAAAB, s26;
	s26 =	sshra.s32 s1, $0x1F;
	s1 =	sld [smem:$0x6DA]  }
0x305: {  	(v2sf) =	vpush v21, $0xD;
	s25 =	sadd.s32 s24, s25;
	v12 =	vsel vm2, s5, v12;
	s5 =	spop (v2sf);
	v13 =	vsel vm5, s2, v13;
	s3 =	sshrl.u32 s2, $0x1F  }
0x306: {  	v12 =	vsel vm4, s0, v12;
	s24 =	sadd.s32 s28, s20;
	s28 =	sld [smem:$0x6DF];
	v13 =	vsel vm6, s29, v13;
	s29 =	smul.u32 $0x2AAAAAAB, s26  }
0x307: {  	v12 =	vsel vm5, s3, v12;
	s2 =	sshrl.u32 s1, $0x1F;
	s3 =	smulhi.u32 $0x2AAAAAAB, s5;
	s26 =	sshra.s32 s5, $0x1F  }
0x308: {  	v32 =	vmov s1;
	s1 =	sld [smem:$0x6DB];
	v12 =	vsel vm6, s4, v12;
	s4 =	sshrl.u32 s30, $0x1F;
	s5 =	smul.u32 $0x2AAAAAAB, s26  }
0x309: {  	(v2sf) =	vpush v21, $0xC;
	v12 =	vsel vm7, s4, v12;
	s4 =	sld [smem:$0x6DD]  }
0x30a: {  	s18 =	sadd.s32 s5, s3;
	s3 =	sld [smem:$0x6DC]  }
0x30b: {  	(v2sf) =	vpush v21, $0xE;
	s22 =	smul.u32 $0x2AAAAAAB, s22;
	s20 =	sadd.s32 s29, s19;
	s29 =	sld [smem:$0x6E0]  }
0x30c: {  	(v2sf) =	vpush v21, $0xF;
	v50 =	vmov s2;
	s2 =	sshrl.u32 s1, $0x1F;
	s5 =	sld [smem:$0x6DE]  }
0x30d: {  	v47 =	vsel vm2, s23, v16;
	s26 =	sadd.s32 s22, s21;
	v55 =	vsel vm0, s1, v32;
	v56 =	vsel vm0, s2, v50;
	s2 =	sld [smem:$0x6E1];
	s21 =	sshrl.u32 s3, $0x1F  }
0x30e: {  	v54 =	vsel vm7, s30, v13;
	s30 =	sshrl.u32 s28, $0x1F;
	v13 =	vsel vm1, s3, v55;
	s3 =	sld [smem:$0x6E4];
	v16 =	vsel vm1, s21, v56  }
0x30f: {  	s1 =	sshrl.u32 s31, $0x1F;
	v57 =	vmov s4;
	v58 =	vmov s5;
	v16 =	vsel vm2, s30, v16;
	s30 =	sld [smem:$0x6E3]  }
0x310: {  	(v2sf) =	vpush v21, $0x9;
	s23 =	sshrl.u32 s4, $0x1F;
	v17 =	vsel vm0, s29, v57;
	s4 =	sshrl.u32 s5, $0x1F;
	s5 =	sld [smem:$0x6E2];
	v19 =	vnsel vm3, $0x0, v58  }
0x311: {  	v17 =	vsel vm1, s2, v17;
	s19 =	sshrl.u32 s2, $0x1F;
	s2 =	spop (v2sf);
	v22 =	vmov s4;
	s4 =	sld [smem:$0x6E5];
	v19 =	vsel vm0, s31, v19  }
0x312: {  	v13 =	vsel vm2, s28, v13;
	s21 =	sld [smem:$0x6E6];
	s31 =	sshra.s32 s2, $0x1F;
	v22 =	vnsel vm3, $0x0, v22;
	s28 =	sshrl.u32 s3, $0x1F;
	v19 =	vsel vm1, s30, v19  }
0x313: {  	v22 =	vsel vm0, s1, v22;
	s30 =	sshrl.u32 s30, $0x1F;
	v19 =	vsel vm2, s3, v19;
	s3 =	smulhi.u32 $0x2AAAAAAB, s2;
	s2 =	sld [smem:$0x6E7]  }
0x314: {  	s22 =	sshrl.u32 s29, $0x1F;
	s29 =	sshrl.u32 s5, $0x1F;
	v17 =	vsel vm2, s5, v17;
	s5 =	spop (v2sf);
	v22 =	vsel vm1, s30, v22;
	v19 =	vsel vm4, s4, v19  }
0x315: {  	v26 =	vmov s23;
	s0 =	sshra.s32 s5, $0x1F;
	v27 =	vsel vm2, s28, v22;
	s28 =	sld [smem:$0x6E8];
	v19 =	vsel vm5, s21, v19  }
0x316: {  	v26 =	vsel vm0, s22, v26;
	v19 =	vsel vm6, s2, v19;
	s22 =	sshrl.u32 s2, $0x1F;
	s2 =	smul.u32 $0x2AAAAAAB, s0;
	s0 =	sld [smem:$0x6E9]  }
0x317: {  	s31 =	smul.u32 $0x2AAAAAAB, s31;
	s23 =	sshrl.u32 s4, $0x1F  }
0x318: {  	s4 =	smulhi.u32 $0x2AAAAAAB, s5;
	s5 =	spop (v2sf);
	s21 =	sshrl.u32 s21, $0x1F  }
0x319: {  	v26 =	vsel vm1, s19, v26;
	v22 =	vsel vm7, s28, v19;
	s19 =	sshrl.u32 s28, $0x1F;
	s28 =	smulhi.u32 $0x2AAAAAAB, s5;
	s1 =	sshrl.u32 s0, $0x1F  }
0x31a: {  	s30 =	sshra.s32 s5, $0x1F;
	v59 =	vsel vm4, s23, v27;
	s5 =	spop (v2sf);
	v61 =	vmov s1;
	s1 =	sld [smem:$0x6EA]  }
0x31b: {  	v52 =	vsel vm2, s29, v26;
	v19 =	vsel vm5, s21, v59;
	s21 =	smulhi.u32 $0x2AAAAAAB, s5;
	s29 =	sshra.s32 s5, $0x1F  }
0x31c: {  	(v2sf) =	vpush v21, $0x8;
	v19 =	vsel vm6, s22, v19;
	v60 =	vmov s0;
	s22 =	smul.u32 $0x2AAAAAAB, s29;
	s0 =	sld [smem:$0x6EB]  }
0x31d: {  	(v2sf) =	vpush v21, $0xA;
	s31 =	sadd.s32 s31, s3;
	s23 =	smul.u32 $0x2AAAAAAB, s30;
	s5 =	sshrl.u32 s1, $0x1F  }
0x31e: {  	s22 =	sadd.s32 s22, s21;
	s21 =	sld [smem:$0x6F4];
	v26 =	vsel vm0, s1, v60;
	v27 =	vsel vm0, s5, v61;
	s5 =	spop (v2sf)  }
0x31f: {  	v34 =	vcombine.low v39, v34;
	s1 =	sshrl.u32 s0, $0x1F;
	v26 =	vsel vm1, s0, v26;
	s0 =	sld [smem:$0x6EC];
	s29 =	smulhi.u32 $0x2AAAAAAB, s5  }
0x320: {  	v1 =	vcombine.low v1, v42;
	s23 =	sadd.s32 s23, s28;
	v28 =	vsel vm1, s1, v27;
	v27 =	vsel vm7, s19, v19;
	s3 =	spop (v2sf);
	s19 =	sld [smem:$0x6ED]  }
0x321: {  	v34 =	vperm.xlane v34, v0;
	v41 =	vperm.xlane v41, v2;
	(v2sf) =	vpush v21, $0xB;
	s30 =	sshra.s32 s5, $0x1F;
	s1 =	smulhi.u32 $0x2AAAAAAB, s3;
	s3 =	sshra.s32 s3, $0x1F  }
0x322: {  	v8 =	vcombine.low v8, v46;
	v1 =	vperm.xlane v1, v0;
	s5 =	sshrl.u32 s0, $0x1F;
	v50 =	vsel vm2, s0, v26;
	s0 =	sld [smem:$0x6EE];
	s28 =	smul.u32 $0x2AAAAAAB, s3  }
0x323: {  	v14 =	vperm.xlane v14, v2;
	(v2sf) =	vpush v21, $0x1;
	s3 =	sld [smem:$0x6F0];
	v19 =	vsel vm2, s5, v28;
	s5 =	smul.u32 $0x2AAAAAAB, s30;
	s30 =	sshrl.u32 s19, $0x1F  }
0x324: {  	v15 =	vperm.xlane v15, v2;
	(v2sf) =	vpush v21, $0x0;
	v29 =	vmov s30;
	s30 =	sadd.s32 s2, s4;
	s4 =	sld [smem:$0x6EF]  }
0x325: {  	v1 =	vsel vm8, v14, v1;
	v55 =	vmov s12;
	(v2sf) =	vpush v21, $0x2;
	s29 =	sadd.s32 s5, s29;
	s5 =	sld [smem:$0x6F1]  }
0x326: {  	(v2sf) =	vpush v21, $0x3;
	v62 =	vmov s19;
	s19 =	sadd.s32 s28, s1;
	s1 =	sld [smem:$0x6F3];
	v63 =	vmov s0;
	s0 =	sshrl.u32 s0, $0x1F  }
0x327: {  	(v2sf) =	vpush v21, $0x4;
	v61 =	vmov s14;
	[smem:$0x6F7] =	sst s29;
	v30 =	vmov s0  }
0x328: {  	(v2sf) =	vpush v21, $0x5;
	v28 =	vnsel vm3, $0x0, v63;
	s0 =	sld [smem:$0x6F2];
	v30 =	vnsel vm3, $0x0, v30;
	s29 =	sshrl.u32 s5, $0x1F  }
0x329: {  	v26 =	vsel vm0, s4, v62;
	v28 =	vsel vm0, s5, v28;
	v30 =	vsel vm0, s29, v30;
	s29 =	sld [smem:$0x6F5]  }
0x32a: {  	s4 =	sshrl.u32 s4, $0x1F;
	v62 =	vmov s17;
	v26 =	vsel vm1, s3, v26;
	s3 =	sshrl.u32 s3, $0x1F;
	s5 =	sshrl.u32 s1, $0x1F;
	v28 =	vsel vm1, s1, v28  }
0x32b: {  	v29 =	vsel vm0, s4, v29;
	v26 =	vsel vm2, s0, v26;
	s2 =	sshrl.u32 s0, $0x1F;
	s0 =	sshrl.u32 s21, $0x1F;
	s1 =	spop (v2sf);
	v28 =	vsel vm2, s21, v28  }
0x32c: {  	v29 =	vsel vm1, s3, v29;
	v30 =	vsel vm1, s5, v30;
	s4 =	smulhi.u32 $0x2AAAAAAB, s1;
	s5 =	sshra.s32 s1, $0x1F;
	s21 =	spop (v2sf);
	v28 =	vsel vm4, s29, v28  }
0x32d: {  	v56 =	vsel vm2, s2, v29;
	s2 =	sshrl.u32 s12, $0x1F;
	s12 =	sshrl.u32 s10, $0x1F;
	v30 =	vsel vm2, s0, v30;
	s0 =	sshrl.u32 s6, $0x1F;
	v28 =	vsel vm5, s7, v28  }
0x32e: {  	(v2sf) =	vpush v21, $0x6;
	v29 =	vsel vm0, s10, v55;
	s1 =	sshra.s32 s21, $0x1F;
	s28 =	sshrl.u32 s29, $0x1F;
	v28 =	vsel vm6, s6, v28;
	s6 =	smul.u32 $0x2AAAAAAB, s5  }
0x32f: {  	(v2sf) =	vpush v21, $0x7;
	v55 =	vnsel vm3, $0x0, v62;
	s7 =	sshrl.u32 s7, $0x1F;
	v30 =	vsel vm4, s28, v30;
	s28 =	sld [smem:$0x6F6];
	s5 =	smulhi.u32 $0x2AAAAAAB, s21  }
0x330: {  	v58 =	vld [tilespmem:$0x20D0];
	s10 =	sshrl.u32 s9, $0x1F;
	s3 =	spop (v2sf);
	v60 =	vsel vm1, s9, v29;
	v29 =	vsel vm0, s11, v61;
	v32 =	vsel vm5, s7, v30;
	s7 =	smul.u32 $0x2AAAAAAB, s1  }
0x331: {  	v59 =	vmov s2;
	s2 =	sshrl.u32 s13, $0x1F;
	v61 =	vcombine.low v37, v35;
	v63 =	vsel vm1, s15, v29;
	s21 =	smulhi.u32 $0x2AAAAAAB, s3;
	s1 =	sshrl.u32 s15, $0x1F  }
0x332: {  	v29 =	vsel vm0, s16, v55;
	v55 =	vsel vm2, s13, v63;
	s15 =	sshrl.u32 s16, $0x1F;
	v53 =	vsel vm7, s28, v28;
	s29 =	sshrl.u32 s28, $0x1F;
	s28 =	sshrl.u32 s14, $0x1F  }
0x333: {  	v29 =	vsel vm1, s26, v29;
	v63 =	vperm.xlane v40, v2;
	v28 =	vsel vm6, s0, v32;
	s0 =	sshrl.u32 s11, $0x1F;
	s14 =	sshrl.u32 s17, $0x1F;
	s17 =	spop (v2sf)  }
0x334: {  	v29 =	vsel vm2, s25, v29;
	v30 =	vperm.xlane v61, v0;
	s4 =	sadd.s32 s6, s4;
	v57 =	vsel vm7, s29, v28;
	s29 =	sshra.s32 s3, $0x1F;
	s16 =	smulhi.u32 $0x2AAAAAAB, s17  }
0x335: {  	v29 =	vsel vm4, s24, v29;
	(v2sf) =	vpush v58, $0xD;
	s3 =	sshrl.u32 s8, $0x1F;
	v28 =	vsel vm2, s8, v60;
	s9 =	sshra.s32 s17, $0x1F;
	s8 =	smul.u32 $0x2AAAAAAB, s29  }
0x336: {  	v34 =	vsel vm8, v63, v34;
	v29 =	vsel vm5, s20, v29;
	v60 =	vsel vm0, s12, v59;
	s12 =	sshrl.u32 s26, $0x1F;
	s26 =	spop (v2sf);
	s13 =	smul.u32 $0x2AAAAAAB, s9  }
0x337: {  	s5 =	sadd.s32 s7, s5;
	v30 =	vsel vm8, v41, v30;
	(v2sf) =	vpush v58, $0xC;
	v21 =	vsel vm1, s10, v60;
	s10 =	smulhi.u32 $0x2AAAAAAB, s26;
	s9 =	sshra.s32 s26, $0x1F  }
0x338: {  	s20 =	sshrl.u32 s20, $0x1F;
	v35 =	vmov s28;
	v62 =	vmov s14;
	v29 =	vsel vm6, s18, v29;
	s28 =	spop (v2sf);
	s11 =	smul.u32 $0x2AAAAAAB, s9  }
0x339: {  	v30 =	vadd.s32 v34, v30;
	v59 =	vperm.xlane v8, v0;
	s26 =	sshrl.u32 s25, $0x1F;
	(v2sf) =	vpush v58, $0xE;
	s25 =	smulhi.u32 $0x2AAAAAAB, s28;
	s6 =	sshra.s32 s28, $0x1F  }
0x33a: {  	v37 =	vnsel vm3, $0x0, v62;
	v61 =	vshll.u32 v30, $0x9;
	v30 =	vshll.u32 v30, $0x7;
	s9 =	sshrl.u32 s24, $0x1F;
	s29 =	spop (v2sf);
	s14 =	smul.u32 $0x2AAAAAAB, s6  }
0x33b: {  	v21 =	vsel vm2, s3, v21;
	(v2sf) =	vpush v58, $0xF;
	v37 =	vsel vm0, s15, v37;
	s24 =	sshrl.u32 s18, $0x1F;
	s28 =	smulhi.u32 $0x2AAAAAAB, s29;
	s3 =	sshra.s32 s29, $0x1F  }
0x33c: {  	v62 =	vsel vm8, v15, v59;
	v63 =	vand.u32 $0xFFFFF000, v61;
	v30 =	vand.u32 $0x380, v30;
	s6 =	sadd.s32 s8, s21;
	s17 =	spop (v2sf);
	s8 =	smul.u32 $0x2AAAAAAB, s3  }
0x33d: {  	(v2sf) =	vpush v58, $0x9;
	s7 =	sadd.s32 s13, s16;
	v34 =	vadd.s32 v62, v1;
	v1 =	vor.u32 v63, v30;
	v30 =	vld [tilespmem:$0x1FE40];
	s15 =	smulhi.u32 $0x2AAAAAAB, s17;
	s18 =	sshra.s32 s17, $0x1F  }
0x33e: {  	s21 =	spop (v2sf);
	s17 =	sadd.s32 s11, s10;
	s13 =	smul.u32 $0x2AAAAAAB, s18  }
0x33f: {  	v37 =	vsel vm1, s12, v37;
	(v2sf) =	vpush v58, $0x8;
	s11 =	smulhi.u32 $0x2AAAAAAB, s21;
	s12 =	sshra.s32 s21, $0x1F;
	s10 =	sadd.s32 s14, s25  }
0x340: {  	s21 =	sshrl.u32 s31, $0x1F;
	s14 =	smul.u32 $0x2AAAAAAB, s12;
	s29 =	spop (v2sf)  }
0x341: {  	s12 =	sadd.s32 s8, s28;
	(v2sf) =	vpush v58, $0xA;
	s16 =	smulhi.u32 $0x2AAAAAAB, s29;
	s3 =	sshra.s32 s29, $0x1F  }
0x342: {  	v60 =	vsel vm2, s26, v37;
	s13 =	sadd.s32 s13, s15;
	s26 =	spop (v2sf);
	v15 =	vor.u32 v30, v1;
	v1 =	vcombine.low v18, v4;
	s25 =	smul.u32 $0x2AAAAAAB, s3  }
0x343: {  	v31 =	vsel vm0, s0, v35;
	(v2sf) =	vpush v58, $0xB;
	s14 =	sadd.s32 s14, s11;
	s28 =	smulhi.u32 $0x2AAAAAAB, s26;
	s29 =	sshra.s32 s26, $0x1F  }
0x344: {  	v8 =	vsel vm7, s31, v29;
	s31 =	smul.u32 $0x2AAAAAAB, s29;
	v35 =	vperm.xlane v1, v0;
	v1 =	vsel vm1, s1, v31;
	s1 =	sshrl.u32 s23, $0x1F;
	s3 =	spop (v2sf)  }
0x345: {  	v37 =	vsel vm4, s9, v60;
	(v2sf) =	vpush v58, $0x1;
	s15 =	sadd.s32 s25, s16;
	s8 =	smulhi.u32 $0x2AAAAAAB, s3;
	s18 =	sshra.s32 s3, $0x1F  }
0x346: {  	v41 =	vmov s4;
	v14 =	vshll.u32 v34, $0x9;
	v39 =	vsel vm5, s20, v37;
	s25 =	sshrl.u32 s30, $0x1F;
	s26 =	spop (v2sf);
	s11 =	smul.u32 $0x2AAAAAAB, s18  }
0x347: {  	v30 =	vand.u32 $0xFFFFF000, v14;
	v4 =	vsel vm6, s24, v39;
	(v2sf) =	vpush v58, $0x0;
	s16 =	sadd.s32 s31, s28;
	s9 =	smulhi.u32 $0x2AAAAAAB, s26;
	s28 =	sshra.s32 s26, $0x1F  }
0x348: {  	v14 =	vsel vm7, s21, v4;
	v4 =	vsel vm0, s19, v41;
	v46 =	vmov s1;
	s1 =	sshrl.u32 s6, $0x1F;
	s29 =	spop (v2sf);
	s18 =	smul.u32 $0x2AAAAAAB, s28  }
0x349: {  	v36 =	vcombine.low v44, v36;
	v4 =	vsel vm1, s5, v4;
	(v2sf) =	vpush v58, $0x2;
	s31 =	sld [smem:$0x6F7];
	s20 =	smulhi.u32 $0x2AAAAAAB, s29;
	s0 =	sshra.s32 s29, $0x1F  }
0x34a: {  	v40 =	vmov s23;
	v4 =	vsel vm2, s6, v4;
	s6 =	sshrl.u32 s7, $0x1F;
	s24 =	spop (v2sf);
	s23 =	smul.u32 $0x2AAAAAAB, s0  }
0x34b: {  	v36 =	vperm.xlane v36, v0;
	v18 =	vsel vm2, s2, v1;
	(v2sf) =	vpush v58, $0x3;
	s3 =	sshrl.u32 s4, $0x1F;
	s21 =	smulhi.u32 $0x2AAAAAAB, s24;
	s2 =	sshra.s32 s24, $0x1F  }
0x34c: {  	v6 =	vperm.xlane v6, v2;
	v42 =	vmov s17;
	v1 =	vsel vm0, s30, v40;
	s0 =	sshrl.u32 s19, $0x1F;
	s29 =	spop (v2sf);
	s19 =	smul.u32 $0x2AAAAAAB, s2  }
0x34d: {  	v37 =	vperm.xlane v9, v2;
	v9 =	vnsel vm3, $0x0, v42;
	v1 =	vsel vm1, s22, v1;
	s26 =	sshrl.u32 s22, $0x1F;
	s22 =	smulhi.u32 $0x2AAAAAAB, s29;
	s4 =	sshra.s32 s29, $0x1F  }
0x34e: {  	v7 =	vperm.xlane v7, v2;
	v9 =	vsel vm0, s7, v9;
	(v2sf) =	vpush v58, $0x4;
	s28 =	sshrl.u32 s31, $0x1F;
	s30 =	spop (v2sf);
	s24 =	smul.u32 $0x2AAAAAAB, s4  }
0x34f: {  	v10 =	vcombine.low v10, v38;
	v9 =	vsel vm1, s10, v9;
	v1 =	vsel vm2, s31, v1;
	s31 =	sshrl.u32 s17, $0x1F;
	s17 =	smulhi.u32 $0x2AAAAAAB, s30;
	s4 =	sshra.s32 s30, $0x1F  }
0x350: {  	v29 =	vsel vm0, s25, v46;
	(v2sf) =	vpush v58, $0x5;
	v41 =	vmov s3;
	s3 =	sshrl.u32 s13, $0x1F;
	s25 =	smul.u32 $0x2AAAAAAB, s4;
	s7 =	spop (v2sf)  }
0x351: {  	v5 =	vcombine.low v11, v5;
	v60 =	vsel vm2, s12, v9;
	v59 =	vsel vm1, s26, v29;
	v29 =	vld [tilespmem:$0x20E0];
	s2 =	sshrl.u32 s5, $0x1F;
	s26 =	smulhi.u32 $0x2AAAAAAB, s7;
	s4 =	sshra.s32 s7, $0x1F  }
0x352: {  	(v2sf) =	vpush v58, $0x6;
	v9 =	vsel vm2, s28, v59;
	v62 =	vmov s31;
	s29 =	sshrl.u32 s10, $0x1F;
	s30 =	spop (v2sf);
	s28 =	smul.u32 $0x2AAAAAAB, s4  }
0x353: {  	v3 =	vcombine.low v24, v3;
	v61 =	vsel vm4, s13, v60;
	s10 =	sshrl.u32 s12, $0x1F;
	v40 =	vnsel vm3, $0x0, v62;
	s12 =	smulhi.u32 $0x2AAAAAAB, s30;
	s31 =	sshra.s32 s30, $0x1F  }
0x354: {  	v39 =	vsel vm5, s14, v61;
	(v2sf) =	vpush v58, $0x7;
	v40 =	vsel vm0, s6, v40;
	s4 =	sshrl.u32 s14, $0x1F;
	s13 =	spop (v2sf);
	s14 =	smul.u32 $0x2AAAAAAB, s31  }
0x355: {  	v63 =	vperm.xlane v43, v2;
	v39 =	vsel vm6, s15, v39;
	s5 =	sshrl.u32 s15, $0x1F;
	v40 =	vsel vm1, s29, v40;
	s29 =	smulhi.u32 $0x2AAAAAAB, s13;
	s15 =	sshra.s32 s13, $0x1F  }
0x356: {  	v31 =	vshll.u32 v34, $0x7;
	v34 =	vsel vm7, s16, v39;
	s6 =	sshrl.u32 s16, $0x1F;
	(v2sf) =	vpush v29, $0xD;
	s30 =	spop (v2sf);
	s16 =	smul.u32 $0x2AAAAAAB, s15  }
0x357: {  	v36 =	vsel vm8, v63, v36;
	v35 =	vsel vm8, v37, v35;
	v44 =	vsel vm2, s10, v40;
	s7 =	sadd.s32 s11, s8;
	s8 =	smulhi.u32 $0x2AAAAAAB, s30;
	s10 =	sshra.s32 s30, $0x1F  }
0x358: {  	v40 =	vsel vm0, s0, v41;
	(v2sf) =	vpush v29, $0xC;
	v41 =	vsel vm4, s3, v44;
	s3 =	sshrl.u32 s7, $0x1F;
	s11 =	spop (v2sf);
	s31 =	smul.u32 $0x2AAAAAAB, s10  }
0x359: {  	v20 =	vperm.xlane v20, v2;
	v3 =	vperm.xlane v3, v0;
	v35 =	vadd.s32 v36, v35;
	s15 =	sadd.s32 s18, s9;
	s9 =	sadd.s32 s23, s20;
	s20 =	smulhi.u32 $0x2AAAAAAB, s11  }
0x35a: {  	v5 =	vperm.xlane v5, v0;
	v36 =	vshll.u32 v35, $0x9;
	(v2sf) =	vpush v29, $0xE;
	s13 =	sshra.s32 s11, $0x1F;
	s10 =	sadd.s32 s19, s21;
	s23 =	spop (v2sf)  }
0x35b: {  	v58 =	vshll.u32 v35, $0x7;
	v35 =	vsel vm8, v20, v3;
	v20 =	vsel vm5, s4, v41;
	s4 =	sshrl.u32 s15, $0x1F;
	s19 =	smul.u32 $0x2AAAAAAB, s13;
	s13 =	sadd.s32 s24, s22  }
0x35c: {  	v10 =	vperm.xlane v10, v0;
	v5 =	vsel vm8, v7, v5;
	(v2sf) =	vpush v29, $0xF;
	s21 =	smulhi.u32 $0x2AAAAAAB, s23;
	s11 =	sshra.s32 s23, $0x1F;
	s22 =	sadd.s32 s25, s17  }
0x35d: {  	v62 =	vcombine.low v23, v48;
	v7 =	vsel vm1, s2, v40;
	v20 =	vsel vm6, s5, v20;
	s24 =	spop (v2sf);
	s23 =	sadd.s32 s28, s26;
	s17 =	smul.u32 $0x2AAAAAAB, s11  }
0x35e: {  	v23 =	vsel vm2, s1, v7;
	(v2sf) =	vpush v29, $0x9;
	v7 =	vsel vm7, s6, v20;
	s6 =	sshrl.u32 s10, $0x1F;
	s25 =	smulhi.u32 $0x2AAAAAAB, s24;
	s11 =	sshra.s32 s24, $0x1F  }
0x35f: {  	v10 =	vsel vm8, v6, v10;
	s24 =	sadd.s32 s14, s12;
	s28 =	smul.u32 $0x2AAAAAAB, s11;
	s30 =	spop (v2sf)  }
0x360: {  	v5 =	vadd.s32 v5, v10;
	v17 =	vcombine.low v17, v13;
	s11 =	sadd.s32 s16, s29;
	(v2sf) =	vpush v29, $0x8;
	s26 =	smulhi.u32 $0x2AAAAAAB, s30;
	s14 =	sshra.s32 s30, $0x1F  }
0x361: {  	v10 =	vshll.u32 v5, $0x9;
	v5 =	vshll.u32 v5, $0x7;
	v16 =	vcombine.low v52, v16;
	s29 =	sadd.s32 s31, s8;
	s18 =	spop (v2sf);
	s31 =	smul.u32 $0x2AAAAAAB, s14  }
0x362: {  	v10 =	vand.u32 $0xFFFFF000, v10;
	v17 =	vperm.xlane v17, v0;
	v60 =	vld [tilespmem:$0x1FE50];
	s16 =	sadd.s32 s19, s20;
	(v2sf) =	vpush v29, $0xA;
	s20 =	smulhi.u32 $0x2AAAAAAB, s18;
	s14 =	sshra.s32 s18, $0x1F  }
0x363: {  	v16 =	vperm.xlane v16, v0;
	v22 =	vperm.xlane v22, v2;
	v63 =	vand.u32 $0x380, v5;
	s17 =	sadd.s32 s17, s21;
	s21 =	spop (v2sf);
	s14 =	smul.u32 $0x2AAAAAAB, s14  }
0x364: {  	v27 =	vperm.xlane v27, v2;
	v32 =	vor.u32 v10, v63;
	s18 =	sadd.s32 s28, s25;
	(v2sf) =	vpush v29, $0xB;
	s28 =	smulhi.u32 $0x2AAAAAAB, s21;
	s30 =	sshra.s32 s21, $0x1F  }
0x365: {  	v42 =	vperm.xlane v54, v2;
	v46 =	vand.u32 $0x380, v31;
	v43 =	vmov s15;
	s19 =	sadd.s32 s31, s26;
	s21 =	smul.u32 $0x2AAAAAAB, s30;
	s31 =	spop (v2sf)  }
0x366: {  	v31 =	vld [tilespmem:$0x1FE60];
	v30 =	vor.u32 v30, v46;
	v44 =	vsel vm0, s7, v43;
	s7 =	sshrl.u32 s22, $0x1F;
	(v2sf) =	vpush v29, $0x1;
	s8 =	smulhi.u32 $0x2AAAAAAB, s31;
	s25 =	sshra.s32 s31, $0x1F  }
0x367: {  	v6 =	vor.u32 v60, v30;
	v59 =	vand.u32 $0xFFFFF000, v36;
	v36 =	vcombine.low v25, v51;
	s20 =	sadd.s32 s14, s20;
	s26 =	spop (v2sf);
	s14 =	smul.u32 $0x2AAAAAAB, s25  }
0x368: {  	v30 =	vperm.xlane v49, v2;
	v11 =	vand.u32 $0x380, v58;
	s21 =	sadd.s32 s21, s28;
	(v2sf) =	vpush v29, $0x0;
	s12 =	smulhi.u32 $0x2AAAAAAB, s26;
	s28 =	sshra.s32 s26, $0x1F  }
0x369: {  	v61 =	vor.u32 v59, v11;
	v38 =	vperm.xlane v36, v0;
	v11 =	vperm.xlane v62, v0;
	s2 =	sshrl.u32 s23, $0x1F;
	s30 =	spop (v2sf);
	s25 =	smul.u32 $0x2AAAAAAB, s28  }
0x36a: {  	v54 =	vmov s4;
	v51 =	vmov s29;
	s29 =	sshrl.u32 s29, $0x1F;
	(v2sf) =	vpush v29, $0x2;
	s26 =	smulhi.u32 $0x2AAAAAAB, s30;
	s0 =	sshra.s32 s30, $0x1F  }
0x36b: {  	v5 =	vor.u32 v31, v61;
	v48 =	vsel vm8, v42, v38;
	v25 =	vsel vm0, s3, v54;
	s3 =	sshrl.u32 s18, $0x1F;
	s15 =	spop (v2sf);
	s30 =	smul.u32 $0x2AAAAAAB, s0  }
0x36c: {  	v20 =	vsel vm1, s9, v44;
	v46 =	vmov s22;
	s5 =	sshrl.u32 s20, $0x1F;
	(v2sf) =	vpush v29, $0x3;
	s28 =	smulhi.u32 $0x2AAAAAAB, s15;
	s1 =	sshra.s32 s15, $0x1F  }
0x36d: {  	v11 =	vsel vm8, v30, v11;
	v10 =	vsel vm2, s10, v20;
	v49 =	vsel vm0, s13, v46;
	s31 =	sshrl.u32 s9, $0x1F;
	s22 =	spop (v2sf);
	s10 =	smul.u32 $0x2AAAAAAB, s1  }
0x36e: {  	v20 =	vsel vm1, s23, v49;
	v24 =	vnsel vm3, $0x0, v51;
	s0 =	sshrl.u32 s13, $0x1F;
	(v2sf) =	vpush v29, $0x4;
	s13 =	smulhi.u32 $0x2AAAAAAB, s22;
	s23 =	sshra.s32 s22, $0x1F  }
0x36f: {  	v37 =	vadd.s32 v11, v35;
	v20 =	vsel vm2, s24, v20;
	v24 =	vsel vm0, s11, v24;
	s1 =	sshrl.u32 s24, $0x1F;
	s23 =	smul.u32 $0x2AAAAAAB, s23;
	s24 =	spop (v2sf)  }
0x370: {  	v62 =	vmov s29;
	v24 =	vsel vm1, s16, v24;
	s9 =	sshrl.u32 s17, $0x1F;
	(v2sf) =	vpush v29, $0x5;
	s22 =	smulhi.u32 $0x2AAAAAAB, s24;
	s4 =	sshra.s32 s24, $0x1F  }
0x371: {  	v38 =	vnsel vm3, $0x0, v62;
	v60 =	vsel vm2, s17, v24;
	v59 =	vsel vm1, s31, v25;
	s31 =	sshrl.u32 s11, $0x1F;
	v25 =	vld [tilespmem:$0x20F0];
	s15 =	spop (v2sf);
	s11 =	smul.u32 $0x2AAAAAAB, s4  }
0x372: {  	v24 =	vsel vm2, s6, v59;
	s6 =	sshrl.u32 s16, $0x1F;
	v41 =	vsel vm0, s31, v38;
	(v2sf) =	vpush v29, $0x6;
	s16 =	smulhi.u32 $0x2AAAAAAB, s15;
	s4 =	sshra.s32 s15, $0x1F  }
0x373: {  	v11 =	vshll.u32 v37, $0x9;
	v30 =	vshll.u32 v37, $0x7;
	v37 =	vsel vm1, s6, v41;
	s6 =	sshrl.u32 s21, $0x1F;
	s17 =	spop (v2sf);
	s24 =	smul.u32 $0x2AAAAAAB, s4  }
0x374: {  	v63 =	vmov s7;
	v61 =	vsel vm4, s18, v60;
	s10 =	sadd.s32 s10, s28;
	(v2sf) =	vpush v29, $0x7;
	s18 =	smulhi.u32 $0x2AAAAAAB, s17;
	s29 =	sshra.s32 s17, $0x1F  }
0x375: {  	v54 =	vcombine.low v55, v28;
	v40 =	vsel vm5, s19, v61;
	v55 =	vsel vm0, s0, v63;
	s0 =	sshrl.u32 s10, $0x1F;
	s31 =	smul.u32 $0x2AAAAAAB, s29;
	s15 =	spop (v2sf)  }
0x376: {  	v29 =	vsel vm6, s20, v40;
	s4 =	sshrl.u32 s19, $0x1F;
	(v2sf) =	vpush v25, $0xD;
	s19 =	smulhi.u32 $0x2AAAAAAB, s15;
	s7 =	sshra.s32 s15, $0x1F  }
0x377: {  	v17 =	vsel vm8, v22, v17;
	v16 =	vsel vm8, v27, v16;
	v13 =	vsel vm7, s21, v29;
	s24 =	sadd.s32 s24, s16;
	s21 =	spop (v2sf);
	s20 =	smul.u32 $0x2AAAAAAB, s7  }
0x378: {  	v16 =	vadd.s32 v16, v17;
	v42 =	vsel vm2, s9, v37;
	(v2sf) =	vpush v25, $0xC;
	s7 =	sadd.s32 s14, s8;
	s8 =	smulhi.u32 $0x2AAAAAAB, s21;
	s9 =	sshra.s32 s21, $0x1F  }
0x379: {  	v12 =	vperm.xlane v12, v2;
	v17 =	vshll.u32 v16, $0x9;
	v26 =	vcombine.low v26, v50;
	s15 =	sadd.s32 s25, s12;
	s25 =	spop (v2sf);
	s21 =	smul.u32 $0x2AAAAAAB, s9  }
0x37a: {  	v19 =	vcombine.low v56, v19;
	v58 =	vcombine.low v47, v45;
	(v2sf) =	vpush v25, $0xE;
	s9 =	sadd.s32 s30, s26;
	s26 =	smulhi.u32 $0x2AAAAAAB, s25;
	s12 =	sshra.s32 s25, $0x1F  }
0x37b: {  	v16 =	vshll.u32 v16, $0x7;
	v17 =	vand.u32 $0xFFFFF000, v17;
	v26 =	vperm.xlane v26, v0;
	s14 =	sadd.s32 s23, s13;
	s28 =	spop (v2sf);
	s29 =	smul.u32 $0x2AAAAAAB, s12  }
0x37c: {  	v19 =	vperm.xlane v19, v0;
	v36 =	vperm.xlane v58, v0;
	s23 =	sadd.s32 s11, s22;
	(v2sf) =	vpush v25, $0xF;
	s13 =	smulhi.u32 $0x2AAAAAAB, s28;
	s12 =	sshra.s32 s28, $0x1F  }
0x37d: {  	v14 =	vperm.xlane v14, v2;
	v46 =	vperm.xlane v57, v2;
	v57 =	vsel vm1, s2, v55;
	s2 =	sshrl.u32 s15, $0x1F;
	s30 =	spop (v2sf);
	s11 =	smul.u32 $0x2AAAAAAB, s12  }
0x37e: {  	v18 =	vcombine.low v18, v21;
	v12 =	vsel vm8, v12, v36;
	s25 =	sadd.s32 s31, s18;
	(v2sf) =	vpush v25, $0x9;
	s16 =	smulhi.u32 $0x2AAAAAAB, s30;
	s12 =	sshra.s32 s30, $0x1F  }
0x37f: {  	v45 =	vperm.xlane v53, v2;
	v12 =	vadd.s32 v12, v48;
	v56 =	vsel vm4, s3, v42;
	s3 =	sshrl.u32 s7, $0x1F;
	s17 =	smul.u32 $0x2AAAAAAB, s12;
	s31 =	spop (v2sf)  }
0x380: {  	v18 =	vperm.xlane v18, v0;
	v35 =	vshll.u32 v12, $0x9;
	s12 =	sadd.s32 s20, s19;
	(v2sf) =	vpush v25, $0x8;
	s19 =	smulhi.u32 $0x2AAAAAAB, s31;
	s18 =	sshra.s32 s31, $0x1F  }
0x381: {  	v12 =	vshll.u32 v12, $0x7;
	v49 =	vsel vm8, v45, v26;
	v19 =	vsel vm8, v46, v19;
	s28 =	sadd.s32 s21, s8;
	s22 =	spop (v2sf);
	s8 =	smul.u32 $0x2AAAAAAB, s18  }
0x382: {  	v47 =	vld [tilespmem:$0x1FE80];
	v11 =	vand.u32 $0xFFFFF000, v11;
	v52 =	vadd.s32 v19, v49;
	s20 =	sadd.s32 s29, s26;
	(v2sf) =	vpush v25, $0xA;
	s26 =	smulhi.u32 $0x2AAAAAAB, s22;
	s18 =	sshra.s32 s22, $0x1F  }
0x383: {  	v30 =	vand.u32 $0x380, v30;
	v51 =	vld [tilespmem:$0x1FEA0];
	v19 =	vshll.u32 v52, $0x9;
	v58 =	vsel vm5, s4, v56;
	s21 =	sadd.s32 s11, s13;
	s30 =	spop (v2sf);
	s11 =	smul.u32 $0x2AAAAAAB, s18  }
0x384: {  	v50 =	vld [tilespmem:$0x1FE90];
	v26 =	vand.u32 $0xFFFFF000, v19;
	v19 =	vsel vm6, s5, v58;
	s5 =	sshrl.u32 s14, $0x1F;
	(v2sf) =	vpush v25, $0xB;
	s31 =	smulhi.u32 $0x2AAAAAAB, s30;
	s13 =	sshra.s32 s30, $0x1F  }
0x385: {  	v1 =	vcombine.low v4, v1;
	v12 =	vand.u32 $0x380, v12;
	v11 =	vor.u32 v11, v30;
	s22 =	sadd.s32 s17, s16;
	s13 =	smul.u32 $0x2AAAAAAB, s13;
	s29 =	spop (v2sf)  }
0x386: {  	v43 =	vand.u32 $0xFFFFF000, v35;
	v44 =	vand.u32 $0x380, v16;
	(v2sf) =	vpush v25, $0x1;
	s18 =	sadd.s32 s8, s19;
	s8 =	smulhi.u32 $0x2AAAAAAB, s29;
	s30 =	sshra.s32 s29, $0x1F  }
0x387: {  	v16 =	vor.u32 v47, v11;
	v48 =	vor.u32 v12, v43;
	v17 =	vor.u32 v44, v17;
	s17 =	sadd.s32 s13, s31;
	s31 =	spop (v2sf);
	s13 =	smul.u32 $0x2AAAAAAB, s30  }
0x388: {  	v11 =	vor.u32 v51, v17;
	v17 =	vshll.u32 v52, $0x7;
	(v2sf) =	vpush v25, $0x0;
	s16 =	sadd.s32 s11, s26;
	s11 =	smulhi.u32 $0x2AAAAAAB, s31;
	s19 =	sshra.s32 s31, $0x1F  }
0x389: {  	v12 =	vor.u32 v50, v48;
	v53 =	vand.u32 $0x380, v17;
	v22 =	vsel vm7, s6, v19;
	s6 =	sshrl.u32 s23, $0x1F;
	s26 =	spop (v2sf);
	s19 =	smul.u32 $0x2AAAAAAB, s19  }
0x38a: {  	v59 =	vmov s15;
	v62 =	vmov s23;
	s4 =	sshrl.u32 s9, $0x1F;
	(v2sf) =	vpush v25, $0x2;
	s15 =	smulhi.u32 $0x2AAAAAAB, s26;
	s29 =	sshra.s32 s26, $0x1F  }
0x38b: {  	v60 =	vsel vm2, s1, v57;
	v61 =	vsel vm0, s7, v59;
	v39 =	vsel vm0, s14, v62;
	s14 =	simm.s32 $0x0;
	s30 =	spop (v2sf);
	s26 =	smul.u32 $0x2AAAAAAB, s29  }
0x38c: {  	v43 =	vmov s2;
	v17 =	vsel vm1, s9, v61;
	s2 =	sshrl.u32 s25, $0x1F;
	v44 =	vld.idx.msk [tilespmem:v15+s14+$0x0], $0xffff;
	(v2sf) =	vpush v25, $0x3;
	s9 =	smulhi.u32 $0x2AAAAAAB, s30;
	s1 =	sshra.s32 s30, $0x1F  }
0x38d: {  	v63 =	vperm.xlane v8, v2;
	v45 =	vsel vm0, s3, v43;
	v48 =	vmov s6;
	s6 =	sshrl.u32 s20, $0x1F;
	s31 =	spop (v2sf);
	s29 =	smul.u32 $0x2AAAAAAB, s1  }
0x38e: {  	v17 =	vsel vm2, s10, v17;
	v8 =	vsel vm1, s24, v39;
	s3 =	sshrl.u32 s22, $0x1F;
	(v2sf) =	vpush v25, $0x4;
	s23 =	smulhi.u32 $0x2AAAAAAB, s31;
	s7 =	sshra.s32 s31, $0x1F  }
0x38f: {  	v15 =	vsel vm1, s4, v45;
	v40 =	vmov s28;
	v41 =	vsel vm2, s25, v8;
	s4 =	sshrl.u32 s18, $0x1F;
	s25 =	smul.u32 $0x2AAAAAAB, s7;
	s10 =	spop (v2sf)  }
0x390: {  	v9 =	vcombine.low v23, v9;
	v42 =	vnsel vm3, $0x0, v40;
	(v2sf) =	vpush v25, $0x5;
	s1 =	sshrl.u32 s24, $0x1F;
	s24 =	smulhi.u32 $0x2AAAAAAB, s10;
	s7 =	sshra.s32 s10, $0x1F  }
0x391: {  	v14 =	vsel vm8, v14, v18;
	v1 =	vperm.xlane v1, v0;
	v47 =	vld [tilespmem:$0x2100];
	v8 =	vsel vm0, s12, v42;
	[tilespmem:$0x2230] =	vst v44;
	s31 =	sshrl.u32 s12, $0x1F;
	s10 =	spop (v2sf);
	s12 =	smul.u32 $0x2AAAAAAB, s7  }
0x392: {  	v9 =	vperm.xlane v9, v0;
	v46 =	vsel vm1, s20, v8;
	v36 =	vld.idx.msk [tilespmem:v6+s14+$0x0], $0xffff;
	(v2sf) =	vpush v25, $0x6;
	s30 =	sshrl.u32 s28, $0x1F;
	s20 =	smulhi.u32 $0x2AAAAAAB, s10;
	s7 =	sshra.s32 s10, $0x1F  }
0x393: {  	v3 =	vld [tilespmem:$0x1FE70];
	v35 =	vsel vm0, s5, v48;
	v21 =	vsel vm2, s21, v46;
	v49 =	vmov s30;
	s10 =	sshrl.u32 s21, $0x1F;
	s21 =	spop (v2sf);
	s28 =	smul.u32 $0x2AAAAAAB, s7  }
0x394: {  	v21 =	vsel vm4, s22, v21;
	s5 =	sshrl.u32 s16, $0x1F;
	(v2sf) =	vpush v25, $0x7;
	v37 =	vnsel vm3, $0x0, v49;
	s22 =	smulhi.u32 $0x2AAAAAAB, s21;
	s30 =	sshra.s32 s21, $0x1F  }
0x395: {  	v7 =	vperm.xlane v7, v2;
	v21 =	vsel vm5, s18, v21;
	s14 =	sadd.s32 s19, s11;
	v50 =	vsel vm0, s31, v37;
	s31 =	spop (v2sf);
	s18 =	smul.u32 $0x2AAAAAAB, s30  }
0x396: {  	v28 =	vperm.xlane v54, v0;
	v51 =	vsel vm6, s16, v21;
	v52 =	vsel vm1, s6, v50;
	s6 =	sshrl.u32 s17, $0x1F;
	s16 =	smulhi.u32 $0x2AAAAAAB, s31;
	s7 =	sshra.s32 s31, $0x1F  }
0x397: {  	v58 =	vperm.xlane v34, v2;
	v54 =	vsel vm7, s17, v51;
	[tilespmem:$0x2240] =	vst v36;
	(v2sf) =	vpush v47, $0xD;
	s21 =	simm.s32 $0x0;
	s17 =	spop (v2sf);
	s30 =	smul.u32 $0x2AAAAAAB, s7  }
0x398: {  	v3 =	vor.u32 v3, v32;
	v7 =	vsel vm8, v7, v9;
	v55 =	vsel vm8, v63, v28;
	v5 =	vld.idx.msk [tilespmem:v5+s21+$0x0], $0xffff;
	s7 =	sadd.s32 s13, s8;
	s31 =	smulhi.u32 $0x2AAAAAAB, s17;
	s13 =	sshra.s32 s17, $0x1F  }
0x399: {  	v1 =	vsel vm8, v58, v1;
	v21 =	vsel vm2, s10, v52;
	(v2sf) =	vpush v47, $0xC;
	s10 =	sadd.s32 s26, s15;
	s17 =	spop (v2sf);
	s11 =	smul.u32 $0x2AAAAAAB, s13  }
0x39a: {  	v14 =	vadd.s32 v14, v55;
	v7 =	vadd.s32 v7, v1;
	v1 =	vcombine.low v60, v24;
	s21 =	sadd.s32 s12, s24;
	s15 =	smulhi.u32 $0x2AAAAAAB, s17;
	s19 =	sshra.s32 s17, $0x1F  }
0x39b: {  	v53 =	vor.u32 v53, v26;
	v57 =	vshll.u32 v14, $0x9;
	(v2sf) =	vpush v47, $0xE;
	s8 =	sadd.s32 s29, s9;
	s26 =	spop (v2sf);
	s9 =	smul.u32 $0x2AAAAAAB, s19  }
0x39c: {  	v14 =	vshll.u32 v14, $0x7;
	v4 =	vand.u32 $0xFFFFF000, v57;
	v62 =	vperm.xlane v1, v0;
	v1 =	vld [tilespmem:$0x1FEC0];
	s29 =	simm.s32 $0x0;
	s19 =	smulhi.u32 $0x2AAAAAAB, s26;
	s17 =	sshra.s32 s26, $0x1F  }
0x39d: {  	v14 =	vand.u32 $0x380, v14;
	v56 =	vld [tilespmem:$0x1FEB0];
	v59 =	vcombine.low v20, v10;
	(v2sf) =	vpush v47, $0xF;
	s13 =	sadd.s32 s25, s23;
	s23 =	spop (v2sf);
	s25 =	smul.u32 $0x2AAAAAAB, s17;
	[tilespmem:$0x2250] =	vst v5  }
0x39e: {  	v4 =	vor.u32 v14, v4;
	v63 =	vperm.xlane v22, v2;
	v60 =	vperm.xlane v13, v2;
	s17 =	sadd.s32 s28, s20;
	s20 =	smulhi.u32 $0x2AAAAAAB, s23;
	s12 =	sshra.s32 s23, $0x1F;
	v22 =	vld.idx.msk [tilespmem:v3+s29+$0x0], $0xffff  }
0x39f: {  	v23 =	vshll.u32 v7, $0x7;
	v9 =	vperm.xlane v59, v0;
	s18 =	sadd.s32 s18, s22;
	(v2sf) =	vpush v47, $0x9;
	s24 =	spop (v2sf);
	s26 =	smul.u32 $0x2AAAAAAB, s12  }
0x3a0: {  	v61 =	vshll.u32 v7, $0x9;
	v15 =	vsel vm2, s0, v15;
	v28 =	vcombine.low v41, v17;
	s12 =	sadd.s32 s30, s16;
	s16 =	smulhi.u32 $0x2AAAAAAB, s24;
	s22 =	sshra.s32 s24, $0x1F  }
0x3a1: {  	v24 =	vsel vm8, v60, v9;
	v1 =	vor.u32 v1, v4;
	(v2sf) =	vpush v47, $0x8;
	s24 =	sadd.s32 s11, s31;
	s28 =	spop (v2sf);
	s11 =	smul.u32 $0x2AAAAAAB, s22  }
0x3a2: {  	v4 =	vand.u32 $0x380, v23;
	v7 =	vperm.xlane v28, v0;
	v32 =	vsel vm4, s3, v21;
	s3 =	sshrl.u32 s10, $0x1F;
	s23 =	sadd.s32 s9, s15;
	s9 =	smulhi.u32 $0x2AAAAAAB, s28  }
0x3a3: {  	v6 =	vor.u32 v56, v53;
	v29 =	vperm.xlane v54, v2;
	(v2sf) =	vpush v47, $0xA;
	s30 =	sshra.s32 s28, $0x1F;
	s22 =	sadd.s32 s25, s19;
	s31 =	spop (v2sf);
	[tilespmem:$0x2260] =	vst v22  }
0x3a4: {  	v31 =	vsel vm1, s1, v35;
	v34 =	vmov s14;
	v40 =	vmov s24;
	s24 =	sshrl.u32 s24, $0x1F;
	s15 =	smul.u32 $0x2AAAAAAB, s30;
	s19 =	sadd.s32 s26, s20;
	v30 =	vld.idx.msk [tilespmem:v16+s29+$0x0], $0xffff  }
0x3a5: {  	v13 =	vsel vm2, s2, v31;
	v35 =	vsel vm0, s7, v34;
	(v2sf) =	vpush v47, $0xB;
	s28 =	smulhi.u32 $0x2AAAAAAB, s31;
	s25 =	sshra.s32 s31, $0x1F;
	s26 =	sshrl.u32 s7, $0x1F  }
0x3a6: {  	v25 =	vsel vm8, v63, v62;
	v13 =	vcombine.low v13, v15;
	v15 =	vsel vm1, s10, v35;
	s20 =	sadd.s32 s11, s16;
	s30 =	smul.u32 $0x2AAAAAAB, s25;
	s31 =	spop (v2sf)  }
0x3a7: {  	v39 =	vsel vm2, s8, v15;
	(v2sf) =	vpush v47, $0x1;
	v15 =	vnsel vm3, $0x0, v40;
	s16 =	sadd.s32 s15, s9;
	s9 =	smulhi.u32 $0x2AAAAAAB, s31;
	s25 =	sshra.s32 s31, $0x1F  }
0x3a8: {  	v14 =	vsel vm5, s4, v32;
	(v2sf) =	vpush v47, $0x0;
	v15 =	vsel vm0, s12, v15;
	s11 =	sadd.s32 s30, s28;
	s28 =	spop (v2sf);
	s15 =	smul.u32 $0x2AAAAAAB, s25  }
0x3a9: {  	v7 =	vsel vm8, v29, v7;
	v14 =	vsel vm6, s5, v14;
	v15 =	vsel vm1, s23, v15;
	s23 =	sshrl.u32 s23, $0x1F;
	s1 =	smulhi.u32 $0x2AAAAAAB, s28;
	s30 =	sshra.s32 s28, $0x1F;
	[tilespmem:$0x2270] =	vst v30  }
0x3aa: {  	v36 =	vmov s21;
	v14 =	vsel vm7, s6, v14;
	v44 =	vsel vm2, s22, v15;
	s22 =	sshrl.u32 s22, $0x1F;
	s31 =	spop (v2sf);
	s2 =	smul.u32 $0x2AAAAAAB, s30;
	v12 =	vld.idx.msk [tilespmem:v12+s29+$0x0], $0xffff  }
0x3ab: {  	v37 =	vperm.xlane v13, v0;
	v38 =	vsel vm0, s13, v36;
	v14 =	vperm.xlane v14, v2;
	s25 =	sshrl.u32 s14, $0x1F;
	s0 =	smulhi.u32 $0x2AAAAAAB, s31;
	s4 =	sshra.s32 s31, $0x1F  }
0x3ac: {  	v5 =	vadd.s32 v25, v24;
	v10 =	vsel vm1, s17, v38;
	(v2sf) =	vpush v47, $0x2;
	s28 =	sshrl.u32 s13, $0x1F;
	s7 =	spop (v2sf);
	s5 =	smul.u32 $0x2AAAAAAB, s4  }
0x3ad: {  	v3 =	vand.u32 $0xFFFFF000, v61;
	v27 =	vshll.u32 v5, $0x9;
	v5 =	vshll.u32 v5, $0x7;
	s30 =	sshrl.u32 s21, $0x1F;
	s4 =	smulhi.u32 $0x2AAAAAAB, s7;
	s6 =	sshra.s32 s7, $0x1F  }
0x3ae: {  	v10 =	vsel vm2, s18, v10;
	v43 =	vmov s24;
	(v2sf) =	vpush v47, $0x3;
	s21 =	sshrl.u32 s17, $0x1F;
	s6 =	smul.u32 $0x2AAAAAAB, s6;
	s31 =	spop (v2sf)  }
0x3af: {  	v55 =	vld [tilespmem:$0x1FED0];
	v3 =	vor.u32 v4, v3;
	v46 =	vnsel vm3, $0x0, v43;
	v41 =	vmov s25;
	s25 =	sshrl.u32 s18, $0x1F;
	s7 =	smulhi.u32 $0x2AAAAAAB, s31;
	s17 =	sshra.s32 s31, $0x1F;
	[tilespmem:$0x2280] =	vst v12  }
0x3b0: {  	v16 =	vsel vm0, s26, v41;
	v42 =	vmov s30;
	s26 =	sshrl.u32 s12, $0x1F;
	(v2sf) =	vpush v47, $0x4;
	s18 =	spop (v2sf);
	s10 =	smul.u32 $0x2AAAAAAB, s17;
	v11 =	vld.idx.msk [tilespmem:v11+s29+$0x0], $0xffff  }
0x3b1: {  	v57 =	vld [tilespmem:$0x1FEE0];
	v4 =	vand.u32 $0xFFFFF000, v27;
	s14 =	sshrl.u32 s8, $0x1F;
	v45 =	vsel vm0, s28, v42;
	v17 =	vsel vm0, s26, v46;
	s8 =	smulhi.u32 $0x2AAAAAAB, s18;
	s17 =	sshra.s32 s18, $0x1F  }
0x3b2: {  	s28 =	sshrl.u32 s19, $0x1F;
	(v2sf) =	vpush v47, $0x5;
	v49 =	vsel vm1, s23, v17;
	s30 =	spop (v2sf);
	s13 =	smul.u32 $0x2AAAAAAB, s17;
	v12 =	vsel vm4, s19, v44  }
0x3b3: {  	v5 =	vand.u32 $0x380, v5;
	s26 =	sshrl.u32 s11, $0x1F;
	s12 =	smulhi.u32 $0x2AAAAAAB, s30;
	s17 =	sshra.s32 s30, $0x1F;
	v48 =	vsel vm5, s20, v12;
	v12 =	vsel vm2, s22, v49  }
0x3b4: {  	v10 =	vcombine.low v10, v39;
	(v2sf) =	vpush v47, $0x6;
	s31 =	spop (v2sf);
	s18 =	smul.u32 $0x2AAAAAAB, s17;
	s20 =	sshrl.u32 s20, $0x1F;
	v12 =	vsel vm4, s28, v12  }
0x3b5: {  	v3 =	vor.u32 v55, v3;
	v4 =	vor.u32 v5, v4;
	s17 =	smulhi.u32 $0x2AAAAAAB, s31;
	s29 =	sshra.s32 s31, $0x1F;
	v12 =	vsel vm5, s20, v12;
	s20 =	simm.s32 $0x0;
	[tilespmem:$0x2290] =	vst v11  }
0x3b6: {  	v10 =	vperm.xlane v10, v0;
	v4 =	vor.u32 v57, v4;
	v50 =	vsel vm1, s3, v16;
	s3 =	sadd.s32 s15, s9;
	s30 =	spop (v2sf);
	s19 =	smul.u32 $0x2AAAAAAB, s29;
	v6 =	vld.idx.msk [tilespmem:v6+s20+$0x0], $0xffff  }
0x3b7: {  	v51 =	vsel vm1, s21, v45;
	(v2sf) =	vpush v47, $0x7;
	s31 =	sshrl.u32 s16, $0x1F;
	v9 =	vsel vm6, s16, v48;
	s16 =	smulhi.u32 $0x2AAAAAAB, s30;
	s28 =	spop (v2sf)  }
0x3b8: {  	s2 =	sadd.s32 s2, s1;
	v13 =	vsel vm2, s14, v50;
	v47 =	vsel vm8, v14, v37;
	v14 =	vsel vm2, s25, v51;
	s9 =	smulhi.u32 $0x2AAAAAAB, s28;
	s29 =	sshra.s32 s28, $0x1F  }
0x3b9: {  	v60 =	vmov s2;
	s2 =	sshrl.u32 s2, $0x1F;
	v52 =	vcombine.low v14, v13;
	v7 =	vadd.s32 v47, v7;
	s23 =	sshra.s32 s30, $0x1F;
	s30 =	smul.u32 $0x2AAAAAAB, s29  }
0x3ba: {  	s1 =	sadd.s32 s5, s0;
	s4 =	sadd.s32 s6, s4;
	v16 =	vmov s2;
	s0 =	sadd.s32 s10, s7;
	v56 =	vshll.u32 v7, $0x9;
	v7 =	vshll.u32 v7, $0x7  }
0x3bb: {  	v14 =	vld [tilespmem:$0x1FEF0];
	s23 =	smul.u32 $0x2AAAAAAB, s23;
	v53 =	vperm.xlane v52, v0;
	v5 =	vand.u32 $0xFFFFF000, v56;
	v12 =	vsel vm6, s31, v12;
	s31 =	spop (v2sf);
	s9 =	sadd.s32 s30, s9;
	[tilespmem:$0x22A0] =	vst v6  }
0x3bc: {  	s6 =	sadd.s32 s13, s8;
	v9 =	vsel vm7, s11, v9;
	v12 =	vsel vm7, s26, v12;
	s15 =	smulhi.u32 $0x2AAAAAAB, s31;
	s22 =	sshra.s32 s31, $0x1F;
	v59 =	vld.idx.msk [tilespmem:v1+s20+$0x0], $0xffff;
	v1 =	vmov s9  }
0x3bd: {  	v9 =	vperm.xlane v9, v2;
	s16 =	sadd.s32 s23, s16;
	v54 =	vperm.xlane v12, v2;
	s14 =	smul.u32 $0x2AAAAAAB, s22;
	s24 =	spop (v2sf);
	v1 =	vnsel vm3, $0x0, v1  }
0x3be: {  	v7 =	vand.u32 $0x380, v7;
	v61 =	vmov s6;
	s19 =	sadd.s32 s19, s17;
	s25 =	smulhi.u32 $0x2AAAAAAB, s24;
	s5 =	sshra.s32 s24, $0x1F;
	v62 =	vsel vm0, s16, v1;
	v1 =	vld [tilespmem:$0x2110]  }
0x3bf: {  	v9 =	vsel vm8, v9, v10;
	v10 =	vsel vm0, s0, v61;
	s0 =	sshrl.u32 s0, $0x1F;
	v8 =	vsel vm8, v54, v53;
	s26 =	smul.u32 $0x2AAAAAAB, s5;
	s28 =	spop (v2sf)  }
0x3c0: {  	v5 =	vor.u32 v7, v5;
	s14 =	sadd.s32 s14, s15;
	v8 =	vadd.s32 v8, v9;
	v9 =	vsel vm0, s3, v60;
	s29 =	smulhi.u32 $0x2AAAAAAB, s28;
	s7 =	sshra.s32 s28, $0x1F  }
0x3c1: {  	v5 =	vor.u32 v14, v5;
	s5 =	sadd.s32 s18, s12;
	v58 =	vshll.u32 v8, $0x9;
	v9 =	vsel vm1, s1, v9;
	s31 =	spop (v2sf);
	s30 =	smul.u32 $0x2AAAAAAB, s7  }
0x3c2: {  	v8 =	vshll.u32 v8, $0x7;
	v10 =	vsel vm1, s5, v10;
	v9 =	vsel vm2, s4, v9;
	s7 =	simm.s32 $0x0;
	s21 =	smulhi.u32 $0x2AAAAAAB, s31;
	s13 =	sshra.s32 s31, $0x1F;
	[tilespmem:$0x22B0] =	vst v59  }
0x3c3: {  	s3 =	sshrl.u32 s3, $0x1F;
	v63 =	vand.u32 $0x380, v8;
	s22 =	spop (v2sf);
	v10 =	vsel vm2, s19, v10;
	s13 =	smul.u32 $0x2AAAAAAB, s13;
	v3 =	vld.idx.msk [tilespmem:v3+s7+$0x0], $0xffff;
	(v2sf) =	vpush v1, $0xD  }
0x3c4: {  	s1 =	sshrl.u32 s1, $0x1F;
	v6 =	vand.u32 $0xFFFFF000, v58;
	s23 =	smulhi.u32 $0x2AAAAAAB, s22;
	v12 =	vcombine.low v10, v9;
	v9 =	vsel vm0, s3, v16;
	s3 =	sshrl.u32 s6, $0x1F  }
0x3c5: {  	s18 =	sshra.s32 s22, $0x1F;
	s11 =	sadd.s32 s30, s29;
	s29 =	sshrl.u32 s9, $0x1F;
	v9 =	vsel vm1, s1, v9;
	v19 =	vmov s3;
	(v2sf) =	vpush v1, $0xC  }
0x3c6: {  	s8 =	sadd.s32 s26, s25;
	s25 =	spop (v2sf);
	s24 =	smul.u32 $0x2AAAAAAB, s18;
	v8 =	vperm.xlane v12, v0;
	v17 =	vmov s29;
	v11 =	vsel vm1, s14, v62  }
0x3c7: {  	s31 =	sshrl.u32 s16, $0x1F;
	s6 =	simm.s32 $0x0;
	s26 =	smulhi.u32 $0x2AAAAAAB, s25;
	v10 =	vnsel vm3, $0x0, v17;
	v11 =	vsel vm2, s8, v11;
	(v2sf) =	vpush v1, $0xE  }
0x3c8: {  	s18 =	sshra.s32 s25, $0x1F;
	s30 =	sshrl.u32 s4, $0x1F;
	s4 =	sshrl.u32 s14, $0x1F;
	v18 =	vsel vm0, s31, v10;
	v10 =	vsel vm0, s0, v19;
	v13 =	vsel vm4, s11, v11;
	[tilespmem:$0x22C0] =	vst v3  }
0x3c9: {  	s9 =	sshrl.u32 s5, $0x1F;
	s13 =	sadd.s32 s13, s21;
	s8 =	sshrl.u32 s8, $0x1F;
	(v2sf) =	vpush v1, $0xF;
	v3 =	vsel vm2, s30, v9;
	v9 =	vsel vm1, s4, v18;
	v4 =	vld.idx.msk [tilespmem:v4+s6+$0x0], $0xffff  }
0x3ca: {  	s28 =	smul.u32 $0x2AAAAAAB, s18;
	s14 =	sshrl.u32 s19, $0x1F;
	s11 =	sshrl.u32 s11, $0x1F;
	v10 =	vsel vm1, s9, v10;
	(v2sf) =	vpush v1, $0x9;
	v9 =	vsel vm2, s8, v9  }
0x3cb: {  	v22 =	vld [tilespmem:$0x1FF00];
	s10 =	sadd.s32 s24, s23;
	s15 =	sshrl.u32 s13, $0x1F;
	v15 =	vsel vm5, s13, v13;
	v10 =	vsel vm2, s14, v10;
	v9 =	vsel vm4, s11, v9  }
0x3cc: {  	s12 =	sadd.s32 s28, s26;
	s16 =	sshrl.u32 s10, $0x1F;
	v7 =	vsel vm6, s10, v15;
	(v2sf) =	vpush v1, $0x8;
	v9 =	vsel vm5, s15, v9  }
0x3cd: {  	s17 =	sshrl.u32 s12, $0x1F;
	v7 =	vsel vm7, s12, v7;
	v3 =	vcombine.low v10, v3;
	v9 =	vsel vm6, s16, v9  }
0x3ce: {  	v20 =	vperm.xlane v7, v2;
	(v2sf) =	vpush v1, $0xA;
	v21 =	vsel vm7, s17, v9;
	[tilespmem:$0x22D0] =	vst v4  }
0x3cf: {  	v6 =	vor.u32 v63, v6;
	v3 =	vperm.xlane v3, v0;
	v7 =	vperm.xlane v21, v2;
	v5 =	vld.idx.msk [tilespmem:v5+s6+$0x0], $0xffff  }
0x3d0: {  	v6 =	vor.u32 v22, v6  }
0x3d1: {  	v23 =	vld [tilespmem:$0x1FF10];
	(v2sf) =	vpush v1, $0xB;
	v4 =	vsel vm8, v20, v8;
	v3 =	vsel vm8, v7, v3  }
0x3d2: {  	v3 =	vadd.s32 v3, v4;
	s19 =	spop (v2sf)  }
0x3d3: {  	(v2sf) =	vpush v1, $0x1;
	v4 =	vshll.u32 v3, $0x9;
	v3 =	vshll.u32 v3, $0x7;
	s10 =	smulhi.u32 $0x2AAAAAAB, s19;
	s0 =	sshra.s32 s19, $0x1F  }
0x3d4: {  	s18 =	simm.s32 $0x0;
	v4 =	vand.u32 $0xFFFFF000, v4;
	v3 =	vand.u32 $0x380, v3;
	s20 =	spop (v2sf);
	[tilespmem:$0x22E0] =	vst v5;
	s12 =	smul.u32 $0x2AAAAAAB, s0  }
0x3d5: {  	(v2sf) =	vpush v1, $0x0;
	v3 =	vor.u32 v3, v4;
	v5 =	vld.idx.msk [tilespmem:v6+s18+$0x0], $0xffff;
	s11 =	smulhi.u32 $0x2AAAAAAB, s20;
	s1 =	sshra.s32 s20, $0x1F  }
0x3d6: {  	s21 =	spop (v2sf);
	v3 =	vor.u32 v23, v3;
	s13 =	smul.u32 $0x2AAAAAAB, s1  }
0x3d7: {  	(v2sf) =	vpush v1, $0x2;
	s14 =	smulhi.u32 $0x2AAAAAAB, s21;
	s2 =	sshra.s32 s21, $0x1F  }
0x3d8: {  	s22 =	spop (v2sf);
	s16 =	smul.u32 $0x2AAAAAAB, s2  }
0x3d9: {  	(v2sf) =	vpush v1, $0x3;
	s23 =	spop (v2sf);
	s15 =	smulhi.u32 $0x2AAAAAAB, s22  }
0x3da: {  	s17 =	smulhi.u32 $0x2AAAAAAB, s23;
	s4 =	sshra.s32 s23, $0x1F;
	[tilespmem:$0x22F0] =	vst v5  }
0x3db: {  	(v2sf) =	vpush v1, $0x4;
	s24 =	spop (v2sf);
	s20 =	smul.u32 $0x2AAAAAAB, s4;
	v3 =	vld.idx.msk [tilespmem:v3+s18+$0x0], $0xffff  }
0x3dc: {  	(v2sf) =	vpush v1, $0x5;
	s19 =	smulhi.u32 $0x2AAAAAAB, s24;
	s5 =	sshra.s32 s24, $0x1F  }
0x3dd: {  	s25 =	spop (v2sf);
	s23 =	smul.u32 $0x2AAAAAAB, s5  }
0x3de: {  	(v2sf) =	vpush v1, $0x6;
	s3 =	sshra.s32 s22, $0x1F;
	s21 =	smulhi.u32 $0x2AAAAAAB, s25  }
0x3df: {  	s0 =	sshra.s32 s25, $0x1F;
	s18 =	smul.u32 $0x2AAAAAAB, s3  }
0x3e0: {  	s26 =	spop (v2sf);
	s24 =	smul.u32 $0x2AAAAAAB, s0;
	[tilespmem:$0x2300] =	vst v3;
	v3 =	vld [tilespmem:$0x2120]  }
0x3e1: {  	(v2sf) =	vpush v1, $0x7;
	s5 =	smulhi.u32 $0x2AAAAAAB, s26;
	s26 =	sshra.s32 s26, $0x1F  }
0x3e2: {  	s28 =	spop (v2sf);
	s25 =	smul.u32 $0x2AAAAAAB, s26  }
0x3e3: {  	s22 =	smulhi.u32 $0x2AAAAAAB, s28;
	s28 =	sshra.s32 s28, $0x1F  }
0x3e4: {  	s29 =	spop (v2sf);
	s26 =	smul.u32 $0x2AAAAAAB, s28  }
0x3e5: {  	s6 =	smulhi.u32 $0x2AAAAAAB, s29;
	s29 =	sshra.s32 s29, $0x1F;
	(v2sf) =	vpush v3, $0xD  }
0x3e6: {  	s30 =	spop (v2sf);
	s28 =	smul.u32 $0x2AAAAAAB, s29  }
0x3e7: {  	s2 =	smulhi.u32 $0x2AAAAAAB, s30;
	s30 =	sshra.s32 s30, $0x1F  }
0x3e8: {  	s31 =	spop (v2sf);
	s29 =	smul.u32 $0x2AAAAAAB, s30  }
0x3e9: {  	s7 =	smulhi.u32 $0x2AAAAAAB, s31;
	s31 =	sshra.s32 s31, $0x1F;
	(v2sf) =	vpush v3, $0xC  }
0x3ea: {  	s8 =	spop (v2sf);
	s30 =	smul.u32 $0x2AAAAAAB, s31  }
0x3eb: {  	s4 =	spop (v2sf);
	s3 =	smulhi.u32 $0x2AAAAAAB, s8  }
0x3ec: {  	s1 =	sshra.s32 s8, $0x1F;
	s8 =	smulhi.u32 $0x2AAAAAAB, s4;
	s4 =	sshra.s32 s4, $0x1F  }
0x3ed: {  	s9 =	spop (v2sf);
	s0 =	smul.u32 $0x2AAAAAAB, s4;
	(v2sf) =	vpush v3, $0xE  }
0x3ee: {  	s4 =	smulhi.u32 $0x2AAAAAAB, s9;
	s9 =	sshra.s32 s9, $0x1F  }
0x3ef: {  	[smem:$0x6F8] =	sst s0;
	s0 =	smul.u32 $0x2AAAAAAB, s9  }
0x3f0: {  	s31 =	smul.u32 $0x2AAAAAAB, s1;
	s1 =	spop (v2sf)  }
0x3f1: {  	[smem:$0x6F9] =	sst s0;
	s0 =	sshra.s32 s1, $0x1F;
	(v2sf) =	vpush v3, $0xF  }
0x3f2: {  	s0 =	smul.u32 $0x2AAAAAAB, s0  }
0x3f3: {  	s9 =	smulhi.u32 $0x2AAAAAAB, s1  }
0x3f4: {  	[smem:$0x6FA] =	sst s0;
	s0 =	spop (v2sf)  }
0x3f5: {  	(v2sf) =	vpush v3, $0x9;
	s1 =	smulhi.u32 $0x2AAAAAAB, s0;
	s0 =	sshra.s32 s0, $0x1F  }
0x3f6: {  	s0 =	smul.u32 $0x2AAAAAAB, s0;
	_ =	sdelay $0x1  }
0x3f7: {  	[smem:$0x6FC] =	sst s0;
	s0 =	spop (v2sf)  }
0x3f8: {  	(v2sf) =	vpush v3, $0x8;
	[smem:$0x6FB] =	sst s1;
	s1 =	smulhi.u32 $0x2AAAAAAB, s0;
	s0 =	sshra.s32 s0, $0x1F  }
0x3f9: {  	s0 =	smul.u32 $0x2AAAAAAB, s0;
	_ =	sdelay $0x1  }
0x3fa: {  	[smem:$0x6FE] =	sst s0;
	s0 =	spop (v2sf)  }
0x3fb: {  	(v2sf) =	vpush v3, $0xA;
	[smem:$0x6FD] =	sst s1;
	s1 =	smulhi.u32 $0x2AAAAAAB, s0;
	s0 =	sshra.s32 s0, $0x1F  }
0x3fc: {  	s0 =	smul.u32 $0x2AAAAAAB, s0;
	_ =	sdelay $0x1  }
0x3fd: {  	[smem:$0x700] =	sst s0;
	s0 =	spop (v2sf)  }
0x3fe: {  	(v2sf) =	vpush v3, $0xB;
	[smem:$0x6FF] =	sst s1;
	s1 =	smulhi.u32 $0x2AAAAAAB, s0;
	s0 =	sshra.s32 s0, $0x1F  }
0x3ff: {  	s0 =	smul.u32 $0x2AAAAAAB, s0;
	_ =	sdelay $0x1  }
0x400: {  	[smem:$0x702] =	sst s0;
	s0 =	spop (v2sf)  }
0x401: {  	(v2sf) =	vpush v3, $0x1;
	[smem:$0x701] =	sst s1;
	s1 =	smulhi.u32 $0x2AAAAAAB, s0;
	s0 =	sshra.s32 s0, $0x1F  }
0x402: {  	s0 =	smul.u32 $0x2AAAAAAB, s0;
	_ =	sdelay $0x1  }
0x403: {  	[smem:$0x704] =	sst s0;
	s0 =	spop (v2sf)  }
0x404: {  	(v2sf) =	vpush v3, $0x0;
	[smem:$0x703] =	sst s1;
	s1 =	smulhi.u32 $0x2AAAAAAB, s0;
	s0 =	sshra.s32 s0, $0x1F  }
0x405: {  	s0 =	smul.u32 $0x2AAAAAAB, s0;
	_ =	sdelay $0x1  }
0x406: {  	[smem:$0x706] =	sst s0;
	s0 =	spop (v2sf)  }
0x407: {  	(v2sf) =	vpush v3, $0x2;
	[smem:$0x705] =	sst s1;
	s1 =	smulhi.u32 $0x2AAAAAAB, s0;
	s0 =	sshra.s32 s0, $0x1F  }
0x408: {  	s0 =	smul.u32 $0x2AAAAAAB, s0;
	_ =	sdelay $0x1  }
0x409: {  	[smem:$0x708] =	sst s0;
	s0 =	spop (v2sf)  }
0x40a: {  	(v2sf) =	vpush v3, $0x3;
	[smem:$0x707] =	sst s1;
	s1 =	smulhi.u32 $0x2AAAAAAB, s0;
	s0 =	sshra.s32 s0, $0x1F  }
0x40b: {  	s0 =	smul.u32 $0x2AAAAAAB, s0;
	_ =	sdelay $0x1  }
0x40c: {  	[smem:$0x70A] =	sst s0;
	s0 =	spop (v2sf)  }
0x40d: {  	(v2sf) =	vpush v3, $0x4;
	[smem:$0x709] =	sst s1;
	s1 =	smulhi.u32 $0x2AAAAAAB, s0;
	s0 =	sshra.s32 s0, $0x1F  }
0x40e: {  	s0 =	smul.u32 $0x2AAAAAAB, s0;
	_ =	sdelay $0x1  }
0x40f: {  	[smem:$0x70C] =	sst s0;
	s0 =	spop (v2sf)  }
0x410: {  	(v2sf) =	vpush v3, $0x5;
	[smem:$0x70B] =	sst s1;
	s1 =	smulhi.u32 $0x2AAAAAAB, s0;
	s0 =	sshra.s32 s0, $0x1F  }
0x411: {  	s0 =	smul.u32 $0x2AAAAAAB, s0;
	_ =	sdelay $0x1  }
0x412: {  	[smem:$0x70E] =	sst s0;
	s0 =	spop (v2sf)  }
0x413: {  	(v2sf) =	vpush v3, $0x6;
	[smem:$0x70D] =	sst s1;
	s1 =	smulhi.u32 $0x2AAAAAAB, s0;
	s0 =	sshra.s32 s0, $0x1F  }
0x414: {  	s0 =	smul.u32 $0x2AAAAAAB, s0;
	_ =	sdelay $0x1  }
0x415: {  	[smem:$0x710] =	sst s0;
	s0 =	spop (v2sf)  }
0x416: {  	v1 =	vld [tilespmem:$0x2130];
	(v2sf) =	vpush v3, $0x7;
	[smem:$0x70F] =	sst s1;
	s1 =	smulhi.u32 $0x2AAAAAAB, s0;
	s0 =	sshra.s32 s0, $0x1F  }
0x417: {  	s0 =	smul.u32 $0x2AAAAAAB, s0;
	_ =	sdelay $0x1  }
0x418: {  	[smem:$0x712] =	sst s0;
	s0 =	spop (v2sf)  }
0x419: {  	[smem:$0x711] =	sst s1;
	s1 =	smulhi.u32 $0x2AAAAAAB, s0;
	s0 =	sshra.s32 s0, $0x1F  }
0x41a: {  	(v2sf) =	vpush v1, $0xD;
	s0 =	smul.u32 $0x2AAAAAAB, s0;
	_ =	sdelay $0x1  }
0x41b: {  	[smem:$0x714] =	sst s0;
	s0 =	spop (v2sf)  }
0x41c: {  	[smem:$0x713] =	sst s1;
	s1 =	smulhi.u32 $0x2AAAAAAB, s0;
	s0 =	sshra.s32 s0, $0x1F  }
0x41d: {  	(v2sf) =	vpush v1, $0xC;
	s0 =	smul.u32 $0x2AAAAAAB, s0;
	_ =	sdelay $0x1  }
0x41e: {  	[smem:$0x716] =	sst s0;
	s0 =	spop (v2sf)  }
0x41f: {  	[smem:$0x715] =	sst s1;
	s1 =	smulhi.u32 $0x2AAAAAAB, s0;
	s0 =	sshra.s32 s0, $0x1F  }
0x420: {  	(v2sf) =	vpush v1, $0xE;
	s0 =	smul.u32 $0x2AAAAAAB, s0;
	_ =	sdelay $0x1  }
0x421: {  	(v2sf) =	vpush v1, $0xF;
	[smem:$0x718] =	sst s0;
	s0 =	spop (v2sf)  }
0x422: {  	(v2sf) =	vpush v1, $0x9;
	[smem:$0x717] =	sst s1;
	s1 =	smulhi.u32 $0x2AAAAAAB, s0;
	s0 =	sshra.s32 s0, $0x1F  }
0x423: {  	(v2sf) =	vpush v1, $0x8;
	s0 =	smul.u32 $0x2AAAAAAB, s0  }
0x424: {  	(v2sf) =	vpush v1, $0xA;
	[smem:$0x719] =	sst s1  }
0x425: {  	(v2sf) =	vpush v1, $0xB;
	[smem:$0x71A] =	sst s0  }
0x426: {  	s0 =	spop (v2sf)  }
0x427: {  	s1 =	smulhi.u32 $0x2AAAAAAB, s0;
	s0 =	sshra.s32 s0, $0x1F  }
0x428: {  	s0 =	smul.u32 $0x2AAAAAAB, s0;
	_ =	sdelay $0x1  }
0x429: {  	[smem:$0x71C] =	sst s0;
	s0 =	spop (v2sf)  }
0x42a: {  	[smem:$0x71B] =	sst s1;
	s1 =	smulhi.u32 $0x2AAAAAAB, s0;
	s0 =	sshra.s32 s0, $0x1F  }
0x42b: {  	s0 =	smul.u32 $0x2AAAAAAB, s0;
	_ =	sdelay $0x1  }
0x42c: {  	[smem:$0x71E] =	sst s0;
	s0 =	spop (v2sf)  }
0x42d: {  	[smem:$0x71D] =	sst s1;
	s1 =	smulhi.u32 $0x2AAAAAAB, s0;
	s0 =	sshra.s32 s0, $0x1F  }
0x42e: {  	s0 =	smul.u32 $0x2AAAAAAB, s0;
	_ =	sdelay $0x1  }
0x42f: {  	[smem:$0x720] =	sst s0;
	s0 =	spop (v2sf)  }
0x430: {  	[smem:$0x71F] =	sst s1;
	s1 =	smulhi.u32 $0x2AAAAAAB, s0;
	s0 =	sshra.s32 s0, $0x1F  }
0x431: {  	s0 =	smul.u32 $0x2AAAAAAB, s0;
	_ =	sdelay $0x1  }
0x432: {  	[smem:$0x722] =	sst s0;
	s0 =	spop (v2sf)  }
0x433: {  	(v2sf) =	vpush v1, $0x1;
	[smem:$0x721] =	sst s1;
	s1 =	smulhi.u32 $0x2AAAAAAB, s0;
	s0 =	sshra.s32 s0, $0x1F  }
0x434: {  	s0 =	smul.u32 $0x2AAAAAAB, s0;
	_ =	sdelay $0x1  }
0x435: {  	[smem:$0x724] =	sst s0;
	s0 =	spop (v2sf)  }
0x436: {  	(v2sf) =	vpush v1, $0x0;
	[smem:$0x723] =	sst s1;
	s1 =	smulhi.u32 $0x2AAAAAAB, s0;
	s0 =	sshra.s32 s0, $0x1F  }
0x437: {  	s0 =	smul.u32 $0x2AAAAAAB, s0;
	_ =	sdelay $0x1  }
0x438: {  	[smem:$0x726] =	sst s0;
	s0 =	spop (v2sf)  }
0x439: {  	(v2sf) =	vpush v1, $0x2;
	[smem:$0x725] =	sst s1;
	s1 =	smulhi.u32 $0x2AAAAAAB, s0;
	s0 =	sshra.s32 s0, $0x1F  }
0x43a: {  	s0 =	smul.u32 $0x2AAAAAAB, s0;
	_ =	sdelay $0x1  }
0x43b: {  	[smem:$0x728] =	sst s0;
	s0 =	spop (v2sf)  }
0x43c: {  	(v2sf) =	vpush v1, $0x3;
	[smem:$0x727] =	sst s1;
	s1 =	smulhi.u32 $0x2AAAAAAB, s0;
	s0 =	sshra.s32 s0, $0x1F  }
0x43d: {  	s0 =	smul.u32 $0x2AAAAAAB, s0;
	_ =	sdelay $0x1  }
0x43e: {  	[smem:$0x72A] =	sst s0;
	s0 =	spop (v2sf)  }
0x43f: {  	(v2sf) =	vpush v1, $0x4;
	[smem:$0x729] =	sst s1;
	s1 =	smulhi.u32 $0x2AAAAAAB, s0;
	s0 =	sshra.s32 s0, $0x1F  }
0x440: {  	s0 =	smul.u32 $0x2AAAAAAB, s0;
	_ =	sdelay $0x1  }
0x441: {  	[smem:$0x72C] =	sst s0;
	s0 =	spop (v2sf)  }
0x442: {  	(v2sf) =	vpush v1, $0x5;
	[smem:$0x72B] =	sst s1;
	s1 =	smulhi.u32 $0x2AAAAAAB, s0;
	s0 =	sshra.s32 s0, $0x1F  }
0x443: {  	s0 =	smul.u32 $0x2AAAAAAB, s0;
	_ =	sdelay $0x1  }
0x444: {  	[smem:$0x72E] =	sst s0;
	s0 =	spop (v2sf)  }
0x445: {  	(v2sf) =	vpush v1, $0x6;
	[smem:$0x72D] =	sst s1;
	s1 =	smulhi.u32 $0x2AAAAAAB, s0;
	s0 =	sshra.s32 s0, $0x1F  }
0x446: {  	s0 =	smul.u32 $0x2AAAAAAB, s0;
	_ =	sdelay $0x1  }
0x447: {  	v3 =	vld [tilespmem:$0x2140];
	[smem:$0x730] =	sst s0;
	s0 =	spop (v2sf)  }
0x448: {  	(v2sf) =	vpush v1, $0x7;
	[smem:$0x72F] =	sst s1;
	s1 =	smulhi.u32 $0x2AAAAAAB, s0;
	s0 =	sshra.s32 s0, $0x1F  }
0x449: {  	s0 =	smul.u32 $0x2AAAAAAB, s0;
	_ =	sdelay $0x1  }
0x44a: {  	[smem:$0x732] =	sst s0;
	s0 =	spop (v2sf)  }
0x44b: {  	(v2sf) =	vpush v3, $0xD;
	[smem:$0x731] =	sst s1;
	s1 =	smulhi.u32 $0x2AAAAAAB, s0;
	s0 =	sshra.s32 s0, $0x1F  }
0x44c: {  	s0 =	smul.u32 $0x2AAAAAAB, s0;
	_ =	sdelay $0x1  }
0x44d: {  	[smem:$0x734] =	sst s0;
	s0 =	spop (v2sf)  }
0x44e: {  	(v2sf) =	vpush v3, $0xC;
	[smem:$0x733] =	sst s1;
	s1 =	smulhi.u32 $0x2AAAAAAB, s0;
	s0 =	sshra.s32 s0, $0x1F  }
0x44f: {  	s0 =	smul.u32 $0x2AAAAAAB, s0;
	_ =	sdelay $0x1  }
0x450: {  	[smem:$0x736] =	sst s0;
	s0 =	spop (v2sf)  }
0x451: {  	(v2sf) =	vpush v3, $0xE;
	[smem:$0x735] =	sst s1;
	s1 =	smulhi.u32 $0x2AAAAAAB, s0;
	s0 =	sshra.s32 s0, $0x1F  }
0x452: {  	s0 =	smul.u32 $0x2AAAAAAB, s0;
	_ =	sdelay $0x1  }
0x453: {  	[smem:$0x738] =	sst s0;
	s0 =	spop (v2sf)  }
0x454: {  	(v2sf) =	vpush v3, $0xF;
	[smem:$0x737] =	sst s1;
	s1 =	smulhi.u32 $0x2AAAAAAB, s0;
	s0 =	sshra.s32 s0, $0x1F  }
0x455: {  	s0 =	smul.u32 $0x2AAAAAAB, s0;
	_ =	sdelay $0x1  }
0x456: {  	[smem:$0x73A] =	sst s0;
	s0 =	spop (v2sf)  }
0x457: {  	(v2sf) =	vpush v3, $0x9;
	[smem:$0x739] =	sst s1;
	s1 =	smulhi.u32 $0x2AAAAAAB, s0;
	s0 =	sshra.s32 s0, $0x1F  }
0x458: {  	s0 =	smul.u32 $0x2AAAAAAB, s0;
	_ =	sdelay $0x1  }
0x459: {  	[smem:$0x73C] =	sst s0;
	s0 =	spop (v2sf)  }
0x45a: {  	(v2sf) =	vpush v3, $0x8;
	[smem:$0x73B] =	sst s1;
	s1 =	smulhi.u32 $0x2AAAAAAB, s0;
	s0 =	sshra.s32 s0, $0x1F  }
0x45b: {  	s0 =	smul.u32 $0x2AAAAAAB, s0;
	_ =	sdelay $0x1  }
0x45c: {  	[smem:$0x73E] =	sst s0;
	s0 =	spop (v2sf)  }
0x45d: {  	(v2sf) =	vpush v3, $0xA;
	[smem:$0x73D] =	sst s1;
	s1 =	smulhi.u32 $0x2AAAAAAB, s0;
	s0 =	sshra.s32 s0, $0x1F  }
0x45e: {  	s0 =	smul.u32 $0x2AAAAAAB, s0;
	_ =	sdelay $0x1  }
0x45f: {  	[smem:$0x740] =	sst s0;
	s0 =	spop (v2sf)  }
0x460: {  	(v2sf) =	vpush v3, $0xB;
	[smem:$0x73F] =	sst s1;
	s1 =	smulhi.u32 $0x2AAAAAAB, s0;
	s0 =	sshra.s32 s0, $0x1F  }
0x461: {  	s0 =	smul.u32 $0x2AAAAAAB, s0;
	_ =	sdelay $0x1  }
0x462: {  	[smem:$0x742] =	sst s0;
	s0 =	spop (v2sf)  }
0x463: {  	(v2sf) =	vpush v3, $0x1;
	[smem:$0x741] =	sst s1;
	s1 =	smulhi.u32 $0x2AAAAAAB, s0;
	s0 =	sshra.s32 s0, $0x1F  }
0x464: {  	s0 =	smul.u32 $0x2AAAAAAB, s0;
	_ =	sdelay $0x1  }
0x465: {  	[smem:$0x744] =	sst s0;
	s0 =	spop (v2sf)  }
0x466: {  	(v2sf) =	vpush v3, $0x0;
	[smem:$0x743] =	sst s1;
	s1 =	smulhi.u32 $0x2AAAAAAB, s0;
	s0 =	sshra.s32 s0, $0x1F  }
0x467: {  	s0 =	smul.u32 $0x2AAAAAAB, s0;
	_ =	sdelay $0x1  }
0x468: {  	s10 =	sadd.s32 s12, s10;
	[smem:$0x746] =	sst s0;
	s0 =	spop (v2sf)  }
0x469: {  	(v2sf) =	vpush v3, $0x2;
	[smem:$0x745] =	sst s1;
	s1 =	smulhi.u32 $0x2AAAAAAB, s0;
	s0 =	sshra.s32 s0, $0x1F  }
0x46a: {  	s12 =	sadd.s32 s13, s11;
	[smem:$0x78B] =	sst s10;
	s0 =	smul.u32 $0x2AAAAAAB, s0  }
0x46b: {  	[smem:$0x78A] =	sst s12  }
0x46c: {  	s14 =	sadd.s32 s16, s14;
	[smem:$0x748] =	sst s0;
	s0 =	spop (v2sf)  }
0x46d: {  	(v2sf) =	vpush v3, $0x3;
	[smem:$0x747] =	sst s1;
	s1 =	smulhi.u32 $0x2AAAAAAB, s0;
	s0 =	sshra.s32 s0, $0x1F  }
0x46e: {  	s15 =	sadd.s32 s18, s15;
	[smem:$0x78C] =	sst s14;
	s0 =	smul.u32 $0x2AAAAAAB, s0  }
0x46f: {  	[smem:$0x78D] =	sst s15  }
0x470: {  	s18 =	sadd.s32 s20, s17;
	[smem:$0x74A] =	sst s0;
	s0 =	spop (v2sf)  }
0x471: {  	(v2sf) =	vpush v3, $0x4;
	[smem:$0x749] =	sst s1;
	s1 =	smulhi.u32 $0x2AAAAAAB, s0;
	s0 =	sshra.s32 s0, $0x1F  }
0x472: {  	s20 =	sadd.s32 s23, s19;
	[smem:$0x78F] =	sst s18;
	s0 =	smul.u32 $0x2AAAAAAB, s0  }
0x473: {  	[smem:$0x78E] =	sst s20  }
0x474: {  	s17 =	sadd.s32 s25, s5;
	[smem:$0x74C] =	sst s0;
	s0 =	spop (v2sf)  }
0x475: {  	(v2sf) =	vpush v3, $0x5;
	[smem:$0x74B] =	sst s1;
	s1 =	smulhi.u32 $0x2AAAAAAB, s0;
	s0 =	sshra.s32 s0, $0x1F  }
0x476: {  	s19 =	sadd.s32 s26, s22;
	[smem:$0x798] =	sst s17;
	s0 =	smul.u32 $0x2AAAAAAB, s0  }
0x477: {  	[smem:$0x792] =	sst s19  }
0x478: {  	s22 =	sadd.s32 s29, s2;
	[smem:$0x74E] =	sst s0;
	s0 =	spop (v2sf)  }
0x479: {  	(v2sf) =	vpush v3, $0x6;
	[smem:$0x74D] =	sst s1;
	s1 =	smulhi.u32 $0x2AAAAAAB, s0;
	s0 =	sshra.s32 s0, $0x1F  }
0x47a: {  	s25 =	sadd.s32 s31, s3;
	[smem:$0x793] =	sst s22;
	s0 =	smul.u32 $0x2AAAAAAB, s0  }
0x47b: {  	[smem:$0x795] =	sst s25  }
0x47c: {  	s15 =	sadd.s32 s24, s21;
	v1 =	vld [tilespmem:$0x2150];
	[smem:$0x750] =	sst s0;
	s0 =	spop (v2sf)  }
0x47d: {  	(v2sf) =	vpush v3, $0x7;
	[smem:$0x74F] =	sst s1;
	s1 =	smulhi.u32 $0x2AAAAAAB, s0;
	s0 =	sshra.s32 s0, $0x1F  }
0x47e: {  	s20 =	sadd.s32 s28, s6;
	[smem:$0x791] =	sst s15;
	s0 =	smul.u32 $0x2AAAAAAB, s0  }
0x47f: {  	[smem:$0x790] =	sst s20  }
0x480: {  	[smem:$0x752] =	sst s0;
	s0 =	spop (v2sf)  }
0x481: {  	(v2sf) =	vpush v1, $0xD;
	[smem:$0x751] =	sst s1;
	s1 =	smulhi.u32 $0x2AAAAAAB, s0;
	s0 =	sshra.s32 s0, $0x1F  }
0x482: {  	s26 =	sld [smem:$0x6F8];
	s0 =	smul.u32 $0x2AAAAAAB, s0  }
0x483: {  	s29 =	sld [smem:$0x6F9];
	(v2sf) =	vpush v1, $0xC  }
0x484: {  	[smem:$0x754] =	sst s0;
	s0 =	spop (v2sf)  }
0x485: {  	(v2sf) =	vpush v1, $0xE;
	[smem:$0x753] =	sst s1;
	s1 =	smulhi.u32 $0x2AAAAAAB, s0;
	s0 =	sshra.s32 s0, $0x1F  }
0x486: {  	s19 =	sld [smem:$0x6FB];
	s0 =	smul.u32 $0x2AAAAAAB, s0  }
0x487: {  	s20 =	sld [smem:$0x6FC];
	(v2sf) =	vpush v1, $0xF  }
0x488: {  	(v2sf) =	vpush v1, $0x9;
	[smem:$0x756] =	sst s0;
	s0 =	spop (v2sf)  }
0x489: {  	[smem:$0x755] =	sst s1;
	s1 =	smulhi.u32 $0x2AAAAAAB, s0;
	s0 =	sshra.s32 s0, $0x1F  }
0x48a: {  	s22 =	sld [smem:$0x6FE];
	(v2sf) =	vpush v1, $0x8;
	s0 =	smul.u32 $0x2AAAAAAB, s0  }
0x48b: {  	s25 =	sld [smem:$0x700]  }
0x48c: {  	[smem:$0x758] =	sst s0;
	s0 =	spop (v2sf)  }
0x48d: {  	[smem:$0x757] =	sst s1;
	s1 =	smulhi.u32 $0x2AAAAAAB, s0;
	s0 =	sshra.s32 s0, $0x1F  }
0x48e: {  	s2 =	sld [smem:$0x705];
	(v2sf) =	vpush v1, $0xA;
	s0 =	smul.u32 $0x2AAAAAAB, s0  }
0x48f: {  	[smem:$0x759] =	sst s1  }
0x490: {  	s1 =	sadd.s32 s26, s8;
	[smem:$0x75A] =	sst s0;
	s0 =	spop (v2sf)  }
0x491: {  	s26 =	sld [smem:$0x701];
	s10 =	smulhi.u32 $0x2AAAAAAB, s0;
	s0 =	sshra.s32 s0, $0x1F  }
0x492: {  	s13 =	spop (v2sf);
	s12 =	smul.u32 $0x2AAAAAAB, s0  }
0x493: {  	[smem:$0x796] =	sst s1;
	s11 =	smulhi.u32 $0x2AAAAAAB, s13;
	s0 =	sshra.s32 s13, $0x1F  }
0x494: {  	(v2sf) =	vpush v1, $0xB;
	s1 =	sadd.s32 s29, s4;
	s16 =	spop (v2sf);
	s13 =	smul.u32 $0x2AAAAAAB, s0  }
0x495: {  	[smem:$0x797] =	sst s1;
	s14 =	smulhi.u32 $0x2AAAAAAB, s16;
	s0 =	sshra.s32 s16, $0x1F  }
0x496: {  	s23 =	spop (v2sf);
	s16 =	smul.u32 $0x2AAAAAAB, s0  }
0x497: {  	s15 =	smulhi.u32 $0x2AAAAAAB, s23;
	s0 =	sshra.s32 s23, $0x1F;
	s18 =	spop (v2sf)  }
0x498: {  	s23 =	sadd.s32 s30, s7;
	s30 =	sld [smem:$0x6FA];
	s5 =	smul.u32 $0x2AAAAAAB, s0  }
0x499: {  	(v2sf) =	vpush v1, $0x1;
	s17 =	smulhi.u32 $0x2AAAAAAB, s18;
	s0 =	sshra.s32 s18, $0x1F;
	s21 =	spop (v2sf)  }
0x49a: {  	s10 =	sadd.s32 s12, s10;
	[smem:$0x794] =	sst s23;
	s18 =	smul.u32 $0x2AAAAAAB, s0  }
0x49b: {  	(v2sf) =	vpush v1, $0x0;
	[smem:$0x7CB] =	sst s10;
	s6 =	smulhi.u32 $0x2AAAAAAB, s21;
	s0 =	sshra.s32 s21, $0x1F  }
0x49c: {  	s21 =	sld [smem:$0x6FD];
	s7 =	smul.u32 $0x2AAAAAAB, s0  }
0x49d: {  	(v2sf) =	vpush v1, $0x2;
	s24 =	spop (v2sf);
	s1 =	sadd.s32 s30, s9;
	s30 =	sld [smem:$0x703]  }
0x49e: {  	s3 =	smulhi.u32 $0x2AAAAAAB, s24;
	[smem:$0x799] =	sst s1  }
0x49f: {  	s0 =	sshra.s32 s24, $0x1F;
	s1 =	sadd.s32 s20, s19;
	s24 =	sld [smem:$0x6FF]  }
0x4a0: {  	(v2sf) =	vpush v1, $0x3;
	[smem:$0x79B] =	sst s1;
	s1 =	sadd.s32 s22, s21  }
0x4a1: {  	s6 =	sadd.s32 s7, s6;
	[smem:$0x79A] =	sst s1  }
0x4a2: {  	s8 =	smul.u32 $0x2AAAAAAB, s0;
	[smem:$0x7CC] =	sst s6  }
0x4a3: {  	s28 =	spop (v2sf);
	s1 =	sadd.s32 s25, s24;
	s24 =	sld [smem:$0x706]  }
0x4a4: {  	s4 =	smulhi.u32 $0x2AAAAAAB, s28;
	s0 =	sshra.s32 s28, $0x1F;
	s28 =	sld [smem:$0x702]  }
0x4a5: {  	s8 =	sadd.s32 s8, s3;
	[smem:$0x79C] =	sst s1  }
0x4a6: {  	[smem:$0x7D0] =	sst s8  }
0x4a7: {  	s9 =	smul.u32 $0x2AAAAAAB, s0;
	s1 =	sadd.s32 s28, s26;
	s26 =	sld [smem:$0x707]  }
0x4a8: {  	(v2sf) =	vpush v1, $0x4;
	s31 =	spop (v2sf);
	s28 =	sld [smem:$0x708]  }
0x4a9: {  	s10 =	sadd.s32 s9, s4;
	s19 =	smulhi.u32 $0x2AAAAAAB, s31;
	[smem:$0x79E] =	sst s1  }
0x4aa: {  	s0 =	sshra.s32 s31, $0x1F;
	s23 =	spop (v2sf);
	s31 =	sld [smem:$0x704]  }
0x4ab: {  	[smem:$0x7D1] =	sst s10;
	s21 =	smul.u32 $0x2AAAAAAB, s0  }
0x4ac: {  	s20 =	smulhi.u32 $0x2AAAAAAB, s23;
	s0 =	sshra.s32 s23, $0x1F;
	s29 =	spop (v2sf)  }
0x4ad: {  	s22 =	smul.u32 $0x2AAAAAAB, s0;
	s1 =	sadd.s32 s31, s30;
	s30 =	sld [smem:$0x709]  }
0x4ae: {  	s23 =	smulhi.u32 $0x2AAAAAAB, s29;
	s31 =	sld [smem:$0x70A]  }
0x4af: {  	s0 =	sshra.s32 s29, $0x1F;
	s25 =	spop (v2sf);
	[smem:$0x79F] =	sst s1  }
0x4b0: {  	(v2sf) =	vpush v1, $0x5;
	s0 =	smul.u32 $0x2AAAAAAB, s0;
	s1 =	sadd.s32 s24, s2;
	s2 =	sld [smem:$0x70F]  }
0x4b1: {  	s29 =	smulhi.u32 $0x2AAAAAAB, s25;
	[smem:$0x79D] =	sst s1  }
0x4b2: {  	[smem:$0x75B] =	sst s0  }
0x4b3: {  	[smem:$0x75C] =	sst s29  }
0x4b4: {  	s0 =	sshra.s32 s25, $0x1F;
	s25 =	sld [smem:$0x70B]  }
0x4b5: {  	s1 =	sadd.s32 s28, s26;
	s26 =	sld [smem:$0x70C]  }
0x4b6: {  	s29 =	sld [smem:$0x70D]  }
0x4b7: {  	s24 =	spop (v2sf);
	[smem:$0x7A0] =	sst s1  }
0x4b8: {  	(v2sf) =	vpush v1, $0x6;
	s28 =	smulhi.u32 $0x2AAAAAAB, s24;
	s1 =	sadd.s32 s31, s30;
	s30 =	sld [smem:$0x70E]  }
0x4b9: {  	[smem:$0x7A2] =	sst s1  }
0x4ba: {  	s0 =	smul.u32 $0x2AAAAAAB, s0;
	[smem:$0x75E] =	sst s28  }
0x4bb: {  	s28 =	sld [smem:$0x712]  }
0x4bc: {  	[smem:$0x75D] =	sst s0  }
0x4bd: {  	s0 =	sshra.s32 s24, $0x1F;
	s24 =	sld [smem:$0x710]  }
0x4be: {  	s1 =	sadd.s32 s26, s25;
	s26 =	sld [smem:$0x711]  }
0x4bf: {  	s31 =	spop (v2sf);
	[smem:$0x7A3] =	sst s1  }
0x4c0: {  	s25 =	smulhi.u32 $0x2AAAAAAB, s31;
	s1 =	sadd.s32 s30, s29;
	s30 =	sld [smem:$0x713]  }
0x4c1: {  	(v2sf) =	vpush v1, $0x7;
	[smem:$0x7A1] =	sst s1  }
0x4c2: {  	s0 =	smul.u32 $0x2AAAAAAB, s0;
	[smem:$0x760] =	sst s25  }
0x4c3: {  	s25 =	sld [smem:$0x715]  }
0x4c4: {  	[smem:$0x75F] =	sst s0  }
0x4c5: {  	v3 =	vld [tilespmem:$0x2160];
	s0 =	sshra.s32 s31, $0x1F;
	s31 =	sld [smem:$0x714]  }
0x4c6: {  	s1 =	sadd.s32 s24, s2;
	s2 =	sld [smem:$0x719]  }
0x4c7: {  	s29 =	spop (v2sf);
	[smem:$0x7A4] =	sst s1  }
0x4c8: {  	s24 =	smulhi.u32 $0x2AAAAAAB, s29;
	s1 =	sadd.s32 s28, s26;
	s26 =	sld [smem:$0x716]  }
0x4c9: {  	[smem:$0x7A5] =	sst s1  }
0x4ca: {  	(v2sf) =	vpush v3, $0xD;
	s0 =	smul.u32 $0x2AAAAAAB, s0;
	[smem:$0x762] =	sst s24  }
0x4cb: {  	s24 =	sld [smem:$0x71A]  }
0x4cc: {  	[smem:$0x761] =	sst s0  }
0x4cd: {  	s0 =	sshra.s32 s29, $0x1F;
	s29 =	sld [smem:$0x717]  }
0x4ce: {  	s1 =	sadd.s32 s31, s30;
	s30 =	sld [smem:$0x718]  }
0x4cf: {  	s4 =	sld [smem:$0x762]  }
0x4d0: {  	s28 =	spop (v2sf);
	[smem:$0x7A6] =	sst s1  }
0x4d1: {  	s31 =	smulhi.u32 $0x2AAAAAAB, s28;
	s1 =	sadd.s32 s26, s25;
	s26 =	sld [smem:$0x71B]  }
0x4d2: {  	[smem:$0x7A7] =	sst s1  }
0x4d3: {  	(v2sf) =	vpush v3, $0xC;
	s0 =	smul.u32 $0x2AAAAAAB, s0;
	[smem:$0x764] =	sst s31  }
0x4d4: {  	s31 =	sld [smem:$0x71E]  }
0x4d5: {  	[smem:$0x763] =	sst s0  }
0x4d6: {  	s0 =	sshra.s32 s28, $0x1F;
	s28 =	sld [smem:$0x71C]  }
0x4d7: {  	s1 =	sadd.s32 s30, s29;
	s30 =	sld [smem:$0x71D]  }
0x4d8: {  	s6 =	sld [smem:$0x764]  }
0x4d9: {  	s25 =	spop (v2sf);
	[smem:$0x7A8] =	sst s1  }
0x4da: {  	s29 =	smulhi.u32 $0x2AAAAAAB, s25;
	s1 =	sadd.s32 s24, s2;
	s2 =	sld [smem:$0x723]  }
0x4db: {  	[smem:$0x7A9] =	sst s1  }
0x4dc: {  	(v2sf) =	vpush v3, $0xE;
	s0 =	smul.u32 $0x2AAAAAAB, s0;
	[smem:$0x766] =	sst s29  }
0x4dd: {  	s29 =	sld [smem:$0x721]  }
0x4de: {  	[smem:$0x765] =	sst s0  }
0x4df: {  	s0 =	sshra.s32 s25, $0x1F;
	s25 =	sld [smem:$0x71F]  }
0x4e0: {  	s1 =	sadd.s32 s28, s26;
	s26 =	sld [smem:$0x720]  }
0x4e1: {  	s9 =	sld [smem:$0x766]  }
0x4e2: {  	s24 =	spop (v2sf);
	[smem:$0x7AB] =	sst s1  }
0x4e3: {  	s28 =	smulhi.u32 $0x2AAAAAAB, s24;
	s1 =	sadd.s32 s31, s30;
	s30 =	sld [smem:$0x722]  }
0x4e4: {  	(v2sf) =	vpush v3, $0xF;
	[smem:$0x7AA] =	sst s1  }
0x4e5: {  	s0 =	smul.u32 $0x2AAAAAAB, s0;
	[smem:$0x768] =	sst s28  }
0x4e6: {  	s28 =	sld [smem:$0x726]  }
0x4e7: {  	[smem:$0x767] =	sst s0  }
0x4e8: {  	s0 =	sshra.s32 s24, $0x1F;
	s24 =	sld [smem:$0x724]  }
0x4e9: {  	s1 =	sadd.s32 s26, s25;
	s26 =	sld [smem:$0x725]  }
0x4ea: {  	[smem:$0x7AC] =	sst s1  }
0x4eb: {  	s31 =	spop (v2sf);
	s1 =	sadd.s32 s30, s29;
	s30 =	sld [smem:$0x727]  }
0x4ec: {  	(v2sf) =	vpush v3, $0x9;
	s25 =	smulhi.u32 $0x2AAAAAAB, s31;
	s10 =	sld [smem:$0x767]  }
0x4ed: {  	[smem:$0x7AE] =	sst s1  }
0x4ee: {  	s0 =	smul.u32 $0x2AAAAAAB, s0;
	[smem:$0x76A] =	sst s25  }
0x4ef: {  	s25 =	sld [smem:$0x729]  }
0x4f0: {  	[smem:$0x769] =	sst s0  }
0x4f1: {  	s0 =	sshra.s32 s31, $0x1F;
	s31 =	sld [smem:$0x728]  }
0x4f2: {  	s1 =	sadd.s32 s24, s2;
	s2 =	sld [smem:$0x72D]  }
0x4f3: {  	s29 =	spop (v2sf);
	[smem:$0x7B0] =	sst s1  }
0x4f4: {  	(v2sf) =	vpush v3, $0x8;
	s24 =	smulhi.u32 $0x2AAAAAAB, s29;
	s1 =	sadd.s32 s28, s26;
	s26 =	sld [smem:$0x72A]  }
0x4f5: {  	[smem:$0x7AF] =	sst s1  }
0x4f6: {  	s0 =	smul.u32 $0x2AAAAAAB, s0;
	[smem:$0x76C] =	sst s24  }
0x4f7: {  	s24 =	sld [smem:$0x72E]  }
0x4f8: {  	[smem:$0x76B] =	sst s0  }
0x4f9: {  	s0 =	sshra.s32 s29, $0x1F;
	s29 =	sld [smem:$0x72B]  }
0x4fa: {  	s1 =	sadd.s32 s31, s30;
	s30 =	sld [smem:$0x72C]  }
0x4fb: {  	s28 =	spop (v2sf);
	[smem:$0x7B2] =	sst s1  }
0x4fc: {  	(v2sf) =	vpush v3, $0xA;
	s31 =	smulhi.u32 $0x2AAAAAAB, s28;
	s1 =	sadd.s32 s26, s25;
	s26 =	sld [smem:$0x72F]  }
0x4fd: {  	[smem:$0x7B4] =	sst s1  }
0x4fe: {  	s0 =	smul.u32 $0x2AAAAAAB, s0;
	[smem:$0x76E] =	sst s31  }
0x4ff: {  	s31 =	sld [smem:$0x732]  }
0x500: {  	[smem:$0x76D] =	sst s0  }
0x501: {  	s0 =	sshra.s32 s28, $0x1F;
	s28 =	sld [smem:$0x730]  }
0x502: {  	s1 =	sadd.s32 s30, s29;
	s30 =	sld [smem:$0x731]  }
0x503: {  	s25 =	spop (v2sf);
	[smem:$0x7B1] =	sst s1  }
0x504: {  	(v2sf) =	vpush v3, $0xB;
	s29 =	smulhi.u32 $0x2AAAAAAB, s25;
	s1 =	sadd.s32 s24, s2;
	s2 =	sld [smem:$0x737]  }
0x505: {  	[smem:$0x7AD] =	sst s1  }
0x506: {  	s0 =	smul.u32 $0x2AAAAAAB, s0;
	[smem:$0x770] =	sst s29  }
0x507: {  	s29 =	sld [smem:$0x735]  }
0x508: {  	[smem:$0x76F] =	sst s0  }
0x509: {  	s0 =	sshra.s32 s25, $0x1F;
	s25 =	sld [smem:$0x733]  }
0x50a: {  	s1 =	sadd.s32 s28, s26;
	s26 =	sld [smem:$0x734]  }
0x50b: {  	s24 =	spop (v2sf);
	[smem:$0x7B3] =	sst s1  }
0x50c: {  	(v2sf) =	vpush v3, $0x1;
	s28 =	smulhi.u32 $0x2AAAAAAB, s24;
	s1 =	sadd.s32 s31, s30;
	s30 =	sld [smem:$0x736]  }
0x50d: {  	[smem:$0x7B5] =	sst s1  }
0x50e: {  	s0 =	smul.u32 $0x2AAAAAAB, s0;
	[smem:$0x772] =	sst s28  }
0x50f: {  	s28 =	sld [smem:$0x73A]  }
0x510: {  	[smem:$0x771] =	sst s0  }
0x511: {  	s0 =	sshra.s32 s24, $0x1F;
	s24 =	sld [smem:$0x738]  }
0x512: {  	s1 =	sadd.s32 s26, s25;
	s26 =	sld [smem:$0x739]  }
0x513: {  	s31 =	spop (v2sf);
	[smem:$0x7B6] =	sst s1  }
0x514: {  	(v2sf) =	vpush v3, $0x0;
	s25 =	smulhi.u32 $0x2AAAAAAB, s31;
	s1 =	sadd.s32 s30, s29;
	s30 =	sld [smem:$0x73B]  }
0x515: {  	[smem:$0x7B7] =	sst s1  }
0x516: {  	s0 =	smul.u32 $0x2AAAAAAB, s0;
	[smem:$0x774] =	sst s25  }
0x517: {  	s25 =	sld [smem:$0x73D]  }
0x518: {  	[smem:$0x773] =	sst s0  }
0x519: {  	s0 =	sshra.s32 s31, $0x1F;
	s31 =	sld [smem:$0x73C]  }
0x51a: {  	s1 =	sadd.s32 s24, s2;
	s2 =	sld [smem:$0x741]  }
0x51b: {  	s29 =	spop (v2sf);
	[smem:$0x7B8] =	sst s1  }
0x51c: {  	(v2sf) =	vpush v3, $0x2;
	s24 =	smulhi.u32 $0x2AAAAAAB, s29;
	s1 =	sadd.s32 s28, s26;
	s26 =	sld [smem:$0x73E]  }
0x51d: {  	[smem:$0x7B9] =	sst s1  }
0x51e: {  	s0 =	smul.u32 $0x2AAAAAAB, s0;
	[smem:$0x776] =	sst s24  }
0x51f: {  	s24 =	sld [smem:$0x742]  }
0x520: {  	[smem:$0x775] =	sst s0  }
0x521: {  	s0 =	sshra.s32 s29, $0x1F;
	s29 =	sld [smem:$0x73F]  }
0x522: {  	s1 =	sadd.s32 s31, s30;
	s30 =	sld [smem:$0x740]  }
0x523: {  	s28 =	spop (v2sf);
	[smem:$0x7BB] =	sst s1  }
0x524: {  	(v2sf) =	vpush v3, $0x3;
	s31 =	smulhi.u32 $0x2AAAAAAB, s28;
	s1 =	sadd.s32 s26, s25;
	s26 =	sld [smem:$0x743]  }
0x525: {  	[smem:$0x7BA] =	sst s1  }
0x526: {  	s0 =	smul.u32 $0x2AAAAAAB, s0;
	[smem:$0x778] =	sst s31  }
0x527: {  	s31 =	sld [smem:$0x746]  }
0x528: {  	[smem:$0x777] =	sst s0  }
0x529: {  	s0 =	sshra.s32 s28, $0x1F;
	s28 =	sld [smem:$0x744]  }
0x52a: {  	s1 =	sadd.s32 s30, s29;
	s30 =	sld [smem:$0x745]  }
0x52b: {  	s25 =	spop (v2sf);
	[smem:$0x7BC] =	sst s1  }
0x52c: {  	(v2sf) =	vpush v3, $0x4;
	s29 =	smulhi.u32 $0x2AAAAAAB, s25;
	s1 =	sadd.s32 s24, s2;
	s2 =	sld [smem:$0x74B]  }
0x52d: {  	[smem:$0x7BD] =	sst s1  }
0x52e: {  	s0 =	smul.u32 $0x2AAAAAAB, s0;
	[smem:$0x77A] =	sst s29  }
0x52f: {  	s29 =	sld [smem:$0x749]  }
0x530: {  	[smem:$0x779] =	sst s0  }
0x531: {  	s0 =	sshra.s32 s25, $0x1F;
	s25 =	sld [smem:$0x747]  }
0x532: {  	s1 =	sadd.s32 s28, s26;
	s26 =	sld [smem:$0x748]  }
0x533: {  	s24 =	spop (v2sf);
	[smem:$0x7C1] =	sst s1  }
0x534: {  	(v2sf) =	vpush v3, $0x5;
	s28 =	smulhi.u32 $0x2AAAAAAB, s24;
	s1 =	sadd.s32 s31, s30;
	s30 =	sld [smem:$0x74A]  }
0x535: {  	[smem:$0x7BE] =	sst s1  }
0x536: {  	s0 =	smul.u32 $0x2AAAAAAB, s0;
	[smem:$0x77C] =	sst s28  }
0x537: {  	s28 =	sld [smem:$0x74E]  }
0x538: {  	[smem:$0x77B] =	sst s0  }
0x539: {  	s0 =	sshra.s32 s24, $0x1F;
	s24 =	sld [smem:$0x74C]  }
0x53a: {  	s1 =	sadd.s32 s26, s25;
	s26 =	sld [smem:$0x74D]  }
0x53b: {  	s31 =	spop (v2sf);
	[smem:$0x7C5] =	sst s1  }
0x53c: {  	(v2sf) =	vpush v3, $0x6;
	s25 =	smulhi.u32 $0x2AAAAAAB, s31;
	s1 =	sadd.s32 s30, s29;
	s30 =	sld [smem:$0x74F]  }
0x53d: {  	[smem:$0x7C7] =	sst s1  }
0x53e: {  	s0 =	smul.u32 $0x2AAAAAAB, s0;
	[smem:$0x77E] =	sst s25  }
0x53f: {  	s25 =	sld [smem:$0x751]  }
0x540: {  	[smem:$0x77D] =	sst s0  }
0x541: {  	s0 =	sshra.s32 s31, $0x1F;
	s31 =	sld [smem:$0x750]  }
0x542: {  	s1 =	sadd.s32 s24, s2;
	s2 =	sld [smem:$0x755]  }
0x543: {  	(v2sf) =	vpush v3, $0x7;
	s29 =	spop (v2sf);
	[smem:$0x7C0] =	sst s1  }
0x544: {  	v24 =	vld [tilespmem:$0x2170];
	s24 =	smulhi.u32 $0x2AAAAAAB, s29;
	s1 =	sadd.s32 s28, s26;
	s26 =	sld [smem:$0x752]  }
0x545: {  	[smem:$0x7BF] =	sst s1  }
0x546: {  	s0 =	smul.u32 $0x2AAAAAAB, s0;
	[smem:$0x780] =	sst s24  }
0x547: {  	s24 =	sld [smem:$0x756]  }
0x548: {  	[smem:$0x77F] =	sst s0  }
0x549: {  	(v2sf) =	vpush v24, $0xD;
	s0 =	sshra.s32 s29, $0x1F;
	s29 =	sld [smem:$0x753]  }
0x54a: {  	s1 =	sadd.s32 s31, s30;
	s30 =	sld [smem:$0x754]  }
0x54b: {  	s28 =	spop (v2sf);
	[smem:$0x7C2] =	sst s1  }
0x54c: {  	s31 =	smulhi.u32 $0x2AAAAAAB, s28;
	s1 =	sadd.s32 s26, s25;
	s26 =	sld [smem:$0x757]  }
0x54d: {  	[smem:$0x7C3] =	sst s1  }
0x54e: {  	s0 =	smul.u32 $0x2AAAAAAB, s0;
	[smem:$0x782] =	sst s31  }
0x54f: {  	s31 =	sld [smem:$0x75A]  }
0x550: {  	[smem:$0x781] =	sst s0  }
0x551: {  	s0 =	sshra.s32 s28, $0x1F;
	s28 =	sld [smem:$0x758]  }
0x552: {  	s25 =	spop (v2sf);
	s1 =	sadd.s32 s30, s29;
	s30 =	sld [smem:$0x759]  }
0x553: {  	(v2sf) =	vpush v24, $0xC;
	s29 =	smulhi.u32 $0x2AAAAAAB, s25;
	[smem:$0x7C4] =	sst s1;
	s1 =	sadd.s32 s24, s2  }
0x554: {  	s24 =	sadd.s32 s13, s11;
	s13 =	sadd.s32 s22, s20;
	s20 =	sld [smem:$0x75F]  }
0x555: {  	[smem:$0x7C6] =	sst s1  }
0x556: {  	(v2sf) =	vpush v24, $0xE;
	[smem:$0x784] =	sst s29  }
0x557: {  	s0 =	smul.u32 $0x2AAAAAAB, s0;
	[smem:$0x7CA] =	sst s24  }
0x558: {  	s2 =	spop (v2sf);
	[smem:$0x7D2] =	sst s13  }
0x559: {  	(v2sf) =	vpush v24, $0xF;
	s12 =	smulhi.u32 $0x2AAAAAAB, s2;
	[smem:$0x783] =	sst s0  }
0x55a: {  	s1 =	sadd.s32 s28, s26;
	s26 =	sadd.s32 s16, s14;
	s16 =	sld [smem:$0x75C]  }
0x55b: {  	[smem:$0x7C8] =	sst s1  }
0x55c: {  	[smem:$0x786] =	sst s12  }
0x55d: {  	(v2sf) =	vpush v24, $0x9;
	[smem:$0x7CD] =	sst s26  }
0x55e: {  	s1 =	sadd.s32 s31, s30;
	s30 =	sadd.s32 s5, s15;
	s15 =	sld [smem:$0x75B]  }
0x55f: {  	(v2sf) =	vpush v24, $0x8;
	s12 =	sadd.s32 s21, s19;
	s19 =	sld [smem:$0x75E]  }
0x560: {  	[smem:$0x7C9] =	sst s1  }
0x561: {  	(v2sf) =	vpush v24, $0xA;
	[smem:$0x7CF] =	sst s30  }
0x562: {  	s0 =	sshra.s32 s25, $0x1F;
	s25 =	spop (v2sf);
	[smem:$0x7D3] =	sst s12  }
0x563: {  	s0 =	smul.u32 $0x2AAAAAAB, s0;
	s30 =	sld [smem:$0x760]  }
0x564: {  	s28 =	smulhi.u32 $0x2AAAAAAB, s25;
	s12 =	sld [smem:$0x769]  }
0x565: {  	s31 =	spop (v2sf);
	[smem:$0x785] =	sst s0  }
0x566: {  	(v2sf) =	vpush v24, $0xB;
	s5 =	smulhi.u32 $0x2AAAAAAB, s31;
	[smem:$0x787] =	sst s28  }
0x567: {  	s0 =	sshra.s32 s2, $0x1F;
	s2 =	sadd.s32 s18, s17;
	s17 =	sld [smem:$0x75D]  }
0x568: {  	s7 =	spop (v2sf);
	[smem:$0x7CE] =	sst s2  }
0x569: {  	s28 =	smulhi.u32 $0x2AAAAAAB, s7;
	[smem:$0x789] =	sst s5  }
0x56a: {  	s29 =	smul.u32 $0x2AAAAAAB, s0;
	s0 =	sshra.s32 s25, $0x1F;
	s5 =	sld [smem:$0x763]  }
0x56b: {  	s1 =	sadd.s32 s15, s23;
	s2 =	sld [smem:$0x76C];
	s0 =	smul.u32 $0x2AAAAAAB, s0  }
0x56c: {  	s11 =	spop (v2sf);
	[smem:$0x7D4] =	sst s1  }
0x56d: {  	(v2sf) =	vpush v24, $0x1;
	s25 =	smulhi.u32 $0x2AAAAAAB, s11;
	s1 =	sadd.s32 s17, s16;
	[smem:$0x788] =	sst s0  }
0x56e: {  	s14 =	spop (v2sf);
	[smem:$0x7D5] =	sst s1  }
0x56f: {  	s0 =	sshra.s32 s31, $0x1F;
	s1 =	sadd.s32 s20, s19;
	s31 =	sld [smem:$0x761]  }
0x570: {  	s18 =	spop (v2sf);
	[smem:$0x7D6] =	sst s1  }
0x571: {  	s26 =	smul.u32 $0x2AAAAAAB, s0;
	s0 =	sshra.s32 s7, $0x1F;
	s7 =	sld [smem:$0x765]  }
0x572: {  	s24 =	smul.u32 $0x2AAAAAAB, s0;
	s0 =	sshra.s32 s11, $0x1F;
	s11 =	sld [smem:$0x768]  }
0x573: {  	(v2sf) =	vpush v24, $0x0;
	s20 =	smulhi.u32 $0x2AAAAAAB, s18;
	s1 =	sadd.s32 s31, s30;
	s30 =	sld [smem:$0x76A]  }
0x574: {  	s22 =	smul.u32 $0x2AAAAAAB, s0;
	s31 =	sld [smem:$0x76B]  }
0x575: {  	(v2sf) =	vpush v24, $0x2;
	s0 =	sshra.s32 s14, $0x1F;
	s3 =	spop (v2sf);
	[smem:$0x7D7] =	sst s1  }
0x576: {  	s21 =	smul.u32 $0x2AAAAAAB, s0;
	s1 =	sadd.s32 s5, s4;
	s5 =	sld [smem:$0x76E]  }
0x577: {  	s0 =	sshra.s32 s18, $0x1F;
	s19 =	smulhi.u32 $0x2AAAAAAB, s3;
	[smem:$0x7D8] =	sst s1  }
0x578: {  	(v2sf) =	vpush v24, $0x3;
	s18 =	smul.u32 $0x2AAAAAAB, s0;
	s0 =	sshra.s32 s3, $0x1F;
	s3 =	sld [smem:$0x76D]  }
0x579: {  	s1 =	sadd.s32 s7, s6;
	s6 =	sld [smem:$0x76F]  }
0x57a: {  	s7 =	sld [smem:$0x770]  }
0x57b: {  	(v2sf) =	vpush v24, $0x4;
	[smem:$0x7D9] =	sst s1  }
0x57c: {  	s16 =	smul.u32 $0x2AAAAAAB, s0;
	s8 =	spop (v2sf);
	s1 =	sadd.s32 s10, s9  }
0x57d: {  	[smem:$0x7DB] =	sst s1;
	s17 =	smulhi.u32 $0x2AAAAAAB, s8  }
0x57e: {  	s0 =	sshra.s32 s8, $0x1F;
	s1 =	sadd.s32 s12, s11;
	s8 =	sld [smem:$0x771]  }
0x57f: {  	[smem:$0x7DA] =	sst s1  }
0x580: {  	s23 =	smulhi.u32 $0x2AAAAAAB, s14;
	s1 =	sadd.s32 s31, s30;
	s30 =	sld [smem:$0x772]  }
0x581: {  	s14 =	smul.u32 $0x2AAAAAAB, s0;
	s31 =	sld [smem:$0x773]  }
0x582: {  	s13 =	spop (v2sf);
	[smem:$0x7DE] =	sst s1  }
0x583: {  	s15 =	smulhi.u32 $0x2AAAAAAB, s13;
	s1 =	sadd.s32 s3, s2;
	s2 =	sld [smem:$0x774]  }
0x584: {  	s0 =	sshra.s32 s13, $0x1F;
	s4 =	spop (v2sf);
	s3 =	sld [smem:$0x775]  }
0x585: {  	(v2sf) =	vpush v24, $0x5;
	[smem:$0x7E0] =	sst s1;
	s12 =	smul.u32 $0x2AAAAAAB, s0  }
0x586: {  	(v2sf) =	vpush v24, $0x6;
	s1 =	sadd.s32 s6, s5;
	s13 =	smulhi.u32 $0x2AAAAAAB, s4;
	s5 =	sld [smem:$0x776]  }
0x587: {  	s0 =	sshra.s32 s4, $0x1F;
	s9 =	spop (v2sf);
	s6 =	sld [smem:$0x777]  }
0x588: {  	[smem:$0x7DF] =	sst s1;
	s10 =	smul.u32 $0x2AAAAAAB, s0  }
0x589: {  	s1 =	sadd.s32 s8, s7;
	s11 =	smulhi.u32 $0x2AAAAAAB, s9;
	s7 =	sld [smem:$0x778]  }
0x58a: {  	s0 =	sshra.s32 s9, $0x1F;
	s4 =	spop (v2sf);
	[smem:$0x7DD] =	sst s1  }
0x58b: {  	v1 =	vld [tilespmem:$0x2180];
	s1 =	sadd.s32 s31, s30;
	s8 =	smul.u32 $0x2AAAAAAB, s0;
	s30 =	sld [smem:$0x779]  }
0x58c: {  	s9 =	smulhi.u32 $0x2AAAAAAB, s4;
	s0 =	sshra.s32 s4, $0x1F;
	s4 =	sld [smem:$0x77C]  }
0x58d: {  	[smem:$0x7E1] =	sst s1  }
0x58e: {  	s1 =	sadd.s32 s3, s2;
	s2 =	sld [smem:$0x77A]  }
0x58f: {  	(v2sf) =	vpush v24, $0x7;
	s3 =	sld [smem:$0x77B]  }
0x590: {  	(v2sf) =	vpush v1, $0xD;
	[smem:$0x7E2] =	sst s1  }
0x591: {  	(v2sf) =	vpush v1, $0xC;
	s1 =	sadd.s32 s6, s5;
	s5 =	sld [smem:$0x77D]  }
0x592: {  	(v2sf) =	vpush v1, $0xE;
	[smem:$0x7E3] =	sst s1;
	s1 =	sadd.s32 s30, s7  }
0x593: {  	(v2sf) =	vpush v1, $0xF;
	[smem:$0x7DC] =	sst s1;
	s1 =	sadd.s32 s3, s2  }
0x594: {  	(v2sf) =	vpush v1, $0x9;
	s31 =	spop (v2sf);
	[smem:$0x7E4] =	sst s1;
	s1 =	sadd.s32 s5, s4  }
0x595: {  	(v2sf) =	vpush v1, $0x8;
	s30 =	spop (v2sf);
	[smem:$0x7E5] =	sst s1  }
0x596: {  	s24 =	sadd.s32 s24, s28;
	s1 =	sld [smem:$0x77E]  }
0x597: {  	s22 =	sadd.s32 s22, s25;
	[dreg:$0x1f] =	wrdreg s24  }
0x598: {  	s21 =	sadd.s32 s21, s23;
	[smem:$0x7EE] =	sst s22  }
0x599: {  	s16 =	sadd.s32 s16, s19;
	[smem:$0x7ED] =	sst s21  }
0x59a: {  	s12 =	sadd.s32 s12, s15;
	[dreg:$0xc] =	wrdreg s16  }
0x59b: {  	s10 =	sadd.s32 s10, s13;
	[smem:$0x7EF] =	sst s12  }
0x59c: {  	s6 =	smul.u32 $0x2AAAAAAB, s0;
	[dreg:$0x1e] =	wrdreg s10  }
0x59d: {  	s0 =	sshra.s32 s31, $0x1F;
	s7 =	smulhi.u32 $0x2AAAAAAB, s31;
	s31 =	sld [smem:$0x77F]  }
0x59e: {  	s2 =	sld [smem:$0x780]  }
0x59f: {  	s5 =	smul.u32 $0x2AAAAAAB, s0;
	s3 =	sld [smem:$0x781]  }
0x5a0: {  	s4 =	smulhi.u32 $0x2AAAAAAB, s30;
	s0 =	sshra.s32 s30, $0x1F;
	s30 =	sld [smem:$0x782]  }
0x5a1: {  	s1 =	sadd.s32 s31, s1;
	s31 =	sld [smem:$0x783]  }
0x5a2: {  	[smem:$0x7E6] =	sst s1;
	s1 =	sadd.s32 s3, s2  }
0x5a3: {  	[smem:$0x7E7] =	sst s1  }
0x5a4: {  	s1 =	sadd.s32 s31, s30;
	s30 =	sld [smem:$0x785]  }
0x5a5: {  	[smem:$0x7E8] =	sst s1  }
0x5a6: {  	s8 =	sadd.s32 s8, s11;
	s1 =	sld [smem:$0x784]  }
0x5a7: {  	s6 =	sadd.s32 s6, s9;
	[dreg:$0x1c] =	wrdreg s8  }
0x5a8: {  	[dreg:$0x1a] =	wrdreg s6;
	s2 =	smul.u32 $0x2AAAAAAB, s0  }
0x5a9: {  	s5 =	sadd.s32 s5, s7;
	s1 =	sadd.s32 s30, s1;
	s30 =	sld [smem:$0x786]  }
0x5aa: {  	[dreg:$0x17] =	wrdreg s5;
	s2 =	sadd.s32 s2, s4  }
0x5ab: {  	[dreg:$0x13] =	wrdreg s2  }
0x5ac: {  	s0 =	spop (v2sf);
	s31 =	sadd.s32 s29, s30;
	s29 =	sld [smem:$0x787]  }
0x5ad: {  	s3 =	smulhi.u32 $0x2AAAAAAB, s0;
	s0 =	sshra.s32 s0, $0x1F;
	s30 =	sld [smem:$0x788]  }
0x5ae: {  	[smem:$0x7EA] =	sst s1;
	s1 =	smul.u32 $0x2AAAAAAB, s0  }
0x5af: {  	(v2sf) =	vpush v1, $0xA;
	s0 =	spop (v2sf);
	[smem:$0x7EB] =	sst s31  }
0x5b0: {  	(v2sf) =	vpush v1, $0xB;
	s1 =	sadd.s32 s1, s3;
	s29 =	sadd.s32 s30, s29;
	s30 =	sld [smem:$0x789]  }
0x5b1: {  	s31 =	smulhi.u32 $0x2AAAAAAB, s0;
	[dreg:$0x14] =	wrdreg s1  }
0x5b2: {  	s0 =	sshra.s32 s0, $0x1F;
	[smem:$0x7E9] =	sst s29;
	s29 =	spop (v2sf)  }
0x5b3: {  	s0 =	smul.u32 $0x2AAAAAAB, s0;
	s26 =	sadd.s32 s26, s30;
	s30 =	spop (v2sf)  }
0x5b4: {  	[smem:$0x7EC] =	sst s26;
	s26 =	smulhi.u32 $0x2AAAAAAB, s29  }
0x5b5: {  	(v2sf) =	vpush v1, $0x1;
	s0 =	sadd.s32 s0, s31;
	s29 =	sshra.s32 s29, $0x1F;
	s22 =	smulhi.u32 $0x2AAAAAAB, s30  }
0x5b6: {  	[dreg:$0x12] =	wrdreg s0;
	s24 =	smul.u32 $0x2AAAAAAB, s29;
	s29 =	sshra.s32 s30, $0x1F  }
0x5b7: {  	s30 =	spop (v2sf);
	s21 =	smul.u32 $0x2AAAAAAB, s29  }
0x5b8: {  	s29 =	sadd.s32 s18, s20;
	s18 =	smulhi.u32 $0x2AAAAAAB, s30;
	s23 =	sshra.s32 s30, $0x1F  }
0x5b9: {  	s25 =	spop (v2sf);
	s16 =	smul.u32 $0x2AAAAAAB, s23  }
0x5ba: {  	s30 =	sadd.s32 s14, s17;
	s14 =	smulhi.u32 $0x2AAAAAAB, s25;
	s11 =	sadd.s32 s24, s26  }
0x5bb: {  	s28 =	sshra.s32 s25, $0x1F;
	s19 =	spop (v2sf);
	[dreg:$0x19] =	wrdreg s11  }
0x5bc: {  	(v2sf) =	vpush v1, $0x0;
	s12 =	smul.u32 $0x2AAAAAAB, s28;
	s15 =	sadd.s32 s21, s22;
	s11 =	sld [smem:$0x78E]  }
0x5bd: {  	s10 =	smulhi.u32 $0x2AAAAAAB, s19;
	s20 =	sshra.s32 s19, $0x1F;
	[dreg:$0x15] =	wrdreg s15  }
0x5be: {  	(v2sf) =	vpush v1, $0x2;
	s23 =	spop (v2sf);
	s19 =	sadd.s32 s16, s18;
	s18 =	sld [smem:$0x792]  }
0x5bf: {  	s25 =	sshra.s32 s23, $0x1F;
	s28 =	spop (v2sf);
	[dreg:$0xf] =	wrdreg s19  }
0x5c0: {  	s5 =	smul.u32 $0x2AAAAAAB, s25;
	s25 =	sld [smem:$0x78A]  }
0x5c1: {  	(v2sf) =	vpush v1, $0x3;
	s2 =	smulhi.u32 $0x2AAAAAAB, s28;
	s7 =	sshra.s32 s28, $0x1F;
	s28 =	sld [smem:$0x78B]  }
0x5c2: {  	s8 =	smul.u32 $0x2AAAAAAB, s20;
	s21 =	sadd.s32 s12, s14;
	s12 =	sld [smem:$0x78F]  }
0x5c3: {  	s6 =	smulhi.u32 $0x2AAAAAAB, s23;
	s14 =	sld [smem:$0x791]  }
0x5c4: {  	s9 =	spop (v2sf);
	[dreg:$0x16] =	wrdreg s21;
	s8 =	sadd.s32 s8, s10  }
0x5c5: {  	s1 =	smul.u32 $0x2AAAAAAB, s7;
	s15 =	sshrl.u32 s11, $0x1F;
	[dreg:$0x1d] =	wrdreg s8  }
0x5c6: {  	s0 =	smulhi.u32 $0x2AAAAAAB, s9;
	s5 =	sadd.s32 s5, s6;
	v29 =	vmov s15;
	s15 =	sld [smem:$0x799]  }
0x5c7: {  	(v2sf) =	vpush v1, $0x4;
	s3 =	sshra.s32 s9, $0x1F;
	[dreg:$0x18] =	wrdreg s5;
	s1 =	sadd.s32 s1, s2  }
0x5c8: {  	s3 =	smul.u32 $0x2AAAAAAB, s3;
	s10 =	sshrl.u32 s25, $0x1F;
	[dreg:$0x11] =	wrdreg s1  }
0x5c9: {  	(v2sf) =	vpush v1, $0x5;
	v3 =	vmov s25;
	v25 =	vmov s10;
	s10 =	sld [smem:$0x78D]  }
0x5ca: {  	s5 =	sshrl.u32 s28, $0x1F;
	v3 =	vsel vm0, s28, v3;
	s0 =	sadd.s32 s3, s0;
	s28 =	sld [smem:$0x796]  }
0x5cb: {  	(v2sf) =	vpush v1, $0x6;
	[dreg:$0x10] =	wrdreg s0;
	s13 =	spop (v2sf)  }
0x5cc: {  	v4 =	vsel vm0, s5, v25;
	s5 =	sld [smem:$0x78C];
	s17 =	smulhi.u32 $0x2AAAAAAB, s13;
	s4 =	sshra.s32 s13, $0x1F  }
0x5cd: {  	s4 =	smul.u32 $0x2AAAAAAB, s4;
	s20 =	spop (v2sf)  }
0x5ce: {  	s13 =	sld [smem:$0x790];
	s22 =	smulhi.u32 $0x2AAAAAAB, s20;
	s9 =	sshra.s32 s20, $0x1F  }
0x5cf: {  	v3 =	vsel vm1, s5, v3;
	s20 =	sld [smem:$0x793];
	s23 =	smul.u32 $0x2AAAAAAB, s9;
	s7 =	sadd.s32 s4, s17  }
0x5d0: {  	v35 =	vsel vm2, s10, v3;
	v3 =	vmov s11;
	s24 =	spop (v2sf);
	[dreg:$0x1b] =	wrdreg s7  }
0x5d1: {  	v3 =	vsel vm0, s12, v3;
	s26 =	smulhi.u32 $0x2AAAAAAB, s24;
	s9 =	sshra.s32 s24, $0x1F;
	s24 =	sld [smem:$0x795]  }
0x5d2: {  	s16 =	sshrl.u32 s14, $0x1F;
	s2 =	sshrl.u32 s13, $0x1F;
	v3 =	vsel vm1, s14, v3;
	s14 =	sld [smem:$0x798]  }
0x5d3: {  	(v2sf) =	vpush v1, $0x7;
	s0 =	sshrl.u32 s5, $0x1F;
	v26 =	vmov s13;
	v27 =	vmov s2;
	s8 =	sadd.s32 s23, s22;
	s22 =	sld [smem:$0x794]  }
0x5d4: {  	s1 =	sshrl.u32 s12, $0x1F;
	s5 =	sshrl.u32 s18, $0x1F;
	v4 =	vsel vm1, s0, v4;
	v5 =	vnsel vm3, $0x0, v26;
	v6 =	vnsel vm3, $0x0, v27;
	[dreg:$0xe] =	wrdreg s8  }
0x5d5: {  	s0 =	sshrl.u32 s10, $0x1F;
	s31 =	smul.u32 $0x2AAAAAAB, s9;
	v5 =	vsel vm0, s18, v5;
	v28 =	vsel vm0, s5, v6;
	v6 =	vsel vm0, s1, v29;
	s1 =	sld [smem:$0x797]  }
0x5d6: {  	v34 =	vsel vm2, s0, v4;
	s0 =	sshrl.u32 s20, $0x1F;
	s17 =	spop (v2sf);
	v5 =	vsel vm1, s20, v5;
	s20 =	sld [smem:$0x79D]  }
0x5d7: {  	v1 =	vld [tilespmem:$0x2190];
	s9 =	sadd.s32 s31, s26;
	s19 =	smulhi.u32 $0x2AAAAAAB, s17;
	v6 =	vsel vm1, s16, v6;
	s16 =	sld [smem:$0x79A]  }
0x5d8: {  	s4 =	sshra.s32 s17, $0x1F;
	s21 =	spop (v2sf);
	s17 =	sld [smem:$0x79B]  }
0x5d9: {  	v4 =	vsel vm1, s0, v28;
	[dreg:$0xd] =	wrdreg s9;
	s4 =	smul.u32 $0x2AAAAAAB, s4;
	s0 =	sshrl.u32 s22, $0x1F  }
0x5da: {  	v5 =	vsel vm2, s22, v5;
	s5 =	sshra.s32 s21, $0x1F;
	s26 =	spop (v2sf);
	s22 =	sld [smem:$0x79E]  }
0x5db: {  	v4 =	vsel vm2, s0, v4;
	v5 =	vsel vm4, s24, v5;
	s0 =	sshrl.u32 s24, $0x1F;
	s25 =	smul.u32 $0x2AAAAAAB, s5;
	s24 =	sld [smem:$0x7A0]  }
0x5dc: {  	(v2sf) =	vpush v1, $0xD;
	s31 =	smulhi.u32 $0x2AAAAAAB, s26;
	s5 =	sshra.s32 s26, $0x1F;
	s26 =	sld [smem:$0x7A2]  }
0x5dd: {  	s11 =	sadd.s32 s4, s19;
	s19 =	sld [smem:$0x79C]  }
0x5de: {  	(v2sf) =	vpush v1, $0xC;
	v40 =	vsel vm2, s14, v3;
	s4 =	sshrl.u32 s14, $0x1F;
	s14 =	sld [smem:$0x7A6]  }
0x5df: {  	(v2sf) =	vpush v1, $0xE;
	s23 =	smulhi.u32 $0x2AAAAAAB, s21;
	v3 =	vmov s16;
	s18 =	sshrl.u32 s16, $0x1F;
	s16 =	sld [smem:$0x7A7]  }
0x5e0: {  	(v2sf) =	vpush v1, $0xF;
	[smem:$0x7F0] =	sst s11  }
0x5e1: {  	s2 =	sadd.s32 s25, s23;
	s23 =	sld [smem:$0x79F]  }
0x5e2: {  	s10 =	spop (v2sf);
	s25 =	sld [smem:$0x7A1]  }
0x5e3: {  	s9 =	smul.u32 $0x2AAAAAAB, s5;
	s11 =	sld [smem:$0x7A4]  }
0x5e4: {  	(v2sf) =	vpush v1, $0x9;
	v4 =	vsel vm4, s0, v4;
	s0 =	sshrl.u32 s28, $0x1F;
	s12 =	smulhi.u32 $0x2AAAAAAB, s10;
	v30 =	vmov s18;
	s18 =	sld [smem:$0x7A8]  }
0x5e5: {  	v5 =	vsel vm5, s28, v5;
	s13 =	sshra.s32 s10, $0x1F;
	v4 =	vsel vm5, s0, v4;
	s0 =	sshrl.u32 s1, $0x1F;
	[smem:$0x7F1] =	sst s2  }
0x5e6: {  	v5 =	vsel vm6, s1, v5;
	s3 =	smul.u32 $0x2AAAAAAB, s13;
	s1 =	sadd.s32 s9, s31;
	s9 =	sld [smem:$0x7A3]  }
0x5e7: {  	s5 =	sshrl.u32 s15, $0x1F;
	[smem:$0x7F2] =	sst s1  }
0x5e8: {  	s21 =	sshrl.u32 s17, $0x1F;
	v4 =	vsel vm6, s0, v4;
	s0 =	sadd.s32 s3, s12;
	s12 =	sld [smem:$0x7A5]  }
0x5e9: {  	v31 =	vmov s20;
	v3 =	vsel vm0, s17, v3;
	s1 =	sshrl.u32 s19, $0x1F;
	s3 =	sshrl.u32 s20, $0x1F;
	s20 =	sld [smem:$0x7A9]  }
0x5ea: {  	v37 =	vsel vm7, s5, v4;
	v3 =	vsel vm1, s19, v3;
	v4 =	vsel vm0, s21, v30;
	[smem:$0x7F3] =	sst s0;
	s0 =	sshrl.u32 s22, $0x1F;
	s2 =	sshrl.u32 s23, $0x1F  }
0x5eb: {  	v39 =	vsel vm2, s22, v3;
	v4 =	vsel vm1, s1, v4;
	s31 =	spop (v2sf);
	s8 =	sshrl.u32 s25, $0x1F;
	s22 =	sld [smem:$0x7AA]  }
0x5ec: {  	(v2sf) =	vpush v1, $0x8;
	v32 =	vmov s25;
	s25 =	sld [smem:$0x7AB];
	v42 =	vsel vm2, s0, v4;
	s0 =	smulhi.u32 $0x2AAAAAAB, s31;
	s5 =	sshra.s32 s31, $0x1F  }
0x5ed: {  	s1 =	sshrl.u32 s24, $0x1F;
	v44 =	vmov s3;
	s10 =	spop (v2sf);
	s5 =	smul.u32 $0x2AAAAAAB, s5  }
0x5ee: {  	v36 =	vsel vm7, s15, v5;
	v43 =	vmov s8;
	v5 =	vsel vm0, s2, v44;
	s8 =	smulhi.u32 $0x2AAAAAAB, s10;
	s7 =	sshra.s32 s10, $0x1F;
	s13 =	spop (v2sf)  }
0x5ef: {  	s28 =	sshrl.u32 s26, $0x1F;
	v5 =	vsel vm1, s1, v5;
	s7 =	smul.u32 $0x2AAAAAAB, s7;
	s17 =	spop (v2sf)  }
0x5f0: {  	v53 =	vsel vm2, s28, v5;
	s28 =	sld [smem:$0x7AC];
	s19 =	smulhi.u32 $0x2AAAAAAB, s17  }
0x5f1: {  	s10 =	sshra.s32 s17, $0x1F;
	s0 =	sadd.s32 s5, s0;
	s17 =	sld [smem:$0x7AF]  }
0x5f2: {  	v3 =	vsel vm0, s23, v31;
	s3 =	sshrl.u32 s11, $0x1F;
	s6 =	sshrl.u32 s9, $0x1F;
	[smem:$0x7F5] =	sst s0  }
0x5f3: {  	v3 =	vsel vm1, s24, v3;
	s21 =	spop (v2sf);
	s7 =	sadd.s32 s7, s8;
	s8 =	sld [smem:$0x7AD]  }
0x5f4: {  	v41 =	vsel vm2, s26, v3;
	v3 =	vnsel vm3, $0x0, v32;
	v4 =	vnsel vm3, $0x0, v43;
	s23 =	smulhi.u32 $0x2AAAAAAB, s21;
	s24 =	sshra.s32 s21, $0x1F;
	s21 =	sld [smem:$0x7B0]  }
0x5f5: {  	v3 =	vsel vm0, s9, v3;
	v4 =	vsel vm0, s6, v4;
	s15 =	smulhi.u32 $0x2AAAAAAB, s13;
	s9 =	sshra.s32 s13, $0x1F;
	s0 =	sld [smem:$0x7E2]  }
0x5f6: {  	(v2sf) =	vpush v1, $0xA;
	s6 =	sshrl.u32 s12, $0x1F;
	v4 =	vsel vm1, s3, v4;
	s9 =	smul.u32 $0x2AAAAAAB, s9;
	[smem:$0x7F4] =	sst s7  }
0x5f7: {  	s2 =	sshrl.u32 s14, $0x1F;
	v3 =	vsel vm1, s11, v3;
	v4 =	vsel vm2, s6, v4;
	s11 =	smul.u32 $0x2AAAAAAB, s24;
	s24 =	sld [smem:$0x7B2]  }
0x5f8: {  	(v2sf) =	vpush v1, $0xB;
	v3 =	vsel vm2, s12, v3;
	v4 =	vsel vm4, s2, v4;
	s2 =	sld [smem:$0x7B5]  }
0x5f9: {  	s10 =	smul.u32 $0x2AAAAAAB, s10;
	v3 =	vsel vm4, s14, v3;
	s14 =	sadd.s32 s9, s15;
	s7 =	sld [smem:$0x7BC]  }
0x5fa: {  	s6 =	sshrl.u32 s16, $0x1F;
	[smem:$0x7F6] =	sst s14  }
0x5fb: {  	(v2sf) =	vpush v1, $0x1;
	s26 =	spop (v2sf);
	v3 =	vsel vm5, s16, v3;
	s15 =	sadd.s32 s10, s19;
	s16 =	sld [smem:$0x7AE]  }
0x5fc: {  	s31 =	smulhi.u32 $0x2AAAAAAB, s26;
	[smem:$0x7F8] =	sst s15  }
0x5fd: {  	v38 =	vsel vm2, s4, v6;
	s4 =	sshra.s32 s26, $0x1F;
	s19 =	sadd.s32 s11, s23;
	s15 =	sld [smem:$0x7B6]  }
0x5fe: {  	(v2sf) =	vpush v1, $0x0;
	s1 =	sshrl.u32 s18, $0x1F;
	v4 =	vsel vm5, s6, v4;
	s13 =	smul.u32 $0x2AAAAAAB, s4;
	v3 =	vsel vm6, s18, v3;
	[smem:$0x7F9] =	sst s19  }
0x5ff: {  	v45 =	vmov s22;
	s6 =	sshrl.u32 s20, $0x1F;
	v46 =	vsel vm7, s20, v3;
	v3 =	vsel vm6, s1, v4;
	s1 =	sshrl.u32 s22, $0x1F;
	s22 =	sld [smem:$0x7B1]  }
0x600: {  	(v2sf) =	vpush v1, $0x2;
	s23 =	sshrl.u32 s8, $0x1F;
	s20 =	sadd.s32 s13, s31;
	s19 =	sld [smem:$0x7B7]  }
0x601: {  	(v2sf) =	vpush v1, $0x3;
	v52 =	vmov s17;
	s26 =	sshrl.u32 s21, $0x1F;
	v4 =	vsel vm0, s25, v45;
	s31 =	sshrl.u32 s24, $0x1F;
	[smem:$0x7F7] =	sst s20  }
0x602: {  	v51 =	vmov s8;
	v47 =	vmov s1;
	s1 =	sshrl.u32 s25, $0x1F;
	v4 =	vsel vm1, s28, v4;
	s18 =	sshrl.u32 s16, $0x1F;
	s25 =	sld [smem:$0x7B3]  }
0x603: {  	v49 =	vsel vm7, s6, v3;
	v3 =	vsel vm0, s1, v47;
	s1 =	sshrl.u32 s28, $0x1F;
	v45 =	vsel vm2, s16, v4;
	s28 =	sshrl.u32 s17, $0x1F;
	s16 =	sshrl.u32 s2, $0x1F  }
0x604: {  	v5 =	vnsel vm3, $0x0, v51;
	v55 =	vmov s23;
	s17 =	sshrl.u32 s15, $0x1F;
	v3 =	vsel vm1, s1, v3;
	s1 =	sld [smem:$0x7B4];
	s13 =	sshrl.u32 s22, $0x1F  }
0x605: {  	v54 =	vsel vm0, s22, v5;
	v57 =	vmov s28;
	s20 =	sshrl.u32 s19, $0x1F;
	s22 =	sld [smem:$0x7B8];
	v43 =	vsel vm2, s18, v3;
	s18 =	spop (v2sf)  }
0x606: {  	v56 =	vnsel vm3, $0x0, v55;
	v3 =	vsel vm0, s21, v52;
	s14 =	sshrl.u32 s25, $0x1F;
	v5 =	vsel vm0, s26, v57;
	s26 =	sld [smem:$0x7B9];
	s21 =	smulhi.u32 $0x2AAAAAAB, s18  }
0x607: {  	v4 =	vsel vm1, s25, v54;
	v3 =	vsel vm1, s24, v3;
	s12 =	sshra.s32 s18, $0x1F;
	v5 =	vsel vm1, s31, v5;
	s25 =	spop (v2sf);
	s31 =	sld [smem:$0x7BA]  }
0x608: {  	v50 =	vsel vm2, s1, v3;
	v3 =	vsel vm2, s2, v4;
	s5 =	sshrl.u32 s1, $0x1F;
	v4 =	vsel vm0, s13, v56;
	s24 =	smul.u32 $0x2AAAAAAB, s12;
	s2 =	sld [smem:$0x7BB]  }
0x609: {  	s13 =	smulhi.u32 $0x2AAAAAAB, s25;
	s12 =	sshra.s32 s25, $0x1F;
	s25 =	sld [smem:$0x7C1];
	v4 =	vsel vm1, s14, v4  }
0x60a: {  	s4 =	spop (v2sf);
	v3 =	vsel vm4, s15, v3;
	v4 =	vsel vm2, s16, v4;
	s16 =	sld [smem:$0x7BF];
	s21 =	sadd.s32 s24, s21  }
0x60b: {  	s23 =	sshrl.u32 s22, $0x1F;
	s9 =	smul.u32 $0x2AAAAAAB, s12;
	v3 =	vsel vm5, s19, v3;
	[smem:$0x7FA] =	sst s21  }
0x60c: {  	v57 =	vsel vm2, s5, v5;
	s14 =	smulhi.u32 $0x2AAAAAAB, s4;
	s5 =	sshrl.u32 s31, $0x1F;
	v3 =	vsel vm6, s22, v3;
	s22 =	sld [smem:$0x7C0]  }
0x60d: {  	s12 =	sshra.s32 s4, $0x1F;
	s1 =	spop (v2sf);
	v59 =	vmov s5;
	s5 =	sld [smem:$0x7C3]  }
0x60e: {  	s28 =	sshrl.u32 s26, $0x1F;
	v58 =	vmov s31;
	s15 =	smul.u32 $0x2AAAAAAB, s12;
	v4 =	vsel vm4, s17, v4;
	s21 =	sld [smem:$0x7C7]  }
0x60f: {  	s4 =	smulhi.u32 $0x2AAAAAAB, s1;
	s3 =	sshrl.u32 s2, $0x1F;
	v52 =	vsel vm7, s26, v3;
	v3 =	vsel vm5, s20, v4;
	v4 =	vsel vm0, s2, v58;
	s2 =	sld [smem:$0x7BD]  }
0x610: {  	s12 =	sshra.s32 s1, $0x1F;
	s18 =	spop (v2sf);
	s26 =	sld [smem:$0x7C2]  }
0x611: {  	(v2sf) =	vpush v1, $0x4;
	s12 =	smul.u32 $0x2AAAAAAB, s12;
	s11 =	sadd.s32 s15, s14;
	s14 =	sld [smem:$0x7C4]  }
0x612: {  	s10 =	sshrl.u32 s7, $0x1F;
	s24 =	spop (v2sf);
	v4 =	vsel vm1, s7, v4;
	s7 =	sld [smem:$0x7BE]  }
0x613: {  	(v2sf) =	vpush v1, $0x5;
	s20 =	smulhi.u32 $0x2AAAAAAB, s18;
	[smem:$0x7FC] =	sst s11  }
0x614: {  	v62 =	vmov s16;
	s19 =	sshrl.u32 s16, $0x1F;
	s16 =	sshra.s32 s18, $0x1F;
	s18 =	sld [smem:$0x7C5]  }
0x615: {  	s31 =	smulhi.u32 $0x2AAAAAAB, s24;
	s1 =	sshra.s32 s24, $0x1F;
	v63 =	vnsel vm3, $0x0, v62;
	v9 =	vmov s19;
	s19 =	sld [smem:$0x7C6]  }
0x616: {  	v5 =	vsel vm0, s3, v59;
	s8 =	smul.u32 $0x2AAAAAAB, s1;
	s6 =	sshrl.u32 s22, $0x1F;
	v58 =	vsel vm2, s2, v4;
	v4 =	vsel vm0, s22, v63;
	s22 =	sld [smem:$0x7C8]  }
0x617: {  	(v2sf) =	vpush v1, $0x6;
	v60 =	vsel vm1, s10, v5;
	s3 =	sshrl.u32 s2, $0x1F;
	s15 =	sshrl.u32 s26, $0x1F;
	v4 =	vsel vm1, s26, v4;
	s26 =	sld [smem:$0x7C9]  }
0x618: {  	v3 =	vsel vm6, s23, v3;
	v61 =	vmov s7;
	s17 =	sshrl.u32 s7, $0x1F;
	v47 =	vsel vm2, s3, v60;
	s3 =	sadd.s32 s9, s13;
	s7 =	sld [smem:$0x7CC]  }
0x619: {  	s11 =	sadd.s32 s12, s4;
	v54 =	vsel vm7, s28, v3;
	v3 =	vld [tilespmem:$0x21A0];
	s23 =	smul.u32 $0x2AAAAAAB, s16;
	[smem:$0x7FB] =	sst s3  }
0x61a: {  	(v2sf) =	vpush v1, $0x7;
	s28 =	sshrl.u32 s25, $0x1F;
	s24 =	sshrl.u32 s5, $0x1F;
	v6 =	vnsel vm3, $0x0, v9;
	s3 =	sld [smem:$0x7CA]  }
0x61b: {  	v6 =	vsel vm0, s6, v6;
	s10 =	sadd.s32 s23, s20;
	s20 =	sshrl.u32 s18, $0x1F;
	v4 =	vsel vm2, s5, v4;
	s5 =	sld [smem:$0x7CB]  }
0x61c: {  	s23 =	sshrl.u32 s21, $0x1F;
	v1 =	vmov s17;
	v5 =	vsel vm0, s25, v61;
	v6 =	vsel vm1, s15, v6;
	s17 =	sadd.s32 s8, s31;
	s8 =	sld [smem:$0x7CD]  }
0x61d: {  	s25 =	sshrl.u32 s14, $0x1F;
	v1 =	vsel vm0, s28, v1;
	v4 =	vsel vm4, s14, v4;
	[smem:$0x7FD] =	sst s17;
	v5 =	vsel vm1, s18, v5;
	s28 =	sshrl.u32 s19, $0x1F  }
0x61e: {  	v10 =	vsel vm2, s24, v6;
	s31 =	sshrl.u32 s22, $0x1F;
	s24 =	sld [smem:$0x7CF];
	(v2sf) =	vpush v3, $0xD;
	v4 =	vsel vm5, s19, v4;
	s2 =	sshrl.u32 s26, $0x1F  }
0x61f: {  	v12 =	vsel vm2, s21, v5;
	v1 =	vsel vm1, s20, v1;
	s17 =	sshrl.u32 s7, $0x1F;
	v13 =	vmov s7;
	s21 =	sld [smem:$0x7CE];
	s4 =	sshrl.u32 s3, $0x1F  }
0x620: {  	v4 =	vsel vm6, s22, v4;
	v63 =	vsel vm2, s23, v1;
	v1 =	vsel vm4, s25, v10;
	s6 =	sshrl.u32 s5, $0x1F;
	s22 =	spop (v2sf);
	s25 =	sld [smem:$0x7D0]  }
0x621: {  	(v2sf) =	vpush v3, $0xC;
	v11 =	vmov s3;
	s9 =	sshrl.u32 s8, $0x1F;
	s3 =	sld [smem:$0x7D3];
	v16 =	vmov s17;
	s12 =	smulhi.u32 $0x2AAAAAAB, s22  }
0x622: {  	(v2sf) =	vpush v3, $0xE;
	v4 =	vsel vm7, s26, v4;
	v1 =	vsel vm5, s28, v1;
	s23 =	sshra.s32 s22, $0x1F;
	s26 =	spop (v2sf);
	s28 =	sld [smem:$0x7D1]  }
0x623: {  	v5 =	vsel vm0, s5, v11;
	s20 =	sshrl.u32 s24, $0x1F;
	v14 =	vmov s4;
	v1 =	vsel vm6, s31, v1;
	s14 =	smul.u32 $0x2AAAAAAB, s23;
	s31 =	sld [smem:$0x7D2]  }
0x624: {  	s5 =	sld [smem:$0x7D4];
	s19 =	sshrl.u32 s21, $0x1F;
	v5 =	vsel vm1, s8, v5;
	v6 =	vsel vm0, s21, v13;
	s13 =	smulhi.u32 $0x2AAAAAAB, s26;
	(v2sf) =	vpush v3, $0xF  }
0x625: {  	s21 =	sshra.s32 s26, $0x1F;
	s8 =	sld [smem:$0x7D5];
	v51 =	vsel vm7, s2, v1;
	v44 =	vsel vm2, s24, v5;
	v1 =	vsel vm1, s25, v6;
	s16 =	sshrl.u32 s25, $0x1F  }
0x626: {  	s15 =	smul.u32 $0x2AAAAAAB, s21;
	s2 =	spop (v2sf);
	v7 =	vsel vm0, s19, v16;
	v48 =	vsel vm2, s28, v1;
	v1 =	vmov s31;
	s1 =	sshrl.u32 s31, $0x1F  }
0x627: {  	s4 =	sshrl.u32 s3, $0x1F;
	s22 =	sshrl.u32 s28, $0x1F;
	v7 =	vsel vm1, s16, v7;
	s31 =	sld [smem:$0x7D6];
	v1 =	vnsel vm3, $0x0, v1;
	v15 =	vmov s1  }
0x628: {  	s23 =	smulhi.u32 $0x2AAAAAAB, s2;
	s21 =	sshra.s32 s2, $0x1F;
	v61 =	vsel vm2, s22, v7;
	s22 =	sld [smem:$0x7DA];
	v1 =	vsel vm0, s3, v1;
	v6 =	vnsel vm3, $0x0, v15  }
0x629: {  	v5 =	vsel vm0, s6, v14;
	s6 =	sshrl.u32 s5, $0x1F;
	s7 =	spop (v2sf);
	s3 =	sld [smem:$0x7D7];
	v1 =	vsel vm1, s5, v1;
	v6 =	vsel vm0, s4, v6  }
0x62a: {  	v5 =	vsel vm1, s9, v5;
	s21 =	smul.u32 $0x2AAAAAAB, s21;
	s9 =	sshrl.u32 s8, $0x1F;
	s5 =	sld [smem:$0x7D8];
	v1 =	vsel vm2, s8, v1;
	v6 =	vsel vm1, s6, v6  }
0x62b: {  	s26 =	smulhi.u32 $0x2AAAAAAB, s7;
	s1 =	sshrl.u32 s31, $0x1F;
	s8 =	sld [smem:$0x7D9];
	v1 =	vsel vm4, s31, v1;
	v6 =	vsel vm2, s9, v6  }
0x62c: {  	(v2sf) =	vpush v3, $0x9;
	s17 =	sadd.s32 s21, s23;
	s23 =	sld [smem:$0x7DE];
	s4 =	sshrl.u32 s3, $0x1F;
	v1 =	vsel vm5, s3, v1;
	v6 =	vsel vm4, s1, v6  }
0x62d: {  	s28 =	sshra.s32 s7, $0x1F;
	s6 =	sshrl.u32 s5, $0x1F;
	v1 =	vsel vm6, s5, v1;
	v6 =	vsel vm5, s4, v6;
	s4 =	sld [smem:$0x7DB]  }
0x62e: {  	s25 =	smul.u32 $0x2AAAAAAB, s28;
	s9 =	sshrl.u32 s8, $0x1F;
	s5 =	sld [smem:$0x7DC];
	v55 =	vsel vm7, s8, v1;
	v1 =	vsel vm6, s6, v6  }
0x62f: {  	(v2sf) =	vpush v3, $0x8;
	s31 =	sshrl.u32 s22, $0x1F;
	s2 =	spop (v2sf);
	v56 =	vsel vm7, s9, v1;
	s9 =	sld [smem:$0x7DD]  }
0x630: {  	v1 =	vmov s22;
	s22 =	sld [smem:$0x7ED];
	s19 =	smulhi.u32 $0x2AAAAAAB, s2;
	s18 =	sshra.s32 s2, $0x1F  }
0x631: {  	s7 =	spop (v2sf);
	s6 =	sshrl.u32 s4, $0x1F;
	s24 =	smul.u32 $0x2AAAAAAB, s18  }
0x632: {  	v17 =	vmov s31;
	s28 =	smulhi.u32 $0x2AAAAAAB, s7;
	s18 =	sshra.s32 s7, $0x1F;
	s1 =	spop (v2sf)  }
0x633: {  	s16 =	sadd.s32 s14, s12;
	v59 =	vsel vm2, s20, v5;
	v5 =	vsel vm0, s6, v17;
	s6 =	sld [smem:$0x7E4];
	s20 =	smul.u32 $0x2AAAAAAB, s18  }
0x634: {  	s18 =	sadd.s32 s15, s13;
	s15 =	sadd.s32 s25, s26;
	s25 =	sld [smem:$0x7E0]  }
0x635: {  	(v2sf) =	vpush v3, $0xA;
	s2 =	smulhi.u32 $0x2AAAAAAB, s1;
	s3 =	sshra.s32 s1, $0x1F;
	s26 =	sld [smem:$0x7E1]  }
0x636: {  	(v2sf) =	vpush v3, $0xB;
	s8 =	smul.u32 $0x2AAAAAAB, s3;
	s13 =	sadd.s32 s24, s19;
	s24 =	sld [smem:$0x7DF]  }
0x637: {  	(v2sf) =	vpush v3, $0x1;
	v18 =	vmov s5;
	s7 =	sshrl.u32 s5, $0x1F;
	s5 =	sshrl.u32 s9, $0x1F;
	s3 =	sld [smem:$0x7E7]  }
0x638: {  	(v2sf) =	vpush v3, $0x0;
	v1 =	vsel vm0, s4, v1;
	v20 =	vmov s9;
	s9 =	spop (v2sf);
	s12 =	sadd.s32 s8, s2;
	s2 =	sld [smem:$0x7E3]  }
0x639: {  	v1 =	vsel vm1, s23, v1;
	v6 =	vnsel vm3, $0x0, v18;
	s14 =	sadd.s32 s20, s28;
	s28 =	sshrl.u32 s23, $0x1F;
	s20 =	sld [smem:$0x7E5];
	v8 =	vsel vm0, s24, v20  }
0x63a: {  	v19 =	vmov s7;
	v60 =	vsel vm2, s25, v1;
	s31 =	sshrl.u32 s25, $0x1F;
	s23 =	sshrl.u32 s26, $0x1F;
	v1 =	vsel vm1, s26, v8;
	s26 =	sshra.s32 s9, $0x1F  }
0x63b: {  	v7 =	vnsel vm3, $0x0, v19;
	v62 =	vsel vm2, s0, v1;
	v1 =	vsel vm0, s2, v6;
	s7 =	sshrl.u32 s2, $0x1F;
	s25 =	smul.u32 $0x2AAAAAAB, s26;
	s2 =	spop (v2sf)  }
0x63c: {  	v22 =	vmov s5;
	v5 =	vsel vm1, s28, v5;
	s8 =	sshrl.u32 s6, $0x1F;
	s28 =	sshrl.u32 s20, $0x1F;
	v6 =	vsel vm1, s6, v1;
	s5 =	smulhi.u32 $0x2AAAAAAB, s2  }
0x63d: {  	v1 =	vsel vm2, s31, v5;
	v21 =	vsel vm0, s7, v7;
	s31 =	sld [smem:$0x7E6];
	s26 =	sshra.s32 s2, $0x1F;
	v6 =	vsel vm2, s20, v6;
	s20 =	smulhi.u32 $0x2AAAAAAB, s9  }
0x63e: {  	v5 =	vsel vm1, s8, v21;
	s8 =	smul.u32 $0x2AAAAAAB, s26;
	s9 =	spop (v2sf)  }
0x63f: {  	s21 =	sshrl.u32 s24, $0x1F;
	s6 =	sld [smem:$0x7E8];
	v5 =	vsel vm2, s28, v5;
	s28 =	smulhi.u32 $0x2AAAAAAB, s9  }
0x640: {  	s26 =	sshra.s32 s9, $0x1F;
	v6 =	vsel vm4, s31, v6;
	s1 =	sshrl.u32 s31, $0x1F;
	s31 =	sld [smem:$0x7E9]  }
0x641: {  	s19 =	sadd.s32 s25, s20;
	s20 =	sadd.s32 s8, s5;
	s5 =	sld [smem:$0x7EB]  }
0x642: {  	s24 =	sshrl.u32 s0, $0x1F;
	s2 =	smul.u32 $0x2AAAAAAB, s26;
	s8 =	sld [smem:$0x7EC]  }
0x643: {  	s4 =	sshrl.u32 s3, $0x1F;
	s7 =	sshrl.u32 s6, $0x1F;
	v6 =	vsel vm5, s3, v6;
	v5 =	vsel vm4, s1, v5;
	s3 =	sld [smem:$0x7EA]  }
0x644: {  	v7 =	vsel vm0, s21, v22;
	v5 =	vsel vm5, s4, v5;
	s21 =	sadd.s32 s2, s28;
	s28 =	rddreg [dreg:$0x1f];
	s1 =	sshrl.u32 s31, $0x1F  }
0x645: {  	v6 =	vsel vm6, s6, v6;
	v5 =	vsel vm6, s7, v5;
	s6 =	sshrl.u32 s5, $0x1F;
	s7 =	spop (v2sf);
	s9 =	sshrl.u32 s8, $0x1F  }
0x646: {  	(v2sf) =	vpush v3, $0x2;
	v23 =	vmov s31;
	s31 =	sshrl.u32 s28, $0x1F;
	v6 =	vsel vm7, s3, v6;
	s4 =	sshrl.u32 s3, $0x1F;
	s3 =	sld [smem:$0x7EE]  }
0x647: {  	v7 =	vsel vm1, s23, v7;
	v24 =	vmov s1;
	v25 =	vsel vm0, s5, v23;
	s23 =	smulhi.u32 $0x2AAAAAAB, s7;
	s26 =	sshra.s32 s7, $0x1F;
	s7 =	sld [smem:$0x7EF]  }
0x648: {  	v28 =	vmov s22;
	s5 =	sshrl.u32 s22, $0x1F;
	v26 =	vsel vm0, s6, v24;
	v27 =	vsel vm1, s8, v25;
	s22 =	smul.u32 $0x2AAAAAAB, s26;
	s6 =	spop (v2sf)  }
0x649: {  	(v2sf) =	vpush v3, $0x3;
	s1 =	rddreg [dreg:$0x1e];
	v17 =	vsel vm2, s28, v27;
	s28 =	smulhi.u32 $0x2AAAAAAB, s6;
	s26 =	sshra.s32 s6, $0x1F  }
0x64a: {  	v9 =	vsel vm2, s24, v7;
	v7 =	vsel vm7, s4, v5;
	v5 =	vsel vm1, s9, v26;
	s9 =	sshrl.u32 s29, $0x1F;
	s0 =	spop (v2sf);
	s26 =	smul.u32 $0x2AAAAAAB, s26  }
0x64b: {  	(v2sf) =	vpush v3, $0x4;
	v30 =	vmov s5;
	s4 =	sshrl.u32 s3, $0x1F;
	v5 =	vsel vm2, s31, v5;
	s8 =	sshrl.u32 s7, $0x1F;
	s31 =	smulhi.u32 $0x2AAAAAAB, s0  }
0x64c: {  	v29 =	vsel vm0, s3, v28;
	v31 =	vmov s7;
	s3 =	spop (v2sf);
	s24 =	sadd.s32 s22, s23;
	s7 =	rddreg [dreg:$0x1a];
	v32 =	vmov s8  }
0x64d: {  	v8 =	vsel vm1, s29, v29;
	v11 =	vnsel vm3, $0x0, v31;
	s29 =	sshra.s32 s0, $0x1F;
	v10 =	vsel vm0, s4, v30;
	s4 =	rddreg [dreg:$0x1c];
	s6 =	smulhi.u32 $0x2AAAAAAB, s3  }
0x64e: {  	(v2sf) =	vpush v3, $0x5;
	v11 =	vsel vm0, s30, v11;
	v13 =	vnsel vm3, $0x0, v32;
	s30 =	sshrl.u32 s30, $0x1F;
	s23 =	sadd.s32 s26, s28;
	s28 =	rddreg [dreg:$0xc]  }
0x64f: {  	(v2sf) =	vpush v3, $0x6;
	s29 =	smul.u32 $0x2AAAAAAB, s29;
	s26 =	rddreg [dreg:$0x15];
	v13 =	vsel vm0, s30, v13;
	s30 =	sshra.s32 s3, $0x1F  }
0x650: {  	s2 =	sshrl.u32 s1, $0x1F;
	(v2sf) =	vpush v3, $0x7;
	v3 =	vsel vm1, s9, v10;
	v11 =	vsel vm1, s1, v11;
	s9 =	smul.u32 $0x2AAAAAAB, s30;
	s30 =	rddreg [dreg:$0x17]  }
0x651: {  	s8 =	sshrl.u32 s7, $0x1F;
	s5 =	sshrl.u32 s4, $0x1F;
	v13 =	vsel vm1, s2, v13;
	v11 =	vsel vm2, s4, v11;
	s4 =	rddreg [dreg:$0x13]  }
0x652: {  	s1 =	sshrl.u32 s28, $0x1F;
	s22 =	sadd.s32 s29, s31;
	v15 =	vsel vm2, s5, v13;
	s5 =	rddreg [dreg:$0x14]  }
0x653: {  	s31 =	sshrl.u32 s26, $0x1F;
	v11 =	vsel vm4, s7, v11;
	s25 =	sadd.s32 s9, s6;
	s6 =	rddreg [dreg:$0x19]  }
0x654: {  	v28 =	vsel vm2, s28, v8;
	s3 =	sshrl.u32 s30, $0x1F;
	s0 =	sshrl.u32 s4, $0x1F;
	v10 =	vsel vm4, s8, v15;
	v16 =	vsel vm5, s30, v11;
	s8 =	rddreg [dreg:$0x12]  }
0x655: {  	v20 =	vsel vm2, s1, v3;
	v3 =	vsel vm5, s3, v10;
	v8 =	vsel vm6, s4, v16;
	s7 =	sshrl.u32 s6, $0x1F;
	s9 =	sshrl.u32 s8, $0x1F;
	s3 =	rddreg [dreg:$0x1d]  }
0x656: {  	v3 =	vsel vm6, s0, v3;
	v26 =	vsel vm7, s5, v8;
	s0 =	sshrl.u32 s5, $0x1F;
	v23 =	vmov s7;
	s5 =	spop (v2sf);
	s7 =	rddreg [dreg:$0x16]  }
0x657: {  	v22 =	vmov s6;
	s4 =	sshrl.u32 s3, $0x1F;
	v24 =	vmov s3;
	s3 =	rddreg [dreg:$0x18];
	s6 =	sshra.s32 s5, $0x1F  }
0x658: {  	v18 =	vsel vm7, s0, v3;
	v3 =	vsel vm0, s8, v22;
	s30 =	sshrl.u32 s7, $0x1F;
	s8 =	rddreg [dreg:$0xf];
	s2 =	spop (v2sf)  }
0x659: {  	v25 =	vsel vm0, s7, v24;
	s28 =	sshrl.u32 s3, $0x1F;
	v30 =	vmov s4;
	s4 =	rddreg [dreg:$0x1b];
	v3 =	vsel vm1, s26, v3;
	s26 =	smulhi.u32 $0x2AAAAAAB, s5  }
0x65a: {  	v8 =	vsel vm0, s9, v23;
	s9 =	smul.u32 $0x2AAAAAAB, s6;
	s1 =	sshrl.u32 s8, $0x1F;
	v27 =	vsel vm1, s3, v25;
	s3 =	rddreg [dreg:$0x10]  }
0x65b: {  	v8 =	vsel vm1, s31, v8;
	s31 =	sshra.s32 s2, $0x1F;
	s6 =	spop (v2sf);
	v11 =	vsel vm0, s30, v30;
	s30 =	rddreg [dreg:$0xd]  }
0x65c: {  	v31 =	vmov s4;
	s5 =	sshrl.u32 s4, $0x1F;
	v10 =	vsel vm2, s8, v3;
	s8 =	smulhi.u32 $0x2AAAAAAB, s2;
	s2 =	rddreg [dreg:$0x11]  }
0x65d: {  	v3 =	vsel vm2, s1, v8;
	v32 =	vmov s5;
	v19 =	vnsel vm3, $0x0, v31;
	s7 =	smulhi.u32 $0x2AAAAAAB, s6;
	s5 =	rddreg [dreg:$0xe]  }
0x65e: {  	s0 =	sshra.s32 s6, $0x1F;
	s1 =	sshrl.u32 s3, $0x1F;
	v11 =	vsel vm1, s28, v11;
	s28 =	sld [smem:$0x7F0];
	v8 =	vsel vm0, s3, v19;
	v21 =	vnsel vm3, $0x0, v32  }
0x65f: {  	s29 =	sshrl.u32 s2, $0x1F;
	s6 =	smul.u32 $0x2AAAAAAB, s0;
	v13 =	vsel vm0, s1, v21;
	v8 =	vsel vm1, s5, v8;
	s1 =	sshrl.u32 s5, $0x1F  }
0x660: {  	v29 =	vld [tilespmem:$0x21B0];
	s4 =	spop (v2sf);
	v13 =	vsel vm1, s1, v13;
	v8 =	vsel vm2, s30, v8;
	s1 =	sshrl.u32 s30, $0x1F;
	s30 =	sld [smem:$0x7F1]  }
0x661: {  	v19 =	vsel vm2, s29, v11;
	s29 =	sld [smem:$0x7F2];
	s5 =	smulhi.u32 $0x2AAAAAAB, s4;
	s0 =	sshra.s32 s4, $0x1F  }
0x662: {  	s4 =	smul.u32 $0x2AAAAAAB, s0;
	v13 =	vsel vm2, s1, v13;
	s0 =	sshrl.u32 s28, $0x1F  }
0x663: {  	v8 =	vsel vm4, s28, v8;
	v13 =	vsel vm4, s0, v13;
	s0 =	sshrl.u32 s30, $0x1F  }
0x664: {  	v8 =	vsel vm5, s30, v8;
	s30 =	sshrl.u32 s29, $0x1F;
	v22 =	vsel vm5, s0, v13  }
0x665: {  	(v2sf) =	vpush v29, $0xD;
	v11 =	vsel vm6, s30, v22;
	s30 =	sadd.s32 s9, s26;
	s26 =	sld [smem:$0x7F3];
	_ =	sdelay $0x1  }
0x666: {  	s31 =	smul.u32 $0x2AAAAAAB, s31;
	v8 =	vsel vm6, s29, v8  }
0x667: {  	(v2sf) =	vpush v29, $0xC;
	v14 =	vsel vm2, s2, v27;
	s2 =	spop (v2sf);
	v16 =	vsel vm7, s26, v8;
	s1 =	sshrl.u32 s26, $0x1F;
	s26 =	sld [smem:$0x7F4]  }
0x668: {  	v38 =	vcombine.low v38, v34;
	s31 =	sadd.s32 s31, s8;
	s8 =	sld [smem:$0x7F8];
	s28 =	spop (v2sf)  }
0x669: {  	s0 =	smulhi.u32 $0x2AAAAAAB, s28;
	s28 =	sshra.s32 s28, $0x1F;
	s29 =	sadd.s32 s6, s7  }
0x66a: {  	v36 =	vperm.xlane v36, v2;
	v38 =	vperm.xlane v38, v0;
	(v2sf) =	vpush v29, $0xE;
	s6 =	sld [smem:$0x7F5];
	s9 =	smul.u32 $0x2AAAAAAB, s28;
	s28 =	sshrl.u32 s26, $0x1F  }
0x66b: {  	v37 =	vperm.xlane v37, v2;
	v53 =	vcombine.low v53, v42;
	v24 =	vmov s28;
	s28 =	sadd.s32 s4, s5;
	s4 =	sld [smem:$0x7F6]  }
0x66c: {  	v46 =	vperm.xlane v46, v2;
	(v2sf) =	vpush v29, $0xF;
	s3 =	smulhi.u32 $0x2AAAAAAB, s2;
	s2 =	sshra.s32 s2, $0x1F;
	s7 =	sld [smem:$0x7F7];
	v23 =	vmov s26  }
0x66d: {  	v49 =	vperm.xlane v49, v2;
	(v2sf) =	vpush v29, $0x9;
	s2 =	smul.u32 $0x2AAAAAAB, s2;
	s0 =	sadd.s32 s9, s0;
	s9 =	sld [smem:$0x7F9];
	v8 =	vsel vm0, s6, v23  }
0x66e: {  	v45 =	vcombine.low v50, v45;
	(v2sf) =	vpush v29, $0x8;
	s5 =	sshrl.u32 s6, $0x1F;
	s6 =	sld [smem:$0x7FA];
	v8 =	vsel vm1, s4, v8  }
0x66f: {  	(v2sf) =	vpush v29, $0xA;
	v25 =	vmov s7;
	s26 =	sadd.s32 s2, s3;
	s3 =	sshrl.u32 s8, $0x1F;
	v8 =	vsel vm2, s8, v8;
	s8 =	sld [smem:$0x7FB]  }
0x670: {  	v27 =	vmov s11;
	(v2sf) =	vpush v29, $0xB;
	v15 =	vsel vm0, s9, v25  }
0x671: {  	v13 =	vsel vm7, s1, v11;
	v11 =	vsel vm0, s5, v24;
	s5 =	sshrl.u32 s9, $0x1F;
	s2 =	sshrl.u32 s4, $0x1F;
	v15 =	vsel vm1, s6, v15  }
0x672: {  	v32 =	vmov s14;
	(v2sf) =	vpush v29, $0x1;
	s4 =	sshrl.u32 s7, $0x1F;
	s9 =	sshrl.u32 s8, $0x1F;
	v15 =	vsel vm2, s8, v15;
	s8 =	sld [smem:$0x7FC]  }
0x673: {  	(v2sf) =	vpush v29, $0x0;
	v11 =	vsel vm1, s2, v11;
	s2 =	sshrl.u32 s11, $0x1F;
	s11 =	spop (v2sf);
	v31 =	vmov s4;
	s4 =	sld [smem:$0x7FD]  }
0x674: {  	v21 =	vnsel vm3, $0x0, v27;
	(v2sf) =	vpush v29, $0x2;
	v24 =	vsel vm0, s13, v32;
	s1 =	smulhi.u32 $0x2AAAAAAB, s11;
	s11 =	sshra.s32 s11, $0x1F  }
0x675: {  	s7 =	sshrl.u32 s6, $0x1F;
	s6 =	sshrl.u32 s10, $0x1F;
	v30 =	vmov s2;
	v23 =	vsel vm0, s5, v31;
	s2 =	smul.u32 $0x2AAAAAAB, s11;
	v21 =	vsel vm0, s8, v21  }
0x676: {  	v22 =	vnsel vm3, $0x0, v30;
	v23 =	vsel vm1, s7, v23;
	s11 =	sshrl.u32 s4, $0x1F;
	s8 =	sshrl.u32 s8, $0x1F;
	v21 =	vsel vm1, s10, v21;
	s10 =	spop (v2sf)  }
0x677: {  	v11 =	vsel vm2, s3, v11;
	v23 =	vsel vm2, s9, v23;
	s9 =	sshrl.u32 s14, $0x1F;
	v22 =	vsel vm0, s8, v22;
	s3 =	smulhi.u32 $0x2AAAAAAB, s10;
	s10 =	sshra.s32 s10, $0x1F  }
0x678: {  	v32 =	vmov s9;
	s9 =	sshrl.u32 s24, $0x1F;
	s8 =	sshrl.u32 s16, $0x1F;
	v21 =	vsel vm2, s4, v21;
	v22 =	vsel vm1, s6, v22;
	s4 =	smul.u32 $0x2AAAAAAB, s10  }
0x679: {  	v30 =	vmov s21;
	v21 =	vsel vm4, s16, v21;
	s10 =	spop (v2sf);
	s16 =	sshrl.u32 s18, $0x1F;
	v22 =	vsel vm2, s11, v22;
	s11 =	sshrl.u32 s13, $0x1F  }
0x67a: {  	v24 =	vsel vm1, s12, v24;
	v31 =	vsel vm0, s20, v30;
	s13 =	sshrl.u32 s20, $0x1F;
	v21 =	vsel vm5, s18, v21;
	s5 =	smulhi.u32 $0x2AAAAAAB, s10;
	s18 =	sshra.s32 s10, $0x1F  }
0x67b: {  	(v2sf) =	vpush v29, $0x3;
	v25 =	vsel vm2, s19, v24;
	v24 =	vsel vm1, s24, v31;
	s10 =	sshrl.u32 s17, $0x1F;
	s6 =	smul.u32 $0x2AAAAAAB, s18;
	s18 =	spop (v2sf)  }
0x67c: {  	v22 =	vsel vm4, s8, v22;
	v31 =	vsel vm0, s11, v32;
	s11 =	sshrl.u32 s23, $0x1F;
	v21 =	vsel vm6, s17, v21;
	s7 =	smulhi.u32 $0x2AAAAAAB, s18;
	s17 =	sshra.s32 s18, $0x1F  }
0x67d: {  	v50 =	vperm.xlane v52, v2;
	v52 =	vperm.xlane v54, v2;
	v22 =	vsel vm5, s16, v22;
	s16 =	sshrl.u32 s19, $0x1F;
	s18 =	spop (v2sf);
	s8 =	smul.u32 $0x2AAAAAAB, s17  }
0x67e: {  	v12 =	vcombine.low v12, v58;
	(v2sf) =	vpush v29, $0x4;
	v30 =	vld [tilespmem:$0x21C0];
	s4 =	sadd.s32 s4, s3;
	v22 =	vsel vm6, s10, v22;
	s10 =	smulhi.u32 $0x2AAAAAAB, s18;
	s14 =	sshra.s32 s18, $0x1F  }
0x67f: {  	v63 =	vcombine.low v63, v47;
	v27 =	vsel vm2, s23, v24;
	v24 =	vmov s25;
	s18 =	sshrl.u32 s21, $0x1F;
	s21 =	spop (v2sf);
	s19 =	smul.u32 $0x2AAAAAAB, s14  }
0x680: {  	v12 =	vperm.xlane v12, v0;
	(v2sf) =	vpush v29, $0x5;
	v32 =	vnsel vm3, $0x0, v24;
	s17 =	sshrl.u32 s12, $0x1F;
	s12 =	smulhi.u32 $0x2AAAAAAB, s21;
	s14 =	sshra.s32 s21, $0x1F  }
0x681: {  	v21 =	vsel vm7, s15, v21;
	s15 =	sshrl.u32 s15, $0x1F;
	(v2sf) =	vpush v29, $0x6;
	s24 =	spop (v2sf);
	v31 =	vsel vm1, s17, v31;
	s14 =	smul.u32 $0x2AAAAAAB, s14  }
0x682: {  	v22 =	vsel vm7, s15, v22;
	s6 =	sadd.s32 s6, s5;
	(v2sf) =	vpush v29, $0x7;
	s15 =	smulhi.u32 $0x2AAAAAAB, s24;
	s20 =	sshra.s32 s24, $0x1F;
	v24 =	vsel vm2, s16, v31  }
0x683: {  	s21 =	sshrl.u32 s25, $0x1F;
	v31 =	vsel vm0, s22, v32;
	v32 =	vmov s18;
	s23 =	spop (v2sf);
	(v2sf) =	vpush v30, $0xD;
	s18 =	smul.u32 $0x2AAAAAAB, s20  }
0x684: {  	s24 =	sshrl.u32 s30, $0x1F;
	v29 =	vsel vm1, s30, v31;
	v31 =	vsel vm0, s13, v32;
	s16 =	smulhi.u32 $0x2AAAAAAB, s23;
	s20 =	sshra.s32 s23, $0x1F;
	v32 =	vcombine.low v40, v35  }
0x685: {  	s30 =	sshrl.u32 s31, $0x1F;
	v40 =	vmov s21;
	v29 =	vsel vm2, s31, v29;
	v31 =	vsel vm1, s9, v31;
	s20 =	smul.u32 $0x2AAAAAAB, s20;
	s31 =	spop (v2sf)  }
0x686: {  	s22 =	sshrl.u32 s22, $0x1F;
	v40 =	vnsel vm3, $0x0, v40;
	(v2sf) =	vpush v30, $0xC;
	v29 =	vsel vm4, s29, v29;
	s21 =	smulhi.u32 $0x2AAAAAAB, s31;
	s9 =	sshra.s32 s31, $0x1F  }
0x687: {  	s17 =	sshrl.u32 s29, $0x1F;
	v35 =	vsel vm2, s11, v31;
	s11 =	spop (v2sf);
	v31 =	vsel vm0, s22, v40;
	v29 =	vsel vm5, s28, v29;
	s23 =	smul.u32 $0x2AAAAAAB, s9  }
0x688: {  	s25 =	sshrl.u32 s28, $0x1F;
	(v2sf) =	vpush v30, $0xE;
	v32 =	vperm.xlane v32, v0;
	s22 =	smulhi.u32 $0x2AAAAAAB, s11;
	s9 =	sshra.s32 s11, $0x1F;
	v29 =	vsel vm6, s26, v29  }
0x689: {  	v4 =	vperm.xlane v4, v2;
	s11 =	sshrl.u32 s0, $0x1F;
	s28 =	spop (v2sf);
	(v2sf) =	vpush v30, $0xF;
	v34 =	vsel vm7, s0, v29;
	s0 =	smul.u32 $0x2AAAAAAB, s9  }
0x68a: {  	s29 =	sshra.s32 s28, $0x1F;
	v32 =	vsel vm8, v36, v32;
	v29 =	vsel vm1, s24, v31;
	v31 =	vcombine.low v41, v39;
	s9 =	sadd.s32 s2, s1;
	s1 =	smulhi.u32 $0x2AAAAAAB, s28  }
0x68b: {  	s18 =	sadd.s32 s18, s15;
	s2 =	smul.u32 $0x2AAAAAAB, s29;
	v39 =	vperm.xlane v53, v0;
	v53 =	vsel vm8, v37, v38;
	v29 =	vsel vm2, s30, v29;
	s30 =	spop (v2sf)  }
0x68c: {  	s26 =	sshrl.u32 s26, $0x1F;
	(v2sf) =	vpush v30, $0x9;
	v37 =	vperm.xlane v45, v0;
	v32 =	vadd.s32 v53, v32;
	s31 =	smulhi.u32 $0x2AAAAAAB, s30;
	s3 =	sshra.s32 s30, $0x1F  }
0x68d: {  	v53 =	vmov s4;
	v29 =	vsel vm4, s17, v29;
	v31 =	vperm.xlane v31, v0;
	s17 =	sadd.s32 s8, s7;
	s8 =	spop (v2sf);
	s3 =	smul.u32 $0x2AAAAAAB, s3  }
0x68e: {  	s7 =	sadd.s32 s19, s10;
	v42 =	vsel vm8, v49, v39;
	(v2sf) =	vpush v30, $0x8;
	v36 =	vshll.u32 v32, $0x9;
	s24 =	smulhi.u32 $0x2AAAAAAB, s8;
	s5 =	sshra.s32 s8, $0x1F  }
0x68f: {  	s19 =	sadd.s32 s14, s12;
	v32 =	vshll.u32 v32, $0x7;
	v29 =	vsel vm5, s25, v29;
	s25 =	spop (v2sf);
	v36 =	vand.u32 $0xFFFFF000, v36;
	s14 =	smul.u32 $0x2AAAAAAB, s5  }
0x690: {  	s8 =	sadd.s32 s20, s16;
	v32 =	vand.u32 $0x380, v32;
	v58 =	vmov s19;
	v31 =	vsel vm8, v46, v31;
	s15 =	smulhi.u32 $0x2AAAAAAB, s25;
	s5 =	sshra.s32 s25, $0x1F  }
0x691: {  	v29 =	vsel vm6, s26, v29;
	v46 =	vcombine.low v57, v43;
	v41 =	vor.u32 v32, v36;
	s26 =	smul.u32 $0x2AAAAAAB, s5;
	s5 =	sadd.s32 s23, s21;
	s20 =	spop (v2sf)  }
0x692: {  	v31 =	vadd.s32 v42, v31;
	s21 =	sadd.s32 s0, s22;
	v42 =	vsel vm8, v4, v12;
	(v2sf) =	vpush v30, $0xA;
	s23 =	smulhi.u32 $0x2AAAAAAB, s20;
	s10 =	sshra.s32 s20, $0x1F  }
0x693: {  	s12 =	sadd.s32 s3, s31;
	v49 =	vshll.u32 v31, $0x9;
	v31 =	vshll.u32 v31, $0x7;
	v38 =	vperm.xlane v46, v0;
	s28 =	smul.u32 $0x2AAAAAAB, s10;
	s29 =	spop (v2sf)  }
0x694: {  	s13 =	sadd.s32 s14, s24;
	(v2sf) =	vpush v30, $0xB;
	v39 =	vand.u32 $0xFFFFF000, v49;
	v31 =	vand.u32 $0x380, v31;
	s30 =	smulhi.u32 $0x2AAAAAAB, s29;
	s0 =	sshra.s32 s29, $0x1F  }
0x695: {  	s24 =	sshrl.u32 s6, $0x1F;
	v40 =	vor.u32 v31, v39;
	v39 =	vsel vm7, s11, v29;
	v29 =	vsel vm0, s9, v53;
	s25 =	spop (v2sf);
	s31 =	smul.u32 $0x2AAAAAAB, s0  }
0x696: {  	s14 =	sadd.s32 s26, s15;
	s10 =	sadd.s32 s2, s1;
	v31 =	vsel vm8, v50, v37;
	v32 =	vsel vm8, v52, v38;
	v29 =	vsel vm1, s6, v29;
	s0 =	smulhi.u32 $0x2AAAAAAB, s25  }
0x697: {  	v52 =	vmov s21;
	(v2sf) =	vpush v30, $0x1;
	s1 =	sshra.s32 s25, $0x1F;
	s15 =	sadd.s32 s28, s23;
	v4 =	vsel vm2, s17, v29;
	s17 =	sshrl.u32 s17, $0x1F  }
0x698: {  	v38 =	vperm.xlane v63, v0;
	v43 =	vnsel vm3, $0x0, v52;
	v29 =	vsel vm0, s7, v58;
	s7 =	sshrl.u32 s7, $0x1F;
	s2 =	smul.u32 $0x2AAAAAAB, s1;
	s26 =	spop (v2sf)  }
0x699: {  	v31 =	vadd.s32 v32, v31;
	(v2sf) =	vpush v30, $0x0;
	v43 =	vsel vm0, s5, v43;
	s1 =	smulhi.u32 $0x2AAAAAAB, s26;
	s28 =	sshra.s32 s26, $0x1F;
	s16 =	sadd.s32 s31, s30  }
0x69a: {  	v58 =	vperm.xlane v51, v2;
	v51 =	vcombine.low v61, v59;
	(v2sf) =	vpush v30, $0x2;
	s29 =	spop (v2sf);
	s30 =	sshrl.u32 s4, $0x1F;
	s3 =	smul.u32 $0x2AAAAAAB, s28  }
0x69b: {  	v59 =	vcombine.low v28, v17;
	v29 =	vsel vm1, s18, v29;
	(v2sf) =	vpush v30, $0x3;
	s26 =	sshrl.u32 s19, $0x1F;
	s4 =	smulhi.u32 $0x2AAAAAAB, s29;
	s20 =	sshra.s32 s29, $0x1F  }
0x69c: {  	s31 =	sshrl.u32 s9, $0x1F;
	v54 =	vmov s30;
	s23 =	spop (v2sf);
	(v2sf) =	vpush v30, $0x4;
	v49 =	vmov s26;
	s9 =	smul.u32 $0x2AAAAAAB, s20  }
0x69d: {  	s30 =	sshrl.u32 s21, $0x1F;
	v36 =	vsel vm0, s31, v54;
	s6 =	smulhi.u32 $0x2AAAAAAB, s23;
	s11 =	sshra.s32 s23, $0x1F;
	v50 =	vsel vm0, s7, v49;
	(v2sf) =	vpush v30, $0x5  }
0x69e: {  	s29 =	sshrl.u32 s18, $0x1F;
	s25 =	spop (v2sf);
	v53 =	vmov s30;
	v54 =	vsel vm1, s10, v43;
	v49 =	vcombine.low v48, v44;
	s11 =	smul.u32 $0x2AAAAAAB, s11  }
0x69f: {  	s5 =	sshrl.u32 s5, $0x1F;
	v57 =	vsel vm1, s24, v36;
	s19 =	smulhi.u32 $0x2AAAAAAB, s25;
	s20 =	sshra.s32 s25, $0x1F;
	v36 =	vsel vm2, s8, v29;
	v37 =	vsel vm1, s29, v50  }
0x6a0: {  	s8 =	sshrl.u32 s8, $0x1F;
	v45 =	vnsel vm3, $0x0, v53;
	v50 =	vshll.u32 v31, $0x9;
	v31 =	vshll.u32 v31, $0x7;
	s22 =	smul.u32 $0x2AAAAAAB, s20;
	s28 =	spop (v2sf)  }
0x6a1: {  	s26 =	sshrl.u32 s10, $0x1F;
	v12 =	vsel vm2, s17, v57;
	v37 =	vsel vm2, s8, v37;
	v57 =	vsel vm0, s5, v45;
	s20 =	smulhi.u32 $0x2AAAAAAB, s28;
	s17 =	sshra.s32 s28, $0x1F  }
0x6a2: {  	s30 =	sshrl.u32 s13, $0x1F;
	v29 =	vld [tilespmem:$0x21D0];
	v45 =	vsel vm8, v58, v38;
	v31 =	vand.u32 $0x380, v31;
	v53 =	vperm.xlane v49, v0;
	s23 =	smul.u32 $0x2AAAAAAB, s17;
	s31 =	spop (v2sf)  }
0x6a3: {  	v63 =	vadd.s32 v45, v42;
	v42 =	vand.u32 $0xFFFFF000, v50;
	s28 =	sshrl.u32 s12, $0x1F;
	(v2sf) =	vpush v30, $0x6;
	s24 =	smulhi.u32 $0x2AAAAAAB, s31;
	s18 =	sshra.s32 s31, $0x1F  }
0x6a4: {  	v43 =	vsel vm1, s26, v57;
	v42 =	vor.u32 v31, v42;
	v52 =	vshll.u32 v63, $0x9;
	s8 =	sadd.s32 s22, s19;
	s21 =	spop (v2sf);
	s25 =	smul.u32 $0x2AAAAAAB, s18  }
0x6a5: {  	v31 =	vperm.xlane v51, v0;
	v43 =	vsel vm2, s28, v43;
	s20 =	sadd.s32 s23, s20;
	(v2sf) =	vpush v30, $0x7;
	s5 =	smulhi.u32 $0x2AAAAAAB, s21;
	s7 =	sshra.s32 s21, $0x1F  }
0x6a6: {  	v43 =	vsel vm4, s30, v43;
	v30 =	vsel vm2, s12, v54;
	s31 =	sshrl.u32 s14, $0x1F;
	v54 =	vperm.xlane v55, v2;
	s12 =	smul.u32 $0x2AAAAAAB, s7;
	s29 =	spop (v2sf)  }
0x6a7: {  	v50 =	vmov s20;
	s20 =	sshrl.u32 s20, $0x1F;
	v30 =	vsel vm4, s13, v30;
	(v2sf) =	vpush v29, $0xD;
	s13 =	smulhi.u32 $0x2AAAAAAB, s29;
	s7 =	sshra.s32 s29, $0x1F  }
0x6a8: {  	v55 =	vperm.xlane v56, v2;
	v56 =	vand.u32 $0xFFFFF000, v52;
	s21 =	sadd.s32 s3, s1;
	v30 =	vsel vm5, s14, v30;
	s10 =	spop (v2sf);
	s26 =	smul.u32 $0x2AAAAAAB, s7  }
0x6a9: {  	v43 =	vsel vm5, s31, v43;
	v30 =	vsel vm6, s15, v30;
	s15 =	sshrl.u32 s15, $0x1F;
	(v2sf) =	vpush v29, $0xC;
	s14 =	smulhi.u32 $0x2AAAAAAB, s10;
	s7 =	sshra.s32 s10, $0x1F  }
0x6aa: {  	v52 =	vsel vm0, s8, v50;
	s8 =	sshrl.u32 s8, $0x1F;
	v38 =	vsel vm7, s16, v30;
	v30 =	vsel vm6, s15, v43;
	s17 =	spop (v2sf);
	s15 =	smul.u32 $0x2AAAAAAB, s7  }
0x6ab: {  	v1 =	vcombine.low v9, v1;
	v5 =	vcombine.low v20, v5;
	(v2sf) =	vpush v29, $0xE;
	s7 =	sadd.s32 s2, s0;
	s0 =	smulhi.u32 $0x2AAAAAAB, s17;
	s18 =	sshra.s32 s17, $0x1F  }
0x6ac: {  	v9 =	vperm.xlane v59, v0;
	v57 =	vsel vm8, v54, v53;
	v31 =	vsel vm8, v55, v31;
	s19 =	sadd.s32 s25, s24;
	s28 =	spop (v2sf);
	s1 =	smul.u32 $0x2AAAAAAB, s18  }
0x6ad: {  	v58 =	vcombine.low v62, v60;
	v31 =	vadd.s32 v31, v57;
	s10 =	sshrl.u32 s16, $0x1F;
	(v2sf) =	vpush v29, $0xF;
	s3 =	smulhi.u32 $0x2AAAAAAB, s28;
	s2 =	sshra.s32 s28, $0x1F  }
0x6ae: {  	v32 =	vshll.u32 v63, $0x7;
	v60 =	vshll.u32 v31, $0x9;
	v61 =	vshll.u32 v31, $0x7;
	s17 =	sadd.s32 s9, s4;
	s29 =	spop (v2sf);
	s2 =	smul.u32 $0x2AAAAAAB, s2  }
0x6af: {  	v17 =	vand.u32 $0xFFFFF000, v60;
	v28 =	vand.u32 $0x380, v61;
	s18 =	sadd.s32 s11, s6;
	(v2sf) =	vpush v29, $0x9;
	s6 =	smulhi.u32 $0x2AAAAAAB, s29;
	s4 =	sshra.s32 s29, $0x1F  }
0x6b0: {  	v63 =	vperm.xlane v7, v2;
	v45 =	vmov s21;
	s9 =	sadd.s32 s12, s5;
	v7 =	vor.u32 v28, v17;
	s30 =	spop (v2sf);
	s4 =	smul.u32 $0x2AAAAAAB, s4  }
0x6b1: {  	s5 =	sadd.s32 s26, s13;
	v28 =	vperm.xlane v26, v2;
	v47 =	vsel vm0, s7, v45;
	(v2sf) =	vpush v29, $0x8;
	s16 =	smulhi.u32 $0x2AAAAAAB, s30;
	s31 =	sshra.s32 s30, $0x1F  }
0x6b2: {  	v46 =	vperm.xlane v5, v0;
	v5 =	vsel vm1, s17, v47;
	s17 =	sshrl.u32 s17, $0x1F;
	s23 =	smul.u32 $0x2AAAAAAB, s31;
	s22 =	spop (v2sf)  }
0x6b3: {  	v44 =	vsel vm8, v28, v9;
	v9 =	vsel vm1, s19, v52;
	s19 =	sshrl.u32 s19, $0x1F;
	(v2sf) =	vpush v29, $0xA;
	s24 =	smulhi.u32 $0x2AAAAAAB, s22;
	s11 =	sshra.s32 s22, $0x1F  }
0x6b4: {  	v1 =	vperm.xlane v1, v0;
	s12 =	sadd.s32 s2, s3;
	s28 =	spop (v2sf);
	s25 =	smul.u32 $0x2AAAAAAB, s11  }
0x6b5: {  	v10 =	vcombine.low v14, v10;
	v9 =	vsel vm2, s9, v9;
	s9 =	sshrl.u32 s9, $0x1F;
	(v2sf) =	vpush v29, $0xB;
	s29 =	smulhi.u32 $0x2AAAAAAB, s28;
	s30 =	sshra.s32 s28, $0x1F  }
0x6b6: {  	v6 =	vperm.xlane v6, v2;
	v19 =	vcombine.low v19, v3;
	s22 =	sadd.s32 s15, s14;
	s31 =	smul.u32 $0x2AAAAAAB, s30;
	s14 =	spop (v2sf)  }
0x6b7: {  	v10 =	vperm.xlane v10, v0;
	v8 =	vcombine.low v15, v8;
	s11 =	sadd.s32 s1, s0;
	(v2sf) =	vpush v29, $0x1;
	s0 =	smulhi.u32 $0x2AAAAAAB, s14;
	s1 =	sshra.s32 s14, $0x1F  }
0x6b8: {  	v16 =	vperm.xlane v16, v2;
	v11 =	vcombine.low v23, v11;
	s13 =	sadd.s32 s4, s6;
	s26 =	spop (v2sf);
	s2 =	smul.u32 $0x2AAAAAAB, s1  }
0x6b9: {  	v8 =	vperm.xlane v8, v0;
	v62 =	vperm.xlane v58, v0;
	s30 =	sshrl.u32 s7, $0x1F;
	(v2sf) =	vpush v29, $0x0;
	s1 =	smulhi.u32 $0x2AAAAAAB, s26;
	s4 =	sshra.s32 s26, $0x1F  }
0x6ba: {  	v11 =	vperm.xlane v11, v0;
	v49 =	vperm.xlane v18, v2;
	s14 =	sadd.s32 s23, s16;
	s28 =	spop (v2sf);
	s3 =	smul.u32 $0x2AAAAAAB, s4  }
0x6bb: {  	v6 =	vsel vm8, v6, v62;
	v1 =	vsel vm8, v63, v1;
	s16 =	sadd.s32 s31, s29;
	(v2sf) =	vpush v29, $0x2;
	s4 =	smulhi.u32 $0x2AAAAAAB, s28;
	s6 =	sshra.s32 s28, $0x1F  }
0x6bc: {  	v32 =	vand.u32 $0x380, v32;
	v50 =	vperm.xlane v22, v2;
	v26 =	vadd.s32 v1, v6;
	s29 =	sshrl.u32 s21, $0x1F;
	s31 =	spop (v2sf);
	s7 =	smul.u32 $0x2AAAAAAB, s6  }
0x6bd: {  	v1 =	vsel vm7, s10, v30;
	s15 =	sadd.s32 s25, s24;
	v48 =	vmov s29;
	(v2sf) =	vpush v29, $0x3;
	s6 =	smulhi.u32 $0x2AAAAAAB, s31;
	s10 =	sshra.s32 s31, $0x1F  }
0x6be: {  	v5 =	vsel vm2, s18, v5;
	v54 =	vmov s22;
	s25 =	sshrl.u32 s22, $0x1F;
	v6 =	vsel vm0, s30, v48;
	s23 =	spop (v2sf);
	s10 =	smul.u32 $0x2AAAAAAB, s10  }
0x6bf: {  	v30 =	vnsel vm3, $0x0, v54;
	s21 =	sshrl.u32 s18, $0x1F;
	(v2sf) =	vpush v29, $0x4;
	v6 =	vsel vm1, s17, v6;
	s17 =	smulhi.u32 $0x2AAAAAAB, s23;
	s18 =	sshra.s32 s23, $0x1F  }
0x6c0: {  	v53 =	vmov s20;
	v30 =	vsel vm0, s5, v30;
	s5 =	sshrl.u32 s5, $0x1F;
	s24 =	spop (v2sf);
	(v2sf) =	vpush v29, $0x5;
	s20 =	smul.u32 $0x2AAAAAAB, s18  }
0x6c1: {  	v11 =	vsel vm8, v50, v11;
	v17 =	vsel vm0, s8, v53;
	v55 =	vmov s25;
	s25 =	sshrl.u32 s15, $0x1F;
	s8 =	smulhi.u32 $0x2AAAAAAB, s24;
	s18 =	sshra.s32 s24, $0x1F  }
0x6c2: {  	v18 =	vld [tilespmem:$0x21E0];
	v43 =	vor.u32 v32, v56;
	v47 =	vperm.xlane v21, v2;
	v17 =	vsel vm1, s19, v17;
	s29 =	sshrl.u32 s11, $0x1F;
	s19 =	smul.u32 $0x2AAAAAAB, s18;
	s26 =	spop (v2sf)  }
0x6c3: {  	v56 =	vsel vm1, s11, v30;
	s11 =	sshrl.u32 s13, $0x1F;
	v6 =	vsel vm2, s21, v6;
	(v2sf) =	vpush v29, $0x6;
	s21 =	smulhi.u32 $0x2AAAAAAB, s26;
	s18 =	sshra.s32 s26, $0x1F  }
0x6c4: {  	v17 =	vsel vm2, s9, v17;
	v31 =	vnsel vm3, $0x0, v55;
	v58 =	vsel vm2, s12, v56;
	s30 =	sshrl.u32 s12, $0x1F;
	s28 =	spop (v2sf);
	s23 =	smul.u32 $0x2AAAAAAB, s18  }
0x6c5: {  	v57 =	vsel vm0, s5, v31;
	v14 =	vsel vm4, s13, v58;
	s5 =	sadd.s32 s2, s0;
	(v2sf) =	vpush v29, $0x7;
	s22 =	smulhi.u32 $0x2AAAAAAB, s28;
	s9 =	sshra.s32 s28, $0x1F  }
0x6c6: {  	v8 =	vsel vm8, v47, v8;
	v59 =	vsel vm1, s29, v57;
	v3 =	vsel vm5, s14, v14;
	s3 =	sadd.s32 s3, s1;
	s12 =	smul.u32 $0x2AAAAAAB, s9;
	s31 =	spop (v2sf)  }
0x6c7: {  	s14 =	sshrl.u32 s14, $0x1F;
	v56 =	vmov s3;
	v29 =	vsel vm2, s30, v59;
	(v2sf) =	vpush v18, $0xD;
	s13 =	smulhi.u32 $0x2AAAAAAB, s31;
	s9 =	sshra.s32 s31, $0x1F  }
0x6c8: {  	v45 =	vld [tilespmem:$0x1FF20];
	v54 =	vadd.s32 v11, v8;
	s7 =	sadd.s32 s7, s4;
	v57 =	vsel vm0, s5, v56;
	v60 =	vsel vm4, s11, v29;
	s18 =	spop (v2sf);
	s24 =	smul.u32 $0x2AAAAAAB, s9  }
0x6c9: {  	v8 =	vsel vm1, s7, v57;
	s7 =	sshrl.u32 s7, $0x1F;
	v14 =	vsel vm5, s14, v60;
	(v2sf) =	vpush v18, $0xC;
	s14 =	smulhi.u32 $0x2AAAAAAB, s18;
	s9 =	sshra.s32 s18, $0x1F  }
0x6ca: {  	v13 =	vperm.xlane v13, v2;
	v3 =	vsel vm6, s15, v3;
	s11 =	sshrl.u32 s16, $0x1F;
	v29 =	vperm.xlane v19, v0;
	s26 =	spop (v2sf);
	s15 =	smul.u32 $0x2AAAAAAB, s9  }
0x6cb: {  	(v2sf) =	vpush v18, $0xE;
	s18 =	sadd.s32 s10, s6;
	s0 =	smulhi.u32 $0x2AAAAAAB, s26;
	s28 =	sshra.s32 s26, $0x1F  }
0x6cc: {  	v16 =	vsel vm8, v16, v10;
	v13 =	vsel vm8, v13, v29;
	s30 =	spop (v2sf);
	s9 =	sadd.s32 s20, s17;
	s29 =	smul.u32 $0x2AAAAAAB, s28  }
0x6cd: {  	v13 =	vadd.s32 v13, v16;
	v16 =	vor.u32 v45, v41;
	(v2sf) =	vpush v18, $0xF;
	s20 =	sadd.s32 s19, s8;
	s31 =	smulhi.u32 $0x2AAAAAAB, s30;
	s2 =	sshra.s32 s30, $0x1F  }
0x6ce: {  	v51 =	vsel vm8, v49, v46;
	v49 =	vld [tilespmem:$0x1FF30];
	v3 =	vsel vm7, s16, v3;
	s19 =	sadd.s32 s23, s21;
	s10 =	spop (v2sf);
	s2 =	smul.u32 $0x2AAAAAAB, s2  }
0x6cf: {  	v62 =	vsel vm6, s25, v14;
	(v2sf) =	vpush v18, $0x9;
	v59 =	vmov s20;
	s20 =	sshrl.u32 s20, $0x1F;
	s16 =	smulhi.u32 $0x2AAAAAAB, s10;
	s25 =	spop (v2sf)  }
0x6d0: {  	v4 =	vcombine.low v36, v4;
	s6 =	sshra.s32 s10, $0x1F;
	s17 =	smulhi.u32 $0x2AAAAAAB, s25;
	s8 =	sshra.s32 s25, $0x1F  }
0x6d1: {  	v53 =	vld [tilespmem:$0x1FF50];
	(v2sf) =	vpush v18, $0x8;
	s10 =	sadd.s32 s12, s22;
	s25 =	simm.s32 $0x0;
	s26 =	smul.u32 $0x2AAAAAAB, s8  }
0x6d2: {  	v12 =	vcombine.low v37, v12;
	v4 =	vperm.xlane v4, v0;
	v61 =	vshll.u32 v26, $0x9;
	s6 =	smul.u32 $0x2AAAAAAB, s6;
	s8 =	sadd.s32 s24, s13;
	v16 =	vld.idx.msk [tilespmem:v16+s25+$0x0], $0xffff;
	s21 =	spop (v2sf)  }
0x6d3: {  	v26 =	vshll.u32 v26, $0x7;
	v19 =	vor.u32 v49, v40;
	(v2sf) =	vpush v18, $0xA;
	s17 =	sadd.s32 s26, s17;
	s23 =	smulhi.u32 $0x2AAAAAAB, s21;
	s12 =	sshra.s32 s21, $0x1F  }
0x6d4: {  	v12 =	vperm.xlane v12, v0;
	v63 =	vand.u32 $0xFFFFF000, v61;
	v26 =	vand.u32 $0x380, v26;
	s21 =	sadd.s32 s15, s14;
	s28 =	spop (v2sf);
	s24 =	smul.u32 $0x2AAAAAAB, s12  }
0x6d5: {  	v52 =	vperm.xlane v34, v2;
	v20 =	vadd.s32 v51, v44;
	v51 =	vld [tilespmem:$0x1FF40];
	(v2sf) =	vpush v18, $0xB;
	s12 =	sadd.s32 s29, s0;
	s29 =	smulhi.u32 $0x2AAAAAAB, s28;
	s30 =	sshra.s32 s28, $0x1F  }
0x6d6: {  	v5 =	vcombine.low v9, v5;
	v23 =	vor.u32 v53, v43;
	v48 =	vcombine.low v27, v25;
	s14 =	sadd.s32 s2, s31;
	s31 =	smul.u32 $0x2AAAAAAB, s30;
	s2 =	spop (v2sf)  }
0x6d7: {  	v46 =	vshll.u32 v13, $0x9;
	v13 =	vshll.u32 v13, $0x7;
	(v2sf) =	vpush v18, $0x1;
	[tilespmem:$0x2310] =	vst v16;
	s15 =	sadd.s32 s6, s16;
	s0 =	smulhi.u32 $0x2AAAAAAB, s2;
	s1 =	sshra.s32 s2, $0x1F  }
0x6d8: {  	v15 =	vand.u32 $0xFFFFF000, v46;
	v16 =	vsel vm2, s18, v8;
	v8 =	vsel vm0, s9, v59;
	v19 =	vld.idx.msk [tilespmem:v19+s25+$0x0], $0xffff;
	s25 =	simm.s32 $0x0;
	s26 =	spop (v2sf);
	s1 =	smul.u32 $0x2AAAAAAB, s1  }
0x6d9: {  	v13 =	vand.u32 $0x380, v13;
	v8 =	vsel vm1, s19, v8;
	s19 =	sshrl.u32 s19, $0x1F;
	(v2sf) =	vpush v18, $0x0;
	s2 =	smulhi.u32 $0x2AAAAAAB, s26;
	s6 =	sshra.s32 s26, $0x1F  }
0x6da: {  	v21 =	vor.u32 v51, v42;
	v13 =	vor.u32 v13, v15;
	v15 =	vperm.xlane v48, v0;
	s13 =	sadd.s32 s31, s29;
	s28 =	spop (v2sf);
	s4 =	smul.u32 $0x2AAAAAAB, s6  }
0x6db: {  	v55 =	vcombine.low v35, v24;
	v31 =	vshll.u32 v20, $0x9;
	s29 =	sshrl.u32 s3, $0x1F;
	(v2sf) =	vpush v18, $0x2;
	s3 =	smulhi.u32 $0x2AAAAAAB, s28;
	s6 =	sshra.s32 s28, $0x1F  }
0x6dc: {  	v20 =	vshll.u32 v20, $0x7;
	v22 =	vsel vm8, v52, v15;
	v15 =	vsel vm7, s11, v62;
	s30 =	sshrl.u32 s5, $0x1F;
	s31 =	spop (v2sf);
	s5 =	smul.u32 $0x2AAAAAAB, s6  }
0x6dd: {  	v62 =	vmov s21;
	s21 =	sshrl.u32 s21, $0x1F;
	v58 =	vmov s29;
	(v2sf) =	vpush v18, $0x3;
	s6 =	smulhi.u32 $0x2AAAAAAB, s31;
	s11 =	sshra.s32 s31, $0x1F  }
0x6de: {  	v32 =	vand.u32 $0xFFFFF000, v31;
	v44 =	vand.u32 $0x380, v20;
	s16 =	sadd.s32 s24, s23;
	v11 =	vsel vm0, s30, v58;
	s24 =	spop (v2sf);
	s11 =	smul.u32 $0x2AAAAAAB, s11  }
0x6df: {  	v10 =	vor.u32 v44, v32;
	s23 =	sshrl.u32 s18, $0x1F;
	(v2sf) =	vpush v18, $0x4;
	v11 =	vsel vm1, s7, v11;
	s7 =	smulhi.u32 $0x2AAAAAAB, s24;
	s18 =	sshra.s32 s24, $0x1F  }
0x6e0: {  	v42 =	vld [tilespmem:$0x1FF60];
	v60 =	vperm.xlane v39, v2;
	v14 =	vor.u32 v26, v63;
	v61 =	vmov s20;
	s26 =	sshrl.u32 s9, $0x1F;
	s28 =	spop (v2sf);
	s9 =	smul.u32 $0x2AAAAAAB, s18  }
0x6e1: {  	v32 =	vsel vm2, s10, v8;
	v63 =	vsel vm0, s26, v61;
	s26 =	sshrl.u32 s17, $0x1F;
	(v2sf) =	vpush v18, $0x5;
	s18 =	smulhi.u32 $0x2AAAAAAB, s28;
	s20 =	sshra.s32 s28, $0x1F  }
0x6e2: {  	v41 =	vld [tilespmem:$0x21F0];
	v34 =	vnsel vm3, $0x0, v62;
	v39 =	vmov s21;
	[tilespmem:$0x2320] =	vst v19;
	v35 =	vsel vm1, s19, v63;
	s30 =	sshrl.u32 s10, $0x1F;
	s29 =	spop (v2sf);
	s19 =	smul.u32 $0x2AAAAAAB, s20  }
0x6e3: {  	v27 =	vsel vm0, s8, v34;
	v40 =	vnsel vm3, $0x0, v39;
	v21 =	vld.idx.msk [tilespmem:v21+s25+$0x0], $0xffff;
	s31 =	sshrl.u32 s8, $0x1F;
	(v2sf) =	vpush v18, $0x6;
	s10 =	smulhi.u32 $0x2AAAAAAB, s29;
	s20 =	sshra.s32 s29, $0x1F  }
0x6e4: {  	v43 =	vsel vm1, s12, v27;
	v44 =	vsel vm0, s31, v40;
	v11 =	vsel vm2, s23, v11;
	s23 =	sshrl.u32 s12, $0x1F;
	s22 =	spop (v2sf);
	s8 =	smul.u32 $0x2AAAAAAB, s20  }
0x6e5: {  	(v2sf) =	vpush v18, $0x7;
	v18 =	vor.u32 v42, v7;
	v7 =	vsel vm2, s14, v43;
	s14 =	sshrl.u32 s14, $0x1F;
	s12 =	smulhi.u32 $0x2AAAAAAB, s22;
	s20 =	sshra.s32 s22, $0x1F  }
0x6e6: {  	v5 =	vperm.xlane v5, v0;
	v25 =	vshll.u32 v54, $0x7;
	v45 =	vsel vm1, s23, v44;
	s29 =	sshrl.u32 s16, $0x1F;
	s24 =	spop (v2sf);
	s20 =	smul.u32 $0x2AAAAAAB, s20  }
0x6e7: {  	s11 =	sadd.s32 s11, s6;
	v7 =	vsel vm4, s15, v7;
	v26 =	vsel vm2, s14, v45;
	(v2sf) =	vpush v41, $0xD;
	s14 =	smulhi.u32 $0x2AAAAAAB, s24;
	s21 =	sshra.s32 s24, $0x1F  }
0x6e8: {  	v24 =	vperm.xlane v55, v0;
	v50 =	vand.u32 $0x380, v25;
	s15 =	sshrl.u32 s15, $0x1F;
	v7 =	vsel vm5, s17, v7;
	[tilespmem:$0x2330] =	vst v21;
	s17 =	smul.u32 $0x2AAAAAAB, s21;
	s28 =	spop (v2sf)  }
0x6e9: {  	v55 =	vperm.xlane v1, v2;
	s7 =	sadd.s32 s9, s7;
	v26 =	vsel vm4, s15, v26;
	v7 =	vsel vm6, s16, v7;
	v23 =	vld.idx.msk [tilespmem:v23+s25+$0x0], $0xffff;
	s16 =	smulhi.u32 $0x2AAAAAAB, s28;
	s21 =	sshra.s32 s28, $0x1F  }
0x6ea: {  	v51 =	vld [tilespmem:$0x1FF70];
	v6 =	vcombine.low v17, v6;
	v19 =	vsel vm2, s30, v35;
	s18 =	sadd.s32 s19, s18;
	v47 =	vsel vm5, s26, v26;
	s30 =	spop (v2sf);
	s22 =	smul.u32 $0x2AAAAAAB, s21  }
0x6eb: {  	v48 =	vsel vm7, s13, v7;
	v49 =	vsel vm6, s29, v47;
	s13 =	sshrl.u32 s13, $0x1F;
	(v2sf) =	vpush v41, $0xC;
	s23 =	smulhi.u32 $0x2AAAAAAB, s30;
	s15 =	sshra.s32 s30, $0x1F  }
0x6ec: {  	v12 =	vsel vm8, v55, v12;
	v3 =	vperm.xlane v3, v2;
	v7 =	vsel vm7, s13, v49;
	s13 =	sadd.s32 s1, s0;
	s31 =	spop (v2sf);
	s0 =	smul.u32 $0x2AAAAAAB, s15  }
0x6ed: {  	v46 =	vshll.u32 v54, $0x9;
	v54 =	vperm.xlane v38, v2;
	s21 =	sadd.s32 s4, s2;
	(v2sf) =	vpush v41, $0xE;
	s2 =	smulhi.u32 $0x2AAAAAAB, s31;
	s1 =	sshra.s32 s31, $0x1F  }
0x6ee: {  	v56 =	vperm.xlane v6, v0;
	v3 =	vsel vm8, v3, v5;
	v24 =	vsel vm8, v60, v24;
	s9 =	sadd.s32 s8, s10;
	[tilespmem:$0x2340] =	vst v23;
	s4 =	spop (v2sf);
	s1 =	smul.u32 $0x2AAAAAAB, s1  }
0x6ef: {  	v9 =	vor.u32 v51, v14;
	v4 =	vsel vm8, v54, v4;
	v18 =	vld.idx.msk [tilespmem:v18+s25+$0x0], $0xffff;
	s15 =	sadd.s32 s5, s3;
	(v2sf) =	vpush v41, $0xF;
	s5 =	smulhi.u32 $0x2AAAAAAB, s4;
	s3 =	sshra.s32 s4, $0x1F  }
0x6f0: {  	v4 =	vadd.s32 v12, v4;
	v22 =	vadd.s32 v24, v22;
	v57 =	vperm.xlane v15, v2;
	s6 =	spop (v2sf);
	s4 =	sadd.s32 s20, s12;
	s24 =	smul.u32 $0x2AAAAAAB, s3  }
0x6f1: {  	v30 =	vshll.u32 v4, $0x9;
	v4 =	vshll.u32 v4, $0x7;
	v58 =	vld [tilespmem:$0x1FF80];
	(v2sf) =	vpush v41, $0x9;
	s12 =	sadd.s32 s22, s16;
	s19 =	smulhi.u32 $0x2AAAAAAB, s6;
	s3 =	sshra.s32 s6, $0x1F  }
0x6f2: {  	v60 =	vld [tilespmem:$0x1FFA0];
	v52 =	vshll.u32 v22, $0x9;
	v53 =	vshll.u32 v22, $0x7;
	v4 =	vand.u32 $0x380, v4;
	s22 =	sshrl.u32 s21, $0x1F;
	s8 =	spop (v2sf);
	s10 =	smul.u32 $0x2AAAAAAB, s3  }
0x6f3: {  	v14 =	vand.u32 $0xFFFFF000, v52;
	v17 =	vand.u32 $0x380, v53;
	v59 =	vld [tilespmem:$0x1FF90];
	(v2sf) =	vpush v41, $0x8;
	s6 =	sadd.s32 s17, s14;
	s26 =	smulhi.u32 $0x2AAAAAAB, s8;
	s3 =	sshra.s32 s8, $0x1F  }
0x6f4: {  	v5 =	vsel vm8, v57, v56;
	v1 =	vor.u32 v17, v14;
	[tilespmem:$0x2350] =	vst v18;
	v18 =	vmov s21;
	s29 =	spop (v2sf);
	s8 =	sadd.s32 s0, s23;
	s28 =	smul.u32 $0x2AAAAAAB, s3  }
0x6f5: {  	v3 =	vadd.s32 v5, v3;
	(v2sf) =	vpush v41, $0xA;
	v9 =	vld.idx.msk [tilespmem:v9+s25+$0x0], $0xffff;
	v12 =	vsel vm0, s13, v18;
	s13 =	sshrl.u32 s13, $0x1F;
	s30 =	smulhi.u32 $0x2AAAAAAB, s29;
	s31 =	sshra.s32 s29, $0x1F  }
0x6f6: {  	v34 =	vshll.u32 v3, $0x9;
	v27 =	vand.u32 $0xFFFFF000, v46;
	v10 =	vor.u32 v58, v10;
	s3 =	sadd.s32 s1, s2;
	s5 =	sadd.s32 s24, s5;
	s23 =	spop (v2sf)  }
0x6f7: {  	v21 =	vor.u32 v50, v27;
	(v2sf) =	vpush v41, $0xB;
	v12 =	vsel vm1, s15, v12;
	s15 =	sshrl.u32 s15, $0x1F;
	s29 =	sshrl.u32 s7, $0x1F;
	s17 =	smul.u32 $0x2AAAAAAB, s31  }
0x6f8: {  	v3 =	vshll.u32 v3, $0x7;
	v13 =	vor.u32 v59, v13;
	v14 =	vor.u32 v60, v21;
	s21 =	sshrl.u32 s8, $0x1F;
	s2 =	sadd.s32 s10, s19;
	s10 =	smulhi.u32 $0x2AAAAAAB, s23  }
0x6f9: {  	v20 =	vmov s22;
	s14 =	sshra.s32 s23, $0x1F;
	(v2sf) =	vpush v41, $0x1;
	v21 =	vsel vm2, s11, v12;
	s11 =	sshrl.u32 s11, $0x1F;
	s19 =	sshrl.u32 s6, $0x1F  }
0x6fa: {  	v23 =	vmov s18;
	v25 =	vmov s12;
	v15 =	vsel vm0, s13, v20;
	s1 =	sadd.s32 s28, s26;
	s13 =	smul.u32 $0x2AAAAAAB, s14;
	[tilespmem:$0x2360] =	vst v9;
	s24 =	spop (v2sf)  }
0x6fb: {  	v22 =	vsel vm1, s15, v15;
	v15 =	vsel vm0, s7, v23;
	(v2sf) =	vpush v41, $0x0;
	s26 =	sshrl.u32 s18, $0x1F;
	v10 =	vld.idx.msk [tilespmem:v10+s25+$0x0], $0xffff;
	s15 =	smulhi.u32 $0x2AAAAAAB, s24;
	s14 =	sshra.s32 s24, $0x1F  }
0x6fc: {  	v6 =	vand.u32 $0xFFFFF000, v34;
	v17 =	vnsel vm3, $0x0, v25;
	v15 =	vsel vm1, s9, v15;
	s9 =	sshrl.u32 s9, $0x1F;
	s28 =	spop (v2sf);
	s14 =	smul.u32 $0x2AAAAAAB, s14  }
0x6fd: {  	v61 =	vcombine.low v32, v16;
	v11 =	vcombine.low v19, v11;
	v17 =	vsel vm0, s6, v17;
	s0 =	sadd.s32 s17, s30;
	s7 =	smulhi.u32 $0x2AAAAAAB, s28;
	s30 =	sshra.s32 s28, $0x1F  }
0x6fe: {  	v12 =	vsel vm2, s11, v22;
	v24 =	vmov s26;
	s17 =	sshrl.u32 s12, $0x1F;
	(v2sf) =	vpush v41, $0x2;
	s31 =	spop (v2sf);
	s11 =	smul.u32 $0x2AAAAAAB, s30  }
0x6ff: {  	v15 =	vsel vm2, s4, v15;
	s4 =	sshrl.u32 s4, $0x1F;
	v16 =	vsel vm0, s29, v24;
	v26 =	vmov s17;
	s12 =	smulhi.u32 $0x2AAAAAAB, s31;
	s16 =	sshra.s32 s31, $0x1F  }
0x700: {  	v36 =	vld [tilespmem:$0x1FFB0];
	s29 =	sshrl.u32 s5, $0x1F;
	v16 =	vsel vm1, s9, v16;
	v28 =	vnsel vm3, $0x0, v26;
	[tilespmem:$0x2370] =	vst v10;
	(v2sf) =	vpush v41, $0x3;
	s18 =	spop (v2sf);
	s9 =	smul.u32 $0x2AAAAAAB, s16  }
0x701: {  	v17 =	vsel vm1, s8, v17;
	v27 =	vsel vm2, s4, v16;
	v16 =	vsel vm0, s19, v28;
	s24 =	sshrl.u32 s3, $0x1F;
	v13 =	vld.idx.msk [tilespmem:v13+s25+$0x0], $0xffff;
	s17 =	smulhi.u32 $0x2AAAAAAB, s18;
	s20 =	sshra.s32 s18, $0x1F  }
0x702: {  	v17 =	vsel vm2, s3, v17;
	v16 =	vsel vm1, s21, v16;
	s3 =	sadd.s32 s13, s10;
	(v2sf) =	vpush v41, $0x4;
	s23 =	spop (v2sf);
	s22 =	smul.u32 $0x2AAAAAAB, s20  }
0x703: {  	v62 =	vperm.xlane v61, v0;
	v31 =	vsel vm2, s24, v16;
	s24 =	sshrl.u32 s2, $0x1F;
	(v2sf) =	vpush v41, $0x5;
	s16 =	smulhi.u32 $0x2AAAAAAB, s23;
	s6 =	sshra.s32 s23, $0x1F  }
0x704: {  	v3 =	vand.u32 $0x380, v3;
	v11 =	vperm.xlane v11, v0;
	v63 =	vperm.xlane v48, v2;
	s4 =	sadd.s32 s14, s15;
	s13 =	spop (v2sf);
	s26 =	smul.u32 $0x2AAAAAAB, s6  }
0x705: {  	v7 =	vperm.xlane v7, v2;
	v32 =	vsel vm4, s5, v17;
	(v2sf) =	vpush v41, $0x6;
	s5 =	sadd.s32 s11, s7;
	s18 =	smulhi.u32 $0x2AAAAAAB, s13;
	s6 =	sshra.s32 s13, $0x1F  }
0x706: {  	v1 =	vor.u32 v36, v1;
	v3 =	vor.u32 v3, v6;
	v47 =	vmov s4;
	s4 =	sshrl.u32 s4, $0x1F;
	s28 =	spop (v2sf);
	s30 =	smul.u32 $0x2AAAAAAB, s6;
	[tilespmem:$0x2380] =	vst v13  }
0x707: {  	v5 =	vsel vm8, v63, v62;
	v29 =	vsel vm8, v7, v11;
	v7 =	vand.u32 $0xFFFFF000, v30;
	s31 =	smulhi.u32 $0x2AAAAAAB, s28;
	s19 =	sshra.s32 s28, $0x1F;
	s6 =	sadd.s32 s9, s12;
	v35 =	vld.idx.msk [tilespmem:v14+s25+$0x0], $0xffff  }
0x708: {  	v43 =	vld [tilespmem:$0x1FFC0];
	v4 =	vor.u32 v4, v7;
	v5 =	vadd.s32 v29, v5;
	v38 =	vsel vm5, s2, v32;
	s21 =	spop (v2sf);
	s7 =	sadd.s32 s22, s17;
	s20 =	smul.u32 $0x2AAAAAAB, s19  }
0x709: {  	v42 =	vcombine.low v15, v21;
	(v2sf) =	vpush v41, $0x7;
	v41 =	vsel vm6, s1, v38;
	s1 =	sshrl.u32 s1, $0x1F;
	s22 =	smulhi.u32 $0x2AAAAAAB, s21;
	s12 =	sshra.s32 s21, $0x1F  }
0x70a: {  	v37 =	vshll.u32 v5, $0x9;
	v5 =	vshll.u32 v5, $0x7;
	v11 =	vsel vm4, s29, v31;
	s23 =	spop (v2sf);
	s2 =	sadd.s32 s26, s16;
	s12 =	smul.u32 $0x2AAAAAAB, s12  }
0x70b: {  	v46 =	vld [tilespmem:$0x1FFE0];
	v7 =	vperm.xlane v42, v0;
	v40 =	vsel vm5, s24, v11;
	v8 =	vsel vm7, s0, v41;
	s0 =	sshrl.u32 s0, $0x1F;
	s26 =	smulhi.u32 $0x2AAAAAAB, s23;
	s14 =	sshra.s32 s23, $0x1F  }
0x70c: {  	v44 =	vld [tilespmem:$0x1FFD0];
	v6 =	vsel vm6, s1, v40;
	s1 =	sadd.s32 s30, s18;
	v8 =	vperm.xlane v8, v2;
	v48 =	vmov s2;
	s2 =	sshrl.u32 s2, $0x1F;
	s14 =	smul.u32 $0x2AAAAAAB, s14;
	[tilespmem:$0x2390] =	vst v35  }
0x70d: {  	v4 =	vor.u32 v43, v4;
	v45 =	vcombine.low v27, v12;
	v6 =	vsel vm7, s0, v6;
	s0 =	sadd.s32 s20, s31;
	s8 =	sadd.s32 s12, s22;
	v1 =	vld.idx.msk [tilespmem:v1+s25+$0x0], $0xffff;
	s28 =	spop (v2sf)  }
0x70e: {  	v49 =	vsel vm0, s7, v48;
	v7 =	vsel vm8, v8, v7;
	v8 =	vsel vm0, s3, v47;
	s3 =	sshrl.u32 s3, $0x1F;
	s29 =	smulhi.u32 $0x2AAAAAAB, s28;
	s15 =	sshra.s32 s28, $0x1F  }
0x70f: {  	v39 =	vand.u32 $0xFFFFF000, v37;
	v5 =	vand.u32 $0x380, v5;
	v50 =	vsel vm1, s1, v49;
	s1 =	sshrl.u32 s1, $0x1F;
	s30 =	spop (v2sf);
	s15 =	smul.u32 $0x2AAAAAAB, s15  }
0x710: {  	v5 =	vor.u32 v5, v39;
	v9 =	vperm.xlane v45, v0;
	v6 =	vperm.xlane v6, v2;
	s10 =	sadd.s32 s14, s26;
	s31 =	smulhi.u32 $0x2AAAAAAB, s30;
	s16 =	sshra.s32 s30, $0x1F  }
0x711: {  	v3 =	vor.u32 v44, v3;
	v5 =	vor.u32 v46, v5;
	s28 =	sshrl.u32 s7, $0x1F;
	s17 =	spop (v2sf);
	s11 =	smul.u32 $0x2AAAAAAB, s16  }
0x712: {  	v53 =	vmov s4;
	v6 =	vsel vm8, v6, v9;
	v51 =	vmov s10;
	s18 =	smulhi.u32 $0x2AAAAAAB, s17;
	s19 =	sshra.s32 s17, $0x1F;
	s20 =	spop (v2sf);
	[tilespmem:$0x23A0] =	vst v1  }
0x713: {  	v6 =	vadd.s32 v6, v7;
	v1 =	vsel vm1, s5, v8;
	v8 =	vsel vm2, s0, v50;
	s0 =	sshrl.u32 s0, $0x1F;
	s13 =	sadd.s32 s15, s29;
	s14 =	smul.u32 $0x2AAAAAAB, s19;
	v4 =	vld.idx.msk [tilespmem:v4+s25+$0x0], $0xffff  }
0x714: {  	v54 =	vmov s2;
	v9 =	vnsel vm3, $0x0, v51;
	v60 =	vshll.u32 v6, $0x9;
	s21 =	smulhi.u32 $0x2AAAAAAB, s20;
	s22 =	sshra.s32 s20, $0x1F;
	s23 =	spop (v2sf)  }
0x715: {  	v6 =	vshll.u32 v6, $0x7;
	v52 =	vsel vm0, s8, v9;
	v9 =	vsel vm0, s28, v54;
	s29 =	sshrl.u32 s10, $0x1F;
	s9 =	sadd.s32 s11, s31;
	s24 =	smul.u32 $0x2AAAAAAB, s22  }
0x716: {  	v6 =	vand.u32 $0x380, v6;
	v9 =	vsel vm1, s1, v9;
	s26 =	smulhi.u32 $0x2AAAAAAB, s23;
	s30 =	sshra.s32 s23, $0x1F;
	s31 =	sshrl.u32 s5, $0x1F;
	v55 =	vmov s29  }
0x717: {  	v1 =	vsel vm2, s6, v1;
	v7 =	vsel vm1, s13, v52;
	s5 =	sshrl.u32 s6, $0x1F;
	s6 =	sshrl.u32 s8, $0x1F;
	s13 =	sshrl.u32 s13, $0x1F;
	v10 =	vnsel vm3, $0x0, v55  }
0x718: {  	v1 =	vcombine.low v8, v1;
	v8 =	vsel vm0, s3, v53;
	s12 =	sadd.s32 s14, s18;
	s8 =	smul.u32 $0x2AAAAAAB, s30;
	s10 =	spop (v2sf);
	v58 =	vsel vm0, s6, v10;
	[tilespmem:$0x23B0] =	vst v4  }
0x719: {  	v57 =	vsel vm2, s0, v9;
	v8 =	vsel vm1, s31, v8;
	s18 =	sshrl.u32 s9, $0x1F;
	s16 =	smulhi.u32 $0x2AAAAAAB, s10;
	s17 =	sshra.s32 s10, $0x1F;
	v59 =	vsel vm1, s13, v58;
	v3 =	vld.idx.msk [tilespmem:v3+s25+$0x0], $0xffff  }
0x71a: {  	v7 =	vsel vm2, s9, v7;
	v56 =	vsel vm2, s5, v8;
	s19 =	sadd.s32 s24, s21;
	s20 =	sshrl.u32 s12, $0x1F;
	s2 =	smul.u32 $0x2AAAAAAB, s17;
	v8 =	vsel vm2, s18, v59  }
0x71b: {  	v62 =	vld [tilespmem:$0x1FFF0];
	v9 =	vand.u32 $0xFFFFF000, v60;
	v7 =	vsel vm4, s12, v7;
	s3 =	sadd.s32 s8, s26;
	s21 =	sshrl.u32 s19, $0x1F;
	v8 =	vsel vm4, s20, v8  }
0x71c: {  	v7 =	vsel vm5, s19, v7;
	v4 =	vcombine.low v57, v56;
	s22 =	sshrl.u32 s3, $0x1F;
	s1 =	sadd.s32 s2, s16;
	v8 =	vsel vm5, s21, v8  }
0x71d: {  	v1 =	vperm.xlane v1, v0;
	v7 =	vsel vm6, s3, v7;
	s23 =	sshrl.u32 s1, $0x1F;
	v8 =	vsel vm6, s22, v8  }
0x71e: {  	s24 =	simm.s32 $0x0;
	v7 =	vsel vm7, s1, v7;
	v4 =	vperm.xlane v4, v0;
	v61 =	vsel vm7, s23, v8;
	[tilespmem:$0x23C0] =	vst v3  }
0x71f: {  	v6 =	vor.u32 v6, v9;
	v3 =	vperm.xlane v7, v2;
	v7 =	vperm.xlane v61, v2;
	v5 =	vld.idx.msk [tilespmem:v5+s24+$0x0], $0xffff  }
0x720: {  	v6 =	vor.u32 v62, v6  }
0x721: {  	v1 =	vsel vm8, v3, v1;
	v3 =	vsel vm8, v7, v4  }
0x722: {  	v1 =	vadd.s32 v3, v1  }
0x723: {  	v3 =	vshll.u32 v1, $0x9;
	v1 =	vshll.u32 v1, $0x7  }
0x724: {  	v3 =	vand.u32 $0xFFFFF000, v3;
	v1 =	vand.u32 $0x380, v1;
	[tilespmem:$0x23D0] =	vst v5  }
0x725: {  	v1 =	vor.u32 v1, v3;
	v63 =	vld.idx.msk [tilespmem:v6+s24+$0x0], $0xffff  }
0x726: {  	v1 =	vor.u32 v33, v1;
	_ =	sdelay $0x3  }
0x727: {  	[tilespmem:$0x23E0] =	vst v63  }
0x728: {  	v1 =	vld.idx.msk [tilespmem:v1+s24+$0x0], $0xffff;
	_ =	sdelay $0x2  }
0x729: {  	s29 =	rddreg [dreg:$0xb]  }
0x72a: {  	s28 =	rddreg [dreg:$0xa];
	s30 =	simm.s32 $0x2;
	p0 =	sne.s32 s29, $0x1  }
.Ltmp0:
0x72b: {  	s26 =	rddreg [dreg:$0x9];
	s25 =	simm.s32 $0x0;
	[tilespmem:$0x23F0] =	vst v1;
	(pc) =	sbr.rel @p0 .LBB2_1-.Ltmp0, $4  }
0x72c: {  	[hbm4b:s26+s25] =	stream.linear.scatter [tilespmem:s28], [sflag:$0x2], $0x200, $0x38;
	[tilespmem:$0x2400] =	vst v63  }
0x72d: {  	_ =	swait.ge [sflag:s30], $0x200  }
0x72e: {  	s31 =	simm.s32 $0x2;
	[sflag:s30] =	ssyncset.done $0x0  }
0x72f: {  	s1 =	sadd.s32 $0xFFFFFFFF, s29;
	[sflag:s31] =	ssyncadd.s32 $0xFFFFFE00  }
0x730: {  	_ =	sfence.sel $0x180000  }
0x731: {  	[bflag:$0x0] =	sbarrier.arrive $0xFFFF  }
0x732: {  	_ =	strace $0x90000047  }
0x733: {  	s0 =	stileid.u32;
	[bflag:$0x2] =	sbarrier.arrive $0xFFFF  }
0x734: {  	p0 =	sne.s32 s0, $0x0;
	s0 =	rddreg [dreg:$0x3]  }
0x735: {  	s0 =	sadd.s32 @!p0 $0x100000, s0  }
0x736: {  	[sflag:s0] =	ssyncadd.tile.s32 @!p0 $0x1;
	_ =	shalt  }
.Lfunc_end2:
_tile_overlayer_lowered:
.L_overlay_start_2:
0x737: {  	(tag) =	ssettag $0x2  }
0x738: {  	s0 =	rddreg [dreg:$0x0];
	s2 =	stileid.u32  }
0x739: {  	s1 =	rddreg [dreg:$0x1];
	p0 =	sne.s32 s2, $0x0  }
0x73a: {  	s3 =	rddreg [dreg:$0x2];
	[bflag:$0x3] =	sbarrier.arrive $0xFFFF;
	s2 =	simm.s32 @!p0 $0x1C02  }
0x73b: {  	[timem:s3], [sflag:s2] =	dma.local @!p0 [hbm:s0], s1  }
0x73c: {  	s0 =	simm.s32 @!p0 $0x2  }
0x73d: {  	_ =	swait.ge @!p0 [sflag:s0], s1  }
0x73e: {  	s1 =	ssub.s32 @!p0 $0x0, s1;
	[sflag:s0] =	ssyncset.done @!p0 $0x0  }
0x73f: {  	[sflag:s0] =	ssyncadd.s32 @!p0 s1  }
0x740: {  	[bflag:$0x3] =	sbarrier.arrive $0xFFFF  }
0x741: {  	_ =	shalt  }

</sc_bundles>
